<compile_context>
chip_gen: v7x
topology: tpu7x:2x2x1
jax: 0.10.2.dev20260603
libtpu: 0.0.44.dev20260713+nightly
codegen_flags: <defaults>
</compile_context>

<pallas_src>
import jax
import jax.numpy as jnp
from jax import lax
from jax.experimental import pallas as pl
from jax.experimental.pallas import tpu as pltpu
from jax.experimental.pallas import tpu_sc as plsc

N = 3200000
G = 100000
GPAD = 102400
BLK = 640000

NUM_SC = 2
TILES = 16
NUM_W = NUM_SC * TILES
PER_W = N // NUM_W
CH = 10000
NCH = PER_W // CH
SLICE = GPAD // TILES


def _charges_body(x_ref, y_ref, z_ref, charges_ref):
    charges_ref[...] = x_ref[...] + y_ref[...] + z_ref[...]


_charges_call = pl.pallas_call(
    _charges_body,
    grid=(N // BLK,),
    in_specs=[
        pl.BlockSpec((BLK,), lambda i: (i,)),
        pl.BlockSpec((BLK,), lambda i: (i,)),
        pl.BlockSpec((BLK,), lambda i: (i,)),
    ],
    out_specs=pl.BlockSpec((BLK,), lambda i: (i,)),
    out_shape=jax.ShapeDtypeStruct((N,), jnp.float32),
)


def _scatter_body(x_hbm, y_hbm, z_hbm, batch_hbm, out_hbm,
                  ix0, ix1, ix2, xb0, xb1, yb0, yb1, zb0, zb1, vb0, vb1,
                  buf_v, acc, sem_i, sem_x, sem_y, sem_z, sem_s):
    cid = lax.axis_index("c")
    sid = lax.axis_index("s")
    wid = cid * TILES + sid
    ibufs = (ix0, ix1, ix2)
    xbufs = (xb0, xb1)
    ybufs = (yb0, yb1)
    zbufs = (zb0, zb1)
    vbufs = (vb0, vb1)

    def _start_load(k):
        base = wid * PER_W + k * CH
        b2 = k % 2
        b3 = k % 3
        return (
            pltpu.async_copy(batch_hbm.at[pl.ds(base, CH)], ibufs[b3],
                             sem_i.at[b3]),
            pltpu.async_copy(x_hbm.at[pl.ds(base, CH)], xbufs[b2],
                             sem_x.at[b2]),
            pltpu.async_copy(y_hbm.at[pl.ds(base, CH)], ybufs[b2],
                             sem_y.at[b2]),
            pltpu.async_copy(z_hbm.at[pl.ds(base, CH)], zbufs[b2],
                             sem_z.at[b2]),
        )

    handles = {0: _start_load(0), 1: _start_load(1)}

    def _zero(i, carry):
        buf_v[pl.ds(i * 16, 16)] = jnp.zeros((16,), jnp.float32)
        return carry

    lax.fori_loop(0, SLICE // 16, _zero, 0)
    pltpu.sync_copy(buf_v, acc.at[pl.ds(sid * SLICE, SLICE)])
    plsc.subcore_barrier()

    scat = {}
    for k in range(NCH):
        if k >= 2:
            scat.pop(k - 2).wait()
        if 2 <= k + 1 < NCH:
            handles[k + 1] = _start_load(k + 1)
        hi, hx, hy, hz = handles.pop(k)
        hi.wait()
        hx.wait()
        hy.wait()
        hz.wait()
        b2 = k % 2
        b3 = k % 3
        xb, yb, zb, vb = xbufs[b2], ybufs[b2], zbufs[b2], vbufs[b2]

        def _compute(i, carry):
            for u in range(5):
                off = i * 80 + u * 16
                xv = xb[pl.ds(off, 16)]
                yv = yb[pl.ds(off, 16)]
                zv = zb[pl.ds(off, 16)]
                vb[pl.ds(off, 16)] = (xv * xv + yv * yv + zv * zv) * 0.25
            return carry

        lax.fori_loop(0, CH // 80, _compute, 0)
        scat[k] = pltpu.async_copy(vb, acc.at[ibufs[b3]], add=True,
                                   sem=sem_s.at[b2])
    for k in sorted(scat):
        scat.pop(k).wait()
    plsc.subcore_barrier()

    pltpu.sync_copy(acc.at[pl.ds(sid * SLICE, SLICE)], buf_v)
    pltpu.sync_copy(buf_v, out_hbm.at[cid, pl.ds(sid * SLICE, SLICE)])


_scatter_call = pl.kernel(
    _scatter_body,
    out_type=jax.ShapeDtypeStruct((NUM_SC, GPAD), jnp.float32),
    mesh=plsc.VectorSubcoreMesh(core_axis_name="c", subcore_axis_name="s"),
    scratch_types=[
        pltpu.VMEM((CH,), jnp.int32),
        pltpu.VMEM((CH,), jnp.int32),
        pltpu.VMEM((CH,), jnp.int32),
        pltpu.VMEM((CH,), jnp.float32),
        pltpu.VMEM((CH,), jnp.float32),
        pltpu.VMEM((CH,), jnp.float32),
        pltpu.VMEM((CH,), jnp.float32),
        pltpu.VMEM((CH,), jnp.float32),
        pltpu.VMEM((CH,), jnp.float32),
        pltpu.VMEM((CH,), jnp.float32),
        pltpu.VMEM((CH,), jnp.float32),
        pltpu.VMEM((SLICE,), jnp.float32),
        pltpu.VMEM_SHARED((GPAD,), jnp.float32),
        pltpu.SemaphoreType.DMA((3,)),
        pltpu.SemaphoreType.DMA((2,)),
        pltpu.SemaphoreType.DMA((2,)),
        pltpu.SemaphoreType.DMA((2,)),
        pltpu.SemaphoreType.DMA((2,)),
    ],
)


def _combine_body(p_ref, out_ref):
    out_ref[...] = p_ref[0] + p_ref[1]


_combine_call = pl.pallas_call(
    _combine_body,
    in_specs=[pl.BlockSpec((NUM_SC, GPAD // 128, 128), lambda: (0, 0, 0))],
    out_specs=pl.BlockSpec((GPAD // 128, 128), lambda: (0, 0)),
    out_shape=jax.ShapeDtypeStruct((GPAD // 128, 128), jnp.float32),
)


def kernel(positions, atomic_numbers, batch):
    del atomic_numbers
    x = positions[:, 0]
    y = positions[:, 1]
    z = positions[:, 2]
    partials = _scatter_call(x, y, z, batch.astype(jnp.int32))
    charges_flat = _charges_call(x, y, z)
    combined = _combine_call(partials.reshape(NUM_SC, GPAD // 128, 128))
    energies = combined.reshape(GPAD)[:G].reshape(G, 1)
    node_charges = charges_flat.reshape(N, 1)
    return (energies, node_charges)

# --- scband reference (transcript-rebuilt; emitter-appended) ---
"""Pipeline reference for scband-charge-model-42288247996790 (READ-ONLY COPY).

The authoritative reference and input builder live on the scoring server;
editing this copy changes nothing except your own understanding.
"""

import jax, jax.numpy as jnp
import numpy as np

N = 3200000
NUM_GRAPHS = 100000


def setup_inputs(seed: int = 0) -> dict:
    key = jax.random.key(seed)
    k1, k2, k3 = jax.random.split(key, 3)
    positions = jax.random.normal(k1, (N, 3), dtype=jnp.float32)
    atomic_numbers = jax.random.randint(k2, (N,), 0, 100, dtype=jnp.int64)
    batch = jnp.sort(jax.random.randint(k3, (N,), 0, NUM_GRAPHS, dtype=jnp.int64))
    return {"positions": positions, "atomic_numbers": atomic_numbers, "batch": batch}


def reference(positions, atomic_numbers, batch):
    # node_charges = positions.sum(dim=-1, keepdim=True)
    node_charges = jnp.sum(positions, axis=-1, keepdims=True)
    # per-node value: positions.pow(2).sum(-1, keepdim=True) * 0.25
    vals = jnp.sum(positions ** 2, axis=-1, keepdims=True) * 0.25
    # _sum_per_graph: scatter_add into [num_graphs, 1]
    num_graphs = NUM_GRAPHS if batch.size else 1
    energies = jax.ops.segment_sum(vals, batch, num_segments=num_graphs)
    return (energies, node_charges)

if __name__ == "__main__":
    import jax
    _d = setup_inputs()
    print(jax.jit(kernel)(*tuple(_d.values())))

</pallas_src>

<mosaic_0001>
#map = affine_map<(d0, d1) -> (0)>
#map1 = affine_map<(d0, d1) -> (0, 0)>
module attributes {stable_mosaic.version = 14 : i64} {
  func.func @_scatter_body(%arg0: i32, %arg1: i32, %arg2: memref<3200000xf32, #tpu.memory_space<hbm>>, %arg3: memref<3200000xf32, #tpu.memory_space<hbm>>, %arg4: memref<3200000xf32, #tpu.memory_space<hbm>>, %arg5: memref<3200000xi32, #tpu.memory_space<hbm>>, %arg6: memref<2x102400xf32, #tpu.memory_space<hbm>>, %arg7: memref<10000xi32, #tpu.memory_space<vmem>>, %arg8: memref<10000xi32, #tpu.memory_space<vmem>>, %arg9: memref<10000xi32, #tpu.memory_space<vmem>>, %arg10: memref<10000xf32, #tpu.memory_space<vmem>>, %arg11: memref<10000xf32, #tpu.memory_space<vmem>>, %arg12: memref<10000xf32, #tpu.memory_space<vmem>>, %arg13: memref<10000xf32, #tpu.memory_space<vmem>>, %arg14: memref<10000xf32, #tpu.memory_space<vmem>>, %arg15: memref<10000xf32, #tpu.memory_space<vmem>>, %arg16: memref<10000xf32, #tpu.memory_space<vmem>>, %arg17: memref<10000xf32, #tpu.memory_space<vmem>>, %arg18: memref<6400xf32, #tpu.memory_space<vmem>>, %arg19: memref<102400xf32, #tpu.memory_space<vmem_shared>>, %arg20: memref<3x!tpu.dma_semaphore, #tpu.memory_space<semaphore_mem>>, %arg21: memref<2x!tpu.dma_semaphore, #tpu.memory_space<semaphore_mem>>, %arg22: memref<2x!tpu.dma_semaphore, #tpu.memory_space<semaphore_mem>>, %arg23: memref<2x!tpu.dma_semaphore, #tpu.memory_space<semaphore_mem>>, %arg24: memref<2x!tpu.dma_semaphore, #tpu.memory_space<semaphore_mem>>) attributes {dimension_semantics = [#tpu.dimension_semantics<core_parallel>, #tpu.dimension_semantics<subcore_parallel>], iteration_bounds = array<i64: 2, 16>, scalar_prefetch = 0 : i64, scratch_operands = 18 : i64, tpu.core_type = #tpu.core_type<sc_vector_subcore>, window_params = [{transform_indices = #map}, {transform_indices = #map}, {transform_indices = #map}, {transform_indices = #map}, {transform_indices = #map1}]} {
    %mul3A = arith.constant 16 : i32
    %mul3A_0 = arith.muli %arg0, %mul3A : i32
    %add3A = arith.addi %mul3A_0, %arg1 : i32
    %mul3A_1 = arith.constant 100000 : i32
    %mul3A_2 = arith.muli %add3A, %mul3A_1 : i32
    %add3A_3 = arith.constant 0 : i32
    %add3A_4 = arith.addi %mul3A_2, %add3A_3 : i32
    %dma_start3A = arith.constant 0 : i32
    %dma_start3A_5 = tpu.memref_slice %arg5[%add3A_4] : memref<3200000xi32, #tpu.memory_space<hbm>> -> memref<10000xi32, #tpu.memory_space<hbm>>
    %dma_start3A_6 = tpu.memref_slice %arg20[%dma_start3A] : memref<3x!tpu.dma_semaphore, #tpu.memory_space<semaphore_mem>> -> memref<1x!tpu.dma_semaphore, #tpu.memory_space<semaphore_mem>>
    %dma_start3A_7 = tpu.memref_squeeze %dma_start3A_6 : memref<1x!tpu.dma_semaphore, #tpu.memory_space<semaphore_mem>> -> memref<!tpu.dma_semaphore, #tpu.memory_space<semaphore_mem>>
    %dma_start3A_8 = tpu.memref_slice %arg5[%add3A_4] : memref<3200000xi32, #tpu.memory_space<hbm>> -> memref<10000xi32, #tpu.memory_space<hbm>>
    tpu.enqueue_dma source(%dma_start3A_8 : memref<10000xi32, #tpu.memory_space<hbm>>) target(%arg7 : memref<10000xi32, #tpu.memory_space<vmem>>) target_semaphore(%dma_start3A_7 : memref<!tpu.dma_semaphore, #tpu.memory_space<semaphore_mem>>)
    %dma_start3A_9 = arith.constant 0 : i32
    %dma_start3A_10 = tpu.memref_slice %arg2[%add3A_4] : memref<3200000xf32, #tpu.memory_space<hbm>> -> memref<10000xf32, #tpu.memory_space<hbm>>
    %dma_start3A_11 = tpu.memref_slice %arg21[%dma_start3A_9] : memref<2x!tpu.dma_semaphore, #tpu.memory_space<semaphore_mem>> -> memref<1x!tpu.dma_semaphore, #tpu.memory_space<semaphore_mem>>
    %dma_start3A_12 = tpu.memref_squeeze %dma_start3A_11 : memref<1x!tpu.dma_semaphore, #tpu.memory_space<semaphore_mem>> -> memref<!tpu.dma_semaphore, #tpu.memory_space<semaphore_mem>>
    %dma_start3A_13 = tpu.memref_slice %arg2[%add3A_4] : memref<3200000xf32, #tpu.memory_space<hbm>> -> memref<10000xf32, #tpu.memory_space<hbm>>
    tpu.enqueue_dma source(%dma_start3A_13 : memref<10000xf32, #tpu.memory_space<hbm>>) target(%arg10 : memref<10000xf32, #tpu.memory_space<vmem>>) target_semaphore(%dma_start3A_12 : memref<!tpu.dma_semaphore, #tpu.memory_space<semaphore_mem>>)
    %dma_start3A_14 = arith.constant 0 : i32
    %dma_start3A_15 = tpu.memref_slice %arg3[%add3A_4] : memref<3200000xf32, #tpu.memory_space<hbm>> -> memref<10000xf32, #tpu.memory_space<hbm>>
    %dma_start3A_16 = tpu.memref_slice %arg22[%dma_start3A_14] : memref<2x!tpu.dma_semaphore, #tpu.memory_space<semaphore_mem>> -> memref<1x!tpu.dma_semaphore, #tpu.memory_space<semaphore_mem>>
    %dma_start3A_17 = tpu.memref_squeeze %dma_start3A_16 : memref<1x!tpu.dma_semaphore, #tpu.memory_space<semaphore_mem>> -> memref<!tpu.dma_semaphore, #tpu.memory_space<semaphore_mem>>
    %dma_start3A_18 = tpu.memref_slice %arg3[%add3A_4] : memref<3200000xf32, #tpu.memory_space<hbm>> -> memref<10000xf32, #tpu.memory_space<hbm>>
    tpu.enqueue_dma source(%dma_start3A_18 : memref<10000xf32, #tpu.memory_space<hbm>>) target(%arg12 : memref<10000xf32, #tpu.memory_space<vmem>>) target_semaphore(%dma_start3A_17 : memref<!tpu.dma_semaphore, #tpu.memory_space<semaphore_mem>>)
    %dma_start3A_19 = arith.constant 0 : i32
    %dma_start3A_20 = tpu.memref_slice %arg4[%add3A_4] : memref<3200000xf32, #tpu.memory_space<hbm>> -> memref<10000xf32, #tpu.memory_space<hbm>>
    %dma_start3A_21 = tpu.memref_slice %arg23[%dma_start3A_19] : memref<2x!tpu.dma_semaphore, #tpu.memory_space<semaphore_mem>> -> memref<1x!tpu.dma_semaphore, #tpu.memory_space<semaphore_mem>>
    %dma_start3A_22 = tpu.memref_squeeze %dma_start3A_21 : memref<1x!tpu.dma_semaphore, #tpu.memory_space<semaphore_mem>> -> memref<!tpu.dma_semaphore, #tpu.memory_space<semaphore_mem>>
    %dma_start3A_23 = tpu.memref_slice %arg4[%add3A_4] : memref<3200000xf32, #tpu.memory_space<hbm>> -> memref<10000xf32, #tpu.memory_space<hbm>>
    tpu.enqueue_dma source(%dma_start3A_23 : memref<10000xf32, #tpu.memory_space<hbm>>) target(%arg14 : memref<10000xf32, #tpu.memory_space<vmem>>) target_semaphore(%dma_start3A_22 : memref<!tpu.dma_semaphore, #tpu.memory_space<semaphore_mem>>)
    %mul3A_24 = arith.constant 100000 : i32
    %mul3A_25 = arith.muli %add3A, %mul3A_24 : i32
    %add3A_26 = arith.constant 10000 : i32
    %add3A_27 = arith.addi %mul3A_25, %add3A_26 : i32
    %dma_start3A_28 = arith.constant 1 : i32
    %dma_start3A_29 = tpu.memref_slice %arg5[%add3A_27] : memref<3200000xi32, #tpu.memory_space<hbm>> -> memref<10000xi32, #tpu.memory_space<hbm>>
    %dma_start3A_30 = tpu.memref_slice %arg20[%dma_start3A_28] : memref<3x!tpu.dma_semaphore, #tpu.memory_space<semaphore_mem>> -> memref<1x!tpu.dma_semaphore, #tpu.memory_space<semaphore_mem>>
    %dma_start3A_31 = tpu.memref_squeeze %dma_start3A_30 : memref<1x!tpu.dma_semaphore, #tpu.memory_space<semaphore_mem>> -> memref<!tpu.dma_semaphore, #tpu.memory_space<semaphore_mem>>
    %dma_start3A_32 = tpu.memref_slice %arg5[%add3A_27] : memref<3200000xi32, #tpu.memory_space<hbm>> -> memref<10000xi32, #tpu.memory_space<hbm>>
    tpu.enqueue_dma source(%dma_start3A_32 : memref<10000xi32, #tpu.memory_space<hbm>>) target(%arg8 : memref<10000xi32, #tpu.memory_space<vmem>>) target_semaphore(%dma_start3A_31 : memref<!tpu.dma_semaphore, #tpu.memory_space<semaphore_mem>>)
    %dma_start3A_33 = arith.constant 1 : i32
    %dma_start3A_34 = tpu.memref_slice %arg2[%add3A_27] : memref<3200000xf32, #tpu.memory_space<hbm>> -> memref<10000xf32, #tpu.memory_space<hbm>>
    %dma_start3A_35 = tpu.memref_slice %arg21[%dma_start3A_33] : memref<2x!tpu.dma_semaphore, #tpu.memory_space<semaphore_mem>> -> memref<1x!tpu.dma_semaphore, #tpu.memory_space<semaphore_mem>>
    %dma_start3A_36 = tpu.memref_squeeze %dma_start3A_35 : memref<1x!tpu.dma_semaphore, #tpu.memory_space<semaphore_mem>> -> memref<!tpu.dma_semaphore, #tpu.memory_space<semaphore_mem>>
    %dma_start3A_37 = tpu.memref_slice %arg2[%add3A_27] : memref<3200000xf32, #tpu.memory_space<hbm>> -> memref<10000xf32, #tpu.memory_space<hbm>>
    tpu.enqueue_dma source(%dma_start3A_37 : memref<10000xf32, #tpu.memory_space<hbm>>) target(%arg11 : memref<10000xf32, #tpu.memory_space<vmem>>) target_semaphore(%dma_start3A_36 : memref<!tpu.dma_semaphore, #tpu.memory_space<semaphore_mem>>)
    %dma_start3A_38 = arith.constant 1 : i32
    %dma_start3A_39 = tpu.memref_slice %arg3[%add3A_27] : memref<3200000xf32, #tpu.memory_space<hbm>> -> memref<10000xf32, #tpu.memory_space<hbm>>
    %dma_start3A_40 = tpu.memref_slice %arg22[%dma_start3A_38] : memref<2x!tpu.dma_semaphore, #tpu.memory_space<semaphore_mem>> -> memref<1x!tpu.dma_semaphore, #tpu.memory_space<semaphore_mem>>
    %dma_start3A_41 = tpu.memref_squeeze %dma_start3A_40 : memref<1x!tpu.dma_semaphore, #tpu.memory_space<semaphore_mem>> -> memref<!tpu.dma_semaphore, #tpu.memory_space<semaphore_mem>>
    %dma_start3A_42 = tpu.memref_slice %arg3[%add3A_27] : memref<3200000xf32, #tpu.memory_space<hbm>> -> memref<10000xf32, #tpu.memory_space<hbm>>
    tpu.enqueue_dma source(%dma_start3A_42 : memref<10000xf32, #tpu.memory_space<hbm>>) target(%arg13 : memref<10000xf32, #tpu.memory_space<vmem>>) target_semaphore(%dma_start3A_41 : memref<!tpu.dma_semaphore, #tpu.memory_space<semaphore_mem>>)
    %dma_start3A_43 = arith.constant 1 : i32
    %dma_start3A_44 = tpu.memref_slice %arg4[%add3A_27] : memref<3200000xf32, #tpu.memory_space<hbm>> -> memref<10000xf32, #tpu.memory_space<hbm>>
    %dma_start3A_45 = tpu.memref_slice %arg23[%dma_start3A_43] : memref<2x!tpu.dma_semaphore, #tpu.memory_space<semaphore_mem>> -> memref<1x!tpu.dma_semaphore, #tpu.memory_space<semaphore_mem>>
    %dma_start3A_46 = tpu.memref_squeeze %dma_start3A_45 : memref<1x!tpu.dma_semaphore, #tpu.memory_space<semaphore_mem>> -> memref<!tpu.dma_semaphore, #tpu.memory_space<semaphore_mem>>
    %dma_start3A_47 = tpu.memref_slice %arg4[%add3A_27] : memref<3200000xf32, #tpu.memory_space<hbm>> -> memref<10000xf32, #tpu.memory_space<hbm>>
    tpu.enqueue_dma source(%dma_start3A_47 : memref<10000xf32, #tpu.memory_space<hbm>>) target(%arg15 : memref<10000xf32, #tpu.memory_space<vmem>>) target_semaphore(%dma_start3A_46 : memref<!tpu.dma_semaphore, #tpu.memory_space<semaphore_mem>>)
    %scan3A = arith.constant 0 : i32
    %scan3A_48 = arith.constant 0 : i32
    %scan3A_49 = arith.constant 400 : i32
    %scan3A_50 = arith.addi %scan3A_48, %scan3A_49 : i32
    %scan3A_51 = arith.constant 1 : i32
    scf.for %scan3A_611 = %scan3A_48 to %scan3A_50 step %scan3A_51  : i32 {
      %broadcast_in_dim3A = arith.constant 0.000000e+00 : f32
      %broadcast_in_dim3A_612 = vector.broadcast %broadcast_in_dim3A : f32 to vector<16xf32>
      %mul3A_613 = arith.constant 16 : i32
      %mul3A_614 = arith.muli %scan3A_611, %mul3A_613 : i32
      %swap3A = arith.index_cast %mul3A_614 : i32 to index
      %swap3A_615 = tpu.vector_load %arg18[%swap3A] {strides = array<i32>} : memref<6400xf32, #tpu.memory_space<vmem>>, vector<16xf32>,
      %swap3A_616 = vector.shape_cast %swap3A_615 : vector<16xf32> to vector<16xf32>
      %swap3A_617 = vector.shape_cast %broadcast_in_dim3A_612 : vector<16xf32> to vector<16xf32>
      tpu.vector_store %arg18[%swap3A], %swap3A_617 {strides = array<i32>} : memref<6400xf32, #tpu.memory_space<vmem>>, vector<16xf32>,
    }
    %scan3A_52 = arith.constant 400 : i32
    %mul3A_53 = arith.constant 6400 : i32
    %mul3A_54 = arith.muli %arg1, %mul3A_53 : i32
    "tpu.region"() ({
      %run_scoped3A = tpu.sem_alloc : memref<!tpu.dma_semaphore, #tpu.memory_space<semaphore_mem>>
      %dma_start3A_611 = tpu.memref_slice %arg19[%mul3A_54] : memref<102400xf32, #tpu.memory_space<vmem_shared>> -> memref<6400xf32, #tpu.memory_space<vmem_shared>>
      %dma_start3A_612 = tpu.memref_slice %arg19[%mul3A_54] : memref<102400xf32, #tpu.memory_space<vmem_shared>> -> memref<6400xf32, #tpu.memory_space<vmem_shared>>
      tpu.enqueue_dma source(%arg18 : memref<6400xf32, #tpu.memory_space<vmem>>) target(%dma_start3A_612 : memref<6400xf32, #tpu.memory_space<vmem_shared>>) target_semaphore(%run_scoped3A : memref<!tpu.dma_semaphore, #tpu.memory_space<semaphore_mem>>)
      %dma_wait3A_613 = tpu.memref_slice %arg19[%mul3A_54] : memref<102400xf32, #tpu.memory_space<vmem_shared>> -> memref<6400xf32, #tpu.memory_space<vmem_shared>>
      %dma_wait3A_614 = tpu.memref_slice %arg19[%mul3A_54] : memref<102400xf32, #tpu.memory_space<vmem_shared>> -> memref<6400xf32, #tpu.memory_space<vmem_shared>>
      tpu.wait_dma2 semaphore(%run_scoped3A : memref<!tpu.dma_semaphore, #tpu.memory_space<semaphore_mem>>) src(%arg18 : memref<6400xf32, #tpu.memory_space<vmem>>) dst(%dma_wait3A_614 : memref<6400xf32, #tpu.memory_space<vmem_shared>>)
      tpu.yield
    }) : () -> ()
    %barrier3A = arith.constant 0 : index
    tpu.barrier barrier_id(%barrier3A)
    %dma_wait3A = arith.constant 0 : i32
    %dma_wait3A_55 = tpu.memref_slice %arg5[%add3A_4] : memref<3200000xi32, #tpu.memory_space<hbm>> -> memref<10000xi32, #tpu.memory_space<hbm>>
    %dma_wait3A_56 = tpu.memref_slice %arg20[%dma_wait3A] : memref<3x!tpu.dma_semaphore, #tpu.memory_space<semaphore_mem>> -> memref<1x!tpu.dma_semaphore, #tpu.memory_space<semaphore_mem>>
    %dma_wait3A_57 = tpu.memref_squeeze %dma_wait3A_56 : memref<1x!tpu.dma_semaphore, #tpu.memory_space<semaphore_mem>> -> memref<!tpu.dma_semaphore, #tpu.memory_space<semaphore_mem>>
    %dma_wait3A_58 = tpu.memref_slice %arg5[%add3A_4] : memref<3200000xi32, #tpu.memory_space<hbm>> -> memref<10000xi32, #tpu.memory_space<hbm>>
    tpu.wait_dma2 semaphore(%dma_wait3A_57 : memref<!tpu.dma_semaphore, #tpu.memory_space<semaphore_mem>>) src(%dma_wait3A_58 : memref<10000xi32, #tpu.memory_space<hbm>>) dst(%arg7 : memref<10000xi32, #tpu.memory_space<vmem>>)
    %dma_wait3A_59 = arith.constant 0 : i32
    %dma_wait3A_60 = tpu.memref_slice %arg2[%add3A_4] : memref<3200000xf32, #tpu.memory_space<hbm>> -> memref<10000xf32, #tpu.memory_space<hbm>>
    %dma_wait3A_61 = tpu.memref_slice %arg21[%dma_wait3A_59] : memref<2x!tpu.dma_semaphore, #tpu.memory_space<semaphore_mem>> -> memref<1x!tpu.dma_semaphore, #tpu.memory_space<semaphore_mem>>
    %dma_wait3A_62 = tpu.memref_squeeze %dma_wait3A_61 : memref<1x!tpu.dma_semaphore, #tpu.memory_space<semaphore_mem>> -> memref<!tpu.dma_semaphore, #tpu.memory_space<semaphore_mem>>
    %dma_wait3A_63 = tpu.memref_slice %arg2[%add3A_4] : memref<3200000xf32, #tpu.memory_space<hbm>> -> memref<10000xf32, #tpu.memory_space<hbm>>
    tpu.wait_dma2 semaphore(%dma_wait3A_62 : memref<!tpu.dma_semaphore, #tpu.memory_space<semaphore_mem>>) src(%dma_wait3A_63 : memref<10000xf32, #tpu.memory_space<hbm>>) dst(%arg10 : memref<10000xf32, #tpu.memory_space<vmem>>)
    %dma_wait3A_64 = arith.constant 0 : i32
    %dma_wait3A_65 = tpu.memref_slice %arg3[%add3A_4] : memref<3200000xf32, #tpu.memory_space<hbm>> -> memref<10000xf32, #tpu.memory_space<hbm>>
    %dma_wait3A_66 = tpu.memref_slice %arg22[%dma_wait3A_64] : memref<2x!tpu.dma_semaphore, #tpu.memory_space<semaphore_mem>> -> memref<1x!tpu.dma_semaphore, #tpu.memory_space<semaphore_mem>>
    %dma_wait3A_67 = tpu.memref_squeeze %dma_wait3A_66 : memref<1x!tpu.dma_semaphore, #tpu.memory_space<semaphore_mem>> -> memref<!tpu.dma_semaphore, #tpu.memory_space<semaphore_mem>>
    %dma_wait3A_68 = tpu.memref_slice %arg3[%add3A_4] : memref<3200000xf32, #tpu.memory_space<hbm>> -> memref<10000xf32, #tpu.memory_space<hbm>>
    tpu.wait_dma2 semaphore(%dma_wait3A_67 : memref<!tpu.dma_semaphore, #tpu.memory_space<semaphore_mem>>) src(%dma_wait3A_68 : memref<10000xf32, #tpu.memory_space<hbm>>) dst(%arg12 : memref<10000xf32, #tpu.memory_space<vmem>>)
    %dma_wait3A_69 = arith.constant 0 : i32
    %dma_wait3A_70 = tpu.memref_slice %arg4[%add3A_4] : memref<3200000xf32, #tpu.memory_space<hbm>> -> memref<10000xf32, #tpu.memory_space<hbm>>
    %dma_wait3A_71 = tpu.memref_slice %arg23[%dma_wait3A_69] : memref<2x!tpu.dma_semaphore, #tpu.memory_space<semaphore_mem>> -> memref<1x!tpu.dma_semaphore, #tpu.memory_space<semaphore_mem>>
    %dma_wait3A_72 = tpu.memref_squeeze %dma_wait3A_71 : memref<1x!tpu.dma_semaphore, #tpu.memory_space<semaphore_mem>> -> memref<!tpu.dma_semaphore, #tpu.memory_space<semaphore_mem>>
    %dma_wait3A_73 = tpu.memref_slice %arg4[%add3A_4] : memref<3200000xf32, #tpu.memory_space<hbm>> -> memref<10000xf32, #tpu.memory_space<hbm>>
    tpu.wait_dma2 semaphore(%dma_wait3A_72 : memref<!tpu.dma_semaphore, #tpu.memory_space<semaphore_mem>>) src(%dma_wait3A_73 : memref<10000xf32, #tpu.memory_space<hbm>>) dst(%arg14 : memref<10000xf32, #tpu.memory_space<vmem>>)
    %scan3A_74 = arith.constant 0 : i32
    %scan3A_75 = arith.constant 0 : i32
    %scan3A_76 = arith.constant 125 : i32
    %scan3A_77 = arith.addi %scan3A_75, %scan3A_76 : i32
    %scan3A_78 = arith.constant 1 : i32
    scf.for %scan3A_611 = %scan3A_75 to %scan3A_77 step %scan3A_78  : i32 {
      %mul3A_612 = arith.constant 80 : i32
      %mul3A_613 = arith.muli %scan3A_611, %mul3A_612 : i32
      %add3A_614 = arith.constant 0 : i32
      %add3A_615 = arith.addi %mul3A_613, %add3A_614 : i32
      %get3A = arith.index_cast %add3A_615 : i32 to index
      %get3A_616 = tpu.vector_load %arg10[%get3A] {strides = array<i32>} : memref<10000xf32, #tpu.memory_space<vmem>>, vector<16xf32>,
      %get3A_617 = vector.shape_cast %get3A_616 : vector<16xf32> to vector<16xf32>
      %get3A_618 = arith.index_cast %add3A_615 : i32 to index
      %get3A_619 = tpu.vector_load %arg12[%get3A_618] {strides = array<i32>} : memref<10000xf32, #tpu.memory_space<vmem>>, vector<16xf32>,
      %get3A_620 = vector.shape_cast %get3A_619 : vector<16xf32> to vector<16xf32>
      %get3A_621 = arith.index_cast %add3A_615 : i32 to index
      %get3A_622 = tpu.vector_load %arg14[%get3A_621] {strides = array<i32>} : memref<10000xf32, #tpu.memory_space<vmem>>, vector<16xf32>,
      %get3A_623 = vector.shape_cast %get3A_622 : vector<16xf32> to vector<16xf32>
      %mul3A_624 = arith.mulf %get3A_617, %get3A_617 : vector<16xf32>
      %mul3A_625 = arith.mulf %get3A_620, %get3A_620 : vector<16xf32>
      %add3A_626 = arith.addf %mul3A_624, %mul3A_625 : vector<16xf32>
      %mul3A_627 = arith.mulf %get3A_623, %get3A_623 : vector<16xf32>
      %add3A_628 = arith.addf %add3A_626, %mul3A_627 : vector<16xf32>
      %mul3A_629 = arith.constant 2.500000e-01 : f32
      %mul3A_630 = vector.broadcast %mul3A_629 : f32 to vector<16xf32>
      %mul3A_631 = arith.mulf %add3A_628, %mul3A_630 : vector<16xf32>
      %swap3A = arith.index_cast %add3A_615 : i32 to index
      %swap3A_632 = tpu.vector_load %arg16[%swap3A] {strides = array<i32>} : memref<10000xf32, #tpu.memory_space<vmem>>, vector<16xf32>,
      %swap3A_633 = vector.shape_cast %swap3A_632 : vector<16xf32> to vector<16xf32>
      %swap3A_634 = vector.shape_cast %mul3A_631 : vector<16xf32> to vector<16xf32>
      tpu.vector_store %arg16[%swap3A], %swap3A_634 {strides = array<i32>} : memref<10000xf32, #tpu.memory_space<vmem>>, vector<16xf32>,
      %mul3A_635 = arith.constant 80 : i32
      %mul3A_636 = arith.muli %scan3A_611, %mul3A_635 : i32
      %add3A_637 = arith.constant 16 : i32
      %add3A_638 = arith.addi %mul3A_636, %add3A_637 : i32
      %get3A_639 = arith.index_cast %add3A_638 : i32 to index
      %get3A_640 = tpu.vector_load %arg10[%get3A_639] {strides = array<i32>} : memref<10000xf32, #tpu.memory_space<vmem>>, vector<16xf32>,
      %get3A_641 = vector.shape_cast %get3A_640 : vector<16xf32> to vector<16xf32>
      %get3A_642 = arith.index_cast %add3A_638 : i32 to index
      %get3A_643 = tpu.vector_load %arg12[%get3A_642] {strides = array<i32>} : memref<10000xf32, #tpu.memory_space<vmem>>, vector<16xf32>,
      %get3A_644 = vector.shape_cast %get3A_643 : vector<16xf32> to vector<16xf32>
      %get3A_645 = arith.index_cast %add3A_638 : i32 to index
      %get3A_646 = tpu.vector_load %arg14[%get3A_645] {strides = array<i32>} : memref<10000xf32, #tpu.memory_space<vmem>>, vector<16xf32>,
      %get3A_647 = vector.shape_cast %get3A_646 : vector<16xf32> to vector<16xf32>
      %mul3A_648 = arith.mulf %get3A_641, %get3A_641 : vector<16xf32>
      %mul3A_649 = arith.mulf %get3A_644, %get3A_644 : vector<16xf32>
      %add3A_650 = arith.addf %mul3A_648, %mul3A_649 : vector<16xf32>
      %mul3A_651 = arith.mulf %get3A_647, %get3A_647 : vector<16xf32>
      %add3A_652 = arith.addf %add3A_650, %mul3A_651 : vector<16xf32>
      %mul3A_653 = arith.constant 2.500000e-01 : f32
      %mul3A_654 = vector.broadcast %mul3A_653 : f32 to vector<16xf32>
      %mul3A_655 = arith.mulf %add3A_652, %mul3A_654 : vector<16xf32>
      %swap3A_656 = arith.index_cast %add3A_638 : i32 to index
      %swap3A_657 = tpu.vector_load %arg16[%swap3A_656] {strides = array<i32>} : memref<10000xf32, #tpu.memory_space<vmem>>, vector<16xf32>,
      %swap3A_658 = vector.shape_cast %swap3A_657 : vector<16xf32> to vector<16xf32>
      %swap3A_659 = vector.shape_cast %mul3A_655 : vector<16xf32> to vector<16xf32>
      tpu.vector_store %arg16[%swap3A_656], %swap3A_659 {strides = array<i32>} : memref<10000xf32, #tpu.memory_space<vmem>>, vector<16xf32>,
      %mul3A_660 = arith.constant 80 : i32
      %mul3A_661 = arith.muli %scan3A_611, %mul3A_660 : i32
      %add3A_662 = arith.constant 32 : i32
      %add3A_663 = arith.addi %mul3A_661, %add3A_662 : i32
      %get3A_664 = arith.index_cast %add3A_663 : i32 to index
      %get3A_665 = tpu.vector_load %arg10[%get3A_664] {strides = array<i32>} : memref<10000xf32, #tpu.memory_space<vmem>>, vector<16xf32>,
      %get3A_666 = vector.shape_cast %get3A_665 : vector<16xf32> to vector<16xf32>
      %get3A_667 = arith.index_cast %add3A_663 : i32 to index
      %get3A_668 = tpu.vector_load %arg12[%get3A_667] {strides = array<i32>} : memref<10000xf32, #tpu.memory_space<vmem>>, vector<16xf32>,
      %get3A_669 = vector.shape_cast %get3A_668 : vector<16xf32> to vector<16xf32>
      %get3A_670 = arith.index_cast %add3A_663 : i32 to index
      %get3A_671 = tpu.vector_load %arg14[%get3A_670] {strides = array<i32>} : memref<10000xf32, #tpu.memory_space<vmem>>, vector<16xf32>,
      %get3A_672 = vector.shape_cast %get3A_671 : vector<16xf32> to vector<16xf32>
      %mul3A_673 = arith.mulf %get3A_666, %get3A_666 : vector<16xf32>
      %mul3A_674 = arith.mulf %get3A_669, %get3A_669 : vector<16xf32>
      %add3A_675 = arith.addf %mul3A_673, %mul3A_674 : vector<16xf32>
      %mul3A_676 = arith.mulf %get3A_672, %get3A_672 : vector<16xf32>
      %add3A_677 = arith.addf %add3A_675, %mul3A_676 : vector<16xf32>
      %mul3A_678 = arith.constant 2.500000e-01 : f32
      %mul3A_679 = vector.broadcast %mul3A_678 : f32 to vector<16xf32>
      %mul3A_680 = arith.mulf %add3A_677, %mul3A_679 : vector<16xf32>
      %swap3A_681 = arith.index_cast %add3A_663 : i32 to index
      %swap3A_682 = tpu.vector_load %arg16[%swap3A_681] {strides = array<i32>} : memref<10000xf32, #tpu.memory_space<vmem>>, vector<16xf32>,
      %swap3A_683 = vector.shape_cast %swap3A_682 : vector<16xf32> to vector<16xf32>
      %swap3A_684 = vector.shape_cast %mul3A_680 : vector<16xf32> to vector<16xf32>
      tpu.vector_store %arg16[%swap3A_681], %swap3A_684 {strides = array<i32>} : memref<10000xf32, #tpu.memory_space<vmem>>, vector<16xf32>,
      %mul3A_685 = arith.constant 80 : i32
      %mul3A_686 = arith.muli %scan3A_611, %mul3A_685 : i32
      %add3A_687 = arith.constant 48 : i32
      %add3A_688 = arith.addi %mul3A_686, %add3A_687 : i32
      %get3A_689 = arith.index_cast %add3A_688 : i32 to index
      %get3A_690 = tpu.vector_load %arg10[%get3A_689] {strides = array<i32>} : memref<10000xf32, #tpu.memory_space<vmem>>, vector<16xf32>,
      %get3A_691 = vector.shape_cast %get3A_690 : vector<16xf32> to vector<16xf32>
      %get3A_692 = arith.index_cast %add3A_688 : i32 to index
      %get3A_693 = tpu.vector_load %arg12[%get3A_692] {strides = array<i32>} : memref<10000xf32, #tpu.memory_space<vmem>>, vector<16xf32>,
      %get3A_694 = vector.shape_cast %get3A_693 : vector<16xf32> to vector<16xf32>
      %get3A_695 = arith.index_cast %add3A_688 : i32 to index
      %get3A_696 = tpu.vector_load %arg14[%get3A_695] {strides = array<i32>} : memref<10000xf32, #tpu.memory_space<vmem>>, vector<16xf32>,
      %get3A_697 = vector.shape_cast %get3A_696 : vector<16xf32> to vector<16xf32>
      %mul3A_698 = arith.mulf %get3A_691, %get3A_691 : vector<16xf32>
      %mul3A_699 = arith.mulf %get3A_694, %get3A_694 : vector<16xf32>
      %add3A_700 = arith.addf %mul3A_698, %mul3A_699 : vector<16xf32>
      %mul3A_701 = arith.mulf %get3A_697, %get3A_697 : vector<16xf32>
      %add3A_702 = arith.addf %add3A_700, %mul3A_701 : vector<16xf32>
      %mul3A_703 = arith.constant 2.500000e-01 : f32
      %mul3A_704 = vector.broadcast %mul3A_703 : f32 to vector<16xf32>
      %mul3A_705 = arith.mulf %add3A_702, %mul3A_704 : vector<16xf32>
      %swap3A_706 = arith.index_cast %add3A_688 : i32 to index
      %swap3A_707 = tpu.vector_load %arg16[%swap3A_706] {strides = array<i32>} : memref<10000xf32, #tpu.memory_space<vmem>>, vector<16xf32>,
      %swap3A_708 = vector.shape_cast %swap3A_707 : vector<16xf32> to vector<16xf32>
      %swap3A_709 = vector.shape_cast %mul3A_705 : vector<16xf32> to vector<16xf32>
      tpu.vector_store %arg16[%swap3A_706], %swap3A_709 {strides = array<i32>} : memref<10000xf32, #tpu.memory_space<vmem>>, vector<16xf32>,
      %mul3A_710 = arith.constant 80 : i32
      %mul3A_711 = arith.muli %scan3A_611, %mul3A_710 : i32
      %add3A_712 = arith.constant 64 : i32
      %add3A_713 = arith.addi %mul3A_711, %add3A_712 : i32
      %get3A_714 = arith.index_cast %add3A_713 : i32 to index
      %get3A_715 = tpu.vector_load %arg10[%get3A_714] {strides = array<i32>} : memref<10000xf32, #tpu.memory_space<vmem>>, vector<16xf32>,
      %get3A_716 = vector.shape_cast %get3A_715 : vector<16xf32> to vector<16xf32>
      %get3A_717 = arith.index_cast %add3A_713 : i32 to index
      %get3A_718 = tpu.vector_load %arg12[%get3A_717] {strides = array<i32>} : memref<10000xf32, #tpu.memory_space<vmem>>, vector<16xf32>,
      %get3A_719 = vector.shape_cast %get3A_718 : vector<16xf32> to vector<16xf32>
      %get3A_720 = arith.index_cast %add3A_713 : i32 to index
      %get3A_721 = tpu.vector_load %arg14[%get3A_720] {strides = array<i32>} : memref<10000xf32, #tpu.memory_space<vmem>>, vector<16xf32>,
      %get3A_722 = vector.shape_cast %get3A_721 : vector<16xf32> to vector<16xf32>
      %mul3A_723 = arith.mulf %get3A_716, %get3A_716 : vector<16xf32>
      %mul3A_724 = arith.mulf %get3A_719, %get3A_719 : vector<16xf32>
      %add3A_725 = arith.addf %mul3A_723, %mul3A_724 : vector<16xf32>
      %mul3A_726 = arith.mulf %get3A_722, %get3A_722 : vector<16xf32>
      %add3A_727 = arith.addf %add3A_725, %mul3A_726 : vector<16xf32>
      %mul3A_728 = arith.constant 2.500000e-01 : f32
      %mul3A_729 = vector.broadcast %mul3A_728 : f32 to vector<16xf32>
      %mul3A_730 = arith.mulf %add3A_727, %mul3A_729 : vector<16xf32>
      %swap3A_731 = arith.index_cast %add3A_713 : i32 to index
      %swap3A_732 = tpu.vector_load %arg16[%swap3A_731] {strides = array<i32>} : memref<10000xf32, #tpu.memory_space<vmem>>, vector<16xf32>,
      %swap3A_733 = vector.shape_cast %swap3A_732 : vector<16xf32> to vector<16xf32>
      %swap3A_734 = vector.shape_cast %mul3A_730 : vector<16xf32> to vector<16xf32>
      tpu.vector_store %arg16[%swap3A_731], %swap3A_734 {strides = array<i32>} : memref<10000xf32, #tpu.memory_space<vmem>>, vector<16xf32>,
    }
    %scan3A_79 = arith.constant 125 : i32
    %dma_start3A_80 = arith.constant 0 : i32
    %dma_start3A_81 = arith.constant 0 : i32
    %dma_start3A_82 = tpu.memref_slice %arg19[%dma_start3A_81] : memref<102400xf32, #tpu.memory_space<vmem_shared>> -> memref<102400xf32, #tpu.memory_space<vmem_shared>>
    %dma_start3A_83 = tpu.memref_slice %arg24[%dma_start3A_80] : memref<2x!tpu.dma_semaphore, #tpu.memory_space<semaphore_mem>> -> memref<1x!tpu.dma_semaphore, #tpu.memory_space<semaphore_mem>>
    %dma_start3A_84 = tpu.memref_squeeze %dma_start3A_83 : memref<1x!tpu.dma_semaphore, #tpu.memory_space<semaphore_mem>> -> memref<!tpu.dma_semaphore, #tpu.memory_space<semaphore_mem>>
    tpu.enqueue_indirect_dma source(%arg16 : memref<10000xf32, #tpu.memory_space<vmem>>) target(%dma_start3A_82 : memref<102400xf32, #tpu.memory_space<vmem_shared>>) offsets(%arg7 : memref<10000xi32, #tpu.memory_space<vmem>>) semaphore(%dma_start3A_84 : memref<!tpu.dma_semaphore, #tpu.memory_space<semaphore_mem>>) {add = true}
    %mul3A_85 = arith.constant 100000 : i32
    %mul3A_86 = arith.muli %add3A, %mul3A_85 : i32
    %add3A_87 = arith.constant 20000 : i32
    %add3A_88 = arith.addi %mul3A_86, %add3A_87 : i32
    %dma_start3A_89 = arith.constant 2 : i32
    %dma_start3A_90 = tpu.memref_slice %arg5[%add3A_88] : memref<3200000xi32, #tpu.memory_space<hbm>> -> memref<10000xi32, #tpu.memory_space<hbm>>
    %dma_start3A_91 = tpu.memref_slice %arg20[%dma_start3A_89] : memref<3x!tpu.dma_semaphore, #tpu.memory_space<semaphore_mem>> -> memref<1x!tpu.dma_semaphore, #tpu.memory_space<semaphore_mem>>
    %dma_start3A_92 = tpu.memref_squeeze %dma_start3A_91 : memref<1x!tpu.dma_semaphore, #tpu.memory_space<semaphore_mem>> -> memref<!tpu.dma_semaphore, #tpu.memory_space<semaphore_mem>>
    %dma_start3A_93 = tpu.memref_slice %arg5[%add3A_88] : memref<3200000xi32, #tpu.memory_space<hbm>> -> memref<10000xi32, #tpu.memory_space<hbm>>
    tpu.enqueue_dma source(%dma_start3A_93 : memref<10000xi32, #tpu.memory_space<hbm>>) target(%arg9 : memref<10000xi32, #tpu.memory_space<vmem>>) target_semaphore(%dma_start3A_92 : memref<!tpu.dma_semaphore, #tpu.memory_space<semaphore_mem>>)
    %dma_start3A_94 = arith.constant 0 : i32
    %dma_start3A_95 = tpu.memref_slice %arg2[%add3A_88] : memref<3200000xf32, #tpu.memory_space<hbm>> -> memref<10000xf32, #tpu.memory_space<hbm>>
    %dma_start3A_96 = tpu.memref_slice %arg21[%dma_start3A_94] : memref<2x!tpu.dma_semaphore, #tpu.memory_space<semaphore_mem>> -> memref<1x!tpu.dma_semaphore, #tpu.memory_space<semaphore_mem>>
    %dma_start3A_97 = tpu.memref_squeeze %dma_start3A_96 : memref<1x!tpu.dma_semaphore, #tpu.memory_space<semaphore_mem>> -> memref<!tpu.dma_semaphore, #tpu.memory_space<semaphore_mem>>
    %dma_start3A_98 = tpu.memref_slice %arg2[%add3A_88] : memref<3200000xf32, #tpu.memory_space<hbm>> -> memref<10000xf32, #tpu.memory_space<hbm>>
    tpu.enqueue_dma source(%dma_start3A_98 : memref<10000xf32, #tpu.memory_space<hbm>>) target(%arg10 : memref<10000xf32, #tpu.memory_space<vmem>>) target_semaphore(%dma_start3A_97 : memref<!tpu.dma_semaphore, #tpu.memory_space<semaphore_mem>>)
    %dma_start3A_99 = arith.constant 0 : i32
    %dma_start3A_100 = tpu.memref_slice %arg3[%add3A_88] : memref<3200000xf32, #tpu.memory_space<hbm>> -> memref<10000xf32, #tpu.memory_space<hbm>>
    %dma_start3A_101 = tpu.memref_slice %arg22[%dma_start3A_99] : memref<2x!tpu.dma_semaphore, #tpu.memory_space<semaphore_mem>> -> memref<1x!tpu.dma_semaphore, #tpu.memory_space<semaphore_mem>>
    %dma_start3A_102 = tpu.memref_squeeze %dma_start3A_101 : memref<1x!tpu.dma_semaphore, #tpu.memory_space<semaphore_mem>> -> memref<!tpu.dma_semaphore, #tpu.memory_space<semaphore_mem>>
    %dma_start3A_103 = tpu.memref_slice %arg3[%add3A_88] : memref<3200000xf32, #tpu.memory_space<hbm>> -> memref<10000xf32, #tpu.memory_space<hbm>>
    tpu.enqueue_dma source(%dma_start3A_103 : memref<10000xf32, #tpu.memory_space<hbm>>) target(%arg12 : memref<10000xf32, #tpu.memory_space<vmem>>) target_semaphore(%dma_start3A_102 : memref<!tpu.dma_semaphore, #tpu.memory_space<semaphore_mem>>)
    %dma_start3A_104 = arith.constant 0 : i32
    %dma_start3A_105 = tpu.memref_slice %arg4[%add3A_88] : memref<3200000xf32, #tpu.memory_space<hbm>> -> memref<10000xf32, #tpu.memory_space<hbm>>
    %dma_start3A_106 = tpu.memref_slice %arg23[%dma_start3A_104] : memref<2x!tpu.dma_semaphore, #tpu.memory_space<semaphore_mem>> -> memref<1x!tpu.dma_semaphore, #tpu.memory_space<semaphore_mem>>
    %dma_start3A_107 = tpu.memref_squeeze %dma_start3A_106 : memref<1x!tpu.dma_semaphore, #tpu.memory_space<semaphore_mem>> -> memref<!tpu.dma_semaphore, #tpu.memory_space<semaphore_mem>>
    %dma_start3A_108 = tpu.memref_slice %arg4[%add3A_88] : memref<3200000xf32, #tpu.memory_space<hbm>> -> memref<10000xf32, #tpu.memory_space<hbm>>
    tpu.enqueue_dma source(%dma_start3A_108 : memref<10000xf32, #tpu.memory_space<hbm>>) target(%arg14 : memref<10000xf32, #tpu.memory_space<vmem>>) target_semaphore(%dma_start3A_107 : memref<!tpu.dma_semaphore, #tpu.memory_space<semaphore_mem>>)
    %dma_wait3A_109 = arith.constant 1 : i32
    %dma_wait3A_110 = tpu.memref_slice %arg5[%add3A_27] : memref<3200000xi32, #tpu.memory_space<hbm>> -> memref<10000xi32, #tpu.memory_space<hbm>>
    %dma_wait3A_111 = tpu.memref_slice %arg20[%dma_wait3A_109] : memref<3x!tpu.dma_semaphore, #tpu.memory_space<semaphore_mem>> -> memref<1x!tpu.dma_semaphore, #tpu.memory_space<semaphore_mem>>
    %dma_wait3A_112 = tpu.memref_squeeze %dma_wait3A_111 : memref<1x!tpu.dma_semaphore, #tpu.memory_space<semaphore_mem>> -> memref<!tpu.dma_semaphore, #tpu.memory_space<semaphore_mem>>
    %dma_wait3A_113 = tpu.memref_slice %arg5[%add3A_27] : memref<3200000xi32, #tpu.memory_space<hbm>> -> memref<10000xi32, #tpu.memory_space<hbm>>
    tpu.wait_dma2 semaphore(%dma_wait3A_112 : memref<!tpu.dma_semaphore, #tpu.memory_space<semaphore_mem>>) src(%dma_wait3A_113 : memref<10000xi32, #tpu.memory_space<hbm>>) dst(%arg8 : memref<10000xi32, #tpu.memory_space<vmem>>)
    %dma_wait3A_114 = arith.constant 1 : i32
    %dma_wait3A_115 = tpu.memref_slice %arg2[%add3A_27] : memref<3200000xf32, #tpu.memory_space<hbm>> -> memref<10000xf32, #tpu.memory_space<hbm>>
    %dma_wait3A_116 = tpu.memref_slice %arg21[%dma_wait3A_114] : memref<2x!tpu.dma_semaphore, #tpu.memory_space<semaphore_mem>> -> memref<1x!tpu.dma_semaphore, #tpu.memory_space<semaphore_mem>>
    %dma_wait3A_117 = tpu.memref_squeeze %dma_wait3A_116 : memref<1x!tpu.dma_semaphore, #tpu.memory_space<semaphore_mem>> -> memref<!tpu.dma_semaphore, #tpu.memory_space<semaphore_mem>>
    %dma_wait3A_118 = tpu.memref_slice %arg2[%add3A_27] : memref<3200000xf32, #tpu.memory_space<hbm>> -> memref<10000xf32, #tpu.memory_space<hbm>>
    tpu.wait_dma2 semaphore(%dma_wait3A_117 : memref<!tpu.dma_semaphore, #tpu.memory_space<semaphore_mem>>) src(%dma_wait3A_118 : memref<10000xf32, #tpu.memory_space<hbm>>) dst(%arg11 : memref<10000xf32, #tpu.memory_space<vmem>>)
    %dma_wait3A_119 = arith.constant 1 : i32
    %dma_wait3A_120 = tpu.memref_slice %arg3[%add3A_27] : memref<3200000xf32, #tpu.memory_space<hbm>> -> memref<10000xf32, #tpu.memory_space<hbm>>
    %dma_wait3A_121 = tpu.memref_slice %arg22[%dma_wait3A_119] : memref<2x!tpu.dma_semaphore, #tpu.memory_space<semaphore_mem>> -> memref<1x!tpu.dma_semaphore, #tpu.memory_space<semaphore_mem>>
    %dma_wait3A_122 = tpu.memref_squeeze %dma_wait3A_121 : memref<1x!tpu.dma_semaphore, #tpu.memory_space<semaphore_mem>> -> memref<!tpu.dma_semaphore, #tpu.memory_space<semaphore_mem>>
    %dma_wait3A_123 = tpu.memref_slice %arg3[%add3A_27] : memref<3200000xf32, #tpu.memory_space<hbm>> -> memref<10000xf32, #tpu.memory_space<hbm>>
    tpu.wait_dma2 semaphore(%dma_wait3A_122 : memref<!tpu.dma_semaphore, #tpu.memory_space<semaphore_mem>>) src(%dma_wait3A_123 : memref<10000xf32, #tpu.memory_space<hbm>>) dst(%arg13 : memref<10000xf32, #tpu.memory_space<vmem>>)
    %dma_wait3A_124 = arith.constant 1 : i32
    %dma_wait3A_125 = tpu.memref_slice %arg4[%add3A_27] : memref<3200000xf32, #tpu.memory_space<hbm>> -> memref<10000xf32, #tpu.memory_space<hbm>>
    %dma_wait3A_126 = tpu.memref_slice %arg23[%dma_wait3A_124] : memref<2x!tpu.dma_semaphore, #tpu.memory_space<semaphore_mem>> -> memref<1x!tpu.dma_semaphore, #tpu.memory_space<semaphore_mem>>
    %dma_wait3A_127 = tpu.memref_squeeze %dma_wait3A_126 : memref<1x!tpu.dma_semaphore, #tpu.memory_space<semaphore_mem>> -> memref<!tpu.dma_semaphore, #tpu.memory_space<semaphore_mem>>
    %dma_wait3A_128 = tpu.memref_slice %arg4[%add3A_27] : memref<3200000xf32, #tpu.memory_space<hbm>> -> memref<10000xf32, #tpu.memory_space<hbm>>
    tpu.wait_dma2 semaphore(%dma_wait3A_127 : memref<!tpu.dma_semaphore, #tpu.memory_space<semaphore_mem>>) src(%dma_wait3A_128 : memref<10000xf32, #tpu.memory_space<hbm>>) dst(%arg15 : memref<10000xf32, #tpu.memory_space<vmem>>)
    %scan3A_129 = arith.constant 0 : i32
    %scan3A_130 = arith.constant 0 : i32
    %scan3A_131 = arith.constant 125 : i32
    %scan3A_132 = arith.addi %scan3A_130, %scan3A_131 : i32
    %scan3A_133 = arith.constant 1 : i32
    scf.for %scan3A_611 = %scan3A_130 to %scan3A_132 step %scan3A_133  : i32 {
      %mul3A_612 = arith.constant 80 : i32
      %mul3A_613 = arith.muli %scan3A_611, %mul3A_612 : i32
      %add3A_614 = arith.constant 0 : i32
      %add3A_615 = arith.addi %mul3A_613, %add3A_614 : i32
      %get3A = arith.index_cast %add3A_615 : i32 to index
      %get3A_616 = tpu.vector_load %arg11[%get3A] {strides = array<i32>} : memref<10000xf32, #tpu.memory_space<vmem>>, vector<16xf32>,
      %get3A_617 = vector.shape_cast %get3A_616 : vector<16xf32> to vector<16xf32>
      %get3A_618 = arith.index_cast %add3A_615 : i32 to index
      %get3A_619 = tpu.vector_load %arg13[%get3A_618] {strides = array<i32>} : memref<10000xf32, #tpu.memory_space<vmem>>, vector<16xf32>,
      %get3A_620 = vector.shape_cast %get3A_619 : vector<16xf32> to vector<16xf32>
      %get3A_621 = arith.index_cast %add3A_615 : i32 to index
      %get3A_622 = tpu.vector_load %arg15[%get3A_621] {strides = array<i32>} : memref<10000xf32, #tpu.memory_space<vmem>>, vector<16xf32>,
      %get3A_623 = vector.shape_cast %get3A_622 : vector<16xf32> to vector<16xf32>
      %mul3A_624 = arith.mulf %get3A_617, %get3A_617 : vector<16xf32>
      %mul3A_625 = arith.mulf %get3A_620, %get3A_620 : vector<16xf32>
      %add3A_626 = arith.addf %mul3A_624, %mul3A_625 : vector<16xf32>
      %mul3A_627 = arith.mulf %get3A_623, %get3A_623 : vector<16xf32>
      %add3A_628 = arith.addf %add3A_626, %mul3A_627 : vector<16xf32>
      %mul3A_629 = arith.constant 2.500000e-01 : f32
      %mul3A_630 = vector.broadcast %mul3A_629 : f32 to vector<16xf32>
      %mul3A_631 = arith.mulf %add3A_628, %mul3A_630 : vector<16xf32>
      %swap3A = arith.index_cast %add3A_615 : i32 to index
      %swap3A_632 = tpu.vector_load %arg17[%swap3A] {strides = array<i32>} : memref<10000xf32, #tpu.memory_space<vmem>>, vector<16xf32>,
      %swap3A_633 = vector.shape_cast %swap3A_632 : vector<16xf32> to vector<16xf32>
      %swap3A_634 = vector.shape_cast %mul3A_631 : vector<16xf32> to vector<16xf32>
      tpu.vector_store %arg17[%swap3A], %swap3A_634 {strides = array<i32>} : memref<10000xf32, #tpu.memory_space<vmem>>, vector<16xf32>,
      %mul3A_635 = arith.constant 80 : i32
      %mul3A_636 = arith.muli %scan3A_611, %mul3A_635 : i32
      %add3A_637 = arith.constant 16 : i32
      %add3A_638 = arith.addi %mul3A_636, %add3A_637 : i32
      %get3A_639 = arith.index_cast %add3A_638 : i32 to index
      %get3A_640 = tpu.vector_load %arg11[%get3A_639] {strides = array<i32>} : memref<10000xf32, #tpu.memory_space<vmem>>, vector<16xf32>,
      %get3A_641 = vector.shape_cast %get3A_640 : vector<16xf32> to vector<16xf32>
      %get3A_642 = arith.index_cast %add3A_638 : i32 to index
      %get3A_643 = tpu.vector_load %arg13[%get3A_642] {strides = array<i32>} : memref<10000xf32, #tpu.memory_space<vmem>>, vector<16xf32>,
      %get3A_644 = vector.shape_cast %get3A_643 : vector<16xf32> to vector<16xf32>
      %get3A_645 = arith.index_cast %add3A_638 : i32 to index
      %get3A_646 = tpu.vector_load %arg15[%get3A_645] {strides = array<i32>} : memref<10000xf32, #tpu.memory_space<vmem>>, vector<16xf32>,
      %get3A_647 = vector.shape_cast %get3A_646 : vector<16xf32> to vector<16xf32>
      %mul3A_648 = arith.mulf %get3A_641, %get3A_641 : vector<16xf32>
      %mul3A_649 = arith.mulf %get3A_644, %get3A_644 : vector<16xf32>
      %add3A_650 = arith.addf %mul3A_648, %mul3A_649 : vector<16xf32>
      %mul3A_651 = arith.mulf %get3A_647, %get3A_647 : vector<16xf32>
      %add3A_652 = arith.addf %add3A_650, %mul3A_651 : vector<16xf32>
      %mul3A_653 = arith.constant 2.500000e-01 : f32
      %mul3A_654 = vector.broadcast %mul3A_653 : f32 to vector<16xf32>
      %mul3A_655 = arith.mulf %add3A_652, %mul3A_654 : vector<16xf32>
      %swap3A_656 = arith.index_cast %add3A_638 : i32 to index
      %swap3A_657 = tpu.vector_load %arg17[%swap3A_656] {strides = array<i32>} : memref<10000xf32, #tpu.memory_space<vmem>>, vector<16xf32>,
      %swap3A_658 = vector.shape_cast %swap3A_657 : vector<16xf32> to vector<16xf32>
      %swap3A_659 = vector.shape_cast %mul3A_655 : vector<16xf32> to vector<16xf32>
      tpu.vector_store %arg17[%swap3A_656], %swap3A_659 {strides = array<i32>} : memref<10000xf32, #tpu.memory_space<vmem>>, vector<16xf32>,
      %mul3A_660 = arith.constant 80 : i32
      %mul3A_661 = arith.muli %scan3A_611, %mul3A_660 : i32
      %add3A_662 = arith.constant 32 : i32
      %add3A_663 = arith.addi %mul3A_661, %add3A_662 : i32
      %get3A_664 = arith.index_cast %add3A_663 : i32 to index
      %get3A_665 = tpu.vector_load %arg11[%get3A_664] {strides = array<i32>} : memref<10000xf32, #tpu.memory_space<vmem>>, vector<16xf32>,
      %get3A_666 = vector.shape_cast %get3A_665 : vector<16xf32> to vector<16xf32>
      %get3A_667 = arith.index_cast %add3A_663 : i32 to index
      %get3A_668 = tpu.vector_load %arg13[%get3A_667] {strides = array<i32>} : memref<10000xf32, #tpu.memory_space<vmem>>, vector<16xf32>,
      %get3A_669 = vector.shape_cast %get3A_668 : vector<16xf32> to vector<16xf32>
      %get3A_670 = arith.index_cast %add3A_663 : i32 to index
      %get3A_671 = tpu.vector_load %arg15[%get3A_670] {strides = array<i32>} : memref<10000xf32, #tpu.memory_space<vmem>>, vector<16xf32>,
      %get3A_672 = vector.shape_cast %get3A_671 : vector<16xf32> to vector<16xf32>
      %mul3A_673 = arith.mulf %get3A_666, %get3A_666 : vector<16xf32>
      %mul3A_674 = arith.mulf %get3A_669, %get3A_669 : vector<16xf32>
      %add3A_675 = arith.addf %mul3A_673, %mul3A_674 : vector<16xf32>
      %mul3A_676 = arith.mulf %get3A_672, %get3A_672 : vector<16xf32>
      %add3A_677 = arith.addf %add3A_675, %mul3A_676 : vector<16xf32>
      %mul3A_678 = arith.constant 2.500000e-01 : f32
      %mul3A_679 = vector.broadcast %mul3A_678 : f32 to vector<16xf32>
      %mul3A_680 = arith.mulf %add3A_677, %mul3A_679 : vector<16xf32>
      %swap3A_681 = arith.index_cast %add3A_663 : i32 to index
      %swap3A_682 = tpu.vector_load %arg17[%swap3A_681] {strides = array<i32>} : memref<10000xf32, #tpu.memory_space<vmem>>, vector<16xf32>,
      %swap3A_683 = vector.shape_cast %swap3A_682 : vector<16xf32> to vector<16xf32>
      %swap3A_684 = vector.shape_cast %mul3A_680 : vector<16xf32> to vector<16xf32>
      tpu.vector_store %arg17[%swap3A_681], %swap3A_684 {strides = array<i32>} : memref<10000xf32, #tpu.memory_space<vmem>>, vector<16xf32>,
      %mul3A_685 = arith.constant 80 : i32
      %mul3A_686 = arith.muli %scan3A_611, %mul3A_685 : i32
      %add3A_687 = arith.constant 48 : i32
      %add3A_688 = arith.addi %mul3A_686, %add3A_687 : i32
      %get3A_689 = arith.index_cast %add3A_688 : i32 to index
      %get3A_690 = tpu.vector_load %arg11[%get3A_689] {strides = array<i32>} : memref<10000xf32, #tpu.memory_space<vmem>>, vector<16xf32>,
      %get3A_691 = vector.shape_cast %get3A_690 : vector<16xf32> to vector<16xf32>
      %get3A_692 = arith.index_cast %add3A_688 : i32 to index
      %get3A_693 = tpu.vector_load %arg13[%get3A_692] {strides = array<i32>} : memref<10000xf32, #tpu.memory_space<vmem>>, vector<16xf32>,
      %get3A_694 = vector.shape_cast %get3A_693 : vector<16xf32> to vector<16xf32>
      %get3A_695 = arith.index_cast %add3A_688 : i32 to index
      %get3A_696 = tpu.vector_load %arg15[%get3A_695] {strides = array<i32>} : memref<10000xf32, #tpu.memory_space<vmem>>, vector<16xf32>,
      %get3A_697 = vector.shape_cast %get3A_696 : vector<16xf32> to vector<16xf32>
      %mul3A_698 = arith.mulf %get3A_691, %get3A_691 : vector<16xf32>
      %mul3A_699 = arith.mulf %get3A_694, %get3A_694 : vector<16xf32>
      %add3A_700 = arith.addf %mul3A_698, %mul3A_699 : vector<16xf32>
      %mul3A_701 = arith.mulf %get3A_697, %get3A_697 : vector<16xf32>
      %add3A_702 = arith.addf %add3A_700, %mul3A_701 : vector<16xf32>
      %mul3A_703 = arith.constant 2.500000e-01 : f32
      %mul3A_704 = vector.broadcast %mul3A_703 : f32 to vector<16xf32>
      %mul3A_705 = arith.mulf %add3A_702, %mul3A_704 : vector<16xf32>
      %swap3A_706 = arith.index_cast %add3A_688 : i32 to index
      %swap3A_707 = tpu.vector_load %arg17[%swap3A_706] {strides = array<i32>} : memref<10000xf32, #tpu.memory_space<vmem>>, vector<16xf32>,
      %swap3A_708 = vector.shape_cast %swap3A_707 : vector<16xf32> to vector<16xf32>
      %swap3A_709 = vector.shape_cast %mul3A_705 : vector<16xf32> to vector<16xf32>
      tpu.vector_store %arg17[%swap3A_706], %swap3A_709 {strides = array<i32>} : memref<10000xf32, #tpu.memory_space<vmem>>, vector<16xf32>,
      %mul3A_710 = arith.constant 80 : i32
      %mul3A_711 = arith.muli %scan3A_611, %mul3A_710 : i32
      %add3A_712 = arith.constant 64 : i32
      %add3A_713 = arith.addi %mul3A_711, %add3A_712 : i32
      %get3A_714 = arith.index_cast %add3A_713 : i32 to index
      %get3A_715 = tpu.vector_load %arg11[%get3A_714] {strides = array<i32>} : memref<10000xf32, #tpu.memory_space<vmem>>, vector<16xf32>,
      %get3A_716 = vector.shape_cast %get3A_715 : vector<16xf32> to vector<16xf32>
      %get3A_717 = arith.index_cast %add3A_713 : i32 to index
      %get3A_718 = tpu.vector_load %arg13[%get3A_717] {strides = array<i32>} : memref<10000xf32, #tpu.memory_space<vmem>>, vector<16xf32>,
      %get3A_719 = vector.shape_cast %get3A_718 : vector<16xf32> to vector<16xf32>
      %get3A_720 = arith.index_cast %add3A_713 : i32 to index
      %get3A_721 = tpu.vector_load %arg15[%get3A_720] {strides = array<i32>} : memref<10000xf32, #tpu.memory_space<vmem>>, vector<16xf32>,
      %get3A_722 = vector.shape_cast %get3A_721 : vector<16xf32> to vector<16xf32>
      %mul3A_723 = arith.mulf %get3A_716, %get3A_716 : vector<16xf32>
      %mul3A_724 = arith.mulf %get3A_719, %get3A_719 : vector<16xf32>
      %add3A_725 = arith.addf %mul3A_723, %mul3A_724 : vector<16xf32>
      %mul3A_726 = arith.mulf %get3A_722, %get3A_722 : vector<16xf32>
      %add3A_727 = arith.addf %add3A_725, %mul3A_726 : vector<16xf32>
      %mul3A_728 = arith.constant 2.500000e-01 : f32
      %mul3A_729 = vector.broadcast %mul3A_728 : f32 to vector<16xf32>
      %mul3A_730 = arith.mulf %add3A_727, %mul3A_729 : vector<16xf32>
      %swap3A_731 = arith.index_cast %add3A_713 : i32 to index
      %swap3A_732 = tpu.vector_load %arg17[%swap3A_731] {strides = array<i32>} : memref<10000xf32, #tpu.memory_space<vmem>>, vector<16xf32>,
      %swap3A_733 = vector.shape_cast %swap3A_732 : vector<16xf32> to vector<16xf32>
      %swap3A_734 = vector.shape_cast %mul3A_730 : vector<16xf32> to vector<16xf32>
      tpu.vector_store %arg17[%swap3A_731], %swap3A_734 {strides = array<i32>} : memref<10000xf32, #tpu.memory_space<vmem>>, vector<16xf32>,
    }
    %scan3A_134 = arith.constant 125 : i32
    %dma_start3A_135 = arith.constant 1 : i32
    %dma_start3A_136 = arith.constant 0 : i32
    %dma_start3A_137 = tpu.memref_slice %arg19[%dma_start3A_136] : memref<102400xf32, #tpu.memory_space<vmem_shared>> -> memref<102400xf32, #tpu.memory_space<vmem_shared>>
    %dma_start3A_138 = tpu.memref_slice %arg24[%dma_start3A_135] : memref<2x!tpu.dma_semaphore, #tpu.memory_space<semaphore_mem>> -> memref<1x!tpu.dma_semaphore, #tpu.memory_space<semaphore_mem>>
    %dma_start3A_139 = tpu.memref_squeeze %dma_start3A_138 : memref<1x!tpu.dma_semaphore, #tpu.memory_space<semaphore_mem>> -> memref<!tpu.dma_semaphore, #tpu.memory_space<semaphore_mem>>
    tpu.enqueue_indirect_dma source(%arg17 : memref<10000xf32, #tpu.memory_space<vmem>>) target(%dma_start3A_137 : memref<102400xf32, #tpu.memory_space<vmem_shared>>) offsets(%arg8 : memref<10000xi32, #tpu.memory_space<vmem>>) semaphore(%dma_start3A_139 : memref<!tpu.dma_semaphore, #tpu.memory_space<semaphore_mem>>) {add = true}
    %dma_wait3A_140 = arith.constant 0 : i32
    %dma_wait3A_141 = arith.constant 0 : i32
    %dma_wait3A_142 = tpu.memref_slice %arg19[%dma_wait3A_141] : memref<102400xf32, #tpu.memory_space<vmem_shared>> -> memref<102400xf32, #tpu.memory_space<vmem_shared>>
    %dma_wait3A_143 = tpu.memref_slice %arg24[%dma_wait3A_140] : memref<2x!tpu.dma_semaphore, #tpu.memory_space<semaphore_mem>> -> memref<1x!tpu.dma_semaphore, #tpu.memory_space<semaphore_mem>>
    %dma_wait3A_144 = tpu.memref_squeeze %dma_wait3A_143 : memref<1x!tpu.dma_semaphore, #tpu.memory_space<semaphore_mem>> -> memref<!tpu.dma_semaphore, #tpu.memory_space<semaphore_mem>>
    tpu.wait_indirect_dma semaphore(%dma_wait3A_144 : memref<!tpu.dma_semaphore, #tpu.memory_space<semaphore_mem>>) src(%arg16 : memref<10000xf32, #tpu.memory_space<vmem>>) dst(%dma_wait3A_142 : memref<102400xf32, #tpu.memory_space<vmem_shared>>)
    %mul3A_145 = arith.constant 100000 : i32
    %mul3A_146 = arith.muli %add3A, %mul3A_145 : i32
    %add3A_147 = arith.constant 30000 : i32
    %add3A_148 = arith.addi %mul3A_146, %add3A_147 : i32
    %dma_start3A_149 = arith.constant 0 : i32
    %dma_start3A_150 = tpu.memref_slice %arg5[%add3A_148] : memref<3200000xi32, #tpu.memory_space<hbm>> -> memref<10000xi32, #tpu.memory_space<hbm>>
    %dma_start3A_151 = tpu.memref_slice %arg20[%dma_start3A_149] : memref<3x!tpu.dma_semaphore, #tpu.memory_space<semaphore_mem>> -> memref<1x!tpu.dma_semaphore, #tpu.memory_space<semaphore_mem>>
    %dma_start3A_152 = tpu.memref_squeeze %dma_start3A_151 : memref<1x!tpu.dma_semaphore, #tpu.memory_space<semaphore_mem>> -> memref<!tpu.dma_semaphore, #tpu.memory_space<semaphore_mem>>
    %dma_start3A_153 = tpu.memref_slice %arg5[%add3A_148] : memref<3200000xi32, #tpu.memory_space<hbm>> -> memref<10000xi32, #tpu.memory_space<hbm>>
    tpu.enqueue_dma source(%dma_start3A_153 : memref<10000xi32, #tpu.memory_space<hbm>>) target(%arg7 : memref<10000xi32, #tpu.memory_space<vmem>>) target_semaphore(%dma_start3A_152 : memref<!tpu.dma_semaphore, #tpu.memory_space<semaphore_mem>>)
    %dma_start3A_154 = arith.constant 1 : i32
    %dma_start3A_155 = tpu.memref_slice %arg2[%add3A_148] : memref<3200000xf32, #tpu.memory_space<hbm>> -> memref<10000xf32, #tpu.memory_space<hbm>>
    %dma_start3A_156 = tpu.memref_slice %arg21[%dma_start3A_154] : memref<2x!tpu.dma_semaphore, #tpu.memory_space<semaphore_mem>> -> memref<1x!tpu.dma_semaphore, #tpu.memory_space<semaphore_mem>>
    %dma_start3A_157 = tpu.memref_squeeze %dma_start3A_156 : memref<1x!tpu.dma_semaphore, #tpu.memory_space<semaphore_mem>> -> memref<!tpu.dma_semaphore, #tpu.memory_space<semaphore_mem>>
    %dma_start3A_158 = tpu.memref_slice %arg2[%add3A_148] : memref<3200000xf32, #tpu.memory_space<hbm>> -> memref<10000xf32, #tpu.memory_space<hbm>>
    tpu.enqueue_dma source(%dma_start3A_158 : memref<10000xf32, #tpu.memory_space<hbm>>) target(%arg11 : memref<10000xf32, #tpu.memory_space<vmem>>) target_semaphore(%dma_start3A_157 : memref<!tpu.dma_semaphore, #tpu.memory_space<semaphore_mem>>)
    %dma_start3A_159 = arith.constant 1 : i32
    %dma_start3A_160 = tpu.memref_slice %arg3[%add3A_148] : memref<3200000xf32, #tpu.memory_space<hbm>> -> memref<10000xf32, #tpu.memory_space<hbm>>
    %dma_start3A_161 = tpu.memref_slice %arg22[%dma_start3A_159] : memref<2x!tpu.dma_semaphore, #tpu.memory_space<semaphore_mem>> -> memref<1x!tpu.dma_semaphore, #tpu.memory_space<semaphore_mem>>
    %dma_start3A_162 = tpu.memref_squeeze %dma_start3A_161 : memref<1x!tpu.dma_semaphore, #tpu.memory_space<semaphore_mem>> -> memref<!tpu.dma_semaphore, #tpu.memory_space<semaphore_mem>>
    %dma_start3A_163 = tpu.memref_slice %arg3[%add3A_148] : memref<3200000xf32, #tpu.memory_space<hbm>> -> memref<10000xf32, #tpu.memory_space<hbm>>
    tpu.enqueue_dma source(%dma_start3A_163 : memref<10000xf32, #tpu.memory_space<hbm>>) target(%arg13 : memref<10000xf32, #tpu.memory_space<vmem>>) target_semaphore(%dma_start3A_162 : memref<!tpu.dma_semaphore, #tpu.memory_space<semaphore_mem>>)
    %dma_start3A_164 = arith.constant 1 : i32
    %dma_start3A_165 = tpu.memref_slice %arg4[%add3A_148] : memref<3200000xf32, #tpu.memory_space<hbm>> -> memref<10000xf32, #tpu.memory_space<hbm>>
    %dma_start3A_166 = tpu.memref_slice %arg23[%dma_start3A_164] : memref<2x!tpu.dma_semaphore, #tpu.memory_space<semaphore_mem>> -> memref<1x!tpu.dma_semaphore, #tpu.memory_space<semaphore_mem>>
    %dma_start3A_167 = tpu.memref_squeeze %dma_start3A_166 : memref<1x!tpu.dma_semaphore, #tpu.memory_space<semaphore_mem>> -> memref<!tpu.dma_semaphore, #tpu.memory_space<semaphore_mem>>
    %dma_start3A_168 = tpu.memref_slice %arg4[%add3A_148] : memref<3200000xf32, #tpu.memory_space<hbm>> -> memref<10000xf32, #tpu.memory_space<hbm>>
    tpu.enqueue_dma source(%dma_start3A_168 : memref<10000xf32, #tpu.memory_space<hbm>>) target(%arg15 : memref<10000xf32, #tpu.memory_space<vmem>>) target_semaphore(%dma_start3A_167 : memref<!tpu.dma_semaphore, #tpu.memory_space<semaphore_mem>>)
    %dma_wait3A_169 = arith.constant 2 : i32
    %dma_wait3A_170 = tpu.memref_slice %arg5[%add3A_88] : memref<3200000xi32, #tpu.memory_space<hbm>> -> memref<10000xi32, #tpu.memory_space<hbm>>
    %dma_wait3A_171 = tpu.memref_slice %arg20[%dma_wait3A_169] : memref<3x!tpu.dma_semaphore, #tpu.memory_space<semaphore_mem>> -> memref<1x!tpu.dma_semaphore, #tpu.memory_space<semaphore_mem>>
    %dma_wait3A_172 = tpu.memref_squeeze %dma_wait3A_171 : memref<1x!tpu.dma_semaphore, #tpu.memory_space<semaphore_mem>> -> memref<!tpu.dma_semaphore, #tpu.memory_space<semaphore_mem>>
    %dma_wait3A_173 = tpu.memref_slice %arg5[%add3A_88] : memref<3200000xi32, #tpu.memory_space<hbm>> -> memref<10000xi32, #tpu.memory_space<hbm>>
    tpu.wait_dma2 semaphore(%dma_wait3A_172 : memref<!tpu.dma_semaphore, #tpu.memory_space<semaphore_mem>>) src(%dma_wait3A_173 : memref<10000xi32, #tpu.memory_space<hbm>>) dst(%arg9 : memref<10000xi32, #tpu.memory_space<vmem>>)
    %dma_wait3A_174 = arith.constant 0 : i32
    %dma_wait3A_175 = tpu.memref_slice %arg2[%add3A_88] : memref<3200000xf32, #tpu.memory_space<hbm>> -> memref<10000xf32, #tpu.memory_space<hbm>>
    %dma_wait3A_176 = tpu.memref_slice %arg21[%dma_wait3A_174] : memref<2x!tpu.dma_semaphore, #tpu.memory_space<semaphore_mem>> -> memref<1x!tpu.dma_semaphore, #tpu.memory_space<semaphore_mem>>
    %dma_wait3A_177 = tpu.memref_squeeze %dma_wait3A_176 : memref<1x!tpu.dma_semaphore, #tpu.memory_space<semaphore_mem>> -> memref<!tpu.dma_semaphore, #tpu.memory_space<semaphore_mem>>
    %dma_wait3A_178 = tpu.memref_slice %arg2[%add3A_88] : memref<3200000xf32, #tpu.memory_space<hbm>> -> memref<10000xf32, #tpu.memory_space<hbm>>
    tpu.wait_dma2 semaphore(%dma_wait3A_177 : memref<!tpu.dma_semaphore, #tpu.memory_space<semaphore_mem>>) src(%dma_wait3A_178 : memref<10000xf32, #tpu.memory_space<hbm>>) dst(%arg10 : memref<10000xf32, #tpu.memory_space<vmem>>)
    %dma_wait3A_179 = arith.constant 0 : i32
    %dma_wait3A_180 = tpu.memref_slice %arg3[%add3A_88] : memref<3200000xf32, #tpu.memory_space<hbm>> -> memref<10000xf32, #tpu.memory_space<hbm>>
    %dma_wait3A_181 = tpu.memref_slice %arg22[%dma_wait3A_179] : memref<2x!tpu.dma_semaphore, #tpu.memory_space<semaphore_mem>> -> memref<1x!tpu.dma_semaphore, #tpu.memory_space<semaphore_mem>>
    %dma_wait3A_182 = tpu.memref_squeeze %dma_wait3A_181 : memref<1x!tpu.dma_semaphore, #tpu.memory_space<semaphore_mem>> -> memref<!tpu.dma_semaphore, #tpu.memory_space<semaphore_mem>>
    %dma_wait3A_183 = tpu.memref_slice %arg3[%add3A_88] : memref<3200000xf32, #tpu.memory_space<hbm>> -> memref<10000xf32, #tpu.memory_space<hbm>>
    tpu.wait_dma2 semaphore(%dma_wait3A_182 : memref<!tpu.dma_semaphore, #tpu.memory_space<semaphore_mem>>) src(%dma_wait3A_183 : memref<10000xf32, #tpu.memory_space<hbm>>) dst(%arg12 : memref<10000xf32, #tpu.memory_space<vmem>>)
    %dma_wait3A_184 = arith.constant 0 : i32
    %dma_wait3A_185 = tpu.memref_slice %arg4[%add3A_88] : memref<3200000xf32, #tpu.memory_space<hbm>> -> memref<10000xf32, #tpu.memory_space<hbm>>
    %dma_wait3A_186 = tpu.memref_slice %arg23[%dma_wait3A_184] : memref<2x!tpu.dma_semaphore, #tpu.memory_space<semaphore_mem>> -> memref<1x!tpu.dma_semaphore, #tpu.memory_space<semaphore_mem>>
    %dma_wait3A_187 = tpu.memref_squeeze %dma_wait3A_186 : memref<1x!tpu.dma_semaphore, #tpu.memory_space<semaphore_mem>> -> memref<!tpu.dma_semaphore, #tpu.memory_space<semaphore_mem>>
    %dma_wait3A_188 = tpu.memref_slice %arg4[%add3A_88] : memref<3200000xf32, #tpu.memory_space<hbm>> -> memref<10000xf32, #tpu.memory_space<hbm>>
    tpu.wait_dma2 semaphore(%dma_wait3A_187 : memref<!tpu.dma_semaphore, #tpu.memory_space<semaphore_mem>>) src(%dma_wait3A_188 : memref<10000xf32, #tpu.memory_space<hbm>>) dst(%arg14 : memref<10000xf32, #tpu.memory_space<vmem>>)
    %scan3A_189 = arith.constant 0 : i32
    %scan3A_190 = arith.constant 0 : i32
    %scan3A_191 = arith.constant 125 : i32
    %scan3A_192 = arith.addi %scan3A_190, %scan3A_191 : i32
    %scan3A_193 = arith.constant 1 : i32
    scf.for %scan3A_611 = %scan3A_190 to %scan3A_192 step %scan3A_193  : i32 {
      %mul3A_612 = arith.constant 80 : i32
      %mul3A_613 = arith.muli %scan3A_611, %mul3A_612 : i32
      %add3A_614 = arith.constant 0 : i32
      %add3A_615 = arith.addi %mul3A_613, %add3A_614 : i32
      %get3A = arith.index_cast %add3A_615 : i32 to index
      %get3A_616 = tpu.vector_load %arg10[%get3A] {strides = array<i32>} : memref<10000xf32, #tpu.memory_space<vmem>>, vector<16xf32>,
      %get3A_617 = vector.shape_cast %get3A_616 : vector<16xf32> to vector<16xf32>
      %get3A_618 = arith.index_cast %add3A_615 : i32 to index
      %get3A_619 = tpu.vector_load %arg12[%get3A_618] {strides = array<i32>} : memref<10000xf32, #tpu.memory_space<vmem>>, vector<16xf32>,
      %get3A_620 = vector.shape_cast %get3A_619 : vector<16xf32> to vector<16xf32>
      %get3A_621 = arith.index_cast %add3A_615 : i32 to index
      %get3A_622 = tpu.vector_load %arg14[%get3A_621] {strides = array<i32>} : memref<10000xf32, #tpu.memory_space<vmem>>, vector<16xf32>,
      %get3A_623 = vector.shape_cast %get3A_622 : vector<16xf32> to vector<16xf32>
      %mul3A_624 = arith.mulf %get3A_617, %get3A_617 : vector<16xf32>
      %mul3A_625 = arith.mulf %get3A_620, %get3A_620 : vector<16xf32>
      %add3A_626 = arith.addf %mul3A_624, %mul3A_625 : vector<16xf32>
      %mul3A_627 = arith.mulf %get3A_623, %get3A_623 : vector<16xf32>
      %add3A_628 = arith.addf %add3A_626, %mul3A_627 : vector<16xf32>
      %mul3A_629 = arith.constant 2.500000e-01 : f32
      %mul3A_630 = vector.broadcast %mul3A_629 : f32 to vector<16xf32>
      %mul3A_631 = arith.mulf %add3A_628, %mul3A_630 : vector<16xf32>
      %swap3A = arith.index_cast %add3A_615 : i32 to index
      %swap3A_632 = tpu.vector_load %arg16[%swap3A] {strides = array<i32>} : memref<10000xf32, #tpu.memory_space<vmem>>, vector<16xf32>,
      %swap3A_633 = vector.shape_cast %swap3A_632 : vector<16xf32> to vector<16xf32>
      %swap3A_634 = vector.shape_cast %mul3A_631 : vector<16xf32> to vector<16xf32>
      tpu.vector_store %arg16[%swap3A], %swap3A_634 {strides = array<i32>} : memref<10000xf32, #tpu.memory_space<vmem>>, vector<16xf32>,
      %mul3A_635 = arith.constant 80 : i32
      %mul3A_636 = arith.muli %scan3A_611, %mul3A_635 : i32
      %add3A_637 = arith.constant 16 : i32
      %add3A_638 = arith.addi %mul3A_636, %add3A_637 : i32
      %get3A_639 = arith.index_cast %add3A_638 : i32 to index
      %get3A_640 = tpu.vector_load %arg10[%get3A_639] {strides = array<i32>} : memref<10000xf32, #tpu.memory_space<vmem>>, vector<16xf32>,
      %get3A_641 = vector.shape_cast %get3A_640 : vector<16xf32> to vector<16xf32>
      %get3A_642 = arith.index_cast %add3A_638 : i32 to index
      %get3A_643 = tpu.vector_load %arg12[%get3A_642] {strides = array<i32>} : memref<10000xf32, #tpu.memory_space<vmem>>, vector<16xf32>,
      %get3A_644 = vector.shape_cast %get3A_643 : vector<16xf32> to vector<16xf32>
      %get3A_645 = arith.index_cast %add3A_638 : i32 to index
      %get3A_646 = tpu.vector_load %arg14[%get3A_645] {strides = array<i32>} : memref<10000xf32, #tpu.memory_space<vmem>>, vector<16xf32>,
      %get3A_647 = vector.shape_cast %get3A_646 : vector<16xf32> to vector<16xf32>
      %mul3A_648 = arith.mulf %get3A_641, %get3A_641 : vector<16xf32>
      %mul3A_649 = arith.mulf %get3A_644, %get3A_644 : vector<16xf32>
      %add3A_650 = arith.addf %mul3A_648, %mul3A_649 : vector<16xf32>
      %mul3A_651 = arith.mulf %get3A_647, %get3A_647 : vector<16xf32>
      %add3A_652 = arith.addf %add3A_650, %mul3A_651 : vector<16xf32>
      %mul3A_653 = arith.constant 2.500000e-01 : f32
      %mul3A_654 = vector.broadcast %mul3A_653 : f32 to vector<16xf32>
      %mul3A_655 = arith.mulf %add3A_652, %mul3A_654 : vector<16xf32>
      %swap3A_656 = arith.index_cast %add3A_638 : i32 to index
      %swap3A_657 = tpu.vector_load %arg16[%swap3A_656] {strides = array<i32>} : memref<10000xf32, #tpu.memory_space<vmem>>, vector<16xf32>,
      %swap3A_658 = vector.shape_cast %swap3A_657 : vector<16xf32> to vector<16xf32>
      %swap3A_659 = vector.shape_cast %mul3A_655 : vector<16xf32> to vector<16xf32>
      tpu.vector_store %arg16[%swap3A_656], %swap3A_659 {strides = array<i32>} : memref<10000xf32, #tpu.memory_space<vmem>>, vector<16xf32>,
      %mul3A_660 = arith.constant 80 : i32
      %mul3A_661 = arith.muli %scan3A_611, %mul3A_660 : i32
      %add3A_662 = arith.constant 32 : i32
      %add3A_663 = arith.addi %mul3A_661, %add3A_662 : i32
      %get3A_664 = arith.index_cast %add3A_663 : i32 to index
      %get3A_665 = tpu.vector_load %arg10[%get3A_664] {strides = array<i32>} : memref<10000xf32, #tpu.memory_space<vmem>>, vector<16xf32>,
      %get3A_666 = vector.shape_cast %get3A_665 : vector<16xf32> to vector<16xf32>
      %get3A_667 = arith.index_cast %add3A_663 : i32 to index
      %get3A_668 = tpu.vector_load %arg12[%get3A_667] {strides = array<i32>} : memref<10000xf32, #tpu.memory_space<vmem>>, vector<16xf32>,
      %get3A_669 = vector.shape_cast %get3A_668 : vector<16xf32> to vector<16xf32>
      %get3A_670 = arith.index_cast %add3A_663 : i32 to index
      %get3A_671 = tpu.vector_load %arg14[%get3A_670] {strides = array<i32>} : memref<10000xf32, #tpu.memory_space<vmem>>, vector<16xf32>,
      %get3A_672 = vector.shape_cast %get3A_671 : vector<16xf32> to vector<16xf32>
      %mul3A_673 = arith.mulf %get3A_666, %get3A_666 : vector<16xf32>
      %mul3A_674 = arith.mulf %get3A_669, %get3A_669 : vector<16xf32>
      %add3A_675 = arith.addf %mul3A_673, %mul3A_674 : vector<16xf32>
      %mul3A_676 = arith.mulf %get3A_672, %get3A_672 : vector<16xf32>
      %add3A_677 = arith.addf %add3A_675, %mul3A_676 : vector<16xf32>
      %mul3A_678 = arith.constant 2.500000e-01 : f32
      %mul3A_679 = vector.broadcast %mul3A_678 : f32 to vector<16xf32>
      %mul3A_680 = arith.mulf %add3A_677, %mul3A_679 : vector<16xf32>
      %swap3A_681 = arith.index_cast %add3A_663 : i32 to index
      %swap3A_682 = tpu.vector_load %arg16[%swap3A_681] {strides = array<i32>} : memref<10000xf32, #tpu.memory_space<vmem>>, vector<16xf32>,
      %swap3A_683 = vector.shape_cast %swap3A_682 : vector<16xf32> to vector<16xf32>
      %swap3A_684 = vector.shape_cast %mul3A_680 : vector<16xf32> to vector<16xf32>
      tpu.vector_store %arg16[%swap3A_681], %swap3A_684 {strides = array<i32>} : memref<10000xf32, #tpu.memory_space<vmem>>, vector<16xf32>,
      %mul3A_685 = arith.constant 80 : i32
      %mul3A_686 = arith.muli %scan3A_611, %mul3A_685 : i32
      %add3A_687 = arith.constant 48 : i32
      %add3A_688 = arith.addi %mul3A_686, %add3A_687 : i32
      %get3A_689 = arith.index_cast %add3A_688 : i32 to index
      %get3A_690 = tpu.vector_load %arg10[%get3A_689] {strides = array<i32>} : memref<10000xf32, #tpu.memory_space<vmem>>, vector<16xf32>,
      %get3A_691 = vector.shape_cast %get3A_690 : vector<16xf32> to vector<16xf32>
      %get3A_692 = arith.index_cast %add3A_688 : i32 to index
      %get3A_693 = tpu.vector_load %arg12[%get3A_692] {strides = array<i32>} : memref<10000xf32, #tpu.memory_space<vmem>>, vector<16xf32>,
      %get3A_694 = vector.shape_cast %get3A_693 : vector<16xf32> to vector<16xf32>
      %get3A_695 = arith.index_cast %add3A_688 : i32 to index
      %get3A_696 = tpu.vector_load %arg14[%get3A_695] {strides = array<i32>} : memref<10000xf32, #tpu.memory_space<vmem>>, vector<16xf32>,
      %get3A_697 = vector.shape_cast %get3A_696 : vector<16xf32> to vector<16xf32>
      %mul3A_698 = arith.mulf %get3A_691, %get3A_691 : vector<16xf32>
      %mul3A_699 = arith.mulf %get3A_694, %get3A_694 : vector<16xf32>
      %add3A_700 = arith.addf %mul3A_698, %mul3A_699 : vector<16xf32>
      %mul3A_701 = arith.mulf %get3A_697, %get3A_697 : vector<16xf32>
      %add3A_702 = arith.addf %add3A_700, %mul3A_701 : vector<16xf32>
      %mul3A_703 = arith.constant 2.500000e-01 : f32
      %mul3A_704 = vector.broadcast %mul3A_703 : f32 to vector<16xf32>
      %mul3A_705 = arith.mulf %add3A_702, %mul3A_704 : vector<16xf32>
      %swap3A_706 = arith.index_cast %add3A_688 : i32 to index
      %swap3A_707 = tpu.vector_load %arg16[%swap3A_706] {strides = array<i32>} : memref<10000xf32, #tpu.memory_space<vmem>>, vector<16xf32>,
      %swap3A_708 = vector.shape_cast %swap3A_707 : vector<16xf32> to vector<16xf32>
      %swap3A_709 = vector.shape_cast %mul3A_705 : vector<16xf32> to vector<16xf32>
      tpu.vector_store %arg16[%swap3A_706], %swap3A_709 {strides = array<i32>} : memref<10000xf32, #tpu.memory_space<vmem>>, vector<16xf32>,
      %mul3A_710 = arith.constant 80 : i32
      %mul3A_711 = arith.muli %scan3A_611, %mul3A_710 : i32
      %add3A_712 = arith.constant 64 : i32
      %add3A_713 = arith.addi %mul3A_711, %add3A_712 : i32
      %get3A_714 = arith.index_cast %add3A_713 : i32 to index
      %get3A_715 = tpu.vector_load %arg10[%get3A_714] {strides = array<i32>} : memref<10000xf32, #tpu.memory_space<vmem>>, vector<16xf32>,
      %get3A_716 = vector.shape_cast %get3A_715 : vector<16xf32> to vector<16xf32>
      %get3A_717 = arith.index_cast %add3A_713 : i32 to index
      %get3A_718 = tpu.vector_load %arg12[%get3A_717] {strides = array<i32>} : memref<10000xf32, #tpu.memory_space<vmem>>, vector<16xf32>,
      %get3A_719 = vector.shape_cast %get3A_718 : vector<16xf32> to vector<16xf32>
      %get3A_720 = arith.index_cast %add3A_713 : i32 to index
      %get3A_721 = tpu.vector_load %arg14[%get3A_720] {strides = array<i32>} : memref<10000xf32, #tpu.memory_space<vmem>>, vector<16xf32>,
      %get3A_722 = vector.shape_cast %get3A_721 : vector<16xf32> to vector<16xf32>
      %mul3A_723 = arith.mulf %get3A_716, %get3A_716 : vector<16xf32>
      %mul3A_724 = arith.mulf %get3A_719, %get3A_719 : vector<16xf32>
      %add3A_725 = arith.addf %mul3A_723, %mul3A_724 : vector<16xf32>
      %mul3A_726 = arith.mulf %get3A_722, %get3A_722 : vector<16xf32>
      %add3A_727 = arith.addf %add3A_725, %mul3A_726 : vector<16xf32>
      %mul3A_728 = arith.constant 2.500000e-01 : f32
      %mul3A_729 = vector.broadcast %mul3A_728 : f32 to vector<16xf32>
      %mul3A_730 = arith.mulf %add3A_727, %mul3A_729 : vector<16xf32>
      %swap3A_731 = arith.index_cast %add3A_713 : i32 to index
      %swap3A_732 = tpu.vector_load %arg16[%swap3A_731] {strides = array<i32>} : memref<10000xf32, #tpu.memory_space<vmem>>, vector<16xf32>,
      %swap3A_733 = vector.shape_cast %swap3A_732 : vector<16xf32> to vector<16xf32>
      %swap3A_734 = vector.shape_cast %mul3A_730 : vector<16xf32> to vector<16xf32>
      tpu.vector_store %arg16[%swap3A_731], %swap3A_734 {strides = array<i32>} : memref<10000xf32, #tpu.memory_space<vmem>>, vector<16xf32>,
    }
    %scan3A_194 = arith.constant 125 : i32
    %dma_start3A_195 = arith.constant 0 : i32
    %dma_start3A_196 = arith.constant 0 : i32
    %dma_start3A_197 = tpu.memref_slice %arg19[%dma_start3A_196] : memref<102400xf32, #tpu.memory_space<vmem_shared>> -> memref<102400xf32, #tpu.memory_space<vmem_shared>>
    %dma_start3A_198 = tpu.memref_slice %arg24[%dma_start3A_195] : memref<2x!tpu.dma_semaphore, #tpu.memory_space<semaphore_mem>> -> memref<1x!tpu.dma_semaphore, #tpu.memory_space<semaphore_mem>>
    %dma_start3A_199 = tpu.memref_squeeze %dma_start3A_198 : memref<1x!tpu.dma_semaphore, #tpu.memory_space<semaphore_mem>> -> memref<!tpu.dma_semaphore, #tpu.memory_space<semaphore_mem>>
    tpu.enqueue_indirect_dma source(%arg16 : memref<10000xf32, #tpu.memory_space<vmem>>) target(%dma_start3A_197 : memref<102400xf32, #tpu.memory_space<vmem_shared>>) offsets(%arg9 : memref<10000xi32, #tpu.memory_space<vmem>>) semaphore(%dma_start3A_199 : memref<!tpu.dma_semaphore, #tpu.memory_space<semaphore_mem>>) {add = true}
    %dma_wait3A_200 = arith.constant 1 : i32
    %dma_wait3A_201 = arith.constant 0 : i32
    %dma_wait3A_202 = tpu.memref_slice %arg19[%dma_wait3A_201] : memref<102400xf32, #tpu.memory_space<vmem_shared>> -> memref<102400xf32, #tpu.memory_space<vmem_shared>>
    %dma_wait3A_203 = tpu.memref_slice %arg24[%dma_wait3A_200] : memref<2x!tpu.dma_semaphore, #tpu.memory_space<semaphore_mem>> -> memref<1x!tpu.dma_semaphore, #tpu.memory_space<semaphore_mem>>
    %dma_wait3A_204 = tpu.memref_squeeze %dma_wait3A_203 : memref<1x!tpu.dma_semaphore, #tpu.memory_space<semaphore_mem>> -> memref<!tpu.dma_semaphore, #tpu.memory_space<semaphore_mem>>
    tpu.wait_indirect_dma semaphore(%dma_wait3A_204 : memref<!tpu.dma_semaphore, #tpu.memory_space<semaphore_mem>>) src(%arg17 : memref<10000xf32, #tpu.memory_space<vmem>>) dst(%dma_wait3A_202 : memref<102400xf32, #tpu.memory_space<vmem_shared>>)
    %mul3A_205 = arith.constant 100000 : i32
    %mul3A_206 = arith.muli %add3A, %mul3A_205 : i32
    %add3A_207 = arith.constant 40000 : i32
    %add3A_208 = arith.addi %mul3A_206, %add3A_207 : i32
    %dma_start3A_209 = arith.constant 1 : i32
    %dma_start3A_210 = tpu.memref_slice %arg5[%add3A_208] : memref<3200000xi32, #tpu.memory_space<hbm>> -> memref<10000xi32, #tpu.memory_space<hbm>>
    %dma_start3A_211 = tpu.memref_slice %arg20[%dma_start3A_209] : memref<3x!tpu.dma_semaphore, #tpu.memory_space<semaphore_mem>> -> memref<1x!tpu.dma_semaphore, #tpu.memory_space<semaphore_mem>>
    %dma_start3A_212 = tpu.memref_squeeze %dma_start3A_211 : memref<1x!tpu.dma_semaphore, #tpu.memory_space<semaphore_mem>> -> memref<!tpu.dma_semaphore, #tpu.memory_space<semaphore_mem>>
    %dma_start3A_213 = tpu.memref_slice %arg5[%add3A_208] : memref<3200000xi32, #tpu.memory_space<hbm>> -> memref<10000xi32, #tpu.memory_space<hbm>>
    tpu.enqueue_dma source(%dma_start3A_213 : memref<10000xi32, #tpu.memory_space<hbm>>) target(%arg8 : memref<10000xi32, #tpu.memory_space<vmem>>) target_semaphore(%dma_start3A_212 : memref<!tpu.dma_semaphore, #tpu.memory_space<semaphore_mem>>)
    %dma_start3A_214 = arith.constant 0 : i32
    %dma_start3A_215 = tpu.memref_slice %arg2[%add3A_208] : memref<3200000xf32, #tpu.memory_space<hbm>> -> memref<10000xf32, #tpu.memory_space<hbm>>
    %dma_start3A_216 = tpu.memref_slice %arg21[%dma_start3A_214] : memref<2x!tpu.dma_semaphore, #tpu.memory_space<semaphore_mem>> -> memref<1x!tpu.dma_semaphore, #tpu.memory_space<semaphore_mem>>
    %dma_start3A_217 = tpu.memref_squeeze %dma_start3A_216 : memref<1x!tpu.dma_semaphore, #tpu.memory_space<semaphore_mem>> -> memref<!tpu.dma_semaphore, #tpu.memory_space<semaphore_mem>>
    %dma_start3A_218 = tpu.memref_slice %arg2[%add3A_208] : memref<3200000xf32, #tpu.memory_space<hbm>> -> memref<10000xf32, #tpu.memory_space<hbm>>
    tpu.enqueue_dma source(%dma_start3A_218 : memref<10000xf32, #tpu.memory_space<hbm>>) target(%arg10 : memref<10000xf32, #tpu.memory_space<vmem>>) target_semaphore(%dma_start3A_217 : memref<!tpu.dma_semaphore, #tpu.memory_space<semaphore_mem>>)
    %dma_start3A_219 = arith.constant 0 : i32
    %dma_start3A_220 = tpu.memref_slice %arg3[%add3A_208] : memref<3200000xf32, #tpu.memory_space<hbm>> -> memref<10000xf32, #tpu.memory_space<hbm>>
    %dma_start3A_221 = tpu.memref_slice %arg22[%dma_start3A_219] : memref<2x!tpu.dma_semaphore, #tpu.memory_space<semaphore_mem>> -> memref<1x!tpu.dma_semaphore, #tpu.memory_space<semaphore_mem>>
    %dma_start3A_222 = tpu.memref_squeeze %dma_start3A_221 : memref<1x!tpu.dma_semaphore, #tpu.memory_space<semaphore_mem>> -> memref<!tpu.dma_semaphore, #tpu.memory_space<semaphore_mem>>
    %dma_start3A_223 = tpu.memref_slice %arg3[%add3A_208] : memref<3200000xf32, #tpu.memory_space<hbm>> -> memref<10000xf32, #tpu.memory_space<hbm>>
    tpu.enqueue_dma source(%dma_start3A_223 : memref<10000xf32, #tpu.memory_space<hbm>>) target(%arg12 : memref<10000xf32, #tpu.memory_space<vmem>>) target_semaphore(%dma_start3A_222 : memref<!tpu.dma_semaphore, #tpu.memory_space<semaphore_mem>>)
    %dma_start3A_224 = arith.constant 0 : i32
    %dma_start3A_225 = tpu.memref_slice %arg4[%add3A_208] : memref<3200000xf32, #tpu.memory_space<hbm>> -> memref<10000xf32, #tpu.memory_space<hbm>>
    %dma_start3A_226 = tpu.memref_slice %arg23[%dma_start3A_224] : memref<2x!tpu.dma_semaphore, #tpu.memory_space<semaphore_mem>> -> memref<1x!tpu.dma_semaphore, #tpu.memory_space<semaphore_mem>>
    %dma_start3A_227 = tpu.memref_squeeze %dma_start3A_226 : memref<1x!tpu.dma_semaphore, #tpu.memory_space<semaphore_mem>> -> memref<!tpu.dma_semaphore, #tpu.memory_space<semaphore_mem>>
    %dma_start3A_228 = tpu.memref_slice %arg4[%add3A_208] : memref<3200000xf32, #tpu.memory_space<hbm>> -> memref<10000xf32, #tpu.memory_space<hbm>>
    tpu.enqueue_dma source(%dma_start3A_228 : memref<10000xf32, #tpu.memory_space<hbm>>) target(%arg14 : memref<10000xf32, #tpu.memory_space<vmem>>) target_semaphore(%dma_start3A_227 : memref<!tpu.dma_semaphore, #tpu.memory_space<semaphore_mem>>)
    %dma_wait3A_229 = arith.constant 0 : i32
    %dma_wait3A_230 = tpu.memref_slice %arg5[%add3A_148] : memref<3200000xi32, #tpu.memory_space<hbm>> -> memref<10000xi32, #tpu.memory_space<hbm>>
    %dma_wait3A_231 = tpu.memref_slice %arg20[%dma_wait3A_229] : memref<3x!tpu.dma_semaphore, #tpu.memory_space<semaphore_mem>> -> memref<1x!tpu.dma_semaphore, #tpu.memory_space<semaphore_mem>>
    %dma_wait3A_232 = tpu.memref_squeeze %dma_wait3A_231 : memref<1x!tpu.dma_semaphore, #tpu.memory_space<semaphore_mem>> -> memref<!tpu.dma_semaphore, #tpu.memory_space<semaphore_mem>>
    %dma_wait3A_233 = tpu.memref_slice %arg5[%add3A_148] : memref<3200000xi32, #tpu.memory_space<hbm>> -> memref<10000xi32, #tpu.memory_space<hbm>>
    tpu.wait_dma2 semaphore(%dma_wait3A_232 : memref<!tpu.dma_semaphore, #tpu.memory_space<semaphore_mem>>) src(%dma_wait3A_233 : memref<10000xi32, #tpu.memory_space<hbm>>) dst(%arg7 : memref<10000xi32, #tpu.memory_space<vmem>>)
    %dma_wait3A_234 = arith.constant 1 : i32
    %dma_wait3A_235 = tpu.memref_slice %arg2[%add3A_148] : memref<3200000xf32, #tpu.memory_space<hbm>> -> memref<10000xf32, #tpu.memory_space<hbm>>
    %dma_wait3A_236 = tpu.memref_slice %arg21[%dma_wait3A_234] : memref<2x!tpu.dma_semaphore, #tpu.memory_space<semaphore_mem>> -> memref<1x!tpu.dma_semaphore, #tpu.memory_space<semaphore_mem>>
    %dma_wait3A_237 = tpu.memref_squeeze %dma_wait3A_236 : memref<1x!tpu.dma_semaphore, #tpu.memory_space<semaphore_mem>> -> memref<!tpu.dma_semaphore, #tpu.memory_space<semaphore_mem>>
    %dma_wait3A_238 = tpu.memref_slice %arg2[%add3A_148] : memref<3200000xf32, #tpu.memory_space<hbm>> -> memref<10000xf32, #tpu.memory_space<hbm>>
    tpu.wait_dma2 semaphore(%dma_wait3A_237 : memref<!tpu.dma_semaphore, #tpu.memory_space<semaphore_mem>>) src(%dma_wait3A_238 : memref<10000xf32, #tpu.memory_space<hbm>>) dst(%arg11 : memref<10000xf32, #tpu.memory_space<vmem>>)
    %dma_wait3A_239 = arith.constant 1 : i32
    %dma_wait3A_240 = tpu.memref_slice %arg3[%add3A_148] : memref<3200000xf32, #tpu.memory_space<hbm>> -> memref<10000xf32, #tpu.memory_space<hbm>>
    %dma_wait3A_241 = tpu.memref_slice %arg22[%dma_wait3A_239] : memref<2x!tpu.dma_semaphore, #tpu.memory_space<semaphore_mem>> -> memref<1x!tpu.dma_semaphore, #tpu.memory_space<semaphore_mem>>
    %dma_wait3A_242 = tpu.memref_squeeze %dma_wait3A_241 : memref<1x!tpu.dma_semaphore, #tpu.memory_space<semaphore_mem>> -> memref<!tpu.dma_semaphore, #tpu.memory_space<semaphore_mem>>
    %dma_wait3A_243 = tpu.memref_slice %arg3[%add3A_148] : memref<3200000xf32, #tpu.memory_space<hbm>> -> memref<10000xf32, #tpu.memory_space<hbm>>
    tpu.wait_dma2 semaphore(%dma_wait3A_242 : memref<!tpu.dma_semaphore, #tpu.memory_space<semaphore_mem>>) src(%dma_wait3A_243 : memref<10000xf32, #tpu.memory_space<hbm>>) dst(%arg13 : memref<10000xf32, #tpu.memory_space<vmem>>)
    %dma_wait3A_244 = arith.constant 1 : i32
    %dma_wait3A_245 = tpu.memref_slice %arg4[%add3A_148] : memref<3200000xf32, #tpu.memory_space<hbm>> -> memref<10000xf32, #tpu.memory_space<hbm>>
    %dma_wait3A_246 = tpu.memref_slice %arg23[%dma_wait3A_244] : memref<2x!tpu.dma_semaphore, #tpu.memory_space<semaphore_mem>> -> memref<1x!tpu.dma_semaphore, #tpu.memory_space<semaphore_mem>>
    %dma_wait3A_247 = tpu.memref_squeeze %dma_wait3A_246 : memref<1x!tpu.dma_semaphore, #tpu.memory_space<semaphore_mem>> -> memref<!tpu.dma_semaphore, #tpu.memory_space<semaphore_mem>>
    %dma_wait3A_248 = tpu.memref_slice %arg4[%add3A_148] : memref<3200000xf32, #tpu.memory_space<hbm>> -> memref<10000xf32, #tpu.memory_space<hbm>>
    tpu.wait_dma2 semaphore(%dma_wait3A_247 : memref<!tpu.dma_semaphore, #tpu.memory_space<semaphore_mem>>) src(%dma_wait3A_248 : memref<10000xf32, #tpu.memory_space<hbm>>) dst(%arg15 : memref<10000xf32, #tpu.memory_space<vmem>>)
    %scan3A_249 = arith.constant 0 : i32
    %scan3A_250 = arith.constant 0 : i32
    %scan3A_251 = arith.constant 125 : i32
    %scan3A_252 = arith.addi %scan3A_250, %scan3A_251 : i32
    %scan3A_253 = arith.constant 1 : i32
    scf.for %scan3A_611 = %scan3A_250 to %scan3A_252 step %scan3A_253  : i32 {
      %mul3A_612 = arith.constant 80 : i32
      %mul3A_613 = arith.muli %scan3A_611, %mul3A_612 : i32
      %add3A_614 = arith.constant 0 : i32
      %add3A_615 = arith.addi %mul3A_613, %add3A_614 : i32
      %get3A = arith.index_cast %add3A_615 : i32 to index
      %get3A_616 = tpu.vector_load %arg11[%get3A] {strides = array<i32>} : memref<10000xf32, #tpu.memory_space<vmem>>, vector<16xf32>,
      %get3A_617 = vector.shape_cast %get3A_616 : vector<16xf32> to vector<16xf32>
      %get3A_618 = arith.index_cast %add3A_615 : i32 to index
      %get3A_619 = tpu.vector_load %arg13[%get3A_618] {strides = array<i32>} : memref<10000xf32, #tpu.memory_space<vmem>>, vector<16xf32>,
      %get3A_620 = vector.shape_cast %get3A_619 : vector<16xf32> to vector<16xf32>
      %get3A_621 = arith.index_cast %add3A_615 : i32 to index
      %get3A_622 = tpu.vector_load %arg15[%get3A_621] {strides = array<i32>} : memref<10000xf32, #tpu.memory_space<vmem>>, vector<16xf32>,
      %get3A_623 = vector.shape_cast %get3A_622 : vector<16xf32> to vector<16xf32>
      %mul3A_624 = arith.mulf %get3A_617, %get3A_617 : vector<16xf32>
      %mul3A_625 = arith.mulf %get3A_620, %get3A_620 : vector<16xf32>
      %add3A_626 = arith.addf %mul3A_624, %mul3A_625 : vector<16xf32>
      %mul3A_627 = arith.mulf %get3A_623, %get3A_623 : vector<16xf32>
      %add3A_628 = arith.addf %add3A_626, %mul3A_627 : vector<16xf32>
      %mul3A_629 = arith.constant 2.500000e-01 : f32
      %mul3A_630 = vector.broadcast %mul3A_629 : f32 to vector<16xf32>
      %mul3A_631 = arith.mulf %add3A_628, %mul3A_630 : vector<16xf32>
      %swap3A = arith.index_cast %add3A_615 : i32 to index
      %swap3A_632 = tpu.vector_load %arg17[%swap3A] {strides = array<i32>} : memref<10000xf32, #tpu.memory_space<vmem>>, vector<16xf32>,
      %swap3A_633 = vector.shape_cast %swap3A_632 : vector<16xf32> to vector<16xf32>
      %swap3A_634 = vector.shape_cast %mul3A_631 : vector<16xf32> to vector<16xf32>
      tpu.vector_store %arg17[%swap3A], %swap3A_634 {strides = array<i32>} : memref<10000xf32, #tpu.memory_space<vmem>>, vector<16xf32>,
      %mul3A_635 = arith.constant 80 : i32
      %mul3A_636 = arith.muli %scan3A_611, %mul3A_635 : i32
      %add3A_637 = arith.constant 16 : i32
      %add3A_638 = arith.addi %mul3A_636, %add3A_637 : i32
      %get3A_639 = arith.index_cast %add3A_638 : i32 to index
      %get3A_640 = tpu.vector_load %arg11[%get3A_639] {strides = array<i32>} : memref<10000xf32, #tpu.memory_space<vmem>>, vector<16xf32>,
      %get3A_641 = vector.shape_cast %get3A_640 : vector<16xf32> to vector<16xf32>
      %get3A_642 = arith.index_cast %add3A_638 : i32 to index
      %get3A_643 = tpu.vector_load %arg13[%get3A_642] {strides = array<i32>} : memref<10000xf32, #tpu.memory_space<vmem>>, vector<16xf32>,
      %get3A_644 = vector.shape_cast %get3A_643 : vector<16xf32> to vector<16xf32>
      %get3A_645 = arith.index_cast %add3A_638 : i32 to index
      %get3A_646 = tpu.vector_load %arg15[%get3A_645] {strides = array<i32>} : memref<10000xf32, #tpu.memory_space<vmem>>, vector<16xf32>,
      %get3A_647 = vector.shape_cast %get3A_646 : vector<16xf32> to vector<16xf32>
      %mul3A_648 = arith.mulf %get3A_641, %get3A_641 : vector<16xf32>
      %mul3A_649 = arith.mulf %get3A_644, %get3A_644 : vector<16xf32>
      %add3A_650 = arith.addf %mul3A_648, %mul3A_649 : vector<16xf32>
      %mul3A_651 = arith.mulf %get3A_647, %get3A_647 : vector<16xf32>
      %add3A_652 = arith.addf %add3A_650, %mul3A_651 : vector<16xf32>
      %mul3A_653 = arith.constant 2.500000e-01 : f32
      %mul3A_654 = vector.broadcast %mul3A_653 : f32 to vector<16xf32>
      %mul3A_655 = arith.mulf %add3A_652, %mul3A_654 : vector<16xf32>
      %swap3A_656 = arith.index_cast %add3A_638 : i32 to index
      %swap3A_657 = tpu.vector_load %arg17[%swap3A_656] {strides = array<i32>} : memref<10000xf32, #tpu.memory_space<vmem>>, vector<16xf32>,
      %swap3A_658 = vector.shape_cast %swap3A_657 : vector<16xf32> to vector<16xf32>
      %swap3A_659 = vector.shape_cast %mul3A_655 : vector<16xf32> to vector<16xf32>
      tpu.vector_store %arg17[%swap3A_656], %swap3A_659 {strides = array<i32>} : memref<10000xf32, #tpu.memory_space<vmem>>, vector<16xf32>,
      %mul3A_660 = arith.constant 80 : i32
      %mul3A_661 = arith.muli %scan3A_611, %mul3A_660 : i32
      %add3A_662 = arith.constant 32 : i32
      %add3A_663 = arith.addi %mul3A_661, %add3A_662 : i32
      %get3A_664 = arith.index_cast %add3A_663 : i32 to index
      %get3A_665 = tpu.vector_load %arg11[%get3A_664] {strides = array<i32>} : memref<10000xf32, #tpu.memory_space<vmem>>, vector<16xf32>,
      %get3A_666 = vector.shape_cast %get3A_665 : vector<16xf32> to vector<16xf32>
      %get3A_667 = arith.index_cast %add3A_663 : i32 to index
      %get3A_668 = tpu.vector_load %arg13[%get3A_667] {strides = array<i32>} : memref<10000xf32, #tpu.memory_space<vmem>>, vector<16xf32>,
      %get3A_669 = vector.shape_cast %get3A_668 : vector<16xf32> to vector<16xf32>
      %get3A_670 = arith.index_cast %add3A_663 : i32 to index
      %get3A_671 = tpu.vector_load %arg15[%get3A_670] {strides = array<i32>} : memref<10000xf32, #tpu.memory_space<vmem>>, vector<16xf32>,
      %get3A_672 = vector.shape_cast %get3A_671 : vector<16xf32> to vector<16xf32>
      %mul3A_673 = arith.mulf %get3A_666, %get3A_666 : vector<16xf32>
      %mul3A_674 = arith.mulf %get3A_669, %get3A_669 : vector<16xf32>
      %add3A_675 = arith.addf %mul3A_673, %mul3A_674 : vector<16xf32>
      %mul3A_676 = arith.mulf %get3A_672, %get3A_672 : vector<16xf32>
      %add3A_677 = arith.addf %add3A_675, %mul3A_676 : vector<16xf32>
      %mul3A_678 = arith.constant 2.500000e-01 : f32
      %mul3A_679 = vector.broadcast %mul3A_678 : f32 to vector<16xf32>
      %mul3A_680 = arith.mulf %add3A_677, %mul3A_679 : vector<16xf32>
      %swap3A_681 = arith.index_cast %add3A_663 : i32 to index
      %swap3A_682 = tpu.vector_load %arg17[%swap3A_681] {strides = array<i32>} : memref<10000xf32, #tpu.memory_space<vmem>>, vector<16xf32>,
      %swap3A_683 = vector.shape_cast %swap3A_682 : vector<16xf32> to vector<16xf32>
      %swap3A_684 = vector.shape_cast %mul3A_680 : vector<16xf32> to vector<16xf32>
      tpu.vector_store %arg17[%swap3A_681], %swap3A_684 {strides = array<i32>} : memref<10000xf32, #tpu.memory_space<vmem>>, vector<16xf32>,
      %mul3A_685 = arith.constant 80 : i32
      %mul3A_686 = arith.muli %scan3A_611, %mul3A_685 : i32
      %add3A_687 = arith.constant 48 : i32
      %add3A_688 = arith.addi %mul3A_686, %add3A_687 : i32
      %get3A_689 = arith.index_cast %add3A_688 : i32 to index
      %get3A_690 = tpu.vector_load %arg11[%get3A_689] {strides = array<i32>} : memref<10000xf32, #tpu.memory_space<vmem>>, vector<16xf32>,
      %get3A_691 = vector.shape_cast %get3A_690 : vector<16xf32> to vector<16xf32>
      %get3A_692 = arith.index_cast %add3A_688 : i32 to index
      %get3A_693 = tpu.vector_load %arg13[%get3A_692] {strides = array<i32>} : memref<10000xf32, #tpu.memory_space<vmem>>, vector<16xf32>,
      %get3A_694 = vector.shape_cast %get3A_693 : vector<16xf32> to vector<16xf32>
      %get3A_695 = arith.index_cast %add3A_688 : i32 to index
      %get3A_696 = tpu.vector_load %arg15[%get3A_695] {strides = array<i32>} : memref<10000xf32, #tpu.memory_space<vmem>>, vector<16xf32>,
      %get3A_697 = vector.shape_cast %get3A_696 : vector<16xf32> to vector<16xf32>
      %mul3A_698 = arith.mulf %get3A_691, %get3A_691 : vector<16xf32>
      %mul3A_699 = arith.mulf %get3A_694, %get3A_694 : vector<16xf32>
      %add3A_700 = arith.addf %mul3A_698, %mul3A_699 : vector<16xf32>
      %mul3A_701 = arith.mulf %get3A_697, %get3A_697 : vector<16xf32>
      %add3A_702 = arith.addf %add3A_700, %mul3A_701 : vector<16xf32>
      %mul3A_703 = arith.constant 2.500000e-01 : f32
      %mul3A_704 = vector.broadcast %mul3A_703 : f32 to vector<16xf32>
      %mul3A_705 = arith.mulf %add3A_702, %mul3A_704 : vector<16xf32>
      %swap3A_706 = arith.index_cast %add3A_688 : i32 to index
      %swap3A_707 = tpu.vector_load %arg17[%swap3A_706] {strides = array<i32>} : memref<10000xf32, #tpu.memory_space<vmem>>, vector<16xf32>,
      %swap3A_708 = vector.shape_cast %swap3A_707 : vector<16xf32> to vector<16xf32>
      %swap3A_709 = vector.shape_cast %mul3A_705 : vector<16xf32> to vector<16xf32>
      tpu.vector_store %arg17[%swap3A_706], %swap3A_709 {strides = array<i32>} : memref<10000xf32, #tpu.memory_space<vmem>>, vector<16xf32>,
      %mul3A_710 = arith.constant 80 : i32
      %mul3A_711 = arith.muli %scan3A_611, %mul3A_710 : i32
      %add3A_712 = arith.constant 64 : i32
      %add3A_713 = arith.addi %mul3A_711, %add3A_712 : i32
      %get3A_714 = arith.index_cast %add3A_713 : i32 to index
      %get3A_715 = tpu.vector_load %arg11[%get3A_714] {strides = array<i32>} : memref<10000xf32, #tpu.memory_space<vmem>>, vector<16xf32>,
      %get3A_716 = vector.shape_cast %get3A_715 : vector<16xf32> to vector<16xf32>
      %get3A_717 = arith.index_cast %add3A_713 : i32 to index
      %get3A_718 = tpu.vector_load %arg13[%get3A_717] {strides = array<i32>} : memref<10000xf32, #tpu.memory_space<vmem>>, vector<16xf32>,
      %get3A_719 = vector.shape_cast %get3A_718 : vector<16xf32> to vector<16xf32>
      %get3A_720 = arith.index_cast %add3A_713 : i32 to index
      %get3A_721 = tpu.vector_load %arg15[%get3A_720] {strides = array<i32>} : memref<10000xf32, #tpu.memory_space<vmem>>, vector<16xf32>,
      %get3A_722 = vector.shape_cast %get3A_721 : vector<16xf32> to vector<16xf32>
      %mul3A_723 = arith.mulf %get3A_716, %get3A_716 : vector<16xf32>
      %mul3A_724 = arith.mulf %get3A_719, %get3A_719 : vector<16xf32>
      %add3A_725 = arith.addf %mul3A_723, %mul3A_724 : vector<16xf32>
      %mul3A_726 = arith.mulf %get3A_722, %get3A_722 : vector<16xf32>
      %add3A_727 = arith.addf %add3A_725, %mul3A_726 : vector<16xf32>
      %mul3A_728 = arith.constant 2.500000e-01 : f32
      %mul3A_729 = vector.broadcast %mul3A_728 : f32 to vector<16xf32>
      %mul3A_730 = arith.mulf %add3A_727, %mul3A_729 : vector<16xf32>
      %swap3A_731 = arith.index_cast %add3A_713 : i32 to index
      %swap3A_732 = tpu.vector_load %arg17[%swap3A_731] {strides = array<i32>} : memref<10000xf32, #tpu.memory_space<vmem>>, vector<16xf32>,
      %swap3A_733 = vector.shape_cast %swap3A_732 : vector<16xf32> to vector<16xf32>
      %swap3A_734 = vector.shape_cast %mul3A_730 : vector<16xf32> to vector<16xf32>
      tpu.vector_store %arg17[%swap3A_731], %swap3A_734 {strides = array<i32>} : memref<10000xf32, #tpu.memory_space<vmem>>, vector<16xf32>,
    }
    %scan3A_254 = arith.constant 125 : i32
    %dma_start3A_255 = arith.constant 1 : i32
    %dma_start3A_256 = arith.constant 0 : i32
    %dma_start3A_257 = tpu.memref_slice %arg19[%dma_start3A_256] : memref<102400xf32, #tpu.memory_space<vmem_shared>> -> memref<102400xf32, #tpu.memory_space<vmem_shared>>
    %dma_start3A_258 = tpu.memref_slice %arg24[%dma_start3A_255] : memref<2x!tpu.dma_semaphore, #tpu.memory_space<semaphore_mem>> -> memref<1x!tpu.dma_semaphore, #tpu.memory_space<semaphore_mem>>
    %dma_start3A_259 = tpu.memref_squeeze %dma_start3A_258 : memref<1x!tpu.dma_semaphore, #tpu.memory_space<semaphore_mem>> -> memref<!tpu.dma_semaphore, #tpu.memory_space<semaphore_mem>>
    tpu.enqueue_indirect_dma source(%arg17 : memref<10000xf32, #tpu.memory_space<vmem>>) target(%dma_start3A_257 : memref<102400xf32, #tpu.memory_space<vmem_shared>>) offsets(%arg7 : memref<10000xi32, #tpu.memory_space<vmem>>) semaphore(%dma_start3A_259 : memref<!tpu.dma_semaphore, #tpu.memory_space<semaphore_mem>>) {add = true}
    %dma_wait3A_260 = arith.constant 0 : i32
    %dma_wait3A_261 = arith.constant 0 : i32
    %dma_wait3A_262 = tpu.memref_slice %arg19[%dma_wait3A_261] : memref<102400xf32, #tpu.memory_space<vmem_shared>> -> memref<102400xf32, #tpu.memory_space<vmem_shared>>
    %dma_wait3A_263 = tpu.memref_slice %arg24[%dma_wait3A_260] : memref<2x!tpu.dma_semaphore, #tpu.memory_space<semaphore_mem>> -> memref<1x!tpu.dma_semaphore, #tpu.memory_space<semaphore_mem>>
    %dma_wait3A_264 = tpu.memref_squeeze %dma_wait3A_263 : memref<1x!tpu.dma_semaphore, #tpu.memory_space<semaphore_mem>> -> memref<!tpu.dma_semaphore, #tpu.memory_space<semaphore_mem>>
    tpu.wait_indirect_dma semaphore(%dma_wait3A_264 : memref<!tpu.dma_semaphore, #tpu.memory_space<semaphore_mem>>) src(%arg16 : memref<10000xf32, #tpu.memory_space<vmem>>) dst(%dma_wait3A_262 : memref<102400xf32, #tpu.memory_space<vmem_shared>>)
    %mul3A_265 = arith.constant 100000 : i32
    %mul3A_266 = arith.muli %add3A, %mul3A_265 : i32
    %add3A_267 = arith.constant 50000 : i32
    %add3A_268 = arith.addi %mul3A_266, %add3A_267 : i32
    %dma_start3A_269 = arith.constant 2 : i32
    %dma_start3A_270 = tpu.memref_slice %arg5[%add3A_268] : memref<3200000xi32, #tpu.memory_space<hbm>> -> memref<10000xi32, #tpu.memory_space<hbm>>
    %dma_start3A_271 = tpu.memref_slice %arg20[%dma_start3A_269] : memref<3x!tpu.dma_semaphore, #tpu.memory_space<semaphore_mem>> -> memref<1x!tpu.dma_semaphore, #tpu.memory_space<semaphore_mem>>
    %dma_start3A_272 = tpu.memref_squeeze %dma_start3A_271 : memref<1x!tpu.dma_semaphore, #tpu.memory_space<semaphore_mem>> -> memref<!tpu.dma_semaphore, #tpu.memory_space<semaphore_mem>>
    %dma_start3A_273 = tpu.memref_slice %arg5[%add3A_268] : memref<3200000xi32, #tpu.memory_space<hbm>> -> memref<10000xi32, #tpu.memory_space<hbm>>
    tpu.enqueue_dma source(%dma_start3A_273 : memref<10000xi32, #tpu.memory_space<hbm>>) target(%arg9 : memref<10000xi32, #tpu.memory_space<vmem>>) target_semaphore(%dma_start3A_272 : memref<!tpu.dma_semaphore, #tpu.memory_space<semaphore_mem>>)
    %dma_start3A_274 = arith.constant 1 : i32
    %dma_start3A_275 = tpu.memref_slice %arg2[%add3A_268] : memref<3200000xf32, #tpu.memory_space<hbm>> -> memref<10000xf32, #tpu.memory_space<hbm>>
    %dma_start3A_276 = tpu.memref_slice %arg21[%dma_start3A_274] : memref<2x!tpu.dma_semaphore, #tpu.memory_space<semaphore_mem>> -> memref<1x!tpu.dma_semaphore, #tpu.memory_space<semaphore_mem>>
    %dma_start3A_277 = tpu.memref_squeeze %dma_start3A_276 : memref<1x!tpu.dma_semaphore, #tpu.memory_space<semaphore_mem>> -> memref<!tpu.dma_semaphore, #tpu.memory_space<semaphore_mem>>
    %dma_start3A_278 = tpu.memref_slice %arg2[%add3A_268] : memref<3200000xf32, #tpu.memory_space<hbm>> -> memref<10000xf32, #tpu.memory_space<hbm>>
    tpu.enqueue_dma source(%dma_start3A_278 : memref<10000xf32, #tpu.memory_space<hbm>>) target(%arg11 : memref<10000xf32, #tpu.memory_space<vmem>>) target_semaphore(%dma_start3A_277 : memref<!tpu.dma_semaphore, #tpu.memory_space<semaphore_mem>>)
    %dma_start3A_279 = arith.constant 1 : i32
    %dma_start3A_280 = tpu.memref_slice %arg3[%add3A_268] : memref<3200000xf32, #tpu.memory_space<hbm>> -> memref<10000xf32, #tpu.memory_space<hbm>>
    %dma_start3A_281 = tpu.memref_slice %arg22[%dma_start3A_279] : memref<2x!tpu.dma_semaphore, #tpu.memory_space<semaphore_mem>> -> memref<1x!tpu.dma_semaphore, #tpu.memory_space<semaphore_mem>>
    %dma_start3A_282 = tpu.memref_squeeze %dma_start3A_281 : memref<1x!tpu.dma_semaphore, #tpu.memory_space<semaphore_mem>> -> memref<!tpu.dma_semaphore, #tpu.memory_space<semaphore_mem>>
    %dma_start3A_283 = tpu.memref_slice %arg3[%add3A_268] : memref<3200000xf32, #tpu.memory_space<hbm>> -> memref<10000xf32, #tpu.memory_space<hbm>>
    tpu.enqueue_dma source(%dma_start3A_283 : memref<10000xf32, #tpu.memory_space<hbm>>) target(%arg13 : memref<10000xf32, #tpu.memory_space<vmem>>) target_semaphore(%dma_start3A_282 : memref<!tpu.dma_semaphore, #tpu.memory_space<semaphore_mem>>)
    %dma_start3A_284 = arith.constant 1 : i32
    %dma_start3A_285 = tpu.memref_slice %arg4[%add3A_268] : memref<3200000xf32, #tpu.memory_space<hbm>> -> memref<10000xf32, #tpu.memory_space<hbm>>
    %dma_start3A_286 = tpu.memref_slice %arg23[%dma_start3A_284] : memref<2x!tpu.dma_semaphore, #tpu.memory_space<semaphore_mem>> -> memref<1x!tpu.dma_semaphore, #tpu.memory_space<semaphore_mem>>
    %dma_start3A_287 = tpu.memref_squeeze %dma_start3A_286 : memref<1x!tpu.dma_semaphore, #tpu.memory_space<semaphore_mem>> -> memref<!tpu.dma_semaphore, #tpu.memory_space<semaphore_mem>>
    %dma_start3A_288 = tpu.memref_slice %arg4[%add3A_268] : memref<3200000xf32, #tpu.memory_space<hbm>> -> memref<10000xf32, #tpu.memory_space<hbm>>
    tpu.enqueue_dma source(%dma_start3A_288 : memref<10000xf32, #tpu.memory_space<hbm>>) target(%arg15 : memref<10000xf32, #tpu.memory_space<vmem>>) target_semaphore(%dma_start3A_287 : memref<!tpu.dma_semaphore, #tpu.memory_space<semaphore_mem>>)
    %dma_wait3A_289 = arith.constant 1 : i32
    %dma_wait3A_290 = tpu.memref_slice %arg5[%add3A_208] : memref<3200000xi32, #tpu.memory_space<hbm>> -> memref<10000xi32, #tpu.memory_space<hbm>>
    %dma_wait3A_291 = tpu.memref_slice %arg20[%dma_wait3A_289] : memref<3x!tpu.dma_semaphore, #tpu.memory_space<semaphore_mem>> -> memref<1x!tpu.dma_semaphore, #tpu.memory_space<semaphore_mem>>
    %dma_wait3A_292 = tpu.memref_squeeze %dma_wait3A_291 : memref<1x!tpu.dma_semaphore, #tpu.memory_space<semaphore_mem>> -> memref<!tpu.dma_semaphore, #tpu.memory_space<semaphore_mem>>
    %dma_wait3A_293 = tpu.memref_slice %arg5[%add3A_208] : memref<3200000xi32, #tpu.memory_space<hbm>> -> memref<10000xi32, #tpu.memory_space<hbm>>
    tpu.wait_dma2 semaphore(%dma_wait3A_292 : memref<!tpu.dma_semaphore, #tpu.memory_space<semaphore_mem>>) src(%dma_wait3A_293 : memref<10000xi32, #tpu.memory_space<hbm>>) dst(%arg8 : memref<10000xi32, #tpu.memory_space<vmem>>)
    %dma_wait3A_294 = arith.constant 0 : i32
    %dma_wait3A_295 = tpu.memref_slice %arg2[%add3A_208] : memref<3200000xf32, #tpu.memory_space<hbm>> -> memref<10000xf32, #tpu.memory_space<hbm>>
    %dma_wait3A_296 = tpu.memref_slice %arg21[%dma_wait3A_294] : memref<2x!tpu.dma_semaphore, #tpu.memory_space<semaphore_mem>> -> memref<1x!tpu.dma_semaphore, #tpu.memory_space<semaphore_mem>>
    %dma_wait3A_297 = tpu.memref_squeeze %dma_wait3A_296 : memref<1x!tpu.dma_semaphore, #tpu.memory_space<semaphore_mem>> -> memref<!tpu.dma_semaphore, #tpu.memory_space<semaphore_mem>>
    %dma_wait3A_298 = tpu.memref_slice %arg2[%add3A_208] : memref<3200000xf32, #tpu.memory_space<hbm>> -> memref<10000xf32, #tpu.memory_space<hbm>>
    tpu.wait_dma2 semaphore(%dma_wait3A_297 : memref<!tpu.dma_semaphore, #tpu.memory_space<semaphore_mem>>) src(%dma_wait3A_298 : memref<10000xf32, #tpu.memory_space<hbm>>) dst(%arg10 : memref<10000xf32, #tpu.memory_space<vmem>>)
    %dma_wait3A_299 = arith.constant 0 : i32
    %dma_wait3A_300 = tpu.memref_slice %arg3[%add3A_208] : memref<3200000xf32, #tpu.memory_space<hbm>> -> memref<10000xf32, #tpu.memory_space<hbm>>
    %dma_wait3A_301 = tpu.memref_slice %arg22[%dma_wait3A_299] : memref<2x!tpu.dma_semaphore, #tpu.memory_space<semaphore_mem>> -> memref<1x!tpu.dma_semaphore, #tpu.memory_space<semaphore_mem>>
    %dma_wait3A_302 = tpu.memref_squeeze %dma_wait3A_301 : memref<1x!tpu.dma_semaphore, #tpu.memory_space<semaphore_mem>> -> memref<!tpu.dma_semaphore, #tpu.memory_space<semaphore_mem>>
    %dma_wait3A_303 = tpu.memref_slice %arg3[%add3A_208] : memref<3200000xf32, #tpu.memory_space<hbm>> -> memref<10000xf32, #tpu.memory_space<hbm>>
    tpu.wait_dma2 semaphore(%dma_wait3A_302 : memref<!tpu.dma_semaphore, #tpu.memory_space<semaphore_mem>>) src(%dma_wait3A_303 : memref<10000xf32, #tpu.memory_space<hbm>>) dst(%arg12 : memref<10000xf32, #tpu.memory_space<vmem>>)
    %dma_wait3A_304 = arith.constant 0 : i32
    %dma_wait3A_305 = tpu.memref_slice %arg4[%add3A_208] : memref<3200000xf32, #tpu.memory_space<hbm>> -> memref<10000xf32, #tpu.memory_space<hbm>>
    %dma_wait3A_306 = tpu.memref_slice %arg23[%dma_wait3A_304] : memref<2x!tpu.dma_semaphore, #tpu.memory_space<semaphore_mem>> -> memref<1x!tpu.dma_semaphore, #tpu.memory_space<semaphore_mem>>
    %dma_wait3A_307 = tpu.memref_squeeze %dma_wait3A_306 : memref<1x!tpu.dma_semaphore, #tpu.memory_space<semaphore_mem>> -> memref<!tpu.dma_semaphore, #tpu.memory_space<semaphore_mem>>
    %dma_wait3A_308 = tpu.memref_slice %arg4[%add3A_208] : memref<3200000xf32, #tpu.memory_space<hbm>> -> memref<10000xf32, #tpu.memory_space<hbm>>
    tpu.wait_dma2 semaphore(%dma_wait3A_307 : memref<!tpu.dma_semaphore, #tpu.memory_space<semaphore_mem>>) src(%dma_wait3A_308 : memref<10000xf32, #tpu.memory_space<hbm>>) dst(%arg14 : memref<10000xf32, #tpu.memory_space<vmem>>)
    %scan3A_309 = arith.constant 0 : i32
    %scan3A_310 = arith.constant 0 : i32
    %scan3A_311 = arith.constant 125 : i32
    %scan3A_312 = arith.addi %scan3A_310, %scan3A_311 : i32
    %scan3A_313 = arith.constant 1 : i32
    scf.for %scan3A_611 = %scan3A_310 to %scan3A_312 step %scan3A_313  : i32 {
      %mul3A_612 = arith.constant 80 : i32
      %mul3A_613 = arith.muli %scan3A_611, %mul3A_612 : i32
      %add3A_614 = arith.constant 0 : i32
      %add3A_615 = arith.addi %mul3A_613, %add3A_614 : i32
      %get3A = arith.index_cast %add3A_615 : i32 to index
      %get3A_616 = tpu.vector_load %arg10[%get3A] {strides = array<i32>} : memref<10000xf32, #tpu.memory_space<vmem>>, vector<16xf32>,
      %get3A_617 = vector.shape_cast %get3A_616 : vector<16xf32> to vector<16xf32>
      %get3A_618 = arith.index_cast %add3A_615 : i32 to index
      %get3A_619 = tpu.vector_load %arg12[%get3A_618] {strides = array<i32>} : memref<10000xf32, #tpu.memory_space<vmem>>, vector<16xf32>,
      %get3A_620 = vector.shape_cast %get3A_619 : vector<16xf32> to vector<16xf32>
      %get3A_621 = arith.index_cast %add3A_615 : i32 to index
      %get3A_622 = tpu.vector_load %arg14[%get3A_621] {strides = array<i32>} : memref<10000xf32, #tpu.memory_space<vmem>>, vector<16xf32>,
      %get3A_623 = vector.shape_cast %get3A_622 : vector<16xf32> to vector<16xf32>
      %mul3A_624 = arith.mulf %get3A_617, %get3A_617 : vector<16xf32>
      %mul3A_625 = arith.mulf %get3A_620, %get3A_620 : vector<16xf32>
      %add3A_626 = arith.addf %mul3A_624, %mul3A_625 : vector<16xf32>
      %mul3A_627 = arith.mulf %get3A_623, %get3A_623 : vector<16xf32>
      %add3A_628 = arith.addf %add3A_626, %mul3A_627 : vector<16xf32>
      %mul3A_629 = arith.constant 2.500000e-01 : f32
      %mul3A_630 = vector.broadcast %mul3A_629 : f32 to vector<16xf32>
      %mul3A_631 = arith.mulf %add3A_628, %mul3A_630 : vector<16xf32>
      %swap3A = arith.index_cast %add3A_615 : i32 to index
      %swap3A_632 = tpu.vector_load %arg16[%swap3A] {strides = array<i32>} : memref<10000xf32, #tpu.memory_space<vmem>>, vector<16xf32>,
      %swap3A_633 = vector.shape_cast %swap3A_632 : vector<16xf32> to vector<16xf32>
      %swap3A_634 = vector.shape_cast %mul3A_631 : vector<16xf32> to vector<16xf32>
      tpu.vector_store %arg16[%swap3A], %swap3A_634 {strides = array<i32>} : memref<10000xf32, #tpu.memory_space<vmem>>, vector<16xf32>,
      %mul3A_635 = arith.constant 80 : i32
      %mul3A_636 = arith.muli %scan3A_611, %mul3A_635 : i32
      %add3A_637 = arith.constant 16 : i32
      %add3A_638 = arith.addi %mul3A_636, %add3A_637 : i32
      %get3A_639 = arith.index_cast %add3A_638 : i32 to index
      %get3A_640 = tpu.vector_load %arg10[%get3A_639] {strides = array<i32>} : memref<10000xf32, #tpu.memory_space<vmem>>, vector<16xf32>,
      %get3A_641 = vector.shape_cast %get3A_640 : vector<16xf32> to vector<16xf32>
      %get3A_642 = arith.index_cast %add3A_638 : i32 to index
      %get3A_643 = tpu.vector_load %arg12[%get3A_642] {strides = array<i32>} : memref<10000xf32, #tpu.memory_space<vmem>>, vector<16xf32>,
      %get3A_644 = vector.shape_cast %get3A_643 : vector<16xf32> to vector<16xf32>
      %get3A_645 = arith.index_cast %add3A_638 : i32 to index
      %get3A_646 = tpu.vector_load %arg14[%get3A_645] {strides = array<i32>} : memref<10000xf32, #tpu.memory_space<vmem>>, vector<16xf32>,
      %get3A_647 = vector.shape_cast %get3A_646 : vector<16xf32> to vector<16xf32>
      %mul3A_648 = arith.mulf %get3A_641, %get3A_641 : vector<16xf32>
      %mul3A_649 = arith.mulf %get3A_644, %get3A_644 : vector<16xf32>
      %add3A_650 = arith.addf %mul3A_648, %mul3A_649 : vector<16xf32>
      %mul3A_651 = arith.mulf %get3A_647, %get3A_647 : vector<16xf32>
      %add3A_652 = arith.addf %add3A_650, %mul3A_651 : vector<16xf32>
      %mul3A_653 = arith.constant 2.500000e-01 : f32
      %mul3A_654 = vector.broadcast %mul3A_653 : f32 to vector<16xf32>
      %mul3A_655 = arith.mulf %add3A_652, %mul3A_654 : vector<16xf32>
      %swap3A_656 = arith.index_cast %add3A_638 : i32 to index
      %swap3A_657 = tpu.vector_load %arg16[%swap3A_656] {strides = array<i32>} : memref<10000xf32, #tpu.memory_space<vmem>>, vector<16xf32>,
      %swap3A_658 = vector.shape_cast %swap3A_657 : vector<16xf32> to vector<16xf32>
      %swap3A_659 = vector.shape_cast %mul3A_655 : vector<16xf32> to vector<16xf32>
      tpu.vector_store %arg16[%swap3A_656], %swap3A_659 {strides = array<i32>} : memref<10000xf32, #tpu.memory_space<vmem>>, vector<16xf32>,
      %mul3A_660 = arith.constant 80 : i32
      %mul3A_661 = arith.muli %scan3A_611, %mul3A_660 : i32
      %add3A_662 = arith.constant 32 : i32
      %add3A_663 = arith.addi %mul3A_661, %add3A_662 : i32
      %get3A_664 = arith.index_cast %add3A_663 : i32 to index
      %get3A_665 = tpu.vector_load %arg10[%get3A_664] {strides = array<i32>} : memref<10000xf32, #tpu.memory_space<vmem>>, vector<16xf32>,
      %get3A_666 = vector.shape_cast %get3A_665 : vector<16xf32> to vector<16xf32>
      %get3A_667 = arith.index_cast %add3A_663 : i32 to index
      %get3A_668 = tpu.vector_load %arg12[%get3A_667] {strides = array<i32>} : memref<10000xf32, #tpu.memory_space<vmem>>, vector<16xf32>,
      %get3A_669 = vector.shape_cast %get3A_668 : vector<16xf32> to vector<16xf32>
      %get3A_670 = arith.index_cast %add3A_663 : i32 to index
      %get3A_671 = tpu.vector_load %arg14[%get3A_670] {strides = array<i32>} : memref<10000xf32, #tpu.memory_space<vmem>>, vector<16xf32>,
      %get3A_672 = vector.shape_cast %get3A_671 : vector<16xf32> to vector<16xf32>
      %mul3A_673 = arith.mulf %get3A_666, %get3A_666 : vector<16xf32>
      %mul3A_674 = arith.mulf %get3A_669, %get3A_669 : vector<16xf32>
      %add3A_675 = arith.addf %mul3A_673, %mul3A_674 : vector<16xf32>
      %mul3A_676 = arith.mulf %get3A_672, %get3A_672 : vector<16xf32>
      %add3A_677 = arith.addf %add3A_675, %mul3A_676 : vector<16xf32>
      %mul3A_678 = arith.constant 2.500000e-01 : f32
      %mul3A_679 = vector.broadcast %mul3A_678 : f32 to vector<16xf32>
      %mul3A_680 = arith.mulf %add3A_677, %mul3A_679 : vector<16xf32>
      %swap3A_681 = arith.index_cast %add3A_663 : i32 to index
      %swap3A_682 = tpu.vector_load %arg16[%swap3A_681] {strides = array<i32>} : memref<10000xf32, #tpu.memory_space<vmem>>, vector<16xf32>,
      %swap3A_683 = vector.shape_cast %swap3A_682 : vector<16xf32> to vector<16xf32>
      %swap3A_684 = vector.shape_cast %mul3A_680 : vector<16xf32> to vector<16xf32>
      tpu.vector_store %arg16[%swap3A_681], %swap3A_684 {strides = array<i32>} : memref<10000xf32, #tpu.memory_space<vmem>>, vector<16xf32>,
      %mul3A_685 = arith.constant 80 : i32
      %mul3A_686 = arith.muli %scan3A_611, %mul3A_685 : i32
      %add3A_687 = arith.constant 48 : i32
      %add3A_688 = arith.addi %mul3A_686, %add3A_687 : i32
      %get3A_689 = arith.index_cast %add3A_688 : i32 to index
      %get3A_690 = tpu.vector_load %arg10[%get3A_689] {strides = array<i32>} : memref<10000xf32, #tpu.memory_space<vmem>>, vector<16xf32>,
      %get3A_691 = vector.shape_cast %get3A_690 : vector<16xf32> to vector<16xf32>
      %get3A_692 = arith.index_cast %add3A_688 : i32 to index
      %get3A_693 = tpu.vector_load %arg12[%get3A_692] {strides = array<i32>} : memref<10000xf32, #tpu.memory_space<vmem>>, vector<16xf32>,
      %get3A_694 = vector.shape_cast %get3A_693 : vector<16xf32> to vector<16xf32>
      %get3A_695 = arith.index_cast %add3A_688 : i32 to index
      %get3A_696 = tpu.vector_load %arg14[%get3A_695] {strides = array<i32>} : memref<10000xf32, #tpu.memory_space<vmem>>, vector<16xf32>,
      %get3A_697 = vector.shape_cast %get3A_696 : vector<16xf32> to vector<16xf32>
      %mul3A_698 = arith.mulf %get3A_691, %get3A_691 : vector<16xf32>
      %mul3A_699 = arith.mulf %get3A_694, %get3A_694 : vector<16xf32>
      %add3A_700 = arith.addf %mul3A_698, %mul3A_699 : vector<16xf32>
      %mul3A_701 = arith.mulf %get3A_697, %get3A_697 : vector<16xf32>
      %add3A_702 = arith.addf %add3A_700, %mul3A_701 : vector<16xf32>
      %mul3A_703 = arith.constant 2.500000e-01 : f32
      %mul3A_704 = vector.broadcast %mul3A_703 : f32 to vector<16xf32>
      %mul3A_705 = arith.mulf %add3A_702, %mul3A_704 : vector<16xf32>
      %swap3A_706 = arith.index_cast %add3A_688 : i32 to index
      %swap3A_707 = tpu.vector_load %arg16[%swap3A_706] {strides = array<i32>} : memref<10000xf32, #tpu.memory_space<vmem>>, vector<16xf32>,
      %swap3A_708 = vector.shape_cast %swap3A_707 : vector<16xf32> to vector<16xf32>
      %swap3A_709 = vector.shape_cast %mul3A_705 : vector<16xf32> to vector<16xf32>
      tpu.vector_store %arg16[%swap3A_706], %swap3A_709 {strides = array<i32>} : memref<10000xf32, #tpu.memory_space<vmem>>, vector<16xf32>,
      %mul3A_710 = arith.constant 80 : i32
      %mul3A_711 = arith.muli %scan3A_611, %mul3A_710 : i32
      %add3A_712 = arith.constant 64 : i32
      %add3A_713 = arith.addi %mul3A_711, %add3A_712 : i32
      %get3A_714 = arith.index_cast %add3A_713 : i32 to index
      %get3A_715 = tpu.vector_load %arg10[%get3A_714] {strides = array<i32>} : memref<10000xf32, #tpu.memory_space<vmem>>, vector<16xf32>,
      %get3A_716 = vector.shape_cast %get3A_715 : vector<16xf32> to vector<16xf32>
      %get3A_717 = arith.index_cast %add3A_713 : i32 to index
      %get3A_718 = tpu.vector_load %arg12[%get3A_717] {strides = array<i32>} : memref<10000xf32, #tpu.memory_space<vmem>>, vector<16xf32>,
      %get3A_719 = vector.shape_cast %get3A_718 : vector<16xf32> to vector<16xf32>
      %get3A_720 = arith.index_cast %add3A_713 : i32 to index
      %get3A_721 = tpu.vector_load %arg14[%get3A_720] {strides = array<i32>} : memref<10000xf32, #tpu.memory_space<vmem>>, vector<16xf32>,
      %get3A_722 = vector.shape_cast %get3A_721 : vector<16xf32> to vector<16xf32>
      %mul3A_723 = arith.mulf %get3A_716, %get3A_716 : vector<16xf32>
      %mul3A_724 = arith.mulf %get3A_719, %get3A_719 : vector<16xf32>
      %add3A_725 = arith.addf %mul3A_723, %mul3A_724 : vector<16xf32>
      %mul3A_726 = arith.mulf %get3A_722, %get3A_722 : vector<16xf32>
      %add3A_727 = arith.addf %add3A_725, %mul3A_726 : vector<16xf32>
      %mul3A_728 = arith.constant 2.500000e-01 : f32
      %mul3A_729 = vector.broadcast %mul3A_728 : f32 to vector<16xf32>
      %mul3A_730 = arith.mulf %add3A_727, %mul3A_729 : vector<16xf32>
      %swap3A_731 = arith.index_cast %add3A_713 : i32 to index
      %swap3A_732 = tpu.vector_load %arg16[%swap3A_731] {strides = array<i32>} : memref<10000xf32, #tpu.memory_space<vmem>>, vector<16xf32>,
      %swap3A_733 = vector.shape_cast %swap3A_732 : vector<16xf32> to vector<16xf32>
      %swap3A_734 = vector.shape_cast %mul3A_730 : vector<16xf32> to vector<16xf32>
      tpu.vector_store %arg16[%swap3A_731], %swap3A_734 {strides = array<i32>} : memref<10000xf32, #tpu.memory_space<vmem>>, vector<16xf32>,
    }
    %scan3A_314 = arith.constant 125 : i32
    %dma_start3A_315 = arith.constant 0 : i32
    %dma_start3A_316 = arith.constant 0 : i32
    %dma_start3A_317 = tpu.memref_slice %arg19[%dma_start3A_316] : memref<102400xf32, #tpu.memory_space<vmem_shared>> -> memref<102400xf32, #tpu.memory_space<vmem_shared>>
    %dma_start3A_318 = tpu.memref_slice %arg24[%dma_start3A_315] : memref<2x!tpu.dma_semaphore, #tpu.memory_space<semaphore_mem>> -> memref<1x!tpu.dma_semaphore, #tpu.memory_space<semaphore_mem>>
    %dma_start3A_319 = tpu.memref_squeeze %dma_start3A_318 : memref<1x!tpu.dma_semaphore, #tpu.memory_space<semaphore_mem>> -> memref<!tpu.dma_semaphore, #tpu.memory_space<semaphore_mem>>
    tpu.enqueue_indirect_dma source(%arg16 : memref<10000xf32, #tpu.memory_space<vmem>>) target(%dma_start3A_317 : memref<102400xf32, #tpu.memory_space<vmem_shared>>) offsets(%arg8 : memref<10000xi32, #tpu.memory_space<vmem>>) semaphore(%dma_start3A_319 : memref<!tpu.dma_semaphore, #tpu.memory_space<semaphore_mem>>) {add = true}
    %dma_wait3A_320 = arith.constant 1 : i32
    %dma_wait3A_321 = arith.constant 0 : i32
    %dma_wait3A_322 = tpu.memref_slice %arg19[%dma_wait3A_321] : memref<102400xf32, #tpu.memory_space<vmem_shared>> -> memref<102400xf32, #tpu.memory_space<vmem_shared>>
    %dma_wait3A_323 = tpu.memref_slice %arg24[%dma_wait3A_320] : memref<2x!tpu.dma_semaphore, #tpu.memory_space<semaphore_mem>> -> memref<1x!tpu.dma_semaphore, #tpu.memory_space<semaphore_mem>>
    %dma_wait3A_324 = tpu.memref_squeeze %dma_wait3A_323 : memref<1x!tpu.dma_semaphore, #tpu.memory_space<semaphore_mem>> -> memref<!tpu.dma_semaphore, #tpu.memory_space<semaphore_mem>>
    tpu.wait_indirect_dma semaphore(%dma_wait3A_324 : memref<!tpu.dma_semaphore, #tpu.memory_space<semaphore_mem>>) src(%arg17 : memref<10000xf32, #tpu.memory_space<vmem>>) dst(%dma_wait3A_322 : memref<102400xf32, #tpu.memory_space<vmem_shared>>)
    %mul3A_325 = arith.constant 100000 : i32
    %mul3A_326 = arith.muli %add3A, %mul3A_325 : i32
    %add3A_327 = arith.constant 60000 : i32
    %add3A_328 = arith.addi %mul3A_326, %add3A_327 : i32
    %dma_start3A_329 = arith.constant 0 : i32
    %dma_start3A_330 = tpu.memref_slice %arg5[%add3A_328] : memref<3200000xi32, #tpu.memory_space<hbm>> -> memref<10000xi32, #tpu.memory_space<hbm>>
    %dma_start3A_331 = tpu.memref_slice %arg20[%dma_start3A_329] : memref<3x!tpu.dma_semaphore, #tpu.memory_space<semaphore_mem>> -> memref<1x!tpu.dma_semaphore, #tpu.memory_space<semaphore_mem>>
    %dma_start3A_332 = tpu.memref_squeeze %dma_start3A_331 : memref<1x!tpu.dma_semaphore, #tpu.memory_space<semaphore_mem>> -> memref<!tpu.dma_semaphore, #tpu.memory_space<semaphore_mem>>
    %dma_start3A_333 = tpu.memref_slice %arg5[%add3A_328] : memref<3200000xi32, #tpu.memory_space<hbm>> -> memref<10000xi32, #tpu.memory_space<hbm>>
    tpu.enqueue_dma source(%dma_start3A_333 : memref<10000xi32, #tpu.memory_space<hbm>>) target(%arg7 : memref<10000xi32, #tpu.memory_space<vmem>>) target_semaphore(%dma_start3A_332 : memref<!tpu.dma_semaphore, #tpu.memory_space<semaphore_mem>>)
    %dma_start3A_334 = arith.constant 0 : i32
    %dma_start3A_335 = tpu.memref_slice %arg2[%add3A_328] : memref<3200000xf32, #tpu.memory_space<hbm>> -> memref<10000xf32, #tpu.memory_space<hbm>>
    %dma_start3A_336 = tpu.memref_slice %arg21[%dma_start3A_334] : memref<2x!tpu.dma_semaphore, #tpu.memory_space<semaphore_mem>> -> memref<1x!tpu.dma_semaphore, #tpu.memory_space<semaphore_mem>>
    %dma_start3A_337 = tpu.memref_squeeze %dma_start3A_336 : memref<1x!tpu.dma_semaphore, #tpu.memory_space<semaphore_mem>> -> memref<!tpu.dma_semaphore, #tpu.memory_space<semaphore_mem>>
    %dma_start3A_338 = tpu.memref_slice %arg2[%add3A_328] : memref<3200000xf32, #tpu.memory_space<hbm>> -> memref<10000xf32, #tpu.memory_space<hbm>>
    tpu.enqueue_dma source(%dma_start3A_338 : memref<10000xf32, #tpu.memory_space<hbm>>) target(%arg10 : memref<10000xf32, #tpu.memory_space<vmem>>) target_semaphore(%dma_start3A_337 : memref<!tpu.dma_semaphore, #tpu.memory_space<semaphore_mem>>)
    %dma_start3A_339 = arith.constant 0 : i32
    %dma_start3A_340 = tpu.memref_slice %arg3[%add3A_328] : memref<3200000xf32, #tpu.memory_space<hbm>> -> memref<10000xf32, #tpu.memory_space<hbm>>
    %dma_start3A_341 = tpu.memref_slice %arg22[%dma_start3A_339] : memref<2x!tpu.dma_semaphore, #tpu.memory_space<semaphore_mem>> -> memref<1x!tpu.dma_semaphore, #tpu.memory_space<semaphore_mem>>
    %dma_start3A_342 = tpu.memref_squeeze %dma_start3A_341 : memref<1x!tpu.dma_semaphore, #tpu.memory_space<semaphore_mem>> -> memref<!tpu.dma_semaphore, #tpu.memory_space<semaphore_mem>>
    %dma_start3A_343 = tpu.memref_slice %arg3[%add3A_328] : memref<3200000xf32, #tpu.memory_space<hbm>> -> memref<10000xf32, #tpu.memory_space<hbm>>
    tpu.enqueue_dma source(%dma_start3A_343 : memref<10000xf32, #tpu.memory_space<hbm>>) target(%arg12 : memref<10000xf32, #tpu.memory_space<vmem>>) target_semaphore(%dma_start3A_342 : memref<!tpu.dma_semaphore, #tpu.memory_space<semaphore_mem>>)
    %dma_start3A_344 = arith.constant 0 : i32
    %dma_start3A_345 = tpu.memref_slice %arg4[%add3A_328] : memref<3200000xf32, #tpu.memory_space<hbm>> -> memref<10000xf32, #tpu.memory_space<hbm>>
    %dma_start3A_346 = tpu.memref_slice %arg23[%dma_start3A_344] : memref<2x!tpu.dma_semaphore, #tpu.memory_space<semaphore_mem>> -> memref<1x!tpu.dma_semaphore, #tpu.memory_space<semaphore_mem>>
    %dma_start3A_347 = tpu.memref_squeeze %dma_start3A_346 : memref<1x!tpu.dma_semaphore, #tpu.memory_space<semaphore_mem>> -> memref<!tpu.dma_semaphore, #tpu.memory_space<semaphore_mem>>
    %dma_start3A_348 = tpu.memref_slice %arg4[%add3A_328] : memref<3200000xf32, #tpu.memory_space<hbm>> -> memref<10000xf32, #tpu.memory_space<hbm>>
    tpu.enqueue_dma source(%dma_start3A_348 : memref<10000xf32, #tpu.memory_space<hbm>>) target(%arg14 : memref<10000xf32, #tpu.memory_space<vmem>>) target_semaphore(%dma_start3A_347 : memref<!tpu.dma_semaphore, #tpu.memory_space<semaphore_mem>>)
    %dma_wait3A_349 = arith.constant 2 : i32
    %dma_wait3A_350 = tpu.memref_slice %arg5[%add3A_268] : memref<3200000xi32, #tpu.memory_space<hbm>> -> memref<10000xi32, #tpu.memory_space<hbm>>
    %dma_wait3A_351 = tpu.memref_slice %arg20[%dma_wait3A_349] : memref<3x!tpu.dma_semaphore, #tpu.memory_space<semaphore_mem>> -> memref<1x!tpu.dma_semaphore, #tpu.memory_space<semaphore_mem>>
    %dma_wait3A_352 = tpu.memref_squeeze %dma_wait3A_351 : memref<1x!tpu.dma_semaphore, #tpu.memory_space<semaphore_mem>> -> memref<!tpu.dma_semaphore, #tpu.memory_space<semaphore_mem>>
    %dma_wait3A_353 = tpu.memref_slice %arg5[%add3A_268] : memref<3200000xi32, #tpu.memory_space<hbm>> -> memref<10000xi32, #tpu.memory_space<hbm>>
    tpu.wait_dma2 semaphore(%dma_wait3A_352 : memref<!tpu.dma_semaphore, #tpu.memory_space<semaphore_mem>>) src(%dma_wait3A_353 : memref<10000xi32, #tpu.memory_space<hbm>>) dst(%arg9 : memref<10000xi32, #tpu.memory_space<vmem>>)
    %dma_wait3A_354 = arith.constant 1 : i32
    %dma_wait3A_355 = tpu.memref_slice %arg2[%add3A_268] : memref<3200000xf32, #tpu.memory_space<hbm>> -> memref<10000xf32, #tpu.memory_space<hbm>>
    %dma_wait3A_356 = tpu.memref_slice %arg21[%dma_wait3A_354] : memref<2x!tpu.dma_semaphore, #tpu.memory_space<semaphore_mem>> -> memref<1x!tpu.dma_semaphore, #tpu.memory_space<semaphore_mem>>
    %dma_wait3A_357 = tpu.memref_squeeze %dma_wait3A_356 : memref<1x!tpu.dma_semaphore, #tpu.memory_space<semaphore_mem>> -> memref<!tpu.dma_semaphore, #tpu.memory_space<semaphore_mem>>
    %dma_wait3A_358 = tpu.memref_slice %arg2[%add3A_268] : memref<3200000xf32, #tpu.memory_space<hbm>> -> memref<10000xf32, #tpu.memory_space<hbm>>
    tpu.wait_dma2 semaphore(%dma_wait3A_357 : memref<!tpu.dma_semaphore, #tpu.memory_space<semaphore_mem>>) src(%dma_wait3A_358 : memref<10000xf32, #tpu.memory_space<hbm>>) dst(%arg11 : memref<10000xf32, #tpu.memory_space<vmem>>)
    %dma_wait3A_359 = arith.constant 1 : i32
    %dma_wait3A_360 = tpu.memref_slice %arg3[%add3A_268] : memref<3200000xf32, #tpu.memory_space<hbm>> -> memref<10000xf32, #tpu.memory_space<hbm>>
    %dma_wait3A_361 = tpu.memref_slice %arg22[%dma_wait3A_359] : memref<2x!tpu.dma_semaphore, #tpu.memory_space<semaphore_mem>> -> memref<1x!tpu.dma_semaphore, #tpu.memory_space<semaphore_mem>>
    %dma_wait3A_362 = tpu.memref_squeeze %dma_wait3A_361 : memref<1x!tpu.dma_semaphore, #tpu.memory_space<semaphore_mem>> -> memref<!tpu.dma_semaphore, #tpu.memory_space<semaphore_mem>>
    %dma_wait3A_363 = tpu.memref_slice %arg3[%add3A_268] : memref<3200000xf32, #tpu.memory_space<hbm>> -> memref<10000xf32, #tpu.memory_space<hbm>>
    tpu.wait_dma2 semaphore(%dma_wait3A_362 : memref<!tpu.dma_semaphore, #tpu.memory_space<semaphore_mem>>) src(%dma_wait3A_363 : memref<10000xf32, #tpu.memory_space<hbm>>) dst(%arg13 : memref<10000xf32, #tpu.memory_space<vmem>>)
    %dma_wait3A_364 = arith.constant 1 : i32
    %dma_wait3A_365 = tpu.memref_slice %arg4[%add3A_268] : memref<3200000xf32, #tpu.memory_space<hbm>> -> memref<10000xf32, #tpu.memory_space<hbm>>
    %dma_wait3A_366 = tpu.memref_slice %arg23[%dma_wait3A_364] : memref<2x!tpu.dma_semaphore, #tpu.memory_space<semaphore_mem>> -> memref<1x!tpu.dma_semaphore, #tpu.memory_space<semaphore_mem>>
    %dma_wait3A_367 = tpu.memref_squeeze %dma_wait3A_366 : memref<1x!tpu.dma_semaphore, #tpu.memory_space<semaphore_mem>> -> memref<!tpu.dma_semaphore, #tpu.memory_space<semaphore_mem>>
    %dma_wait3A_368 = tpu.memref_slice %arg4[%add3A_268] : memref<3200000xf32, #tpu.memory_space<hbm>> -> memref<10000xf32, #tpu.memory_space<hbm>>
    tpu.wait_dma2 semaphore(%dma_wait3A_367 : memref<!tpu.dma_semaphore, #tpu.memory_space<semaphore_mem>>) src(%dma_wait3A_368 : memref<10000xf32, #tpu.memory_space<hbm>>) dst(%arg15 : memref<10000xf32, #tpu.memory_space<vmem>>)
    %scan3A_369 = arith.constant 0 : i32
    %scan3A_370 = arith.constant 0 : i32
    %scan3A_371 = arith.constant 125 : i32
    %scan3A_372 = arith.addi %scan3A_370, %scan3A_371 : i32
    %scan3A_373 = arith.constant 1 : i32
    scf.for %scan3A_611 = %scan3A_370 to %scan3A_372 step %scan3A_373  : i32 {
      %mul3A_612 = arith.constant 80 : i32
      %mul3A_613 = arith.muli %scan3A_611, %mul3A_612 : i32
      %add3A_614 = arith.constant 0 : i32
      %add3A_615 = arith.addi %mul3A_613, %add3A_614 : i32
      %get3A = arith.index_cast %add3A_615 : i32 to index
      %get3A_616 = tpu.vector_load %arg11[%get3A] {strides = array<i32>} : memref<10000xf32, #tpu.memory_space<vmem>>, vector<16xf32>,
      %get3A_617 = vector.shape_cast %get3A_616 : vector<16xf32> to vector<16xf32>
      %get3A_618 = arith.index_cast %add3A_615 : i32 to index
      %get3A_619 = tpu.vector_load %arg13[%get3A_618] {strides = array<i32>} : memref<10000xf32, #tpu.memory_space<vmem>>, vector<16xf32>,
      %get3A_620 = vector.shape_cast %get3A_619 : vector<16xf32> to vector<16xf32>
      %get3A_621 = arith.index_cast %add3A_615 : i32 to index
      %get3A_622 = tpu.vector_load %arg15[%get3A_621] {strides = array<i32>} : memref<10000xf32, #tpu.memory_space<vmem>>, vector<16xf32>,
      %get3A_623 = vector.shape_cast %get3A_622 : vector<16xf32> to vector<16xf32>
      %mul3A_624 = arith.mulf %get3A_617, %get3A_617 : vector<16xf32>
      %mul3A_625 = arith.mulf %get3A_620, %get3A_620 : vector<16xf32>
      %add3A_626 = arith.addf %mul3A_624, %mul3A_625 : vector<16xf32>
      %mul3A_627 = arith.mulf %get3A_623, %get3A_623 : vector<16xf32>
      %add3A_628 = arith.addf %add3A_626, %mul3A_627 : vector<16xf32>
      %mul3A_629 = arith.constant 2.500000e-01 : f32
      %mul3A_630 = vector.broadcast %mul3A_629 : f32 to vector<16xf32>
      %mul3A_631 = arith.mulf %add3A_628, %mul3A_630 : vector<16xf32>
      %swap3A = arith.index_cast %add3A_615 : i32 to index
      %swap3A_632 = tpu.vector_load %arg17[%swap3A] {strides = array<i32>} : memref<10000xf32, #tpu.memory_space<vmem>>, vector<16xf32>,
      %swap3A_633 = vector.shape_cast %swap3A_632 : vector<16xf32> to vector<16xf32>
      %swap3A_634 = vector.shape_cast %mul3A_631 : vector<16xf32> to vector<16xf32>
      tpu.vector_store %arg17[%swap3A], %swap3A_634 {strides = array<i32>} : memref<10000xf32, #tpu.memory_space<vmem>>, vector<16xf32>,
      %mul3A_635 = arith.constant 80 : i32
      %mul3A_636 = arith.muli %scan3A_611, %mul3A_635 : i32
      %add3A_637 = arith.constant 16 : i32
      %add3A_638 = arith.addi %mul3A_636, %add3A_637 : i32
      %get3A_639 = arith.index_cast %add3A_638 : i32 to index
      %get3A_640 = tpu.vector_load %arg11[%get3A_639] {strides = array<i32>} : memref<10000xf32, #tpu.memory_space<vmem>>, vector<16xf32>,
      %get3A_641 = vector.shape_cast %get3A_640 : vector<16xf32> to vector<16xf32>
      %get3A_642 = arith.index_cast %add3A_638 : i32 to index
      %get3A_643 = tpu.vector_load %arg13[%get3A_642] {strides = array<i32>} : memref<10000xf32, #tpu.memory_space<vmem>>, vector<16xf32>,
      %get3A_644 = vector.shape_cast %get3A_643 : vector<16xf32> to vector<16xf32>
      %get3A_645 = arith.index_cast %add3A_638 : i32 to index
      %get3A_646 = tpu.vector_load %arg15[%get3A_645] {strides = array<i32>} : memref<10000xf32, #tpu.memory_space<vmem>>, vector<16xf32>,
      %get3A_647 = vector.shape_cast %get3A_646 : vector<16xf32> to vector<16xf32>
      %mul3A_648 = arith.mulf %get3A_641, %get3A_641 : vector<16xf32>
      %mul3A_649 = arith.mulf %get3A_644, %get3A_644 : vector<16xf32>
      %add3A_650 = arith.addf %mul3A_648, %mul3A_649 : vector<16xf32>
      %mul3A_651 = arith.mulf %get3A_647, %get3A_647 : vector<16xf32>
      %add3A_652 = arith.addf %add3A_650, %mul3A_651 : vector<16xf32>
      %mul3A_653 = arith.constant 2.500000e-01 : f32
      %mul3A_654 = vector.broadcast %mul3A_653 : f32 to vector<16xf32>
      %mul3A_655 = arith.mulf %add3A_652, %mul3A_654 : vector<16xf32>
      %swap3A_656 = arith.index_cast %add3A_638 : i32 to index
      %swap3A_657 = tpu.vector_load %arg17[%swap3A_656] {strides = array<i32>} : memref<10000xf32, #tpu.memory_space<vmem>>, vector<16xf32>,
      %swap3A_658 = vector.shape_cast %swap3A_657 : vector<16xf32> to vector<16xf32>
      %swap3A_659 = vector.shape_cast %mul3A_655 : vector<16xf32> to vector<16xf32>
      tpu.vector_store %arg17[%swap3A_656], %swap3A_659 {strides = array<i32>} : memref<10000xf32, #tpu.memory_space<vmem>>, vector<16xf32>,
      %mul3A_660 = arith.constant 80 : i32
      %mul3A_661 = arith.muli %scan3A_611, %mul3A_660 : i32
      %add3A_662 = arith.constant 32 : i32
      %add3A_663 = arith.addi %mul3A_661, %add3A_662 : i32
      %get3A_664 = arith.index_cast %add3A_663 : i32 to index
      %get3A_665 = tpu.vector_load %arg11[%get3A_664] {strides = array<i32>} : memref<10000xf32, #tpu.memory_space<vmem>>, vector<16xf32>,
      %get3A_666 = vector.shape_cast %get3A_665 : vector<16xf32> to vector<16xf32>
      %get3A_667 = arith.index_cast %add3A_663 : i32 to index
      %get3A_668 = tpu.vector_load %arg13[%get3A_667] {strides = array<i32>} : memref<10000xf32, #tpu.memory_space<vmem>>, vector<16xf32>,
      %get3A_669 = vector.shape_cast %get3A_668 : vector<16xf32> to vector<16xf32>
      %get3A_670 = arith.index_cast %add3A_663 : i32 to index
      %get3A_671 = tpu.vector_load %arg15[%get3A_670] {strides = array<i32>} : memref<10000xf32, #tpu.memory_space<vmem>>, vector<16xf32>,
      %get3A_672 = vector.shape_cast %get3A_671 : vector<16xf32> to vector<16xf32>
      %mul3A_673 = arith.mulf %get3A_666, %get3A_666 : vector<16xf32>
      %mul3A_674 = arith.mulf %get3A_669, %get3A_669 : vector<16xf32>
      %add3A_675 = arith.addf %mul3A_673, %mul3A_674 : vector<16xf32>
      %mul3A_676 = arith.mulf %get3A_672, %get3A_672 : vector<16xf32>
      %add3A_677 = arith.addf %add3A_675, %mul3A_676 : vector<16xf32>
      %mul3A_678 = arith.constant 2.500000e-01 : f32
      %mul3A_679 = vector.broadcast %mul3A_678 : f32 to vector<16xf32>
      %mul3A_680 = arith.mulf %add3A_677, %mul3A_679 : vector<16xf32>
      %swap3A_681 = arith.index_cast %add3A_663 : i32 to index
      %swap3A_682 = tpu.vector_load %arg17[%swap3A_681] {strides = array<i32>} : memref<10000xf32, #tpu.memory_space<vmem>>, vector<16xf32>,
      %swap3A_683 = vector.shape_cast %swap3A_682 : vector<16xf32> to vector<16xf32>
      %swap3A_684 = vector.shape_cast %mul3A_680 : vector<16xf32> to vector<16xf32>
      tpu.vector_store %arg17[%swap3A_681], %swap3A_684 {strides = array<i32>} : memref<10000xf32, #tpu.memory_space<vmem>>, vector<16xf32>,
      %mul3A_685 = arith.constant 80 : i32
      %mul3A_686 = arith.muli %scan3A_611, %mul3A_685 : i32
      %add3A_687 = arith.constant 48 : i32
      %add3A_688 = arith.addi %mul3A_686, %add3A_687 : i32
      %get3A_689 = arith.index_cast %add3A_688 : i32 to index
      %get3A_690 = tpu.vector_load %arg11[%get3A_689] {strides = array<i32>} : memref<10000xf32, #tpu.memory_space<vmem>>, vector<16xf32>,
      %get3A_691 = vector.shape_cast %get3A_690 : vector<16xf32> to vector<16xf32>
      %get3A_692 = arith.index_cast %add3A_688 : i32 to index
      %get3A_693 = tpu.vector_load %arg13[%get3A_692] {strides = array<i32>} : memref<10000xf32, #tpu.memory_space<vmem>>, vector<16xf32>,
      %get3A_694 = vector.shape_cast %get3A_693 : vector<16xf32> to vector<16xf32>
      %get3A_695 = arith.index_cast %add3A_688 : i32 to index
      %get3A_696 = tpu.vector_load %arg15[%get3A_695] {strides = array<i32>} : memref<10000xf32, #tpu.memory_space<vmem>>, vector<16xf32>,
      %get3A_697 = vector.shape_cast %get3A_696 : vector<16xf32> to vector<16xf32>
      %mul3A_698 = arith.mulf %get3A_691, %get3A_691 : vector<16xf32>
      %mul3A_699 = arith.mulf %get3A_694, %get3A_694 : vector<16xf32>
      %add3A_700 = arith.addf %mul3A_698, %mul3A_699 : vector<16xf32>
      %mul3A_701 = arith.mulf %get3A_697, %get3A_697 : vector<16xf32>
      %add3A_702 = arith.addf %add3A_700, %mul3A_701 : vector<16xf32>
      %mul3A_703 = arith.constant 2.500000e-01 : f32
      %mul3A_704 = vector.broadcast %mul3A_703 : f32 to vector<16xf32>
      %mul3A_705 = arith.mulf %add3A_702, %mul3A_704 : vector<16xf32>
      %swap3A_706 = arith.index_cast %add3A_688 : i32 to index
      %swap3A_707 = tpu.vector_load %arg17[%swap3A_706] {strides = array<i32>} : memref<10000xf32, #tpu.memory_space<vmem>>, vector<16xf32>,
      %swap3A_708 = vector.shape_cast %swap3A_707 : vector<16xf32> to vector<16xf32>
      %swap3A_709 = vector.shape_cast %mul3A_705 : vector<16xf32> to vector<16xf32>
      tpu.vector_store %arg17[%swap3A_706], %swap3A_709 {strides = array<i32>} : memref<10000xf32, #tpu.memory_space<vmem>>, vector<16xf32>,
      %mul3A_710 = arith.constant 80 : i32
      %mul3A_711 = arith.muli %scan3A_611, %mul3A_710 : i32
      %add3A_712 = arith.constant 64 : i32
      %add3A_713 = arith.addi %mul3A_711, %add3A_712 : i32
      %get3A_714 = arith.index_cast %add3A_713 : i32 to index
      %get3A_715 = tpu.vector_load %arg11[%get3A_714] {strides = array<i32>} : memref<10000xf32, #tpu.memory_space<vmem>>, vector<16xf32>,
      %get3A_716 = vector.shape_cast %get3A_715 : vector<16xf32> to vector<16xf32>
      %get3A_717 = arith.index_cast %add3A_713 : i32 to index
      %get3A_718 = tpu.vector_load %arg13[%get3A_717] {strides = array<i32>} : memref<10000xf32, #tpu.memory_space<vmem>>, vector<16xf32>,
      %get3A_719 = vector.shape_cast %get3A_718 : vector<16xf32> to vector<16xf32>
      %get3A_720 = arith.index_cast %add3A_713 : i32 to index
      %get3A_721 = tpu.vector_load %arg15[%get3A_720] {strides = array<i32>} : memref<10000xf32, #tpu.memory_space<vmem>>, vector<16xf32>,
      %get3A_722 = vector.shape_cast %get3A_721 : vector<16xf32> to vector<16xf32>
      %mul3A_723 = arith.mulf %get3A_716, %get3A_716 : vector<16xf32>
      %mul3A_724 = arith.mulf %get3A_719, %get3A_719 : vector<16xf32>
      %add3A_725 = arith.addf %mul3A_723, %mul3A_724 : vector<16xf32>
      %mul3A_726 = arith.mulf %get3A_722, %get3A_722 : vector<16xf32>
      %add3A_727 = arith.addf %add3A_725, %mul3A_726 : vector<16xf32>
      %mul3A_728 = arith.constant 2.500000e-01 : f32
      %mul3A_729 = vector.broadcast %mul3A_728 : f32 to vector<16xf32>
      %mul3A_730 = arith.mulf %add3A_727, %mul3A_729 : vector<16xf32>
      %swap3A_731 = arith.index_cast %add3A_713 : i32 to index
      %swap3A_732 = tpu.vector_load %arg17[%swap3A_731] {strides = array<i32>} : memref<10000xf32, #tpu.memory_space<vmem>>, vector<16xf32>,
      %swap3A_733 = vector.shape_cast %swap3A_732 : vector<16xf32> to vector<16xf32>
      %swap3A_734 = vector.shape_cast %mul3A_730 : vector<16xf32> to vector<16xf32>
      tpu.vector_store %arg17[%swap3A_731], %swap3A_734 {strides = array<i32>} : memref<10000xf32, #tpu.memory_space<vmem>>, vector<16xf32>,
    }
    %scan3A_374 = arith.constant 125 : i32
    %dma_start3A_375 = arith.constant 1 : i32
    %dma_start3A_376 = arith.constant 0 : i32
    %dma_start3A_377 = tpu.memref_slice %arg19[%dma_start3A_376] : memref<102400xf32, #tpu.memory_space<vmem_shared>> -> memref<102400xf32, #tpu.memory_space<vmem_shared>>
    %dma_start3A_378 = tpu.memref_slice %arg24[%dma_start3A_375] : memref<2x!tpu.dma_semaphore, #tpu.memory_space<semaphore_mem>> -> memref<1x!tpu.dma_semaphore, #tpu.memory_space<semaphore_mem>>
    %dma_start3A_379 = tpu.memref_squeeze %dma_start3A_378 : memref<1x!tpu.dma_semaphore, #tpu.memory_space<semaphore_mem>> -> memref<!tpu.dma_semaphore, #tpu.memory_space<semaphore_mem>>
    tpu.enqueue_indirect_dma source(%arg17 : memref<10000xf32, #tpu.memory_space<vmem>>) target(%dma_start3A_377 : memref<102400xf32, #tpu.memory_space<vmem_shared>>) offsets(%arg9 : memref<10000xi32, #tpu.memory_space<vmem>>) semaphore(%dma_start3A_379 : memref<!tpu.dma_semaphore, #tpu.memory_space<semaphore_mem>>) {add = true}
    %dma_wait3A_380 = arith.constant 0 : i32
    %dma_wait3A_381 = arith.constant 0 : i32
    %dma_wait3A_382 = tpu.memref_slice %arg19[%dma_wait3A_381] : memref<102400xf32, #tpu.memory_space<vmem_shared>> -> memref<102400xf32, #tpu.memory_space<vmem_shared>>
    %dma_wait3A_383 = tpu.memref_slice %arg24[%dma_wait3A_380] : memref<2x!tpu.dma_semaphore, #tpu.memory_space<semaphore_mem>> -> memref<1x!tpu.dma_semaphore, #tpu.memory_space<semaphore_mem>>
    %dma_wait3A_384 = tpu.memref_squeeze %dma_wait3A_383 : memref<1x!tpu.dma_semaphore, #tpu.memory_space<semaphore_mem>> -> memref<!tpu.dma_semaphore, #tpu.memory_space<semaphore_mem>>
    tpu.wait_indirect_dma semaphore(%dma_wait3A_384 : memref<!tpu.dma_semaphore, #tpu.memory_space<semaphore_mem>>) src(%arg16 : memref<10000xf32, #tpu.memory_space<vmem>>) dst(%dma_wait3A_382 : memref<102400xf32, #tpu.memory_space<vmem_shared>>)
    %mul3A_385 = arith.constant 100000 : i32
    %mul3A_386 = arith.muli %add3A, %mul3A_385 : i32
    %add3A_387 = arith.constant 70000 : i32
    %add3A_388 = arith.addi %mul3A_386, %add3A_387 : i32
    %dma_start3A_389 = arith.constant 1 : i32
    %dma_start3A_390 = tpu.memref_slice %arg5[%add3A_388] : memref<3200000xi32, #tpu.memory_space<hbm>> -> memref<10000xi32, #tpu.memory_space<hbm>>
    %dma_start3A_391 = tpu.memref_slice %arg20[%dma_start3A_389] : memref<3x!tpu.dma_semaphore, #tpu.memory_space<semaphore_mem>> -> memref<1x!tpu.dma_semaphore, #tpu.memory_space<semaphore_mem>>
    %dma_start3A_392 = tpu.memref_squeeze %dma_start3A_391 : memref<1x!tpu.dma_semaphore, #tpu.memory_space<semaphore_mem>> -> memref<!tpu.dma_semaphore, #tpu.memory_space<semaphore_mem>>
    %dma_start3A_393 = tpu.memref_slice %arg5[%add3A_388] : memref<3200000xi32, #tpu.memory_space<hbm>> -> memref<10000xi32, #tpu.memory_space<hbm>>
    tpu.enqueue_dma source(%dma_start3A_393 : memref<10000xi32, #tpu.memory_space<hbm>>) target(%arg8 : memref<10000xi32, #tpu.memory_space<vmem>>) target_semaphore(%dma_start3A_392 : memref<!tpu.dma_semaphore, #tpu.memory_space<semaphore_mem>>)
    %dma_start3A_394 = arith.constant 1 : i32
    %dma_start3A_395 = tpu.memref_slice %arg2[%add3A_388] : memref<3200000xf32, #tpu.memory_space<hbm>> -> memref<10000xf32, #tpu.memory_space<hbm>>
    %dma_start3A_396 = tpu.memref_slice %arg21[%dma_start3A_394] : memref<2x!tpu.dma_semaphore, #tpu.memory_space<semaphore_mem>> -> memref<1x!tpu.dma_semaphore, #tpu.memory_space<semaphore_mem>>
    %dma_start3A_397 = tpu.memref_squeeze %dma_start3A_396 : memref<1x!tpu.dma_semaphore, #tpu.memory_space<semaphore_mem>> -> memref<!tpu.dma_semaphore, #tpu.memory_space<semaphore_mem>>
    %dma_start3A_398 = tpu.memref_slice %arg2[%add3A_388] : memref<3200000xf32, #tpu.memory_space<hbm>> -> memref<10000xf32, #tpu.memory_space<hbm>>
    tpu.enqueue_dma source(%dma_start3A_398 : memref<10000xf32, #tpu.memory_space<hbm>>) target(%arg11 : memref<10000xf32, #tpu.memory_space<vmem>>) target_semaphore(%dma_start3A_397 : memref<!tpu.dma_semaphore, #tpu.memory_space<semaphore_mem>>)
    %dma_start3A_399 = arith.constant 1 : i32
    %dma_start3A_400 = tpu.memref_slice %arg3[%add3A_388] : memref<3200000xf32, #tpu.memory_space<hbm>> -> memref<10000xf32, #tpu.memory_space<hbm>>
    %dma_start3A_401 = tpu.memref_slice %arg22[%dma_start3A_399] : memref<2x!tpu.dma_semaphore, #tpu.memory_space<semaphore_mem>> -> memref<1x!tpu.dma_semaphore, #tpu.memory_space<semaphore_mem>>
    %dma_start3A_402 = tpu.memref_squeeze %dma_start3A_401 : memref<1x!tpu.dma_semaphore, #tpu.memory_space<semaphore_mem>> -> memref<!tpu.dma_semaphore, #tpu.memory_space<semaphore_mem>>
    %dma_start3A_403 = tpu.memref_slice %arg3[%add3A_388] : memref<3200000xf32, #tpu.memory_space<hbm>> -> memref<10000xf32, #tpu.memory_space<hbm>>
    tpu.enqueue_dma source(%dma_start3A_403 : memref<10000xf32, #tpu.memory_space<hbm>>) target(%arg13 : memref<10000xf32, #tpu.memory_space<vmem>>) target_semaphore(%dma_start3A_402 : memref<!tpu.dma_semaphore, #tpu.memory_space<semaphore_mem>>)
    %dma_start3A_404 = arith.constant 1 : i32
    %dma_start3A_405 = tpu.memref_slice %arg4[%add3A_388] : memref<3200000xf32, #tpu.memory_space<hbm>> -> memref<10000xf32, #tpu.memory_space<hbm>>
    %dma_start3A_406 = tpu.memref_slice %arg23[%dma_start3A_404] : memref<2x!tpu.dma_semaphore, #tpu.memory_space<semaphore_mem>> -> memref<1x!tpu.dma_semaphore, #tpu.memory_space<semaphore_mem>>
    %dma_start3A_407 = tpu.memref_squeeze %dma_start3A_406 : memref<1x!tpu.dma_semaphore, #tpu.memory_space<semaphore_mem>> -> memref<!tpu.dma_semaphore, #tpu.memory_space<semaphore_mem>>
    %dma_start3A_408 = tpu.memref_slice %arg4[%add3A_388] : memref<3200000xf32, #tpu.memory_space<hbm>> -> memref<10000xf32, #tpu.memory_space<hbm>>
    tpu.enqueue_dma source(%dma_start3A_408 : memref<10000xf32, #tpu.memory_space<hbm>>) target(%arg15 : memref<10000xf32, #tpu.memory_space<vmem>>) target_semaphore(%dma_start3A_407 : memref<!tpu.dma_semaphore, #tpu.memory_space<semaphore_mem>>)
    %dma_wait3A_409 = arith.constant 0 : i32
    %dma_wait3A_410 = tpu.memref_slice %arg5[%add3A_328] : memref<3200000xi32, #tpu.memory_space<hbm>> -> memref<10000xi32, #tpu.memory_space<hbm>>
    %dma_wait3A_411 = tpu.memref_slice %arg20[%dma_wait3A_409] : memref<3x!tpu.dma_semaphore, #tpu.memory_space<semaphore_mem>> -> memref<1x!tpu.dma_semaphore, #tpu.memory_space<semaphore_mem>>
    %dma_wait3A_412 = tpu.memref_squeeze %dma_wait3A_411 : memref<1x!tpu.dma_semaphore, #tpu.memory_space<semaphore_mem>> -> memref<!tpu.dma_semaphore, #tpu.memory_space<semaphore_mem>>
    %dma_wait3A_413 = tpu.memref_slice %arg5[%add3A_328] : memref<3200000xi32, #tpu.memory_space<hbm>> -> memref<10000xi32, #tpu.memory_space<hbm>>
    tpu.wait_dma2 semaphore(%dma_wait3A_412 : memref<!tpu.dma_semaphore, #tpu.memory_space<semaphore_mem>>) src(%dma_wait3A_413 : memref<10000xi32, #tpu.memory_space<hbm>>) dst(%arg7 : memref<10000xi32, #tpu.memory_space<vmem>>)
    %dma_wait3A_414 = arith.constant 0 : i32
    %dma_wait3A_415 = tpu.memref_slice %arg2[%add3A_328] : memref<3200000xf32, #tpu.memory_space<hbm>> -> memref<10000xf32, #tpu.memory_space<hbm>>
    %dma_wait3A_416 = tpu.memref_slice %arg21[%dma_wait3A_414] : memref<2x!tpu.dma_semaphore, #tpu.memory_space<semaphore_mem>> -> memref<1x!tpu.dma_semaphore, #tpu.memory_space<semaphore_mem>>
    %dma_wait3A_417 = tpu.memref_squeeze %dma_wait3A_416 : memref<1x!tpu.dma_semaphore, #tpu.memory_space<semaphore_mem>> -> memref<!tpu.dma_semaphore, #tpu.memory_space<semaphore_mem>>
    %dma_wait3A_418 = tpu.memref_slice %arg2[%add3A_328] : memref<3200000xf32, #tpu.memory_space<hbm>> -> memref<10000xf32, #tpu.memory_space<hbm>>
    tpu.wait_dma2 semaphore(%dma_wait3A_417 : memref<!tpu.dma_semaphore, #tpu.memory_space<semaphore_mem>>) src(%dma_wait3A_418 : memref<10000xf32, #tpu.memory_space<hbm>>) dst(%arg10 : memref<10000xf32, #tpu.memory_space<vmem>>)
    %dma_wait3A_419 = arith.constant 0 : i32
    %dma_wait3A_420 = tpu.memref_slice %arg3[%add3A_328] : memref<3200000xf32, #tpu.memory_space<hbm>> -> memref<10000xf32, #tpu.memory_space<hbm>>
    %dma_wait3A_421 = tpu.memref_slice %arg22[%dma_wait3A_419] : memref<2x!tpu.dma_semaphore, #tpu.memory_space<semaphore_mem>> -> memref<1x!tpu.dma_semaphore, #tpu.memory_space<semaphore_mem>>
    %dma_wait3A_422 = tpu.memref_squeeze %dma_wait3A_421 : memref<1x!tpu.dma_semaphore, #tpu.memory_space<semaphore_mem>> -> memref<!tpu.dma_semaphore, #tpu.memory_space<semaphore_mem>>
    %dma_wait3A_423 = tpu.memref_slice %arg3[%add3A_328] : memref<3200000xf32, #tpu.memory_space<hbm>> -> memref<10000xf32, #tpu.memory_space<hbm>>
    tpu.wait_dma2 semaphore(%dma_wait3A_422 : memref<!tpu.dma_semaphore, #tpu.memory_space<semaphore_mem>>) src(%dma_wait3A_423 : memref<10000xf32, #tpu.memory_space<hbm>>) dst(%arg12 : memref<10000xf32, #tpu.memory_space<vmem>>)
    %dma_wait3A_424 = arith.constant 0 : i32
    %dma_wait3A_425 = tpu.memref_slice %arg4[%add3A_328] : memref<3200000xf32, #tpu.memory_space<hbm>> -> memref<10000xf32, #tpu.memory_space<hbm>>
    %dma_wait3A_426 = tpu.memref_slice %arg23[%dma_wait3A_424] : memref<2x!tpu.dma_semaphore, #tpu.memory_space<semaphore_mem>> -> memref<1x!tpu.dma_semaphore, #tpu.memory_space<semaphore_mem>>
    %dma_wait3A_427 = tpu.memref_squeeze %dma_wait3A_426 : memref<1x!tpu.dma_semaphore, #tpu.memory_space<semaphore_mem>> -> memref<!tpu.dma_semaphore, #tpu.memory_space<semaphore_mem>>
    %dma_wait3A_428 = tpu.memref_slice %arg4[%add3A_328] : memref<3200000xf32, #tpu.memory_space<hbm>> -> memref<10000xf32, #tpu.memory_space<hbm>>
    tpu.wait_dma2 semaphore(%dma_wait3A_427 : memref<!tpu.dma_semaphore, #tpu.memory_space<semaphore_mem>>) src(%dma_wait3A_428 : memref<10000xf32, #tpu.memory_space<hbm>>) dst(%arg14 : memref<10000xf32, #tpu.memory_space<vmem>>)
    %scan3A_429 = arith.constant 0 : i32
    %scan3A_430 = arith.constant 0 : i32
    %scan3A_431 = arith.constant 125 : i32
    %scan3A_432 = arith.addi %scan3A_430, %scan3A_431 : i32
    %scan3A_433 = arith.constant 1 : i32
    scf.for %scan3A_611 = %scan3A_430 to %scan3A_432 step %scan3A_433  : i32 {
      %mul3A_612 = arith.constant 80 : i32
      %mul3A_613 = arith.muli %scan3A_611, %mul3A_612 : i32
      %add3A_614 = arith.constant 0 : i32
      %add3A_615 = arith.addi %mul3A_613, %add3A_614 : i32
      %get3A = arith.index_cast %add3A_615 : i32 to index
      %get3A_616 = tpu.vector_load %arg10[%get3A] {strides = array<i32>} : memref<10000xf32, #tpu.memory_space<vmem>>, vector<16xf32>,
      %get3A_617 = vector.shape_cast %get3A_616 : vector<16xf32> to vector<16xf32>
      %get3A_618 = arith.index_cast %add3A_615 : i32 to index
      %get3A_619 = tpu.vector_load %arg12[%get3A_618] {strides = array<i32>} : memref<10000xf32, #tpu.memory_space<vmem>>, vector<16xf32>,
      %get3A_620 = vector.shape_cast %get3A_619 : vector<16xf32> to vector<16xf32>
      %get3A_621 = arith.index_cast %add3A_615 : i32 to index
      %get3A_622 = tpu.vector_load %arg14[%get3A_621] {strides = array<i32>} : memref<10000xf32, #tpu.memory_space<vmem>>, vector<16xf32>,
      %get3A_623 = vector.shape_cast %get3A_622 : vector<16xf32> to vector<16xf32>
      %mul3A_624 = arith.mulf %get3A_617, %get3A_617 : vector<16xf32>
      %mul3A_625 = arith.mulf %get3A_620, %get3A_620 : vector<16xf32>
      %add3A_626 = arith.addf %mul3A_624, %mul3A_625 : vector<16xf32>
      %mul3A_627 = arith.mulf %get3A_623, %get3A_623 : vector<16xf32>
      %add3A_628 = arith.addf %add3A_626, %mul3A_627 : vector<16xf32>
      %mul3A_629 = arith.constant 2.500000e-01 : f32
      %mul3A_630 = vector.broadcast %mul3A_629 : f32 to vector<16xf32>
      %mul3A_631 = arith.mulf %add3A_628, %mul3A_630 : vector<16xf32>
      %swap3A = arith.index_cast %add3A_615 : i32 to index
      %swap3A_632 = tpu.vector_load %arg16[%swap3A] {strides = array<i32>} : memref<10000xf32, #tpu.memory_space<vmem>>, vector<16xf32>,
      %swap3A_633 = vector.shape_cast %swap3A_632 : vector<16xf32> to vector<16xf32>
      %swap3A_634 = vector.shape_cast %mul3A_631 : vector<16xf32> to vector<16xf32>
      tpu.vector_store %arg16[%swap3A], %swap3A_634 {strides = array<i32>} : memref<10000xf32, #tpu.memory_space<vmem>>, vector<16xf32>,
      %mul3A_635 = arith.constant 80 : i32
      %mul3A_636 = arith.muli %scan3A_611, %mul3A_635 : i32
      %add3A_637 = arith.constant 16 : i32
      %add3A_638 = arith.addi %mul3A_636, %add3A_637 : i32
      %get3A_639 = arith.index_cast %add3A_638 : i32 to index
      %get3A_640 = tpu.vector_load %arg10[%get3A_639] {strides = array<i32>} : memref<10000xf32, #tpu.memory_space<vmem>>, vector<16xf32>,
      %get3A_641 = vector.shape_cast %get3A_640 : vector<16xf32> to vector<16xf32>
      %get3A_642 = arith.index_cast %add3A_638 : i32 to index
      %get3A_643 = tpu.vector_load %arg12[%get3A_642] {strides = array<i32>} : memref<10000xf32, #tpu.memory_space<vmem>>, vector<16xf32>,
      %get3A_644 = vector.shape_cast %get3A_643 : vector<16xf32> to vector<16xf32>
      %get3A_645 = arith.index_cast %add3A_638 : i32 to index
      %get3A_646 = tpu.vector_load %arg14[%get3A_645] {strides = array<i32>} : memref<10000xf32, #tpu.memory_space<vmem>>, vector<16xf32>,
      %get3A_647 = vector.shape_cast %get3A_646 : vector<16xf32> to vector<16xf32>
      %mul3A_648 = arith.mulf %get3A_641, %get3A_641 : vector<16xf32>
      %mul3A_649 = arith.mulf %get3A_644, %get3A_644 : vector<16xf32>
      %add3A_650 = arith.addf %mul3A_648, %mul3A_649 : vector<16xf32>
      %mul3A_651 = arith.mulf %get3A_647, %get3A_647 : vector<16xf32>
      %add3A_652 = arith.addf %add3A_650, %mul3A_651 : vector<16xf32>
      %mul3A_653 = arith.constant 2.500000e-01 : f32
      %mul3A_654 = vector.broadcast %mul3A_653 : f32 to vector<16xf32>
      %mul3A_655 = arith.mulf %add3A_652, %mul3A_654 : vector<16xf32>
      %swap3A_656 = arith.index_cast %add3A_638 : i32 to index
      %swap3A_657 = tpu.vector_load %arg16[%swap3A_656] {strides = array<i32>} : memref<10000xf32, #tpu.memory_space<vmem>>, vector<16xf32>,
      %swap3A_658 = vector.shape_cast %swap3A_657 : vector<16xf32> to vector<16xf32>
      %swap3A_659 = vector.shape_cast %mul3A_655 : vector<16xf32> to vector<16xf32>
      tpu.vector_store %arg16[%swap3A_656], %swap3A_659 {strides = array<i32>} : memref<10000xf32, #tpu.memory_space<vmem>>, vector<16xf32>,
      %mul3A_660 = arith.constant 80 : i32
      %mul3A_661 = arith.muli %scan3A_611, %mul3A_660 : i32
      %add3A_662 = arith.constant 32 : i32
      %add3A_663 = arith.addi %mul3A_661, %add3A_662 : i32
      %get3A_664 = arith.index_cast %add3A_663 : i32 to index
      %get3A_665 = tpu.vector_load %arg10[%get3A_664] {strides = array<i32>} : memref<10000xf32, #tpu.memory_space<vmem>>, vector<16xf32>,
      %get3A_666 = vector.shape_cast %get3A_665 : vector<16xf32> to vector<16xf32>
      %get3A_667 = arith.index_cast %add3A_663 : i32 to index
      %get3A_668 = tpu.vector_load %arg12[%get3A_667] {strides = array<i32>} : memref<10000xf32, #tpu.memory_space<vmem>>, vector<16xf32>,
      %get3A_669 = vector.shape_cast %get3A_668 : vector<16xf32> to vector<16xf32>
      %get3A_670 = arith.index_cast %add3A_663 : i32 to index
      %get3A_671 = tpu.vector_load %arg14[%get3A_670] {strides = array<i32>} : memref<10000xf32, #tpu.memory_space<vmem>>, vector<16xf32>,
      %get3A_672 = vector.shape_cast %get3A_671 : vector<16xf32> to vector<16xf32>
      %mul3A_673 = arith.mulf %get3A_666, %get3A_666 : vector<16xf32>
      %mul3A_674 = arith.mulf %get3A_669, %get3A_669 : vector<16xf32>
      %add3A_675 = arith.addf %mul3A_673, %mul3A_674 : vector<16xf32>
      %mul3A_676 = arith.mulf %get3A_672, %get3A_672 : vector<16xf32>
      %add3A_677 = arith.addf %add3A_675, %mul3A_676 : vector<16xf32>
      %mul3A_678 = arith.constant 2.500000e-01 : f32
      %mul3A_679 = vector.broadcast %mul3A_678 : f32 to vector<16xf32>
      %mul3A_680 = arith.mulf %add3A_677, %mul3A_679 : vector<16xf32>
      %swap3A_681 = arith.index_cast %add3A_663 : i32 to index
      %swap3A_682 = tpu.vector_load %arg16[%swap3A_681] {strides = array<i32>} : memref<10000xf32, #tpu.memory_space<vmem>>, vector<16xf32>,
      %swap3A_683 = vector.shape_cast %swap3A_682 : vector<16xf32> to vector<16xf32>
      %swap3A_684 = vector.shape_cast %mul3A_680 : vector<16xf32> to vector<16xf32>
      tpu.vector_store %arg16[%swap3A_681], %swap3A_684 {strides = array<i32>} : memref<10000xf32, #tpu.memory_space<vmem>>, vector<16xf32>,
      %mul3A_685 = arith.constant 80 : i32
      %mul3A_686 = arith.muli %scan3A_611, %mul3A_685 : i32
      %add3A_687 = arith.constant 48 : i32
      %add3A_688 = arith.addi %mul3A_686, %add3A_687 : i32
      %get3A_689 = arith.index_cast %add3A_688 : i32 to index
      %get3A_690 = tpu.vector_load %arg10[%get3A_689] {strides = array<i32>} : memref<10000xf32, #tpu.memory_space<vmem>>, vector<16xf32>,
      %get3A_691 = vector.shape_cast %get3A_690 : vector<16xf32> to vector<16xf32>
      %get3A_692 = arith.index_cast %add3A_688 : i32 to index
      %get3A_693 = tpu.vector_load %arg12[%get3A_692] {strides = array<i32>} : memref<10000xf32, #tpu.memory_space<vmem>>, vector<16xf32>,
      %get3A_694 = vector.shape_cast %get3A_693 : vector<16xf32> to vector<16xf32>
      %get3A_695 = arith.index_cast %add3A_688 : i32 to index
      %get3A_696 = tpu.vector_load %arg14[%get3A_695] {strides = array<i32>} : memref<10000xf32, #tpu.memory_space<vmem>>, vector<16xf32>,
      %get3A_697 = vector.shape_cast %get3A_696 : vector<16xf32> to vector<16xf32>
      %mul3A_698 = arith.mulf %get3A_691, %get3A_691 : vector<16xf32>
      %mul3A_699 = arith.mulf %get3A_694, %get3A_694 : vector<16xf32>
      %add3A_700 = arith.addf %mul3A_698, %mul3A_699 : vector<16xf32>
      %mul3A_701 = arith.mulf %get3A_697, %get3A_697 : vector<16xf32>
      %add3A_702 = arith.addf %add3A_700, %mul3A_701 : vector<16xf32>
      %mul3A_703 = arith.constant 2.500000e-01 : f32
      %mul3A_704 = vector.broadcast %mul3A_703 : f32 to vector<16xf32>
      %mul3A_705 = arith.mulf %add3A_702, %mul3A_704 : vector<16xf32>
      %swap3A_706 = arith.index_cast %add3A_688 : i32 to index
      %swap3A_707 = tpu.vector_load %arg16[%swap3A_706] {strides = array<i32>} : memref<10000xf32, #tpu.memory_space<vmem>>, vector<16xf32>,
      %swap3A_708 = vector.shape_cast %swap3A_707 : vector<16xf32> to vector<16xf32>
      %swap3A_709 = vector.shape_cast %mul3A_705 : vector<16xf32> to vector<16xf32>
      tpu.vector_store %arg16[%swap3A_706], %swap3A_709 {strides = array<i32>} : memref<10000xf32, #tpu.memory_space<vmem>>, vector<16xf32>,
      %mul3A_710 = arith.constant 80 : i32
      %mul3A_711 = arith.muli %scan3A_611, %mul3A_710 : i32
      %add3A_712 = arith.constant 64 : i32
      %add3A_713 = arith.addi %mul3A_711, %add3A_712 : i32
      %get3A_714 = arith.index_cast %add3A_713 : i32 to index
      %get3A_715 = tpu.vector_load %arg10[%get3A_714] {strides = array<i32>} : memref<10000xf32, #tpu.memory_space<vmem>>, vector<16xf32>,
      %get3A_716 = vector.shape_cast %get3A_715 : vector<16xf32> to vector<16xf32>
      %get3A_717 = arith.index_cast %add3A_713 : i32 to index
      %get3A_718 = tpu.vector_load %arg12[%get3A_717] {strides = array<i32>} : memref<10000xf32, #tpu.memory_space<vmem>>, vector<16xf32>,
      %get3A_719 = vector.shape_cast %get3A_718 : vector<16xf32> to vector<16xf32>
      %get3A_720 = arith.index_cast %add3A_713 : i32 to index
      %get3A_721 = tpu.vector_load %arg14[%get3A_720] {strides = array<i32>} : memref<10000xf32, #tpu.memory_space<vmem>>, vector<16xf32>,
      %get3A_722 = vector.shape_cast %get3A_721 : vector<16xf32> to vector<16xf32>
      %mul3A_723 = arith.mulf %get3A_716, %get3A_716 : vector<16xf32>
      %mul3A_724 = arith.mulf %get3A_719, %get3A_719 : vector<16xf32>
      %add3A_725 = arith.addf %mul3A_723, %mul3A_724 : vector<16xf32>
      %mul3A_726 = arith.mulf %get3A_722, %get3A_722 : vector<16xf32>
      %add3A_727 = arith.addf %add3A_725, %mul3A_726 : vector<16xf32>
      %mul3A_728 = arith.constant 2.500000e-01 : f32
      %mul3A_729 = vector.broadcast %mul3A_728 : f32 to vector<16xf32>
      %mul3A_730 = arith.mulf %add3A_727, %mul3A_729 : vector<16xf32>
      %swap3A_731 = arith.index_cast %add3A_713 : i32 to index
      %swap3A_732 = tpu.vector_load %arg16[%swap3A_731] {strides = array<i32>} : memref<10000xf32, #tpu.memory_space<vmem>>, vector<16xf32>,
      %swap3A_733 = vector.shape_cast %swap3A_732 : vector<16xf32> to vector<16xf32>
      %swap3A_734 = vector.shape_cast %mul3A_730 : vector<16xf32> to vector<16xf32>
      tpu.vector_store %arg16[%swap3A_731], %swap3A_734 {strides = array<i32>} : memref<10000xf32, #tpu.memory_space<vmem>>, vector<16xf32>,
    }
    %scan3A_434 = arith.constant 125 : i32
    %dma_start3A_435 = arith.constant 0 : i32
    %dma_start3A_436 = arith.constant 0 : i32
    %dma_start3A_437 = tpu.memref_slice %arg19[%dma_start3A_436] : memref<102400xf32, #tpu.memory_space<vmem_shared>> -> memref<102400xf32, #tpu.memory_space<vmem_shared>>
    %dma_start3A_438 = tpu.memref_slice %arg24[%dma_start3A_435] : memref<2x!tpu.dma_semaphore, #tpu.memory_space<semaphore_mem>> -> memref<1x!tpu.dma_semaphore, #tpu.memory_space<semaphore_mem>>
    %dma_start3A_439 = tpu.memref_squeeze %dma_start3A_438 : memref<1x!tpu.dma_semaphore, #tpu.memory_space<semaphore_mem>> -> memref<!tpu.dma_semaphore, #tpu.memory_space<semaphore_mem>>
    tpu.enqueue_indirect_dma source(%arg16 : memref<10000xf32, #tpu.memory_space<vmem>>) target(%dma_start3A_437 : memref<102400xf32, #tpu.memory_space<vmem_shared>>) offsets(%arg7 : memref<10000xi32, #tpu.memory_space<vmem>>) semaphore(%dma_start3A_439 : memref<!tpu.dma_semaphore, #tpu.memory_space<semaphore_mem>>) {add = true}
    %dma_wait3A_440 = arith.constant 1 : i32
    %dma_wait3A_441 = arith.constant 0 : i32
    %dma_wait3A_442 = tpu.memref_slice %arg19[%dma_wait3A_441] : memref<102400xf32, #tpu.memory_space<vmem_shared>> -> memref<102400xf32, #tpu.memory_space<vmem_shared>>
    %dma_wait3A_443 = tpu.memref_slice %arg24[%dma_wait3A_440] : memref<2x!tpu.dma_semaphore, #tpu.memory_space<semaphore_mem>> -> memref<1x!tpu.dma_semaphore, #tpu.memory_space<semaphore_mem>>
    %dma_wait3A_444 = tpu.memref_squeeze %dma_wait3A_443 : memref<1x!tpu.dma_semaphore, #tpu.memory_space<semaphore_mem>> -> memref<!tpu.dma_semaphore, #tpu.memory_space<semaphore_mem>>
    tpu.wait_indirect_dma semaphore(%dma_wait3A_444 : memref<!tpu.dma_semaphore, #tpu.memory_space<semaphore_mem>>) src(%arg17 : memref<10000xf32, #tpu.memory_space<vmem>>) dst(%dma_wait3A_442 : memref<102400xf32, #tpu.memory_space<vmem_shared>>)
    %mul3A_445 = arith.constant 100000 : i32
    %mul3A_446 = arith.muli %add3A, %mul3A_445 : i32
    %add3A_447 = arith.constant 80000 : i32
    %add3A_448 = arith.addi %mul3A_446, %add3A_447 : i32
    %dma_start3A_449 = arith.constant 2 : i32
    %dma_start3A_450 = tpu.memref_slice %arg5[%add3A_448] : memref<3200000xi32, #tpu.memory_space<hbm>> -> memref<10000xi32, #tpu.memory_space<hbm>>
    %dma_start3A_451 = tpu.memref_slice %arg20[%dma_start3A_449] : memref<3x!tpu.dma_semaphore, #tpu.memory_space<semaphore_mem>> -> memref<1x!tpu.dma_semaphore, #tpu.memory_space<semaphore_mem>>
    %dma_start3A_452 = tpu.memref_squeeze %dma_start3A_451 : memref<1x!tpu.dma_semaphore, #tpu.memory_space<semaphore_mem>> -> memref<!tpu.dma_semaphore, #tpu.memory_space<semaphore_mem>>
    %dma_start3A_453 = tpu.memref_slice %arg5[%add3A_448] : memref<3200000xi32, #tpu.memory_space<hbm>> -> memref<10000xi32, #tpu.memory_space<hbm>>
    tpu.enqueue_dma source(%dma_start3A_453 : memref<10000xi32, #tpu.memory_space<hbm>>) target(%arg9 : memref<10000xi32, #tpu.memory_space<vmem>>) target_semaphore(%dma_start3A_452 : memref<!tpu.dma_semaphore, #tpu.memory_space<semaphore_mem>>)
    %dma_start3A_454 = arith.constant 0 : i32
    %dma_start3A_455 = tpu.memref_slice %arg2[%add3A_448] : memref<3200000xf32, #tpu.memory_space<hbm>> -> memref<10000xf32, #tpu.memory_space<hbm>>
    %dma_start3A_456 = tpu.memref_slice %arg21[%dma_start3A_454] : memref<2x!tpu.dma_semaphore, #tpu.memory_space<semaphore_mem>> -> memref<1x!tpu.dma_semaphore, #tpu.memory_space<semaphore_mem>>
    %dma_start3A_457 = tpu.memref_squeeze %dma_start3A_456 : memref<1x!tpu.dma_semaphore, #tpu.memory_space<semaphore_mem>> -> memref<!tpu.dma_semaphore, #tpu.memory_space<semaphore_mem>>
    %dma_start3A_458 = tpu.memref_slice %arg2[%add3A_448] : memref<3200000xf32, #tpu.memory_space<hbm>> -> memref<10000xf32, #tpu.memory_space<hbm>>
    tpu.enqueue_dma source(%dma_start3A_458 : memref<10000xf32, #tpu.memory_space<hbm>>) target(%arg10 : memref<10000xf32, #tpu.memory_space<vmem>>) target_semaphore(%dma_start3A_457 : memref<!tpu.dma_semaphore, #tpu.memory_space<semaphore_mem>>)
    %dma_start3A_459 = arith.constant 0 : i32
    %dma_start3A_460 = tpu.memref_slice %arg3[%add3A_448] : memref<3200000xf32, #tpu.memory_space<hbm>> -> memref<10000xf32, #tpu.memory_space<hbm>>
    %dma_start3A_461 = tpu.memref_slice %arg22[%dma_start3A_459] : memref<2x!tpu.dma_semaphore, #tpu.memory_space<semaphore_mem>> -> memref<1x!tpu.dma_semaphore, #tpu.memory_space<semaphore_mem>>
    %dma_start3A_462 = tpu.memref_squeeze %dma_start3A_461 : memref<1x!tpu.dma_semaphore, #tpu.memory_space<semaphore_mem>> -> memref<!tpu.dma_semaphore, #tpu.memory_space<semaphore_mem>>
    %dma_start3A_463 = tpu.memref_slice %arg3[%add3A_448] : memref<3200000xf32, #tpu.memory_space<hbm>> -> memref<10000xf32, #tpu.memory_space<hbm>>
    tpu.enqueue_dma source(%dma_start3A_463 : memref<10000xf32, #tpu.memory_space<hbm>>) target(%arg12 : memref<10000xf32, #tpu.memory_space<vmem>>) target_semaphore(%dma_start3A_462 : memref<!tpu.dma_semaphore, #tpu.memory_space<semaphore_mem>>)
    %dma_start3A_464 = arith.constant 0 : i32
    %dma_start3A_465 = tpu.memref_slice %arg4[%add3A_448] : memref<3200000xf32, #tpu.memory_space<hbm>> -> memref<10000xf32, #tpu.memory_space<hbm>>
    %dma_start3A_466 = tpu.memref_slice %arg23[%dma_start3A_464] : memref<2x!tpu.dma_semaphore, #tpu.memory_space<semaphore_mem>> -> memref<1x!tpu.dma_semaphore, #tpu.memory_space<semaphore_mem>>
    %dma_start3A_467 = tpu.memref_squeeze %dma_start3A_466 : memref<1x!tpu.dma_semaphore, #tpu.memory_space<semaphore_mem>> -> memref<!tpu.dma_semaphore, #tpu.memory_space<semaphore_mem>>
    %dma_start3A_468 = tpu.memref_slice %arg4[%add3A_448] : memref<3200000xf32, #tpu.memory_space<hbm>> -> memref<10000xf32, #tpu.memory_space<hbm>>
    tpu.enqueue_dma source(%dma_start3A_468 : memref<10000xf32, #tpu.memory_space<hbm>>) target(%arg14 : memref<10000xf32, #tpu.memory_space<vmem>>) target_semaphore(%dma_start3A_467 : memref<!tpu.dma_semaphore, #tpu.memory_space<semaphore_mem>>)
    %dma_wait3A_469 = arith.constant 1 : i32
    %dma_wait3A_470 = tpu.memref_slice %arg5[%add3A_388] : memref<3200000xi32, #tpu.memory_space<hbm>> -> memref<10000xi32, #tpu.memory_space<hbm>>
    %dma_wait3A_471 = tpu.memref_slice %arg20[%dma_wait3A_469] : memref<3x!tpu.dma_semaphore, #tpu.memory_space<semaphore_mem>> -> memref<1x!tpu.dma_semaphore, #tpu.memory_space<semaphore_mem>>
    %dma_wait3A_472 = tpu.memref_squeeze %dma_wait3A_471 : memref<1x!tpu.dma_semaphore, #tpu.memory_space<semaphore_mem>> -> memref<!tpu.dma_semaphore, #tpu.memory_space<semaphore_mem>>
    %dma_wait3A_473 = tpu.memref_slice %arg5[%add3A_388] : memref<3200000xi32, #tpu.memory_space<hbm>> -> memref<10000xi32, #tpu.memory_space<hbm>>
    tpu.wait_dma2 semaphore(%dma_wait3A_472 : memref<!tpu.dma_semaphore, #tpu.memory_space<semaphore_mem>>) src(%dma_wait3A_473 : memref<10000xi32, #tpu.memory_space<hbm>>) dst(%arg8 : memref<10000xi32, #tpu.memory_space<vmem>>)
    %dma_wait3A_474 = arith.constant 1 : i32
    %dma_wait3A_475 = tpu.memref_slice %arg2[%add3A_388] : memref<3200000xf32, #tpu.memory_space<hbm>> -> memref<10000xf32, #tpu.memory_space<hbm>>
    %dma_wait3A_476 = tpu.memref_slice %arg21[%dma_wait3A_474] : memref<2x!tpu.dma_semaphore, #tpu.memory_space<semaphore_mem>> -> memref<1x!tpu.dma_semaphore, #tpu.memory_space<semaphore_mem>>
    %dma_wait3A_477 = tpu.memref_squeeze %dma_wait3A_476 : memref<1x!tpu.dma_semaphore, #tpu.memory_space<semaphore_mem>> -> memref<!tpu.dma_semaphore, #tpu.memory_space<semaphore_mem>>
    %dma_wait3A_478 = tpu.memref_slice %arg2[%add3A_388] : memref<3200000xf32, #tpu.memory_space<hbm>> -> memref<10000xf32, #tpu.memory_space<hbm>>
    tpu.wait_dma2 semaphore(%dma_wait3A_477 : memref<!tpu.dma_semaphore, #tpu.memory_space<semaphore_mem>>) src(%dma_wait3A_478 : memref<10000xf32, #tpu.memory_space<hbm>>) dst(%arg11 : memref<10000xf32, #tpu.memory_space<vmem>>)
    %dma_wait3A_479 = arith.constant 1 : i32
    %dma_wait3A_480 = tpu.memref_slice %arg3[%add3A_388] : memref<3200000xf32, #tpu.memory_space<hbm>> -> memref<10000xf32, #tpu.memory_space<hbm>>
    %dma_wait3A_481 = tpu.memref_slice %arg22[%dma_wait3A_479] : memref<2x!tpu.dma_semaphore, #tpu.memory_space<semaphore_mem>> -> memref<1x!tpu.dma_semaphore, #tpu.memory_space<semaphore_mem>>
    %dma_wait3A_482 = tpu.memref_squeeze %dma_wait3A_481 : memref<1x!tpu.dma_semaphore, #tpu.memory_space<semaphore_mem>> -> memref<!tpu.dma_semaphore, #tpu.memory_space<semaphore_mem>>
    %dma_wait3A_483 = tpu.memref_slice %arg3[%add3A_388] : memref<3200000xf32, #tpu.memory_space<hbm>> -> memref<10000xf32, #tpu.memory_space<hbm>>
    tpu.wait_dma2 semaphore(%dma_wait3A_482 : memref<!tpu.dma_semaphore, #tpu.memory_space<semaphore_mem>>) src(%dma_wait3A_483 : memref<10000xf32, #tpu.memory_space<hbm>>) dst(%arg13 : memref<10000xf32, #tpu.memory_space<vmem>>)
    %dma_wait3A_484 = arith.constant 1 : i32
    %dma_wait3A_485 = tpu.memref_slice %arg4[%add3A_388] : memref<3200000xf32, #tpu.memory_space<hbm>> -> memref<10000xf32, #tpu.memory_space<hbm>>
    %dma_wait3A_486 = tpu.memref_slice %arg23[%dma_wait3A_484] : memref<2x!tpu.dma_semaphore, #tpu.memory_space<semaphore_mem>> -> memref<1x!tpu.dma_semaphore, #tpu.memory_space<semaphore_mem>>
    %dma_wait3A_487 = tpu.memref_squeeze %dma_wait3A_486 : memref<1x!tpu.dma_semaphore, #tpu.memory_space<semaphore_mem>> -> memref<!tpu.dma_semaphore, #tpu.memory_space<semaphore_mem>>
    %dma_wait3A_488 = tpu.memref_slice %arg4[%add3A_388] : memref<3200000xf32, #tpu.memory_space<hbm>> -> memref<10000xf32, #tpu.memory_space<hbm>>
    tpu.wait_dma2 semaphore(%dma_wait3A_487 : memref<!tpu.dma_semaphore, #tpu.memory_space<semaphore_mem>>) src(%dma_wait3A_488 : memref<10000xf32, #tpu.memory_space<hbm>>) dst(%arg15 : memref<10000xf32, #tpu.memory_space<vmem>>)
    %scan3A_489 = arith.constant 0 : i32
    %scan3A_490 = arith.constant 0 : i32
    %scan3A_491 = arith.constant 125 : i32
    %scan3A_492 = arith.addi %scan3A_490, %scan3A_491 : i32
    %scan3A_493 = arith.constant 1 : i32
    scf.for %scan3A_611 = %scan3A_490 to %scan3A_492 step %scan3A_493  : i32 {
      %mul3A_612 = arith.constant 80 : i32
      %mul3A_613 = arith.muli %scan3A_611, %mul3A_612 : i32
      %add3A_614 = arith.constant 0 : i32
      %add3A_615 = arith.addi %mul3A_613, %add3A_614 : i32
      %get3A = arith.index_cast %add3A_615 : i32 to index
      %get3A_616 = tpu.vector_load %arg11[%get3A] {strides = array<i32>} : memref<10000xf32, #tpu.memory_space<vmem>>, vector<16xf32>,
      %get3A_617 = vector.shape_cast %get3A_616 : vector<16xf32> to vector<16xf32>
      %get3A_618 = arith.index_cast %add3A_615 : i32 to index
      %get3A_619 = tpu.vector_load %arg13[%get3A_618] {strides = array<i32>} : memref<10000xf32, #tpu.memory_space<vmem>>, vector<16xf32>,
      %get3A_620 = vector.shape_cast %get3A_619 : vector<16xf32> to vector<16xf32>
      %get3A_621 = arith.index_cast %add3A_615 : i32 to index
      %get3A_622 = tpu.vector_load %arg15[%get3A_621] {strides = array<i32>} : memref<10000xf32, #tpu.memory_space<vmem>>, vector<16xf32>,
      %get3A_623 = vector.shape_cast %get3A_622 : vector<16xf32> to vector<16xf32>
      %mul3A_624 = arith.mulf %get3A_617, %get3A_617 : vector<16xf32>
      %mul3A_625 = arith.mulf %get3A_620, %get3A_620 : vector<16xf32>
      %add3A_626 = arith.addf %mul3A_624, %mul3A_625 : vector<16xf32>
      %mul3A_627 = arith.mulf %get3A_623, %get3A_623 : vector<16xf32>
      %add3A_628 = arith.addf %add3A_626, %mul3A_627 : vector<16xf32>
      %mul3A_629 = arith.constant 2.500000e-01 : f32
      %mul3A_630 = vector.broadcast %mul3A_629 : f32 to vector<16xf32>
      %mul3A_631 = arith.mulf %add3A_628, %mul3A_630 : vector<16xf32>
      %swap3A = arith.index_cast %add3A_615 : i32 to index
      %swap3A_632 = tpu.vector_load %arg17[%swap3A] {strides = array<i32>} : memref<10000xf32, #tpu.memory_space<vmem>>, vector<16xf32>,
      %swap3A_633 = vector.shape_cast %swap3A_632 : vector<16xf32> to vector<16xf32>
      %swap3A_634 = vector.shape_cast %mul3A_631 : vector<16xf32> to vector<16xf32>
      tpu.vector_store %arg17[%swap3A], %swap3A_634 {strides = array<i32>} : memref<10000xf32, #tpu.memory_space<vmem>>, vector<16xf32>,
      %mul3A_635 = arith.constant 80 : i32
      %mul3A_636 = arith.muli %scan3A_611, %mul3A_635 : i32
      %add3A_637 = arith.constant 16 : i32
      %add3A_638 = arith.addi %mul3A_636, %add3A_637 : i32
      %get3A_639 = arith.index_cast %add3A_638 : i32 to index
      %get3A_640 = tpu.vector_load %arg11[%get3A_639] {strides = array<i32>} : memref<10000xf32, #tpu.memory_space<vmem>>, vector<16xf32>,
      %get3A_641 = vector.shape_cast %get3A_640 : vector<16xf32> to vector<16xf32>
      %get3A_642 = arith.index_cast %add3A_638 : i32 to index
      %get3A_643 = tpu.vector_load %arg13[%get3A_642] {strides = array<i32>} : memref<10000xf32, #tpu.memory_space<vmem>>, vector<16xf32>,
      %get3A_644 = vector.shape_cast %get3A_643 : vector<16xf32> to vector<16xf32>
      %get3A_645 = arith.index_cast %add3A_638 : i32 to index
      %get3A_646 = tpu.vector_load %arg15[%get3A_645] {strides = array<i32>} : memref<10000xf32, #tpu.memory_space<vmem>>, vector<16xf32>,
      %get3A_647 = vector.shape_cast %get3A_646 : vector<16xf32> to vector<16xf32>
      %mul3A_648 = arith.mulf %get3A_641, %get3A_641 : vector<16xf32>
      %mul3A_649 = arith.mulf %get3A_644, %get3A_644 : vector<16xf32>
      %add3A_650 = arith.addf %mul3A_648, %mul3A_649 : vector<16xf32>
      %mul3A_651 = arith.mulf %get3A_647, %get3A_647 : vector<16xf32>
      %add3A_652 = arith.addf %add3A_650, %mul3A_651 : vector<16xf32>
      %mul3A_653 = arith.constant 2.500000e-01 : f32
      %mul3A_654 = vector.broadcast %mul3A_653 : f32 to vector<16xf32>
      %mul3A_655 = arith.mulf %add3A_652, %mul3A_654 : vector<16xf32>
      %swap3A_656 = arith.index_cast %add3A_638 : i32 to index
      %swap3A_657 = tpu.vector_load %arg17[%swap3A_656] {strides = array<i32>} : memref<10000xf32, #tpu.memory_space<vmem>>, vector<16xf32>,
      %swap3A_658 = vector.shape_cast %swap3A_657 : vector<16xf32> to vector<16xf32>
      %swap3A_659 = vector.shape_cast %mul3A_655 : vector<16xf32> to vector<16xf32>
      tpu.vector_store %arg17[%swap3A_656], %swap3A_659 {strides = array<i32>} : memref<10000xf32, #tpu.memory_space<vmem>>, vector<16xf32>,
      %mul3A_660 = arith.constant 80 : i32
      %mul3A_661 = arith.muli %scan3A_611, %mul3A_660 : i32
      %add3A_662 = arith.constant 32 : i32
      %add3A_663 = arith.addi %mul3A_661, %add3A_662 : i32
      %get3A_664 = arith.index_cast %add3A_663 : i32 to index
      %get3A_665 = tpu.vector_load %arg11[%get3A_664] {strides = array<i32>} : memref<10000xf32, #tpu.memory_space<vmem>>, vector<16xf32>,
      %get3A_666 = vector.shape_cast %get3A_665 : vector<16xf32> to vector<16xf32>
      %get3A_667 = arith.index_cast %add3A_663 : i32 to index
      %get3A_668 = tpu.vector_load %arg13[%get3A_667] {strides = array<i32>} : memref<10000xf32, #tpu.memory_space<vmem>>, vector<16xf32>,
      %get3A_669 = vector.shape_cast %get3A_668 : vector<16xf32> to vector<16xf32>
      %get3A_670 = arith.index_cast %add3A_663 : i32 to index
      %get3A_671 = tpu.vector_load %arg15[%get3A_670] {strides = array<i32>} : memref<10000xf32, #tpu.memory_space<vmem>>, vector<16xf32>,
      %get3A_672 = vector.shape_cast %get3A_671 : vector<16xf32> to vector<16xf32>
      %mul3A_673 = arith.mulf %get3A_666, %get3A_666 : vector<16xf32>
      %mul3A_674 = arith.mulf %get3A_669, %get3A_669 : vector<16xf32>
      %add3A_675 = arith.addf %mul3A_673, %mul3A_674 : vector<16xf32>
      %mul3A_676 = arith.mulf %get3A_672, %get3A_672 : vector<16xf32>
      %add3A_677 = arith.addf %add3A_675, %mul3A_676 : vector<16xf32>
      %mul3A_678 = arith.constant 2.500000e-01 : f32
      %mul3A_679 = vector.broadcast %mul3A_678 : f32 to vector<16xf32>
      %mul3A_680 = arith.mulf %add3A_677, %mul3A_679 : vector<16xf32>
      %swap3A_681 = arith.index_cast %add3A_663 : i32 to index
      %swap3A_682 = tpu.vector_load %arg17[%swap3A_681] {strides = array<i32>} : memref<10000xf32, #tpu.memory_space<vmem>>, vector<16xf32>,
      %swap3A_683 = vector.shape_cast %swap3A_682 : vector<16xf32> to vector<16xf32>
      %swap3A_684 = vector.shape_cast %mul3A_680 : vector<16xf32> to vector<16xf32>
      tpu.vector_store %arg17[%swap3A_681], %swap3A_684 {strides = array<i32>} : memref<10000xf32, #tpu.memory_space<vmem>>, vector<16xf32>,
      %mul3A_685 = arith.constant 80 : i32
      %mul3A_686 = arith.muli %scan3A_611, %mul3A_685 : i32
      %add3A_687 = arith.constant 48 : i32
      %add3A_688 = arith.addi %mul3A_686, %add3A_687 : i32
      %get3A_689 = arith.index_cast %add3A_688 : i32 to index
      %get3A_690 = tpu.vector_load %arg11[%get3A_689] {strides = array<i32>} : memref<10000xf32, #tpu.memory_space<vmem>>, vector<16xf32>,
      %get3A_691 = vector.shape_cast %get3A_690 : vector<16xf32> to vector<16xf32>
      %get3A_692 = arith.index_cast %add3A_688 : i32 to index
      %get3A_693 = tpu.vector_load %arg13[%get3A_692] {strides = array<i32>} : memref<10000xf32, #tpu.memory_space<vmem>>, vector<16xf32>,
      %get3A_694 = vector.shape_cast %get3A_693 : vector<16xf32> to vector<16xf32>
      %get3A_695 = arith.index_cast %add3A_688 : i32 to index
      %get3A_696 = tpu.vector_load %arg15[%get3A_695] {strides = array<i32>} : memref<10000xf32, #tpu.memory_space<vmem>>, vector<16xf32>,
      %get3A_697 = vector.shape_cast %get3A_696 : vector<16xf32> to vector<16xf32>
      %mul3A_698 = arith.mulf %get3A_691, %get3A_691 : vector<16xf32>
      %mul3A_699 = arith.mulf %get3A_694, %get3A_694 : vector<16xf32>
      %add3A_700 = arith.addf %mul3A_698, %mul3A_699 : vector<16xf32>
      %mul3A_701 = arith.mulf %get3A_697, %get3A_697 : vector<16xf32>
      %add3A_702 = arith.addf %add3A_700, %mul3A_701 : vector<16xf32>
      %mul3A_703 = arith.constant 2.500000e-01 : f32
      %mul3A_704 = vector.broadcast %mul3A_703 : f32 to vector<16xf32>
      %mul3A_705 = arith.mulf %add3A_702, %mul3A_704 : vector<16xf32>
      %swap3A_706 = arith.index_cast %add3A_688 : i32 to index
      %swap3A_707 = tpu.vector_load %arg17[%swap3A_706] {strides = array<i32>} : memref<10000xf32, #tpu.memory_space<vmem>>, vector<16xf32>,
      %swap3A_708 = vector.shape_cast %swap3A_707 : vector<16xf32> to vector<16xf32>
      %swap3A_709 = vector.shape_cast %mul3A_705 : vector<16xf32> to vector<16xf32>
      tpu.vector_store %arg17[%swap3A_706], %swap3A_709 {strides = array<i32>} : memref<10000xf32, #tpu.memory_space<vmem>>, vector<16xf32>,
      %mul3A_710 = arith.constant 80 : i32
      %mul3A_711 = arith.muli %scan3A_611, %mul3A_710 : i32
      %add3A_712 = arith.constant 64 : i32
      %add3A_713 = arith.addi %mul3A_711, %add3A_712 : i32
      %get3A_714 = arith.index_cast %add3A_713 : i32 to index
      %get3A_715 = tpu.vector_load %arg11[%get3A_714] {strides = array<i32>} : memref<10000xf32, #tpu.memory_space<vmem>>, vector<16xf32>,
      %get3A_716 = vector.shape_cast %get3A_715 : vector<16xf32> to vector<16xf32>
      %get3A_717 = arith.index_cast %add3A_713 : i32 to index
      %get3A_718 = tpu.vector_load %arg13[%get3A_717] {strides = array<i32>} : memref<10000xf32, #tpu.memory_space<vmem>>, vector<16xf32>,
      %get3A_719 = vector.shape_cast %get3A_718 : vector<16xf32> to vector<16xf32>
      %get3A_720 = arith.index_cast %add3A_713 : i32 to index
      %get3A_721 = tpu.vector_load %arg15[%get3A_720] {strides = array<i32>} : memref<10000xf32, #tpu.memory_space<vmem>>, vector<16xf32>,
      %get3A_722 = vector.shape_cast %get3A_721 : vector<16xf32> to vector<16xf32>
      %mul3A_723 = arith.mulf %get3A_716, %get3A_716 : vector<16xf32>
      %mul3A_724 = arith.mulf %get3A_719, %get3A_719 : vector<16xf32>
      %add3A_725 = arith.addf %mul3A_723, %mul3A_724 : vector<16xf32>
      %mul3A_726 = arith.mulf %get3A_722, %get3A_722 : vector<16xf32>
      %add3A_727 = arith.addf %add3A_725, %mul3A_726 : vector<16xf32>
      %mul3A_728 = arith.constant 2.500000e-01 : f32
      %mul3A_729 = vector.broadcast %mul3A_728 : f32 to vector<16xf32>
      %mul3A_730 = arith.mulf %add3A_727, %mul3A_729 : vector<16xf32>
      %swap3A_731 = arith.index_cast %add3A_713 : i32 to index
      %swap3A_732 = tpu.vector_load %arg17[%swap3A_731] {strides = array<i32>} : memref<10000xf32, #tpu.memory_space<vmem>>, vector<16xf32>,
      %swap3A_733 = vector.shape_cast %swap3A_732 : vector<16xf32> to vector<16xf32>
      %swap3A_734 = vector.shape_cast %mul3A_730 : vector<16xf32> to vector<16xf32>
      tpu.vector_store %arg17[%swap3A_731], %swap3A_734 {strides = array<i32>} : memref<10000xf32, #tpu.memory_space<vmem>>, vector<16xf32>,
    }
    %scan3A_494 = arith.constant 125 : i32
    %dma_start3A_495 = arith.constant 1 : i32
    %dma_start3A_496 = arith.constant 0 : i32
    %dma_start3A_497 = tpu.memref_slice %arg19[%dma_start3A_496] : memref<102400xf32, #tpu.memory_space<vmem_shared>> -> memref<102400xf32, #tpu.memory_space<vmem_shared>>
    %dma_start3A_498 = tpu.memref_slice %arg24[%dma_start3A_495] : memref<2x!tpu.dma_semaphore, #tpu.memory_space<semaphore_mem>> -> memref<1x!tpu.dma_semaphore, #tpu.memory_space<semaphore_mem>>
    %dma_start3A_499 = tpu.memref_squeeze %dma_start3A_498 : memref<1x!tpu.dma_semaphore, #tpu.memory_space<semaphore_mem>> -> memref<!tpu.dma_semaphore, #tpu.memory_space<semaphore_mem>>
    tpu.enqueue_indirect_dma source(%arg17 : memref<10000xf32, #tpu.memory_space<vmem>>) target(%dma_start3A_497 : memref<102400xf32, #tpu.memory_space<vmem_shared>>) offsets(%arg8 : memref<10000xi32, #tpu.memory_space<vmem>>) semaphore(%dma_start3A_499 : memref<!tpu.dma_semaphore, #tpu.memory_space<semaphore_mem>>) {add = true}
    %dma_wait3A_500 = arith.constant 0 : i32
    %dma_wait3A_501 = arith.constant 0 : i32
    %dma_wait3A_502 = tpu.memref_slice %arg19[%dma_wait3A_501] : memref<102400xf32, #tpu.memory_space<vmem_shared>> -> memref<102400xf32, #tpu.memory_space<vmem_shared>>
    %dma_wait3A_503 = tpu.memref_slice %arg24[%dma_wait3A_500] : memref<2x!tpu.dma_semaphore, #tpu.memory_space<semaphore_mem>> -> memref<1x!tpu.dma_semaphore, #tpu.memory_space<semaphore_mem>>
    %dma_wait3A_504 = tpu.memref_squeeze %dma_wait3A_503 : memref<1x!tpu.dma_semaphore, #tpu.memory_space<semaphore_mem>> -> memref<!tpu.dma_semaphore, #tpu.memory_space<semaphore_mem>>
    tpu.wait_indirect_dma semaphore(%dma_wait3A_504 : memref<!tpu.dma_semaphore, #tpu.memory_space<semaphore_mem>>) src(%arg16 : memref<10000xf32, #tpu.memory_space<vmem>>) dst(%dma_wait3A_502 : memref<102400xf32, #tpu.memory_space<vmem_shared>>)
    %mul3A_505 = arith.constant 100000 : i32
    %mul3A_506 = arith.muli %add3A, %mul3A_505 : i32
    %add3A_507 = arith.constant 90000 : i32
    %add3A_508 = arith.addi %mul3A_506, %add3A_507 : i32
    %dma_start3A_509 = arith.constant 0 : i32
    %dma_start3A_510 = tpu.memref_slice %arg5[%add3A_508] : memref<3200000xi32, #tpu.memory_space<hbm>> -> memref<10000xi32, #tpu.memory_space<hbm>>
    %dma_start3A_511 = tpu.memref_slice %arg20[%dma_start3A_509] : memref<3x!tpu.dma_semaphore, #tpu.memory_space<semaphore_mem>> -> memref<1x!tpu.dma_semaphore, #tpu.memory_space<semaphore_mem>>
    %dma_start3A_512 = tpu.memref_squeeze %dma_start3A_511 : memref<1x!tpu.dma_semaphore, #tpu.memory_space<semaphore_mem>> -> memref<!tpu.dma_semaphore, #tpu.memory_space<semaphore_mem>>
    %dma_start3A_513 = tpu.memref_slice %arg5[%add3A_508] : memref<3200000xi32, #tpu.memory_space<hbm>> -> memref<10000xi32, #tpu.memory_space<hbm>>
    tpu.enqueue_dma source(%dma_start3A_513 : memref<10000xi32, #tpu.memory_space<hbm>>) target(%arg7 : memref<10000xi32, #tpu.memory_space<vmem>>) target_semaphore(%dma_start3A_512 : memref<!tpu.dma_semaphore, #tpu.memory_space<semaphore_mem>>)
    %dma_start3A_514 = arith.constant 1 : i32
    %dma_start3A_515 = tpu.memref_slice %arg2[%add3A_508] : memref<3200000xf32, #tpu.memory_space<hbm>> -> memref<10000xf32, #tpu.memory_space<hbm>>
    %dma_start3A_516 = tpu.memref_slice %arg21[%dma_start3A_514] : memref<2x!tpu.dma_semaphore, #tpu.memory_space<semaphore_mem>> -> memref<1x!tpu.dma_semaphore, #tpu.memory_space<semaphore_mem>>
    %dma_start3A_517 = tpu.memref_squeeze %dma_start3A_516 : memref<1x!tpu.dma_semaphore, #tpu.memory_space<semaphore_mem>> -> memref<!tpu.dma_semaphore, #tpu.memory_space<semaphore_mem>>
    %dma_start3A_518 = tpu.memref_slice %arg2[%add3A_508] : memref<3200000xf32, #tpu.memory_space<hbm>> -> memref<10000xf32, #tpu.memory_space<hbm>>
    tpu.enqueue_dma source(%dma_start3A_518 : memref<10000xf32, #tpu.memory_space<hbm>>) target(%arg11 : memref<10000xf32, #tpu.memory_space<vmem>>) target_semaphore(%dma_start3A_517 : memref<!tpu.dma_semaphore, #tpu.memory_space<semaphore_mem>>)
    %dma_start3A_519 = arith.constant 1 : i32
    %dma_start3A_520 = tpu.memref_slice %arg3[%add3A_508] : memref<3200000xf32, #tpu.memory_space<hbm>> -> memref<10000xf32, #tpu.memory_space<hbm>>
    %dma_start3A_521 = tpu.memref_slice %arg22[%dma_start3A_519] : memref<2x!tpu.dma_semaphore, #tpu.memory_space<semaphore_mem>> -> memref<1x!tpu.dma_semaphore, #tpu.memory_space<semaphore_mem>>
    %dma_start3A_522 = tpu.memref_squeeze %dma_start3A_521 : memref<1x!tpu.dma_semaphore, #tpu.memory_space<semaphore_mem>> -> memref<!tpu.dma_semaphore, #tpu.memory_space<semaphore_mem>>
    %dma_start3A_523 = tpu.memref_slice %arg3[%add3A_508] : memref<3200000xf32, #tpu.memory_space<hbm>> -> memref<10000xf32, #tpu.memory_space<hbm>>
    tpu.enqueue_dma source(%dma_start3A_523 : memref<10000xf32, #tpu.memory_space<hbm>>) target(%arg13 : memref<10000xf32, #tpu.memory_space<vmem>>) target_semaphore(%dma_start3A_522 : memref<!tpu.dma_semaphore, #tpu.memory_space<semaphore_mem>>)
    %dma_start3A_524 = arith.constant 1 : i32
    %dma_start3A_525 = tpu.memref_slice %arg4[%add3A_508] : memref<3200000xf32, #tpu.memory_space<hbm>> -> memref<10000xf32, #tpu.memory_space<hbm>>
    %dma_start3A_526 = tpu.memref_slice %arg23[%dma_start3A_524] : memref<2x!tpu.dma_semaphore, #tpu.memory_space<semaphore_mem>> -> memref<1x!tpu.dma_semaphore, #tpu.memory_space<semaphore_mem>>
    %dma_start3A_527 = tpu.memref_squeeze %dma_start3A_526 : memref<1x!tpu.dma_semaphore, #tpu.memory_space<semaphore_mem>> -> memref<!tpu.dma_semaphore, #tpu.memory_space<semaphore_mem>>
    %dma_start3A_528 = tpu.memref_slice %arg4[%add3A_508] : memref<3200000xf32, #tpu.memory_space<hbm>> -> memref<10000xf32, #tpu.memory_space<hbm>>
    tpu.enqueue_dma source(%dma_start3A_528 : memref<10000xf32, #tpu.memory_space<hbm>>) target(%arg15 : memref<10000xf32, #tpu.memory_space<vmem>>) target_semaphore(%dma_start3A_527 : memref<!tpu.dma_semaphore, #tpu.memory_space<semaphore_mem>>)
    %dma_wait3A_529 = arith.constant 2 : i32
    %dma_wait3A_530 = tpu.memref_slice %arg5[%add3A_448] : memref<3200000xi32, #tpu.memory_space<hbm>> -> memref<10000xi32, #tpu.memory_space<hbm>>
    %dma_wait3A_531 = tpu.memref_slice %arg20[%dma_wait3A_529] : memref<3x!tpu.dma_semaphore, #tpu.memory_space<semaphore_mem>> -> memref<1x!tpu.dma_semaphore, #tpu.memory_space<semaphore_mem>>
    %dma_wait3A_532 = tpu.memref_squeeze %dma_wait3A_531 : memref<1x!tpu.dma_semaphore, #tpu.memory_space<semaphore_mem>> -> memref<!tpu.dma_semaphore, #tpu.memory_space<semaphore_mem>>
    %dma_wait3A_533 = tpu.memref_slice %arg5[%add3A_448] : memref<3200000xi32, #tpu.memory_space<hbm>> -> memref<10000xi32, #tpu.memory_space<hbm>>
    tpu.wait_dma2 semaphore(%dma_wait3A_532 : memref<!tpu.dma_semaphore, #tpu.memory_space<semaphore_mem>>) src(%dma_wait3A_533 : memref<10000xi32, #tpu.memory_space<hbm>>) dst(%arg9 : memref<10000xi32, #tpu.memory_space<vmem>>)
    %dma_wait3A_534 = arith.constant 0 : i32
    %dma_wait3A_535 = tpu.memref_slice %arg2[%add3A_448] : memref<3200000xf32, #tpu.memory_space<hbm>> -> memref<10000xf32, #tpu.memory_space<hbm>>
    %dma_wait3A_536 = tpu.memref_slice %arg21[%dma_wait3A_534] : memref<2x!tpu.dma_semaphore, #tpu.memory_space<semaphore_mem>> -> memref<1x!tpu.dma_semaphore, #tpu.memory_space<semaphore_mem>>
    %dma_wait3A_537 = tpu.memref_squeeze %dma_wait3A_536 : memref<1x!tpu.dma_semaphore, #tpu.memory_space<semaphore_mem>> -> memref<!tpu.dma_semaphore, #tpu.memory_space<semaphore_mem>>
    %dma_wait3A_538 = tpu.memref_slice %arg2[%add3A_448] : memref<3200000xf32, #tpu.memory_space<hbm>> -> memref<10000xf32, #tpu.memory_space<hbm>>
    tpu.wait_dma2 semaphore(%dma_wait3A_537 : memref<!tpu.dma_semaphore, #tpu.memory_space<semaphore_mem>>) src(%dma_wait3A_538 : memref<10000xf32, #tpu.memory_space<hbm>>) dst(%arg10 : memref<10000xf32, #tpu.memory_space<vmem>>)
    %dma_wait3A_539 = arith.constant 0 : i32
    %dma_wait3A_540 = tpu.memref_slice %arg3[%add3A_448] : memref<3200000xf32, #tpu.memory_space<hbm>> -> memref<10000xf32, #tpu.memory_space<hbm>>
    %dma_wait3A_541 = tpu.memref_slice %arg22[%dma_wait3A_539] : memref<2x!tpu.dma_semaphore, #tpu.memory_space<semaphore_mem>> -> memref<1x!tpu.dma_semaphore, #tpu.memory_space<semaphore_mem>>
    %dma_wait3A_542 = tpu.memref_squeeze %dma_wait3A_541 : memref<1x!tpu.dma_semaphore, #tpu.memory_space<semaphore_mem>> -> memref<!tpu.dma_semaphore, #tpu.memory_space<semaphore_mem>>
    %dma_wait3A_543 = tpu.memref_slice %arg3[%add3A_448] : memref<3200000xf32, #tpu.memory_space<hbm>> -> memref<10000xf32, #tpu.memory_space<hbm>>
    tpu.wait_dma2 semaphore(%dma_wait3A_542 : memref<!tpu.dma_semaphore, #tpu.memory_space<semaphore_mem>>) src(%dma_wait3A_543 : memref<10000xf32, #tpu.memory_space<hbm>>) dst(%arg12 : memref<10000xf32, #tpu.memory_space<vmem>>)
    %dma_wait3A_544 = arith.constant 0 : i32
    %dma_wait3A_545 = tpu.memref_slice %arg4[%add3A_448] : memref<3200000xf32, #tpu.memory_space<hbm>> -> memref<10000xf32, #tpu.memory_space<hbm>>
    %dma_wait3A_546 = tpu.memref_slice %arg23[%dma_wait3A_544] : memref<2x!tpu.dma_semaphore, #tpu.memory_space<semaphore_mem>> -> memref<1x!tpu.dma_semaphore, #tpu.memory_space<semaphore_mem>>
    %dma_wait3A_547 = tpu.memref_squeeze %dma_wait3A_546 : memref<1x!tpu.dma_semaphore, #tpu.memory_space<semaphore_mem>> -> memref<!tpu.dma_semaphore, #tpu.memory_space<semaphore_mem>>
    %dma_wait3A_548 = tpu.memref_slice %arg4[%add3A_448] : memref<3200000xf32, #tpu.memory_space<hbm>> -> memref<10000xf32, #tpu.memory_space<hbm>>
    tpu.wait_dma2 semaphore(%dma_wait3A_547 : memref<!tpu.dma_semaphore, #tpu.memory_space<semaphore_mem>>) src(%dma_wait3A_548 : memref<10000xf32, #tpu.memory_space<hbm>>) dst(%arg14 : memref<10000xf32, #tpu.memory_space<vmem>>)
    %scan3A_549 = arith.constant 0 : i32
    %scan3A_550 = arith.constant 0 : i32
    %scan3A_551 = arith.constant 125 : i32
    %scan3A_552 = arith.addi %scan3A_550, %scan3A_551 : i32
    %scan3A_553 = arith.constant 1 : i32
    scf.for %scan3A_611 = %scan3A_550 to %scan3A_552 step %scan3A_553  : i32 {
      %mul3A_612 = arith.constant 80 : i32
      %mul3A_613 = arith.muli %scan3A_611, %mul3A_612 : i32
      %add3A_614 = arith.constant 0 : i32
      %add3A_615 = arith.addi %mul3A_613, %add3A_614 : i32
      %get3A = arith.index_cast %add3A_615 : i32 to index
      %get3A_616 = tpu.vector_load %arg10[%get3A] {strides = array<i32>} : memref<10000xf32, #tpu.memory_space<vmem>>, vector<16xf32>,
      %get3A_617 = vector.shape_cast %get3A_616 : vector<16xf32> to vector<16xf32>
      %get3A_618 = arith.index_cast %add3A_615 : i32 to index
      %get3A_619 = tpu.vector_load %arg12[%get3A_618] {strides = array<i32>} : memref<10000xf32, #tpu.memory_space<vmem>>, vector<16xf32>,
      %get3A_620 = vector.shape_cast %get3A_619 : vector<16xf32> to vector<16xf32>
      %get3A_621 = arith.index_cast %add3A_615 : i32 to index
      %get3A_622 = tpu.vector_load %arg14[%get3A_621] {strides = array<i32>} : memref<10000xf32, #tpu.memory_space<vmem>>, vector<16xf32>,
      %get3A_623 = vector.shape_cast %get3A_622 : vector<16xf32> to vector<16xf32>
      %mul3A_624 = arith.mulf %get3A_617, %get3A_617 : vector<16xf32>
      %mul3A_625 = arith.mulf %get3A_620, %get3A_620 : vector<16xf32>
      %add3A_626 = arith.addf %mul3A_624, %mul3A_625 : vector<16xf32>
      %mul3A_627 = arith.mulf %get3A_623, %get3A_623 : vector<16xf32>
      %add3A_628 = arith.addf %add3A_626, %mul3A_627 : vector<16xf32>
      %mul3A_629 = arith.constant 2.500000e-01 : f32
      %mul3A_630 = vector.broadcast %mul3A_629 : f32 to vector<16xf32>
      %mul3A_631 = arith.mulf %add3A_628, %mul3A_630 : vector<16xf32>
      %swap3A = arith.index_cast %add3A_615 : i32 to index
      %swap3A_632 = tpu.vector_load %arg16[%swap3A] {strides = array<i32>} : memref<10000xf32, #tpu.memory_space<vmem>>, vector<16xf32>,
      %swap3A_633 = vector.shape_cast %swap3A_632 : vector<16xf32> to vector<16xf32>
      %swap3A_634 = vector.shape_cast %mul3A_631 : vector<16xf32> to vector<16xf32>
      tpu.vector_store %arg16[%swap3A], %swap3A_634 {strides = array<i32>} : memref<10000xf32, #tpu.memory_space<vmem>>, vector<16xf32>,
      %mul3A_635 = arith.constant 80 : i32
      %mul3A_636 = arith.muli %scan3A_611, %mul3A_635 : i32
      %add3A_637 = arith.constant 16 : i32
      %add3A_638 = arith.addi %mul3A_636, %add3A_637 : i32
      %get3A_639 = arith.index_cast %add3A_638 : i32 to index
      %get3A_640 = tpu.vector_load %arg10[%get3A_639] {strides = array<i32>} : memref<10000xf32, #tpu.memory_space<vmem>>, vector<16xf32>,
      %get3A_641 = vector.shape_cast %get3A_640 : vector<16xf32> to vector<16xf32>
      %get3A_642 = arith.index_cast %add3A_638 : i32 to index
      %get3A_643 = tpu.vector_load %arg12[%get3A_642] {strides = array<i32>} : memref<10000xf32, #tpu.memory_space<vmem>>, vector<16xf32>,
      %get3A_644 = vector.shape_cast %get3A_643 : vector<16xf32> to vector<16xf32>
      %get3A_645 = arith.index_cast %add3A_638 : i32 to index
      %get3A_646 = tpu.vector_load %arg14[%get3A_645] {strides = array<i32>} : memref<10000xf32, #tpu.memory_space<vmem>>, vector<16xf32>,
      %get3A_647 = vector.shape_cast %get3A_646 : vector<16xf32> to vector<16xf32>
      %mul3A_648 = arith.mulf %get3A_641, %get3A_641 : vector<16xf32>
      %mul3A_649 = arith.mulf %get3A_644, %get3A_644 : vector<16xf32>
      %add3A_650 = arith.addf %mul3A_648, %mul3A_649 : vector<16xf32>
      %mul3A_651 = arith.mulf %get3A_647, %get3A_647 : vector<16xf32>
      %add3A_652 = arith.addf %add3A_650, %mul3A_651 : vector<16xf32>
      %mul3A_653 = arith.constant 2.500000e-01 : f32
      %mul3A_654 = vector.broadcast %mul3A_653 : f32 to vector<16xf32>
      %mul3A_655 = arith.mulf %add3A_652, %mul3A_654 : vector<16xf32>
      %swap3A_656 = arith.index_cast %add3A_638 : i32 to index
      %swap3A_657 = tpu.vector_load %arg16[%swap3A_656] {strides = array<i32>} : memref<10000xf32, #tpu.memory_space<vmem>>, vector<16xf32>,
      %swap3A_658 = vector.shape_cast %swap3A_657 : vector<16xf32> to vector<16xf32>
      %swap3A_659 = vector.shape_cast %mul3A_655 : vector<16xf32> to vector<16xf32>
      tpu.vector_store %arg16[%swap3A_656], %swap3A_659 {strides = array<i32>} : memref<10000xf32, #tpu.memory_space<vmem>>, vector<16xf32>,
      %mul3A_660 = arith.constant 80 : i32
      %mul3A_661 = arith.muli %scan3A_611, %mul3A_660 : i32
      %add3A_662 = arith.constant 32 : i32
      %add3A_663 = arith.addi %mul3A_661, %add3A_662 : i32
      %get3A_664 = arith.index_cast %add3A_663 : i32 to index
      %get3A_665 = tpu.vector_load %arg10[%get3A_664] {strides = array<i32>} : memref<10000xf32, #tpu.memory_space<vmem>>, vector<16xf32>,
      %get3A_666 = vector.shape_cast %get3A_665 : vector<16xf32> to vector<16xf32>
      %get3A_667 = arith.index_cast %add3A_663 : i32 to index
      %get3A_668 = tpu.vector_load %arg12[%get3A_667] {strides = array<i32>} : memref<10000xf32, #tpu.memory_space<vmem>>, vector<16xf32>,
      %get3A_669 = vector.shape_cast %get3A_668 : vector<16xf32> to vector<16xf32>
      %get3A_670 = arith.index_cast %add3A_663 : i32 to index
      %get3A_671 = tpu.vector_load %arg14[%get3A_670] {strides = array<i32>} : memref<10000xf32, #tpu.memory_space<vmem>>, vector<16xf32>,
      %get3A_672 = vector.shape_cast %get3A_671 : vector<16xf32> to vector<16xf32>
      %mul3A_673 = arith.mulf %get3A_666, %get3A_666 : vector<16xf32>
      %mul3A_674 = arith.mulf %get3A_669, %get3A_669 : vector<16xf32>
      %add3A_675 = arith.addf %mul3A_673, %mul3A_674 : vector<16xf32>
      %mul3A_676 = arith.mulf %get3A_672, %get3A_672 : vector<16xf32>
      %add3A_677 = arith.addf %add3A_675, %mul3A_676 : vector<16xf32>
      %mul3A_678 = arith.constant 2.500000e-01 : f32
      %mul3A_679 = vector.broadcast %mul3A_678 : f32 to vector<16xf32>
      %mul3A_680 = arith.mulf %add3A_677, %mul3A_679 : vector<16xf32>
      %swap3A_681 = arith.index_cast %add3A_663 : i32 to index
      %swap3A_682 = tpu.vector_load %arg16[%swap3A_681] {strides = array<i32>} : memref<10000xf32, #tpu.memory_space<vmem>>, vector<16xf32>,
      %swap3A_683 = vector.shape_cast %swap3A_682 : vector<16xf32> to vector<16xf32>
      %swap3A_684 = vector.shape_cast %mul3A_680 : vector<16xf32> to vector<16xf32>
      tpu.vector_store %arg16[%swap3A_681], %swap3A_684 {strides = array<i32>} : memref<10000xf32, #tpu.memory_space<vmem>>, vector<16xf32>,
      %mul3A_685 = arith.constant 80 : i32
      %mul3A_686 = arith.muli %scan3A_611, %mul3A_685 : i32
      %add3A_687 = arith.constant 48 : i32
      %add3A_688 = arith.addi %mul3A_686, %add3A_687 : i32
      %get3A_689 = arith.index_cast %add3A_688 : i32 to index
      %get3A_690 = tpu.vector_load %arg10[%get3A_689] {strides = array<i32>} : memref<10000xf32, #tpu.memory_space<vmem>>, vector<16xf32>,
      %get3A_691 = vector.shape_cast %get3A_690 : vector<16xf32> to vector<16xf32>
      %get3A_692 = arith.index_cast %add3A_688 : i32 to index
      %get3A_693 = tpu.vector_load %arg12[%get3A_692] {strides = array<i32>} : memref<10000xf32, #tpu.memory_space<vmem>>, vector<16xf32>,
      %get3A_694 = vector.shape_cast %get3A_693 : vector<16xf32> to vector<16xf32>
      %get3A_695 = arith.index_cast %add3A_688 : i32 to index
      %get3A_696 = tpu.vector_load %arg14[%get3A_695] {strides = array<i32>} : memref<10000xf32, #tpu.memory_space<vmem>>, vector<16xf32>,
      %get3A_697 = vector.shape_cast %get3A_696 : vector<16xf32> to vector<16xf32>
      %mul3A_698 = arith.mulf %get3A_691, %get3A_691 : vector<16xf32>
      %mul3A_699 = arith.mulf %get3A_694, %get3A_694 : vector<16xf32>
      %add3A_700 = arith.addf %mul3A_698, %mul3A_699 : vector<16xf32>
      %mul3A_701 = arith.mulf %get3A_697, %get3A_697 : vector<16xf32>
      %add3A_702 = arith.addf %add3A_700, %mul3A_701 : vector<16xf32>
      %mul3A_703 = arith.constant 2.500000e-01 : f32
      %mul3A_704 = vector.broadcast %mul3A_703 : f32 to vector<16xf32>
      %mul3A_705 = arith.mulf %add3A_702, %mul3A_704 : vector<16xf32>
      %swap3A_706 = arith.index_cast %add3A_688 : i32 to index
      %swap3A_707 = tpu.vector_load %arg16[%swap3A_706] {strides = array<i32>} : memref<10000xf32, #tpu.memory_space<vmem>>, vector<16xf32>,
      %swap3A_708 = vector.shape_cast %swap3A_707 : vector<16xf32> to vector<16xf32>
      %swap3A_709 = vector.shape_cast %mul3A_705 : vector<16xf32> to vector<16xf32>
      tpu.vector_store %arg16[%swap3A_706], %swap3A_709 {strides = array<i32>} : memref<10000xf32, #tpu.memory_space<vmem>>, vector<16xf32>,
      %mul3A_710 = arith.constant 80 : i32
      %mul3A_711 = arith.muli %scan3A_611, %mul3A_710 : i32
      %add3A_712 = arith.constant 64 : i32
      %add3A_713 = arith.addi %mul3A_711, %add3A_712 : i32
      %get3A_714 = arith.index_cast %add3A_713 : i32 to index
      %get3A_715 = tpu.vector_load %arg10[%get3A_714] {strides = array<i32>} : memref<10000xf32, #tpu.memory_space<vmem>>, vector<16xf32>,
      %get3A_716 = vector.shape_cast %get3A_715 : vector<16xf32> to vector<16xf32>
      %get3A_717 = arith.index_cast %add3A_713 : i32 to index
      %get3A_718 = tpu.vector_load %arg12[%get3A_717] {strides = array<i32>} : memref<10000xf32, #tpu.memory_space<vmem>>, vector<16xf32>,
      %get3A_719 = vector.shape_cast %get3A_718 : vector<16xf32> to vector<16xf32>
      %get3A_720 = arith.index_cast %add3A_713 : i32 to index
      %get3A_721 = tpu.vector_load %arg14[%get3A_720] {strides = array<i32>} : memref<10000xf32, #tpu.memory_space<vmem>>, vector<16xf32>,
      %get3A_722 = vector.shape_cast %get3A_721 : vector<16xf32> to vector<16xf32>
      %mul3A_723 = arith.mulf %get3A_716, %get3A_716 : vector<16xf32>
      %mul3A_724 = arith.mulf %get3A_719, %get3A_719 : vector<16xf32>
      %add3A_725 = arith.addf %mul3A_723, %mul3A_724 : vector<16xf32>
      %mul3A_726 = arith.mulf %get3A_722, %get3A_722 : vector<16xf32>
      %add3A_727 = arith.addf %add3A_725, %mul3A_726 : vector<16xf32>
      %mul3A_728 = arith.constant 2.500000e-01 : f32
      %mul3A_729 = vector.broadcast %mul3A_728 : f32 to vector<16xf32>
      %mul3A_730 = arith.mulf %add3A_727, %mul3A_729 : vector<16xf32>
      %swap3A_731 = arith.index_cast %add3A_713 : i32 to index
      %swap3A_732 = tpu.vector_load %arg16[%swap3A_731] {strides = array<i32>} : memref<10000xf32, #tpu.memory_space<vmem>>, vector<16xf32>,
      %swap3A_733 = vector.shape_cast %swap3A_732 : vector<16xf32> to vector<16xf32>
      %swap3A_734 = vector.shape_cast %mul3A_730 : vector<16xf32> to vector<16xf32>
      tpu.vector_store %arg16[%swap3A_731], %swap3A_734 {strides = array<i32>} : memref<10000xf32, #tpu.memory_space<vmem>>, vector<16xf32>,
    }
    %scan3A_554 = arith.constant 125 : i32
    %dma_start3A_555 = arith.constant 0 : i32
    %dma_start3A_556 = arith.constant 0 : i32
    %dma_start3A_557 = tpu.memref_slice %arg19[%dma_start3A_556] : memref<102400xf32, #tpu.memory_space<vmem_shared>> -> memref<102400xf32, #tpu.memory_space<vmem_shared>>
    %dma_start3A_558 = tpu.memref_slice %arg24[%dma_start3A_555] : memref<2x!tpu.dma_semaphore, #tpu.memory_space<semaphore_mem>> -> memref<1x!tpu.dma_semaphore, #tpu.memory_space<semaphore_mem>>
    %dma_start3A_559 = tpu.memref_squeeze %dma_start3A_558 : memref<1x!tpu.dma_semaphore, #tpu.memory_space<semaphore_mem>> -> memref<!tpu.dma_semaphore, #tpu.memory_space<semaphore_mem>>
    tpu.enqueue_indirect_dma source(%arg16 : memref<10000xf32, #tpu.memory_space<vmem>>) target(%dma_start3A_557 : memref<102400xf32, #tpu.memory_space<vmem_shared>>) offsets(%arg9 : memref<10000xi32, #tpu.memory_space<vmem>>) semaphore(%dma_start3A_559 : memref<!tpu.dma_semaphore, #tpu.memory_space<semaphore_mem>>) {add = true}
    %dma_wait3A_560 = arith.constant 1 : i32
    %dma_wait3A_561 = arith.constant 0 : i32
    %dma_wait3A_562 = tpu.memref_slice %arg19[%dma_wait3A_561] : memref<102400xf32, #tpu.memory_space<vmem_shared>> -> memref<102400xf32, #tpu.memory_space<vmem_shared>>
    %dma_wait3A_563 = tpu.memref_slice %arg24[%dma_wait3A_560] : memref<2x!tpu.dma_semaphore, #tpu.memory_space<semaphore_mem>> -> memref<1x!tpu.dma_semaphore, #tpu.memory_space<semaphore_mem>>
    %dma_wait3A_564 = tpu.memref_squeeze %dma_wait3A_563 : memref<1x!tpu.dma_semaphore, #tpu.memory_space<semaphore_mem>> -> memref<!tpu.dma_semaphore, #tpu.memory_space<semaphore_mem>>
    tpu.wait_indirect_dma semaphore(%dma_wait3A_564 : memref<!tpu.dma_semaphore, #tpu.memory_space<semaphore_mem>>) src(%arg17 : memref<10000xf32, #tpu.memory_space<vmem>>) dst(%dma_wait3A_562 : memref<102400xf32, #tpu.memory_space<vmem_shared>>)
    %dma_wait3A_565 = arith.constant 0 : i32
    %dma_wait3A_566 = tpu.memref_slice %arg5[%add3A_508] : memref<3200000xi32, #tpu.memory_space<hbm>> -> memref<10000xi32, #tpu.memory_space<hbm>>
    %dma_wait3A_567 = tpu.memref_slice %arg20[%dma_wait3A_565] : memref<3x!tpu.dma_semaphore, #tpu.memory_space<semaphore_mem>> -> memref<1x!tpu.dma_semaphore, #tpu.memory_space<semaphore_mem>>
    %dma_wait3A_568 = tpu.memref_squeeze %dma_wait3A_567 : memref<1x!tpu.dma_semaphore, #tpu.memory_space<semaphore_mem>> -> memref<!tpu.dma_semaphore, #tpu.memory_space<semaphore_mem>>
    %dma_wait3A_569 = tpu.memref_slice %arg5[%add3A_508] : memref<3200000xi32, #tpu.memory_space<hbm>> -> memref<10000xi32, #tpu.memory_space<hbm>>
    tpu.wait_dma2 semaphore(%dma_wait3A_568 : memref<!tpu.dma_semaphore, #tpu.memory_space<semaphore_mem>>) src(%dma_wait3A_569 : memref<10000xi32, #tpu.memory_space<hbm>>) dst(%arg7 : memref<10000xi32, #tpu.memory_space<vmem>>)
    %dma_wait3A_570 = arith.constant 1 : i32
    %dma_wait3A_571 = tpu.memref_slice %arg2[%add3A_508] : memref<3200000xf32, #tpu.memory_space<hbm>> -> memref<10000xf32, #tpu.memory_space<hbm>>
    %dma_wait3A_572 = tpu.memref_slice %arg21[%dma_wait3A_570] : memref<2x!tpu.dma_semaphore, #tpu.memory_space<semaphore_mem>> -> memref<1x!tpu.dma_semaphore, #tpu.memory_space<semaphore_mem>>
    %dma_wait3A_573 = tpu.memref_squeeze %dma_wait3A_572 : memref<1x!tpu.dma_semaphore, #tpu.memory_space<semaphore_mem>> -> memref<!tpu.dma_semaphore, #tpu.memory_space<semaphore_mem>>
    %dma_wait3A_574 = tpu.memref_slice %arg2[%add3A_508] : memref<3200000xf32, #tpu.memory_space<hbm>> -> memref<10000xf32, #tpu.memory_space<hbm>>
    tpu.wait_dma2 semaphore(%dma_wait3A_573 : memref<!tpu.dma_semaphore, #tpu.memory_space<semaphore_mem>>) src(%dma_wait3A_574 : memref<10000xf32, #tpu.memory_space<hbm>>) dst(%arg11 : memref<10000xf32, #tpu.memory_space<vmem>>)
    %dma_wait3A_575 = arith.constant 1 : i32
    %dma_wait3A_576 = tpu.memref_slice %arg3[%add3A_508] : memref<3200000xf32, #tpu.memory_space<hbm>> -> memref<10000xf32, #tpu.memory_space<hbm>>
    %dma_wait3A_577 = tpu.memref_slice %arg22[%dma_wait3A_575] : memref<2x!tpu.dma_semaphore, #tpu.memory_space<semaphore_mem>> -> memref<1x!tpu.dma_semaphore, #tpu.memory_space<semaphore_mem>>
    %dma_wait3A_578 = tpu.memref_squeeze %dma_wait3A_577 : memref<1x!tpu.dma_semaphore, #tpu.memory_space<semaphore_mem>> -> memref<!tpu.dma_semaphore, #tpu.memory_space<semaphore_mem>>
    %dma_wait3A_579 = tpu.memref_slice %arg3[%add3A_508] : memref<3200000xf32, #tpu.memory_space<hbm>> -> memref<10000xf32, #tpu.memory_space<hbm>>
    tpu.wait_dma2 semaphore(%dma_wait3A_578 : memref<!tpu.dma_semaphore, #tpu.memory_space<semaphore_mem>>) src(%dma_wait3A_579 : memref<10000xf32, #tpu.memory_space<hbm>>) dst(%arg13 : memref<10000xf32, #tpu.memory_space<vmem>>)
    %dma_wait3A_580 = arith.constant 1 : i32
    %dma_wait3A_581 = tpu.memref_slice %arg4[%add3A_508] : memref<3200000xf32, #tpu.memory_space<hbm>> -> memref<10000xf32, #tpu.memory_space<hbm>>
    %dma_wait3A_582 = tpu.memref_slice %arg23[%dma_wait3A_580] : memref<2x!tpu.dma_semaphore, #tpu.memory_space<semaphore_mem>> -> memref<1x!tpu.dma_semaphore, #tpu.memory_space<semaphore_mem>>
    %dma_wait3A_583 = tpu.memref_squeeze %dma_wait3A_582 : memref<1x!tpu.dma_semaphore, #tpu.memory_space<semaphore_mem>> -> memref<!tpu.dma_semaphore, #tpu.memory_space<semaphore_mem>>
    %dma_wait3A_584 = tpu.memref_slice %arg4[%add3A_508] : memref<3200000xf32, #tpu.memory_space<hbm>> -> memref<10000xf32, #tpu.memory_space<hbm>>
    tpu.wait_dma2 semaphore(%dma_wait3A_583 : memref<!tpu.dma_semaphore, #tpu.memory_space<semaphore_mem>>) src(%dma_wait3A_584 : memref<10000xf32, #tpu.memory_space<hbm>>) dst(%arg15 : memref<10000xf32, #tpu.memory_space<vmem>>)
    %scan3A_585 = arith.constant 0 : i32
    %scan3A_586 = arith.constant 0 : i32
    %scan3A_587 = arith.constant 125 : i32
    %scan3A_588 = arith.addi %scan3A_586, %scan3A_587 : i32
    %scan3A_589 = arith.constant 1 : i32
    scf.for %scan3A_611 = %scan3A_586 to %scan3A_588 step %scan3A_589  : i32 {
      %mul3A_612 = arith.constant 80 : i32
      %mul3A_613 = arith.muli %scan3A_611, %mul3A_612 : i32
      %add3A_614 = arith.constant 0 : i32
      %add3A_615 = arith.addi %mul3A_613, %add3A_614 : i32
      %get3A = arith.index_cast %add3A_615 : i32 to index
      %get3A_616 = tpu.vector_load %arg11[%get3A] {strides = array<i32>} : memref<10000xf32, #tpu.memory_space<vmem>>, vector<16xf32>,
      %get3A_617 = vector.shape_cast %get3A_616 : vector<16xf32> to vector<16xf32>
      %get3A_618 = arith.index_cast %add3A_615 : i32 to index
      %get3A_619 = tpu.vector_load %arg13[%get3A_618] {strides = array<i32>} : memref<10000xf32, #tpu.memory_space<vmem>>, vector<16xf32>,
      %get3A_620 = vector.shape_cast %get3A_619 : vector<16xf32> to vector<16xf32>
      %get3A_621 = arith.index_cast %add3A_615 : i32 to index
      %get3A_622 = tpu.vector_load %arg15[%get3A_621] {strides = array<i32>} : memref<10000xf32, #tpu.memory_space<vmem>>, vector<16xf32>,
      %get3A_623 = vector.shape_cast %get3A_622 : vector<16xf32> to vector<16xf32>
      %mul3A_624 = arith.mulf %get3A_617, %get3A_617 : vector<16xf32>
      %mul3A_625 = arith.mulf %get3A_620, %get3A_620 : vector<16xf32>
      %add3A_626 = arith.addf %mul3A_624, %mul3A_625 : vector<16xf32>
      %mul3A_627 = arith.mulf %get3A_623, %get3A_623 : vector<16xf32>
      %add3A_628 = arith.addf %add3A_626, %mul3A_627 : vector<16xf32>
      %mul3A_629 = arith.constant 2.500000e-01 : f32
      %mul3A_630 = vector.broadcast %mul3A_629 : f32 to vector<16xf32>
      %mul3A_631 = arith.mulf %add3A_628, %mul3A_630 : vector<16xf32>
      %swap3A = arith.index_cast %add3A_615 : i32 to index
      %swap3A_632 = tpu.vector_load %arg17[%swap3A] {strides = array<i32>} : memref<10000xf32, #tpu.memory_space<vmem>>, vector<16xf32>,
      %swap3A_633 = vector.shape_cast %swap3A_632 : vector<16xf32> to vector<16xf32>
      %swap3A_634 = vector.shape_cast %mul3A_631 : vector<16xf32> to vector<16xf32>
      tpu.vector_store %arg17[%swap3A], %swap3A_634 {strides = array<i32>} : memref<10000xf32, #tpu.memory_space<vmem>>, vector<16xf32>,
      %mul3A_635 = arith.constant 80 : i32
      %mul3A_636 = arith.muli %scan3A_611, %mul3A_635 : i32
      %add3A_637 = arith.constant 16 : i32
      %add3A_638 = arith.addi %mul3A_636, %add3A_637 : i32
      %get3A_639 = arith.index_cast %add3A_638 : i32 to index
      %get3A_640 = tpu.vector_load %arg11[%get3A_639] {strides = array<i32>} : memref<10000xf32, #tpu.memory_space<vmem>>, vector<16xf32>,
      %get3A_641 = vector.shape_cast %get3A_640 : vector<16xf32> to vector<16xf32>
      %get3A_642 = arith.index_cast %add3A_638 : i32 to index
      %get3A_643 = tpu.vector_load %arg13[%get3A_642] {strides = array<i32>} : memref<10000xf32, #tpu.memory_space<vmem>>, vector<16xf32>,
      %get3A_644 = vector.shape_cast %get3A_643 : vector<16xf32> to vector<16xf32>
      %get3A_645 = arith.index_cast %add3A_638 : i32 to index
      %get3A_646 = tpu.vector_load %arg15[%get3A_645] {strides = array<i32>} : memref<10000xf32, #tpu.memory_space<vmem>>, vector<16xf32>,
      %get3A_647 = vector.shape_cast %get3A_646 : vector<16xf32> to vector<16xf32>
      %mul3A_648 = arith.mulf %get3A_641, %get3A_641 : vector<16xf32>
      %mul3A_649 = arith.mulf %get3A_644, %get3A_644 : vector<16xf32>
      %add3A_650 = arith.addf %mul3A_648, %mul3A_649 : vector<16xf32>
      %mul3A_651 = arith.mulf %get3A_647, %get3A_647 : vector<16xf32>
      %add3A_652 = arith.addf %add3A_650, %mul3A_651 : vector<16xf32>
      %mul3A_653 = arith.constant 2.500000e-01 : f32
      %mul3A_654 = vector.broadcast %mul3A_653 : f32 to vector<16xf32>
      %mul3A_655 = arith.mulf %add3A_652, %mul3A_654 : vector<16xf32>
      %swap3A_656 = arith.index_cast %add3A_638 : i32 to index
      %swap3A_657 = tpu.vector_load %arg17[%swap3A_656] {strides = array<i32>} : memref<10000xf32, #tpu.memory_space<vmem>>, vector<16xf32>,
      %swap3A_658 = vector.shape_cast %swap3A_657 : vector<16xf32> to vector<16xf32>
      %swap3A_659 = vector.shape_cast %mul3A_655 : vector<16xf32> to vector<16xf32>
      tpu.vector_store %arg17[%swap3A_656], %swap3A_659 {strides = array<i32>} : memref<10000xf32, #tpu.memory_space<vmem>>, vector<16xf32>,
      %mul3A_660 = arith.constant 80 : i32
      %mul3A_661 = arith.muli %scan3A_611, %mul3A_660 : i32
      %add3A_662 = arith.constant 32 : i32
      %add3A_663 = arith.addi %mul3A_661, %add3A_662 : i32
      %get3A_664 = arith.index_cast %add3A_663 : i32 to index
      %get3A_665 = tpu.vector_load %arg11[%get3A_664] {strides = array<i32>} : memref<10000xf32, #tpu.memory_space<vmem>>, vector<16xf32>,
      %get3A_666 = vector.shape_cast %get3A_665 : vector<16xf32> to vector<16xf32>
      %get3A_667 = arith.index_cast %add3A_663 : i32 to index
      %get3A_668 = tpu.vector_load %arg13[%get3A_667] {strides = array<i32>} : memref<10000xf32, #tpu.memory_space<vmem>>, vector<16xf32>,
      %get3A_669 = vector.shape_cast %get3A_668 : vector<16xf32> to vector<16xf32>
      %get3A_670 = arith.index_cast %add3A_663 : i32 to index
      %get3A_671 = tpu.vector_load %arg15[%get3A_670] {strides = array<i32>} : memref<10000xf32, #tpu.memory_space<vmem>>, vector<16xf32>,
      %get3A_672 = vector.shape_cast %get3A_671 : vector<16xf32> to vector<16xf32>
      %mul3A_673 = arith.mulf %get3A_666, %get3A_666 : vector<16xf32>
      %mul3A_674 = arith.mulf %get3A_669, %get3A_669 : vector<16xf32>
      %add3A_675 = arith.addf %mul3A_673, %mul3A_674 : vector<16xf32>
      %mul3A_676 = arith.mulf %get3A_672, %get3A_672 : vector<16xf32>
      %add3A_677 = arith.addf %add3A_675, %mul3A_676 : vector<16xf32>
      %mul3A_678 = arith.constant 2.500000e-01 : f32
      %mul3A_679 = vector.broadcast %mul3A_678 : f32 to vector<16xf32>
      %mul3A_680 = arith.mulf %add3A_677, %mul3A_679 : vector<16xf32>
      %swap3A_681 = arith.index_cast %add3A_663 : i32 to index
      %swap3A_682 = tpu.vector_load %arg17[%swap3A_681] {strides = array<i32>} : memref<10000xf32, #tpu.memory_space<vmem>>, vector<16xf32>,
      %swap3A_683 = vector.shape_cast %swap3A_682 : vector<16xf32> to vector<16xf32>
      %swap3A_684 = vector.shape_cast %mul3A_680 : vector<16xf32> to vector<16xf32>
      tpu.vector_store %arg17[%swap3A_681], %swap3A_684 {strides = array<i32>} : memref<10000xf32, #tpu.memory_space<vmem>>, vector<16xf32>,
      %mul3A_685 = arith.constant 80 : i32
      %mul3A_686 = arith.muli %scan3A_611, %mul3A_685 : i32
      %add3A_687 = arith.constant 48 : i32
      %add3A_688 = arith.addi %mul3A_686, %add3A_687 : i32
      %get3A_689 = arith.index_cast %add3A_688 : i32 to index
      %get3A_690 = tpu.vector_load %arg11[%get3A_689] {strides = array<i32>} : memref<10000xf32, #tpu.memory_space<vmem>>, vector<16xf32>,
      %get3A_691 = vector.shape_cast %get3A_690 : vector<16xf32> to vector<16xf32>
      %get3A_692 = arith.index_cast %add3A_688 : i32 to index
      %get3A_693 = tpu.vector_load %arg13[%get3A_692] {strides = array<i32>} : memref<10000xf32, #tpu.memory_space<vmem>>, vector<16xf32>,
      %get3A_694 = vector.shape_cast %get3A_693 : vector<16xf32> to vector<16xf32>
      %get3A_695 = arith.index_cast %add3A_688 : i32 to index
      %get3A_696 = tpu.vector_load %arg15[%get3A_695] {strides = array<i32>} : memref<10000xf32, #tpu.memory_space<vmem>>, vector<16xf32>,
      %get3A_697 = vector.shape_cast %get3A_696 : vector<16xf32> to vector<16xf32>
      %mul3A_698 = arith.mulf %get3A_691, %get3A_691 : vector<16xf32>
      %mul3A_699 = arith.mulf %get3A_694, %get3A_694 : vector<16xf32>
      %add3A_700 = arith.addf %mul3A_698, %mul3A_699 : vector<16xf32>
      %mul3A_701 = arith.mulf %get3A_697, %get3A_697 : vector<16xf32>
      %add3A_702 = arith.addf %add3A_700, %mul3A_701 : vector<16xf32>
      %mul3A_703 = arith.constant 2.500000e-01 : f32
      %mul3A_704 = vector.broadcast %mul3A_703 : f32 to vector<16xf32>
      %mul3A_705 = arith.mulf %add3A_702, %mul3A_704 : vector<16xf32>
      %swap3A_706 = arith.index_cast %add3A_688 : i32 to index
      %swap3A_707 = tpu.vector_load %arg17[%swap3A_706] {strides = array<i32>} : memref<10000xf32, #tpu.memory_space<vmem>>, vector<16xf32>,
      %swap3A_708 = vector.shape_cast %swap3A_707 : vector<16xf32> to vector<16xf32>
      %swap3A_709 = vector.shape_cast %mul3A_705 : vector<16xf32> to vector<16xf32>
      tpu.vector_store %arg17[%swap3A_706], %swap3A_709 {strides = array<i32>} : memref<10000xf32, #tpu.memory_space<vmem>>, vector<16xf32>,
      %mul3A_710 = arith.constant 80 : i32
      %mul3A_711 = arith.muli %scan3A_611, %mul3A_710 : i32
      %add3A_712 = arith.constant 64 : i32
      %add3A_713 = arith.addi %mul3A_711, %add3A_712 : i32
      %get3A_714 = arith.index_cast %add3A_713 : i32 to index
      %get3A_715 = tpu.vector_load %arg11[%get3A_714] {strides = array<i32>} : memref<10000xf32, #tpu.memory_space<vmem>>, vector<16xf32>,
      %get3A_716 = vector.shape_cast %get3A_715 : vector<16xf32> to vector<16xf32>
      %get3A_717 = arith.index_cast %add3A_713 : i32 to index
      %get3A_718 = tpu.vector_load %arg13[%get3A_717] {strides = array<i32>} : memref<10000xf32, #tpu.memory_space<vmem>>, vector<16xf32>,
      %get3A_719 = vector.shape_cast %get3A_718 : vector<16xf32> to vector<16xf32>
      %get3A_720 = arith.index_cast %add3A_713 : i32 to index
      %get3A_721 = tpu.vector_load %arg15[%get3A_720] {strides = array<i32>} : memref<10000xf32, #tpu.memory_space<vmem>>, vector<16xf32>,
      %get3A_722 = vector.shape_cast %get3A_721 : vector<16xf32> to vector<16xf32>
      %mul3A_723 = arith.mulf %get3A_716, %get3A_716 : vector<16xf32>
      %mul3A_724 = arith.mulf %get3A_719, %get3A_719 : vector<16xf32>
      %add3A_725 = arith.addf %mul3A_723, %mul3A_724 : vector<16xf32>
      %mul3A_726 = arith.mulf %get3A_722, %get3A_722 : vector<16xf32>
      %add3A_727 = arith.addf %add3A_725, %mul3A_726 : vector<16xf32>
      %mul3A_728 = arith.constant 2.500000e-01 : f32
      %mul3A_729 = vector.broadcast %mul3A_728 : f32 to vector<16xf32>
      %mul3A_730 = arith.mulf %add3A_727, %mul3A_729 : vector<16xf32>
      %swap3A_731 = arith.index_cast %add3A_713 : i32 to index
      %swap3A_732 = tpu.vector_load %arg17[%swap3A_731] {strides = array<i32>} : memref<10000xf32, #tpu.memory_space<vmem>>, vector<16xf32>,
      %swap3A_733 = vector.shape_cast %swap3A_732 : vector<16xf32> to vector<16xf32>
      %swap3A_734 = vector.shape_cast %mul3A_730 : vector<16xf32> to vector<16xf32>
      tpu.vector_store %arg17[%swap3A_731], %swap3A_734 {strides = array<i32>} : memref<10000xf32, #tpu.memory_space<vmem>>, vector<16xf32>,
    }
    %scan3A_590 = arith.constant 125 : i32
    %dma_start3A_591 = arith.constant 1 : i32
    %dma_start3A_592 = arith.constant 0 : i32
    %dma_start3A_593 = tpu.memref_slice %arg19[%dma_start3A_592] : memref<102400xf32, #tpu.memory_space<vmem_shared>> -> memref<102400xf32, #tpu.memory_space<vmem_shared>>
    %dma_start3A_594 = tpu.memref_slice %arg24[%dma_start3A_591] : memref<2x!tpu.dma_semaphore, #tpu.memory_space<semaphore_mem>> -> memref<1x!tpu.dma_semaphore, #tpu.memory_space<semaphore_mem>>
    %dma_start3A_595 = tpu.memref_squeeze %dma_start3A_594 : memref<1x!tpu.dma_semaphore, #tpu.memory_space<semaphore_mem>> -> memref<!tpu.dma_semaphore, #tpu.memory_space<semaphore_mem>>
    tpu.enqueue_indirect_dma source(%arg17 : memref<10000xf32, #tpu.memory_space<vmem>>) target(%dma_start3A_593 : memref<102400xf32, #tpu.memory_space<vmem_shared>>) offsets(%arg7 : memref<10000xi32, #tpu.memory_space<vmem>>) semaphore(%dma_start3A_595 : memref<!tpu.dma_semaphore, #tpu.memory_space<semaphore_mem>>) {add = true}
    %dma_wait3A_596 = arith.constant 0 : i32
    %dma_wait3A_597 = arith.constant 0 : i32
    %dma_wait3A_598 = tpu.memref_slice %arg19[%dma_wait3A_597] : memref<102400xf32, #tpu.memory_space<vmem_shared>> -> memref<102400xf32, #tpu.memory_space<vmem_shared>>
    %dma_wait3A_599 = tpu.memref_slice %arg24[%dma_wait3A_596] : memref<2x!tpu.dma_semaphore, #tpu.memory_space<semaphore_mem>> -> memref<1x!tpu.dma_semaphore, #tpu.memory_space<semaphore_mem>>
    %dma_wait3A_600 = tpu.memref_squeeze %dma_wait3A_599 : memref<1x!tpu.dma_semaphore, #tpu.memory_space<semaphore_mem>> -> memref<!tpu.dma_semaphore, #tpu.memory_space<semaphore_mem>>
    tpu.wait_indirect_dma semaphore(%dma_wait3A_600 : memref<!tpu.dma_semaphore, #tpu.memory_space<semaphore_mem>>) src(%arg16 : memref<10000xf32, #tpu.memory_space<vmem>>) dst(%dma_wait3A_598 : memref<102400xf32, #tpu.memory_space<vmem_shared>>)
    %dma_wait3A_601 = arith.constant 1 : i32
    %dma_wait3A_602 = arith.constant 0 : i32
    %dma_wait3A_603 = tpu.memref_slice %arg19[%dma_wait3A_602] : memref<102400xf32, #tpu.memory_space<vmem_shared>> -> memref<102400xf32, #tpu.memory_space<vmem_shared>>
    %dma_wait3A_604 = tpu.memref_slice %arg24[%dma_wait3A_601] : memref<2x!tpu.dma_semaphore, #tpu.memory_space<semaphore_mem>> -> memref<1x!tpu.dma_semaphore, #tpu.memory_space<semaphore_mem>>
    %dma_wait3A_605 = tpu.memref_squeeze %dma_wait3A_604 : memref<1x!tpu.dma_semaphore, #tpu.memory_space<semaphore_mem>> -> memref<!tpu.dma_semaphore, #tpu.memory_space<semaphore_mem>>
    tpu.wait_indirect_dma semaphore(%dma_wait3A_605 : memref<!tpu.dma_semaphore, #tpu.memory_space<semaphore_mem>>) src(%arg17 : memref<10000xf32, #tpu.memory_space<vmem>>) dst(%dma_wait3A_603 : memref<102400xf32, #tpu.memory_space<vmem_shared>>)
    %barrier3A_606 = arith.constant 0 : index
    tpu.barrier barrier_id(%barrier3A_606)
    %mul3A_607 = arith.constant 6400 : i32
    %mul3A_608 = arith.muli %arg1, %mul3A_607 : i32
    "tpu.region"() ({
      %run_scoped3A = tpu.sem_alloc : memref<!tpu.dma_semaphore, #tpu.memory_space<semaphore_mem>>
      %dma_start3A_611 = tpu.memref_slice %arg19[%mul3A_608] : memref<102400xf32, #tpu.memory_space<vmem_shared>> -> memref<6400xf32, #tpu.memory_space<vmem_shared>>
      %dma_start3A_612 = tpu.memref_slice %arg19[%mul3A_608] : memref<102400xf32, #tpu.memory_space<vmem_shared>> -> memref<6400xf32, #tpu.memory_space<vmem_shared>>
      tpu.enqueue_dma source(%dma_start3A_612 : memref<6400xf32, #tpu.memory_space<vmem_shared>>) target(%arg18 : memref<6400xf32, #tpu.memory_space<vmem>>) target_semaphore(%run_scoped3A : memref<!tpu.dma_semaphore, #tpu.memory_space<semaphore_mem>>)
      %dma_wait3A_613 = tpu.memref_slice %arg19[%mul3A_608] : memref<102400xf32, #tpu.memory_space<vmem_shared>> -> memref<6400xf32, #tpu.memory_space<vmem_shared>>
      %dma_wait3A_614 = tpu.memref_slice %arg19[%mul3A_608] : memref<102400xf32, #tpu.memory_space<vmem_shared>> -> memref<6400xf32, #tpu.memory_space<vmem_shared>>
      tpu.wait_dma2 semaphore(%run_scoped3A : memref<!tpu.dma_semaphore, #tpu.memory_space<semaphore_mem>>) src(%dma_wait3A_614 : memref<6400xf32, #tpu.memory_space<vmem_shared>>) dst(%arg18 : memref<6400xf32, #tpu.memory_space<vmem>>)
      tpu.yield
    }) : () -> ()
    %mul3A_609 = arith.constant 6400 : i32
    %mul3A_610 = arith.muli %arg1, %mul3A_609 : i32
    "tpu.region"() ({
      %run_scoped3A = tpu.sem_alloc : memref<!tpu.dma_semaphore, #tpu.memory_space<semaphore_mem>>
      %dma_start3A_611 = tpu.memref_slice %arg6[%arg0, %mul3A_610] : memref<2x102400xf32, #tpu.memory_space<hbm>> -> memref<1x6400xf32, #tpu.memory_space<hbm>>
      %dma_start3A_612 = tpu.memref_squeeze %dma_start3A_611 : memref<1x6400xf32, #tpu.memory_space<hbm>> -> memref<6400xf32, #tpu.memory_space<hbm>>
      %dma_start3A_613 = tpu.memref_slice %arg6[%arg0, %mul3A_610] : memref<2x102400xf32, #tpu.memory_space<hbm>> -> memref<1x6400xf32, #tpu.memory_space<hbm>>
      %dma_start3A_614 = tpu.memref_squeeze %dma_start3A_613 : memref<1x6400xf32, #tpu.memory_space<hbm>> -> memref<6400xf32, #tpu.memory_space<hbm>>
      tpu.enqueue_dma source(%arg18 : memref<6400xf32, #tpu.memory_space<vmem>>) target(%dma_start3A_614 : memref<6400xf32, #tpu.memory_space<hbm>>) target_semaphore(%run_scoped3A : memref<!tpu.dma_semaphore, #tpu.memory_space<semaphore_mem>>)
      %dma_wait3A_615 = tpu.memref_slice %arg6[%arg0, %mul3A_610] : memref<2x102400xf32, #tpu.memory_space<hbm>> -> memref<1x6400xf32, #tpu.memory_space<hbm>>
      %dma_wait3A_616 = tpu.memref_squeeze %dma_wait3A_615 : memref<1x6400xf32, #tpu.memory_space<hbm>> -> memref<6400xf32, #tpu.memory_space<hbm>>
      %dma_wait3A_617 = tpu.memref_slice %arg6[%arg0, %mul3A_610] : memref<2x102400xf32, #tpu.memory_space<hbm>> -> memref<1x6400xf32, #tpu.memory_space<hbm>>
      %dma_wait3A_618 = tpu.memref_squeeze %dma_wait3A_617 : memref<1x6400xf32, #tpu.memory_space<hbm>> -> memref<6400xf32, #tpu.memory_space<hbm>>
      tpu.wait_dma2 semaphore(%run_scoped3A : memref<!tpu.dma_semaphore, #tpu.memory_space<semaphore_mem>>) src(%arg18 : memref<6400xf32, #tpu.memory_space<vmem>>) dst(%dma_wait3A_618 : memref<6400xf32, #tpu.memory_space<hbm>>)
      tpu.yield
    }) : () -> ()
    return
  }
}

module attributes {stable_mosaic.version = 14 : i64} {
  func.func @_charges_body(%arg0: i32, %arg1: memref<640000xf32, #tpu.memory_space<vmem>>, %arg2: memref<640000xf32, #tpu.memory_space<vmem>>, %arg3: memref<640000xf32, #tpu.memory_space<vmem>>, %arg4: memref<640000xf32, #tpu.memory_space<vmem>>) attributes {dimension_semantics = [#tpu.dimension_semantics<arbitrary>], iteration_bounds = array<i64: 5>, scalar_prefetch = 0 : i64, scratch_operands = 0 : i64, tpu.core_type = #tpu.core_type<tc>, window_params = [{transform_indices = @transform_0, window_bounds = array<i64: 640000>}, {transform_indices = @transform_1, window_bounds = array<i64: 640000>}, {transform_indices = @transform_2, window_bounds = array<i64: 640000>}, {transform_indices = @transform_3, window_bounds = array<i64: 640000>}]} {
    %get3A = arith.constant 0 : index
    %get3A_0 = vector.load %arg1[%get3A] : memref<640000xf32, #tpu.memory_space<vmem>>, vector<640000xf32>
    %get3A_1 = arith.constant 0 : index
    %get3A_2 = vector.load %arg2[%get3A_1] : memref<640000xf32, #tpu.memory_space<vmem>>, vector<640000xf32>
    %add3A = arith.addf %get3A_0, %get3A_2 : vector<640000xf32>
    %get3A_3 = arith.constant 0 : index
    %get3A_4 = vector.load %arg3[%get3A_3] : memref<640000xf32, #tpu.memory_space<vmem>>, vector<640000xf32>
    %add3A_5 = arith.addf %add3A, %get3A_4 : vector<640000xf32>
    %swap3A = arith.constant 0 : index
    %swap3A_6 = vector.load %arg4[%swap3A] : memref<640000xf32, #tpu.memory_space<vmem>>, vector<640000xf32>
    tpu.vector_store %arg4[%swap3A], %add3A_5 {strides = array<i32>} : memref<640000xf32, #tpu.memory_space<vmem>>, vector<640000xf32>,
    return
  }
  func.func @transform_0(%arg0: i32) -> i32 {
    %c0_i32 = arith.constant 0 : i32
    return %arg0 : i32
  }
  func.func @transform_1(%arg0: i32) -> i32 {
    %c0_i32 = arith.constant 0 : i32
    return %arg0 : i32
  }
  func.func @transform_2(%arg0: i32) -> i32 {
    %c0_i32 = arith.constant 0 : i32
    return %arg0 : i32
  }
  func.func @transform_3(%arg0: i32) -> i32 {
    %c0_i32 = arith.constant 0 : i32
    return %arg0 : i32
  }
}

module attributes {stable_mosaic.version = 14 : i64} {
  func.func @_combine_body(%arg0: memref<2x800x128xf32, #tpu.memory_space<vmem>>, %arg1: memref<800x128xf32, #tpu.memory_space<vmem>>) attributes {dimension_semantics = [], scalar_prefetch = 0 : i64, scratch_operands = 0 : i64, tpu.core_type = #tpu.core_type<tc>} {
    %get3A = arith.constant 0 : index
    %get3A_0 = arith.constant 0 : index
    %get3A_1 = arith.constant 0 : index
    %get3A_2 = vector.load %arg0[%get3A, %get3A_0, %get3A_1] : memref<2x800x128xf32, #tpu.memory_space<vmem>>, vector<1x800x128xf32>
    %get3A_3 = vector.shape_cast %get3A_2 : vector<1x800x128xf32> to vector<800x128xf32>
    %get3A_4 = arith.constant 1 : index
    %get3A_5 = arith.constant 0 : index
    %get3A_6 = arith.constant 0 : index
    %get3A_7 = vector.load %arg0[%get3A_4, %get3A_5, %get3A_6] : memref<2x800x128xf32, #tpu.memory_space<vmem>>, vector<1x800x128xf32>
    %get3A_8 = vector.shape_cast %get3A_7 : vector<1x800x128xf32> to vector<800x128xf32>
    %add3A = arith.addf %get3A_3, %get3A_8 : vector<800x128xf32>
    %swap3A = arith.constant 0 : index
    %swap3A_9 = arith.constant 0 : index
    %swap3A_10 = vector.load %arg1[%swap3A, %swap3A_9] : memref<800x128xf32, #tpu.memory_space<vmem>>, vector<800x128xf32>
    tpu.vector_store %arg1[%swap3A, %swap3A_9], %add3A {strides = array<i32>} : memref<800x128xf32, #tpu.memory_space<vmem>>, vector<800x128xf32>,
    return
  }
}

</mosaic_0001>

<sc_bundles>
// kernel: kernel.5.cloned.1.call-start
scs
__scs_entry_jumppad:
0x0: {  	(pc) =	sbr.rel $0x88, $3  }
0x1: {  	(tag) =	ssettag $0x0;
	lr =	simm.s32 $0x1  }
0x2: {  	[smem:$0x3F9F] =	sst lr;
	_ =	strace $0xD0000000  }
0x3: {  	_ = 	snop  }
0x4: {  	_ = 	snop  }
0x5: {  	_ = 	snop  }
0x6: {  	_ = 	snop  }
0x7: {  	_ = 	snop  }
__scs_overlays_trampoline_lowered:
0x8: {  	[smem:$0x3FAE] =	sst s0  }
0x9: {  	[smem:$0x3FAF] =	sst s1  }
0xa: {  	[smem:$0x3FB0] =	sst s2  }
0xb: {  	[smem:$0x3FB1] =	sst s3  }
0xc: {  	[smem:$0x3FB2] =	sst s4  }
0xd: {  	[smem:$0x3FB3] =	sst s5  }
0xe: {  	[smem:$0x3FB4] =	sst s6  }
0xf: {  	[smem:$0x3FB5] =	sst s7  }
0x10: {  	[smem:$0x3FB6] =	sst s8  }
0x11: {  	[smem:$0x3FB7] =	sst s9;
	s0 =	simm.s32 @!p0 $0x0  }
0x12: {  	s1 =	sld [smem:$0x3F9D];
	s0 =	simm.s32 @p0 $0x1  }
0x13: {  	[smem:$0x3FB8] =	sst s0;
	s0 =	simm.s32 @!p1 $0x0  }
0x14: {  	s2 =	sld [smem:$0x3F9C];
	s0 =	simm.s32 @p1 $0x1  }
0x15: {  	[smem:$0x3FB9] =	sst s0;
	s0 =	simm.s32 @!p2 $0x0  }
0x16: {  	s3 =	sld [smem:$0x3FDB];
	s0 =	simm.s32 @p2 $0x1  }
0x17: {  	s4 =	simm.s32 $0x1BF5;
	[smem:$0x3FBB] =	sst s0  }
0x18: {  	s0 =	sld [smem:$0x3F9E];
	_ =	swait.ge [sflag:s4], $0x0  }
0x19: {  	s7 =	sld [smem:$0x3F9F]  }
0x1a: {  	s8 =	sadd.s32 $0xFFFFE003, lr  }
0x1b: {  	s9 =	sadd.s32 $0xFFFFFEF7, lr;
	s5 =	simm.s32 $0xFFFFFFFF;
	p2 =	slt.u32 s8, $0xFFFFF086  }
0x1c: {  	p1 =	slt.u32 s9, $0xF7A;
	s5 =	simm.s32 @!p2 $0x0  }
0x1d: {  	s5 =	simm.s32 @p1 $0x1;
	p0 =	seq.s32 s7, s2  }
0x1e: {  	s7 =	smul.u32 @!p0 $0xF7A, s2;
	p2 =	seq.s32 @!p0 s5, $0x0  }
0x1f: {  	s9 =	smul.u32 $0xF7A, s1;
	s8 =	simm.s32 @!p0 $0x1BF5;
	p2 =	por !p2, p0  }
0x20: {  	[sflag:s8] =	ssyncset.s32 @!p0 $0xFFFFF086;
	s6 =	sadd.s32 @!p0 s3, s7;
	s7 =	simm.s32 @!p0 $0x108  }
0x21: {  	s3 =	sadd.s32 s3, s9;
	s6 =	sadd.s32 @!p0 $0x88, s6;
	s7 =	simm.s32 @p2 $0x1082  }
0x22: {  	[simem:s7], [sflag:s8] =	dma.local @!p0 [hbm:s6], $0xF7A  }
0x23: {  	s9 =	sor.u32 $0xD0000000, s2;
	s6 =	simm.s32 $0x108;
	_ =	swait.ge @!p0 [sflag:s8], $0x0  }
0x24: {  	s3 =	sadd.s32 $0x88, s3;
	s6 =	simm.s32 @!p1 $0x1082;
	[sflag:s4] =	ssyncset.s32 $0xFFFFF086  }
0x25: {  	[simem:s6], [sflag:s4] =	dma.local [hbm:s3], $0xF7A  }
0x26: {  	[smem:$0x3F9F] =	sst s1;
	(tag) =	ssettag s2;
	_ =	strace s9  }
0x27: {  	s1 =	sld [smem:$0x3FAF]  }
0x28: {  	s2 =	sld [smem:$0x3FB0]  }
0x29: {  	s4 =	sld [smem:$0x3FB2]  }
0x2a: {  	p0 =	seq.s32 s5, $0x0;
	s5 =	sld [smem:$0x3FB3]  }
0x2b: {  	s6 =	sld [smem:$0x3FB4]  }
0x2c: {  	s7 =	sld [smem:$0x3FB5]  }
0x2d: {  	s3 =	simm.s32 $0x108;
	s8 =	sld [smem:$0x3FB6]  }
0x2e: {  	s3 =	simm.s32 @!p0 $0x1082;
	s9 =	sld [smem:$0x3FB7]  }
0x2f: {  	lr =	sadd.s32 s0, s3;
	s0 =	sld [smem:$0x3FAE]  }
0x30: {  	s3 =	sld [smem:$0x3FB1]  }
0x31: {  	[smem:$0x3FBA] =	sst s10  }
0x32: {  	s10 =	sld [smem:$0x3FB8];
	_ =	sdelay $0x3  }
0x33: {  	p0 =	seq.s32 s10, $0x1;
	s10 =	sld [smem:$0x3FBA];
	_ =	sdelay $0x3  }
0x34: {  	[smem:$0x3FBA] =	sst s10  }
0x35: {  	s10 =	sld [smem:$0x3FB9];
	_ =	sdelay $0x3  }
0x36: {  	p1 =	seq.s32 s10, $0x1;
	s10 =	sld [smem:$0x3FBA];
	_ =	sdelay $0x3  }
0x37: {  	[smem:$0x3FBA] =	sst s10  }
0x38: {  	s10 =	sld [smem:$0x3FBB]  }
0x39: {  	_ = 	snop;
	(pc) =	sbr.ind lr, $3  }
0x3a: {  	_ = 	snop  }
0x3b: {  	_ = 	snop  }
0x3c: {  	p2 =	seq.s32 s10, $0x1;
	s10 =	sld [smem:$0x3FBA]  }
0x3d: {  	_ =	shalt  }
0x3e: {  	_ =	shalt  }
0x3f: {  	_ =	shalt  }
0x40: {  	_ =	shalt  }
0x41: {  	_ =	shalt  }
0x42: {  	_ =	shalt  }
0x43: {  	_ =	shalt  }
0x44: {  	_ =	shalt  }
0x45: {  	_ =	shalt  }
0x46: {  	_ =	shalt  }
0x47: {  	_ =	shalt  }
0x48: {  	_ =	shalt  }
0x49: {  	_ =	shalt  }
0x4a: {  	_ =	shalt  }
0x4b: {  	_ =	shalt  }
0x4c: {  	_ =	shalt  }
0x4d: {  	_ =	shalt  }
0x4e: {  	_ =	shalt  }
0x4f: {  	_ =	shalt  }
0x50: {  	_ =	shalt  }
0x51: {  	_ =	shalt  }
0x52: {  	_ =	shalt  }
0x53: {  	_ =	shalt  }
0x54: {  	_ =	shalt  }
0x55: {  	_ =	shalt  }
0x56: {  	_ =	shalt  }
0x57: {  	_ =	shalt  }
0x58: {  	_ =	shalt  }
0x59: {  	_ =	shalt  }
0x5a: {  	_ =	shalt  }
0x5b: {  	_ =	shalt  }
0x5c: {  	_ =	shalt  }
0x5d: {  	_ =	shalt  }
0x5e: {  	_ =	shalt  }
0x5f: {  	_ =	shalt  }
0x60: {  	_ =	shalt  }
0x61: {  	_ =	shalt  }
0x62: {  	_ =	shalt  }
0x63: {  	_ =	shalt  }
0x64: {  	_ =	shalt  }
0x65: {  	_ =	shalt  }
0x66: {  	_ =	shalt  }
0x67: {  	_ =	shalt  }
0x68: {  	_ =	shalt  }
0x69: {  	_ =	shalt  }
0x6a: {  	_ =	shalt  }
0x6b: {  	_ =	shalt  }
0x6c: {  	_ =	shalt  }
0x6d: {  	_ =	shalt  }
0x6e: {  	_ =	shalt  }
0x6f: {  	_ =	shalt  }
0x70: {  	_ =	shalt  }
0x71: {  	_ =	shalt  }
0x72: {  	_ =	shalt  }
0x73: {  	_ =	shalt  }
0x74: {  	_ =	shalt  }
0x75: {  	_ =	shalt  }
0x76: {  	_ =	shalt  }
0x77: {  	_ =	shalt  }
0x78: {  	_ =	shalt  }
0x79: {  	_ =	shalt  }
0x7a: {  	_ =	shalt  }
0x7b: {  	_ =	shalt  }
0x7c: {  	_ =	shalt  }
0x7d: {  	_ =	shalt  }
0x7e: {  	_ =	shalt  }
0x7f: {  	_ =	shalt  }
0x80: {  	_ =	shalt  }
0x81: {  	_ =	shalt  }
0x82: {  	_ =	shalt  }
0x83: {  	_ =	shalt  }
0x84: {  	_ =	shalt  }
0x85: {  	_ =	shalt  }
0x86: {  	_ =	shalt  }
0x87: {  	_ =	shalt  }
.Lfunc_end0:
.L_simem_size_0:
called_computation_lowered:
.L_overlay_start_0:
0x88: {  	s2 =	sld [smem:$0x3FD9]  }
0x89: {  	s3 =	sld [smem:$0x3FFE];
	_ =	sdelay $0x1  }
0x8a: {  	s1 =	srdreg.scid  }
0x8b: {  	s0 =	sand.u32 $0x1, s1  }
0x8c: {  	s17 =	sshll.u32 s0, $0xA;
	s2 =	sadd.s32 s3, s2  }
0x8d: {  	s2 =	sadd.s32 s2, s17  }
0x8e: {  	[smem:$0x3FC6] =	sst s2  }
0x8f: {  	_ = 	snop  }
0x90: {  	s2 =	sld [smem:$0x3FC8];
	(tm) =	ssettm $0x1  }
0x91: {  	s18 =	sld [smem:$0x3FFB];
	_ =	sdelay $0x3  }
0x92: {  	_ =	strace s18  }
0x93: {  	s3 =	sld [smem:$0x3FFC];
	_ =	sdelay $0x3  }
0x94: {  	_ =	strace s3  }
0x95: {  	s3 =	sld [smem:$0x3FFD];
	_ =	sdelay $0x3  }
0x96: {  	_ =	strace s3  }
0x97: {  	_ =	strace $0x8FFFFFFF  }
0x98: {  	s19 =	sld [smem:$0x3FDB];
	_ =	sdelay $0x1  }
0x99: {  	s4 =	simm.s32 $_scs_section_size  }
0x9a: {  	s5 =	simm.s32 $_size__tile_overlayer_lowered;
	s6 =	simm.s32 $_tile_overlayer_lowered  }
0x9b: {  	s22 =	simm.s32 $0x1BFF;
	s21 =	sshll.u32 s6, $0x1;
	s3 =	sadd.s32 s4, s19  }
0x9c: {  	s7 =	simm.s32 $0x0;
	s20 =	sshll.u32 s5, $0x1;
	s5 =	sadd.s32 s21, s3  }
0x9d: {  	[timem:s7], [sflag:s22] =	dma.local [hbm:s5], s20  }
0x9e: {  	_ =	swait.ge [sflag:s22], s20  }
0x9f: {  	s4 =	ssub.s32 $0x0, s20;
	[sflag:s22] =	ssyncset.done $0x0  }
0xa0: {  	[sflag:s22] =	ssyncadd.s32 s4;
	_ =	sdelay $0x1  }
0xa1: {  	s23 =	simm.s32 $0x1B8B  }
0xa2: {  	_ =	swait.ge [sflag:s23], $0x1  }
0xa3: {  	[sflag:s23] =	ssyncset.done $0x0  }
0xa4: {  	s25 =	simm.s32 $0x1B8E;
	s24 =	sld [smem:$0x3FFE];
	[sflag:s23] =	ssyncadd.s32 $0xFFFFFFFF  }
0xa5: {  	s26 =	simm.s32 $execute0_lowered;
	[smem:$0x3FD2] =	sst s25  }
0xa6: {  	s5 =	sshll.u32 s26, $0x1;
	_ =	strace $0x80000046;
	[dreg:$0x1] =	wrdreg $0xFFFFFFFF  }
0xa7: {  	s28 =	simm.s32 $_size_execute0_lowered;
	s3 =	sadd.s32 s3, s5;
	[dreg:$0x0] =	wrdreg $0x0  }
0xa8: {  	s5 =	sshll.u32 s28, $0x1;
	[dreg:$0x2] =	wrdreg s3  }
0xa9: {  	[dreg:$0x3] =	wrdreg s5  }
0xaa: {  	[dreg:$0x4] =	wrdreg $0xC0  }
0xab: {  	_ =	task [dreg:s7], $0x5FFFF  }
0xac: {  	[dreg:$0x1] =	wrdreg $0xFFFFFFFF  }
0xad: {  	[dreg:$0x0] =	wrdreg $0x60  }
0xae: {  	[dreg:$0x2] =	wrdreg s24  }
0xaf: {  	[dreg:$0x3] =	wrdreg s2  }
0xb0: {  	[dreg:$0x4] =	wrdreg $0x1CB800  }
0xb1: {  	[dreg:$0x5] =	wrdreg $0x9  }
0xb2: {  	_ =	task.clear_ibuf [dreg:s7], $0x6FFFF;
	_ =	strace $0x90000046  }
0xb3: {  	s29 =	simm.s32 $0x9;
	_ =	strace $0x80000048  }
0xb4: {  	_ =	swait.ge [sflag:s29], $0x1  }
0xb5: {  	[sflag:s29] =	ssyncadd.s32 $0xFFFFFFFF  }
0xb6: {  	_ =	strace $0x90000048  }
0xb7: {  	_ =	sfence  }
0xb8: {  	s30 =	sld [smem:$0x0];
	_ =	sdelay $0x2  }
0xb9: {  	s31 =	sshll.u32 s1, $0xD;
	s1 =	sshrl.u32 s1, $0x2  }
0xba: {  	s3 =	sand.u32 $0x4000, s31;
	s1 =	sadd.s32 s1, s30  }
0xbb: {  	s0 =	sor.u32 s3, s0;
	s1 =	sshll.u32 s1, $0x11  }
0xbc: {  	s0 =	sor.u32 s1, s0  }
0xbd: {  	s0 =	sadd.s32 $0x8F2B, s0  }
0xbe: {  	[sflag:s0] =	ssyncadd.remote.s32 $0x1  }
0xbf: {  	_ =	sfence.sel $0xFFFF  }
0xc0: {  	[dreg:$0x0] =	wrdreg $0xFFFFFFFF;
	(pc) =	sbr.abs _section_cstart, $3  }
0xc1: {  	[dreg:$0x1] =	wrdreg $0xFFFFFFFF  }
0xc2: {  	_ =	task.clear_ibuf [dreg:s7], $0x2FFFF;
	_ =	strace $0x9FFFFFFF  }
0xc3: {  	(tm) =	ssettm $0x7FFFFFFF  }
tec
execute0_lowered:
.L_overlay_start_1:
0x0: {  	(tag) =	ssettag $0x1  }
0x1: {  	s1 =	srdreg.scid  }
0x2: {  	s3 =	sand.u32 $0x1, s1  }
0x3: {  	s11 =	stileid.u32;
	s4 =	sshll.u32 s3, $0x4  }
0x4: {  	s4 =	sor.u32 s11, s4  }
0x5: {  	s4 =	smul.u32 $0x186A0, s4  }
0x6: {  	s2 =	rddreg [dreg:$0x0]  }
0x7: {  	s0 =	rddreg [dreg:$0x1];
	s1 =	simm.s32 $0x0;
	s4 =	sshrl.u32 s4, $0x3  }
0x8: {  	s5 =	smul.u32 $0x3200, s11;
	s6 =	sadd.s32 $0xC4000, s2;
	s18 =	sadd.s32 $0x4E2, s4  }
0x9: {  	s8 =	sadd.s32 $0x62400, s2;
	[smem:$0x7FF] =	sst s1;
	s19 =	sadd.s32 s0, s18  }
0xa: {  	s10 =	sadd.s32 $0x800, s2;
	s20 =	sadd.s32 s6, s18;
	[dreg:$0x4] =	wrdreg s19  }
0xb: {  	s7 =	sshll.u32 s3, $0x7;
	s21 =	sadd.s32 s8, s18;
	[dreg:$0x5] =	wrdreg s20  }
0xc: {  	s23 =	sadd.s32 $0x9C4, s4;
	s22 =	sadd.s32 s10, s18;
	[dreg:$0x6] =	wrdreg s21  }
0xd: {  	s5 =	sor.u32 s7, s5;
	s24 =	sadd.s32 s0, s23;
	[dreg:$0x7] =	wrdreg s22  }
0xe: {  	s5 =	sshrl.u32 s5, $0x3;
	s25 =	sadd.s32 s6, s23;
	[dreg:$0x8] =	wrdreg s24  }
0xf: {  	s2 =	sadd.s32 s5, s2;
	s9 =	sadd.s32 s8, s23;
	[dreg:$0x9] =	wrdreg s25  }
0x10: {  	s26 =	sadd.s32 $0xEA6, s4;
	s5 =	sadd.s32 s10, s23;
	[dreg:$0xa] =	wrdreg s9  }
0x11: {  	s12 =	sadd.s32 s6, s26;
	[dreg:$0xb] =	wrdreg s5  }
0x12: {  	s13 =	sadd.s32 s8, s26;
	[dreg:$0xd] =	wrdreg s12  }
0x13: {  	s14 =	sadd.s32 $0x1388, s4;
	s7 =	sadd.s32 s10, s26;
	[dreg:$0xe] =	wrdreg s13  }
0x14: {  	s3 =	ssub.s32 $0x2, s3;
	s15 =	sadd.s32 s0, s14;
	[dreg:$0xf] =	wrdreg s7  }
0x15: {  	s17 =	sshrl.u32 s3, $0x1;
	s16 =	sadd.s32 s6, s14;
	[dreg:$0x10] =	wrdreg s15  }
0x16: {  	s3 =	ssub.s32 s3, s17;
	s17 =	sadd.s32 s8, s14;
	[dreg:$0x11] =	wrdreg s16  }
0x17: {  	s9 =	sadd.s32 s0, s26;
	[dreg:$0x12] =	wrdreg s17  }
0x18: {  	s18 =	sadd.s32 $0x186A, s4;
	s5 =	sadd.s32 s10, s14;
	[dreg:$0xc] =	wrdreg s9  }
0x19: {  	s19 =	sadd.s32 s0, s18;
	[dreg:$0x13] =	wrdreg s5  }
0x1a: {  	s20 =	sadd.s32 s6, s18;
	[dreg:$0x14] =	wrdreg s19  }
0x1b: {  	s22 =	sadd.s32 s8, s18;
	[dreg:$0x15] =	wrdreg s20  }
0x1c: {  	s21 =	sadd.s32 $0x1D4C, s4;
	[dreg:$0x16] =	wrdreg s22;
	s5 =	sadd.s32 s10, s18  }
0x1d: {  	s23 =	sadd.s32 s0, s21;
	[dreg:$0x17] =	wrdreg s5  }
0x1e: {  	s24 =	sadd.s32 s6, s21;
	[dreg:$0x18] =	wrdreg s23  }
0x1f: {  	s25 =	sadd.s32 s8, s21;
	[dreg:$0x19] =	wrdreg s24  }
0x20: {  	s26 =	sadd.s32 $0x222E, s4;
	s7 =	sadd.s32 s10, s21;
	[dreg:$0x1a] =	wrdreg s25  }
0x21: {  	s9 =	sadd.s32 s0, s26;
	[dreg:$0x1b] =	wrdreg s7  }
0x22: {  	s12 =	sadd.s32 s6, s26;
	[dreg:$0x1c] =	wrdreg s9  }
0x23: {  	s14 =	sadd.s32 $0x2710, s4;
	s13 =	sadd.s32 s8, s26;
	[dreg:$0x1d] =	wrdreg s12  }
0x24: {  	s15 =	sadd.s32 s0, s14;
	[dreg:$0x1e] =	wrdreg s13  }
0x25: {  	s28 =	simm.s32 $0x6;
	s16 =	sadd.s32 s6, s14;
	[smem:$0x7F0] =	sst s15  }
0x26: {  	s29 =	simm.s32 $0x8;
	s17 =	sadd.s32 s8, s14;
	[smem:$0x7F1] =	sst s16  }
0x27: {  	s30 =	simm.s32 $0x2710;
	s18 =	sadd.s32 s0, s4;
	[smem:$0x7F2] =	sst s17  }
0x28: {  	s31 =	simm.s32 $0x16380;
	s19 =	sadd.s32 s6, s4;
	[smem:$0x7F4] =	sst s18  }
0x29: {  	s20 =	sadd.s32 s8, s4;
	s21 =	sadd.s32 s10, s4;
	[smem:$0x7F5] =	sst s19  }
0x2a: {  	s4 =	sadd.s32 $0x2BF2, s4;
	s22 =	smul.u32 $0x6400, s11;
	[smem:$0x7F6] =	sst s20  }
0x2b: {  	s11 =	simm.s32 $0x0;
	s5 =	sadd.s32 s10, s26;
	[smem:$0x7F7] =	sst s21  }
0x2c: {  	s0 =	sadd.s32 s0, s4;
	s9 =	rddreg [dreg:$0x2];
	s23 =	sadd.s32 s6, s4  }
0x2d: {  	s24 =	sadd.s32 s8, s4;
	s4 =	sadd.s32 s10, s4;
	s25 =	sadd.s32 $0x125C00, s2  }
0x2e: {  	s26 =	smax.u32 s3, $0x1;
	s16 =	simm.s32 $0x7680;
	s17 =	simm.s32 $0xC580  }
0x2f: {  	s18 =	simm.s32 $0x11480;
	s19 =	simm.s32 $0x2780;
	[dreg:$0x1f] =	wrdreg s5  }
0x30: {  	s20 =	simm.s32 $0x9E00;
	s21 =	simm.s32 $0xED00;
	[smem:$0x7F8] =	sst s0  }
0x31: {  	s2 =	simm.s32 $0x2;
	s3 =	simm.s32 $0x5;
	[smem:$0x7F9] =	sst s23  }
0x32: {  	s6 =	simm.s32 $0x18B00;
	s7 =	simm.s32 $0xA;
	[smem:$0x7FA] =	sst s24  }
0x33: {  	s8 =	simm.s32 $0x3;
	s5 =	sadd.s32 s10, s14;
	[smem:$0x7FB] =	sst s4  }
0x34: {  	s0 =	sshrl.u32 s22, $0x2;
	s22 =	simm.s32 $0x13C00;
	s23 =	simm.s32 $0x1B280  }
0x35: {  	s24 =	simm.s32 $0xC;
	s4 =	simm.s32 $0x7;
	s10 =	simm.s32 $0xB  }
0x36: {  	[smem:$0x7F3] =	sst s5;
	s13 =	sadd.s32 s0, s9;
	s0 =	simm.s32 $0x4F00  }
0x37: {  	s5 =	simm.s32 $0x9;
	_ =	strace $0x80000047;
	[smem:$0x7FC] =	sst s25  }
0x38: {  	v0 =	vimm.f32 $0.0e+00;
	[smem:$0x7FD] =	sst s26;
	s25 =	simm.s32 $0x1;
	s26 =	simm.s32 $0x4  }
.LBB2_1:
0x39: {  	s12 =	sld [smem:$0x7F4];
	_ =	sdelay $0x1  }
0x3a: {  	s15 =	sld [smem:$0x7F5]  }
0x3b: {  	[tilespmem:s1], [sflag:$0x1] =	stream.linear.gather [hbm4b:s12+s1], $0x2710, $0x38;
	[tilespmem:$0x1E480] =	vst v63  }
0x3c: {  	s14 =	sld [smem:$0x7F6]  }
0x3d: {  	[tilespmem:s16], [sflag:$0x4] =	stream.linear.gather [hbm4b:s15+s1], $0x2710, $0x38;
	[tilespmem:$0x1E480] =	vst v63  }
0x3e: {  	s15 =	sld [smem:$0x7F7]  }
0x3f: {  	[tilespmem:s17], [sflag:$0x6] =	stream.linear.gather [hbm4b:s14+s1], $0x2710, $0x38;
	[tilespmem:$0x1E480] =	vst v63  }
0x40: {  	_ = 	snop  }
0x41: {  	[tilespmem:s18], [sflag:$0x8] =	stream.linear.gather [hbm4b:s15+s1], $0x2710, $0x38;
	[tilespmem:$0x1E480] =	vst v63  }
0x42: {  	s14 =	rddreg [dreg:$0x4]  }
0x43: {  	[tilespmem:s19], [sflag:$0x2] =	stream.linear.gather [hbm4b:s14+s1], $0x2710, $0x38;
	[tilespmem:$0x1E480] =	vst v63  }
0x44: {  	s15 =	rddreg [dreg:$0x5]  }
0x45: {  	[tilespmem:s20], [sflag:$0x5] =	stream.linear.gather [hbm4b:s15+s1], $0x2710, $0x38;
	[tilespmem:$0x1E480] =	vst v63  }
0x46: {  	s14 =	rddreg [dreg:$0x6]  }
0x47: {  	[tilespmem:s21], [sflag:$0x7] =	stream.linear.gather [hbm4b:s14+s1], $0x2710, $0x38;
	[tilespmem:$0x1E480] =	vst v63  }
0x48: {  	s12 =	simm.s32 $0x40;
	s15 =	rddreg [dreg:$0x7];
	s14 =	simm.s32 $0x0  }
0x49: {  	[tilespmem:s22], [sflag:$0x9] =	stream.linear.gather [hbm4b:s15+s1], $0x2710, $0x38;
	[tilespmem:$0x1E480] =	vst v63  }
.LBB2_2:
0x4a: {  	p0 =	sne.s32 s12, $0x63C0;
	[tilespmem:s14+$0x1B280] =	vst v0;
	s14 =	smov.u32 s12;
	s12 =	sadd.s32 $0x40, s12  }
.Ltmp0:
0x4b: {  	(pc) =	sbr.rel @p0 .LBB2_2-.Ltmp0, $2  }
0x4c: {  	_ =	sdelay $0x2  }
0x4d: {  	s14 =	sshra.s32 s14, $0x2  }
0x4e: {  	[tilespmem:s14+$0x1B280] =	vst v0  }
0x4f: {  	[spmem:s13] =	stream.linear.scatter [tilespmem:s23], [sflag:$0xC], $0x1900, $0x38;
	[tilespmem:$0x1E480] =	vst v63  }
0x50: {  	_ =	swait.ge [sflag:s24], $0x1900  }
0x51: {  	[sflag:s24] =	ssyncset.done $0x0  }
0x52: {  	[sflag:s24] =	ssyncadd.s32 $0xFFFFE700  }
0x53: {  	[bflag:$0x0] =	sbarrier.arrive $0xFFFF  }
0x54: {  	_ =	swait.ge [sflag:s25], $0x2710  }
0x55: {  	[sflag:s25] =	ssyncset.done $0x0  }
0x56: {  	[sflag:s25] =	ssyncadd.s32 $0xFFFFD8F0  }
0x57: {  	_ =	swait.ge [sflag:s26], $0x2710  }
0x58: {  	[sflag:s26] =	ssyncset.done $0x0  }
0x59: {  	[sflag:s26] =	ssyncadd.s32 $0xFFFFD8F0  }
0x5a: {  	_ =	swait.ge [sflag:s28], $0x2710  }
0x5b: {  	[sflag:s28] =	ssyncset.done $0x0  }
0x5c: {  	[sflag:s28] =	ssyncadd.s32 $0xFFFFD8F0  }
0x5d: {  	_ =	swait.ge [sflag:s29], $0x2710  }
0x5e: {  	[sflag:s29] =	ssyncset.done $0x0  }
0x5f: {  	s12 =	simm.s32 $0x0;
	[sflag:s29] =	ssyncadd.s32 $0xFFFFD8F0  }
0x60: {  	v1 =	vld [tilespmem:s12+$0x76C0]  }
0x61: {  	v2 =	vld [tilespmem:s12+$0xC5C0]  }
0x62: {  	v3 =	vld [tilespmem:s12+$0x7680]  }
0x63: {  	v4 =	vld [tilespmem:s12+$0x114C0]  }
0x64: {  	v5 =	vld [tilespmem:s12+$0xC580]  }
0x65: {  	v6 =	vld [tilespmem:s12+$0x7690]  }
0x66: {  	v7 =	vld [tilespmem:s12+$0xC590];
	v1 =	vmul.f32 v1, v1;
	v2 =	vmul.f32 v2, v2  }
0x67: {  	v8 =	vld [tilespmem:s12+$0x76A0]  }
0x68: {  	v9 =	vld [tilespmem:s12+$0xC5A0];
	v1 =	vadd.f32 v2, v1;
	v2 =	vmul.f32 v4, v4  }
0x69: {  	v10 =	vld [tilespmem:s12+$0x76B0]  }
0x6a: {  	v11 =	vld [tilespmem:s12+$0xC5B0];
	v12 =	vmul.f32 v3, v3;
	v1 =	vadd.f32 v2, v1  }
0x6b: {  	v3 =	vld [tilespmem:s12+$0x11480];
	v5 =	vmul.f32 v5, v5;
	v13 =	vmul.f32 v6, v6  }
0x6c: {  	v6 =	vld [tilespmem:s12+$0x11490];
	v14 =	vmul.f32 v7, v7;
	v1 =	vmul.f32 $2.500000000e-01, v1  }
0x6d: {  	v8 =	vmul.f32 v8, v8;
	v15 =	vmul.f32 v9, v9;
	v4 =	vld [tilespmem:s12+$0x114A0]  }
0x6e: {  	s14 =	simm.s32 $0x50;
	v9 =	vmul.f32 v10, v10;
	v7 =	vadd.f32 v5, v12;
	v2 =	vld [tilespmem:s12+$0x114B0];
	[tilespmem:s12+$0x163C0] =	vst v1  }
0x6f: {  	s15 =	simm.s32 $0x280;
	v10 =	vmul.f32 v11, v11;
	v5 =	vadd.f32 v14, v13;
	v8 =	vadd.f32 v15, v8;
	v1 =	vld [tilespmem:s14+$0x76C0]  }
.LBB2_4:
0x70: {  	p0 =	sne.s32 s15, $0x9B00;
	v11 =	vld [tilespmem:s14+$0xC5C0];
	v3 =	vmul.f32 v3, v3  }
0x71: {  	v12 =	vld [tilespmem:s14+$0x7680];
	v6 =	vmul.f32 v6, v6;
	v9 =	vadd.f32 v10, v9  }
0x72: {  	v10 =	vld [tilespmem:s14+$0x114C0];
	v3 =	vadd.f32 v3, v7;
	v4 =	vmul.f32 v4, v4  }
0x73: {  	v7 =	vld [tilespmem:s14+$0xC580];
	v5 =	vadd.f32 v6, v5;
	v2 =	vmul.f32 v2, v2  }
0x74: {  	v6 =	vld [tilespmem:s14+$0x7690];
	v3 =	vmul.f32 $2.500000000e-01, v3;
	v4 =	vadd.f32 v4, v8  }
0x75: {  	v1 =	vmul.f32 v1, v1;
	v8 =	vld [tilespmem:s14+$0xC590];
	v11 =	vmul.f32 v11, v11;
	v2 =	vadd.f32 v2, v9  }
0x76: {  	v9 =	vmul.f32 v12, v12;
	v12 =	vld [tilespmem:s14+$0x76A0];
	[tilespmem:s12+$0x16380] =	vst v3;
	v3 =	vmul.f32 $2.500000000e-01, v5  }
0x77: {  	v4 =	vmul.f32 $2.500000000e-01, v4;
	v13 =	vld [tilespmem:s14+$0xC5A0];
	v1 =	vadd.f32 v11, v1;
	v5 =	vmul.f32 v10, v10  }
0x78: {  	v2 =	vmul.f32 $2.500000000e-01, v2;
	v7 =	vmul.f32 v7, v7;
	v10 =	vld [tilespmem:s14+$0x76B0];
	[tilespmem:s12+$0x16390] =	vst v3  }
0x79: {  	v11 =	vmul.f32 v6, v6;
	v14 =	vld [tilespmem:s14+$0xC5B0];
	v1 =	vadd.f32 v5, v1;
	[tilespmem:s12+$0x163A0] =	vst v4  }
.Ltmp1:
0x7a: {  	v3 =	vld [tilespmem:s14+$0x11480];
	v7 =	vadd.f32 v7, v9;
	v4 =	vmul.f32 v8, v8;
	[tilespmem:s12+$0x163B0] =	vst v2;
	s12 =	smov.u32 s14;
	(pc) =	sbr.rel @p0 .LBB2_4-.Ltmp1, $4  }
0x7b: {  	v6 =	vld [tilespmem:s12+$0x11490];
	v8 =	vmul.f32 v12, v12;
	v1 =	vmul.f32 $2.500000000e-01, v1  }
0x7c: {  	v5 =	vadd.f32 v4, v11;
	v4 =	vld [tilespmem:s12+$0x114A0];
	v11 =	vmul.f32 v13, v13  }
0x7d: {  	s14 =	sshra.s32 s15, $0x2;
	v2 =	vld [tilespmem:s12+$0x114B0];
	v9 =	vmul.f32 v10, v10;
	[tilespmem:s12+$0x163C0] =	vst v1  }
0x7e: {  	s15 =	sadd.s32 $0x140, s15;
	v1 =	vld [tilespmem:s14+$0x76C0];
	v8 =	vadd.f32 v11, v8;
	v10 =	vmul.f32 v14, v14  }
0x7f: {  	v11 =	vld [tilespmem:s14+$0xC5C0];
	v3 =	vmul.f32 v3, v3  }
0x80: {  	v12 =	vld [tilespmem:s14+$0x7680]  }
0x81: {  	v13 =	vld [tilespmem:s14+$0x114C0];
	v3 =	vadd.f32 v3, v7  }
0x82: {  	v14 =	vld [tilespmem:s14+$0x7690];
	v6 =	vmul.f32 v6, v6  }
0x83: {  	v15 =	vld [tilespmem:s14+$0xC590];
	v4 =	vmul.f32 v4, v4;
	v3 =	vmul.f32 $2.500000000e-01, v3  }
0x84: {  	v9 =	vadd.f32 v10, v9;
	v7 =	vld [tilespmem:s14+$0xC580];
	v5 =	vadd.f32 v6, v5;
	v2 =	vmul.f32 v2, v2  }
0x85: {  	v6 =	vld [tilespmem:s14+$0x76A0];
	[tilespmem:s12+$0x16380] =	vst v3;
	v3 =	vadd.f32 v4, v8  }
0x86: {  	v2 =	vadd.f32 v2, v9;
	v4 =	vmul.f32 $2.500000000e-01, v5  }
0x87: {  	v1 =	vmul.f32 v1, v1;
	v5 =	vld [tilespmem:s14+$0xC5A0];
	v3 =	vmul.f32 $2.500000000e-01, v3  }
0x88: {  	v9 =	vmul.f32 v11, v11;
	v8 =	vld [tilespmem:s14+$0x76B0];
	v2 =	vmul.f32 $2.500000000e-01, v2;
	[tilespmem:s12+$0x16390] =	vst v4  }
0x89: {  	v4 =	vld [tilespmem:s14+$0xC5B0];
	[tilespmem:s12+$0x163A0] =	vst v3  }
0x8a: {  	v1 =	vadd.f32 v9, v1;
	v9 =	vmul.f32 v13, v13;
	v3 =	vld [tilespmem:s14+$0x11480];
	[tilespmem:s12+$0x163B0] =	vst v2  }
0x8b: {  	v11 =	vmul.f32 v14, v14;
	v10 =	vld [tilespmem:s14+$0x11490]  }
0x8c: {  	v7 =	vmul.f32 v7, v7;
	v1 =	vadd.f32 v9, v1;
	v2 =	vmul.f32 v12, v12;
	v59 =	vld [tilespmem:s14+$0x114B0]  }
0x8d: {  	v58 =	vmul.f32 v15, v15;
	v6 =	vmul.f32 v6, v6;
	v9 =	vld [tilespmem:s14+$0x114A0]  }
0x8e: {  	v1 =	vmul.f32 $2.500000000e-01, v1;
	v2 =	vadd.f32 v7, v2;
	v7 =	vmul.f32 v8, v8  }
0x8f: {  	v4 =	vmul.f32 v4, v4;
	v3 =	vmul.f32 v3, v3  }
0x90: {  	v5 =	vmul.f32 v5, v5;
	v8 =	vadd.f32 v58, v11;
	v10 =	vmul.f32 v10, v10  }
0x91: {  	v4 =	vadd.f32 v4, v7;
	v7 =	vmul.f32 v59, v59;
	v2 =	vadd.f32 v3, v2  }
0x92: {  	v5 =	vadd.f32 v5, v6;
	v3 =	vmul.f32 v9, v9;
	v6 =	vadd.f32 v10, v8  }
0x93: {  	[tilespmem:s14+$0x163C0] =	vst v1;
	v1 =	vadd.f32 v7, v4;
	v2 =	vmul.f32 $2.500000000e-01, v2  }
0x94: {  	v3 =	vadd.f32 v3, v5;
	v4 =	vmul.f32 $2.500000000e-01, v6  }
0x95: {  	v1 =	vmul.f32 $2.500000000e-01, v1;
	[tilespmem:s14+$0x16380] =	vst v2  }
0x96: {  	v2 =	vmul.f32 $2.500000000e-01, v3;
	[tilespmem:s14+$0x16390] =	vst v4  }
0x97: {  	[tilespmem:s14+$0x163B0] =	vst v1  }
0x98: {  	s12 =	simm.s32 $0x0;
	[tilespmem:s14+$0x163A0] =	vst v2  }
0x99: {  	[spmem:s9] =	stream.indirect.scatter.add.f32 [tilespmem:s31], [sflag:$0xA], $0x1, s12, s30, $0xb8;
	[tilespmem:$0x1E480] =	vst v63  }
0x9a: {  	s15 =	rddreg [dreg:$0x8]  }
0x9b: {  	[tilespmem:s0], [sflag:$0x3] =	stream.linear.gather [hbm4b:s15+s12], $0x2710, $0x38;
	[tilespmem:$0x1E480] =	vst v63  }
0x9c: {  	s15 =	rddreg [dreg:$0x9]  }
0x9d: {  	[tilespmem:s16], [sflag:$0x4] =	stream.linear.gather [hbm4b:s15+s12], $0x2710, $0x38;
	[tilespmem:$0x1E480] =	vst v63  }
0x9e: {  	s15 =	rddreg [dreg:$0xa]  }
0x9f: {  	[tilespmem:s17], [sflag:$0x6] =	stream.linear.gather [hbm4b:s15+s12], $0x2710, $0x38;
	[tilespmem:$0x1E480] =	vst v63  }
0xa0: {  	s15 =	rddreg [dreg:$0xb]  }
0xa1: {  	[tilespmem:s18], [sflag:$0x8] =	stream.linear.gather [hbm4b:s15+s12], $0x2710, $0x38;
	[tilespmem:$0x1E480] =	vst v63  }
0xa2: {  	_ =	swait.ge [sflag:s2], $0x2710  }
0xa3: {  	[sflag:s2] =	ssyncset.done $0x0  }
0xa4: {  	[sflag:s2] =	ssyncadd.s32 $0xFFFFD8F0  }
0xa5: {  	_ =	swait.ge [sflag:s3], $0x2710  }
0xa6: {  	[sflag:s3] =	ssyncset.done $0x0  }
0xa7: {  	[sflag:s3] =	ssyncadd.s32 $0xFFFFD8F0  }
0xa8: {  	_ =	swait.ge [sflag:s4], $0x2710  }
0xa9: {  	[sflag:s4] =	ssyncset.done $0x0  }
0xaa: {  	[sflag:s4] =	ssyncadd.s32 $0xFFFFD8F0  }
0xab: {  	_ =	swait.ge [sflag:s5], $0x2710  }
0xac: {  	[sflag:s5] =	ssyncset.done $0x0  }
0xad: {  	s12 =	simm.s32 $0x0;
	[sflag:s5] =	ssyncadd.s32 $0xFFFFD8F0  }
0xae: {  	v1 =	vld [tilespmem:s12+$0x9E40]  }
0xaf: {  	v2 =	vld [tilespmem:s12+$0xED40]  }
0xb0: {  	v3 =	vld [tilespmem:s12+$0x9E00]  }
0xb1: {  	v4 =	vld [tilespmem:s12+$0x13C40]  }
0xb2: {  	v5 =	vld [tilespmem:s12+$0xED00]  }
0xb3: {  	v6 =	vld [tilespmem:s12+$0x9E10]  }
0xb4: {  	v7 =	vld [tilespmem:s12+$0xED10];
	v1 =	vmul.f32 v1, v1;
	v2 =	vmul.f32 v2, v2  }
0xb5: {  	v8 =	vld [tilespmem:s12+$0x9E20]  }
0xb6: {  	v9 =	vld [tilespmem:s12+$0xED20];
	v1 =	vadd.f32 v2, v1;
	v2 =	vmul.f32 v4, v4  }
0xb7: {  	v10 =	vld [tilespmem:s12+$0x9E30]  }
0xb8: {  	v11 =	vld [tilespmem:s12+$0xED30];
	v60 =	vmul.f32 v3, v3;
	v1 =	vadd.f32 v2, v1  }
0xb9: {  	v3 =	vld [tilespmem:s12+$0x13C00];
	v5 =	vmul.f32 v5, v5;
	v61 =	vmul.f32 v6, v6  }
0xba: {  	v6 =	vld [tilespmem:s12+$0x13C10];
	v62 =	vmul.f32 v7, v7;
	v1 =	vmul.f32 $2.500000000e-01, v1  }
0xbb: {  	v8 =	vmul.f32 v8, v8;
	v63 =	vmul.f32 v9, v9;
	v4 =	vld [tilespmem:s12+$0x13C20]  }
0xbc: {  	s14 =	simm.s32 $0x50;
	v9 =	vmul.f32 v10, v10;
	v7 =	vadd.f32 v5, v60;
	v2 =	vld [tilespmem:s12+$0x13C30];
	[tilespmem:s12+$0x18B40] =	vst v1  }
0xbd: {  	s15 =	simm.s32 $0x280;
	v10 =	vmul.f32 v11, v11;
	v5 =	vadd.f32 v62, v61;
	v8 =	vadd.f32 v63, v8;
	v1 =	vld [tilespmem:s14+$0x9E40]  }
.LBB2_6:
0xbe: {  	p0 =	sne.s32 s15, $0x9B00;
	v11 =	vld [tilespmem:s14+$0xED40];
	v3 =	vmul.f32 v3, v3  }
0xbf: {  	v12 =	vld [tilespmem:s14+$0x9E00];
	v6 =	vmul.f32 v6, v6;
	v9 =	vadd.f32 v10, v9  }
0xc0: {  	v10 =	vld [tilespmem:s14+$0x13C40];
	v3 =	vadd.f32 v3, v7;
	v4 =	vmul.f32 v4, v4  }
0xc1: {  	v7 =	vld [tilespmem:s14+$0xED00];
	v5 =	vadd.f32 v6, v5;
	v2 =	vmul.f32 v2, v2  }
0xc2: {  	v6 =	vld [tilespmem:s14+$0x9E10];
	v3 =	vmul.f32 $2.500000000e-01, v3;
	v4 =	vadd.f32 v4, v8  }
0xc3: {  	v1 =	vmul.f32 v1, v1;
	v8 =	vld [tilespmem:s14+$0xED10];
	v11 =	vmul.f32 v11, v11;
	v2 =	vadd.f32 v2, v9  }
0xc4: {  	v9 =	vmul.f32 v12, v12;
	v12 =	vld [tilespmem:s14+$0x9E20];
	[tilespmem:s12+$0x18B00] =	vst v3;
	v3 =	vmul.f32 $2.500000000e-01, v5  }
0xc5: {  	v4 =	vmul.f32 $2.500000000e-01, v4;
	v13 =	vld [tilespmem:s14+$0xED20];
	v1 =	vadd.f32 v11, v1;
	v5 =	vmul.f32 v10, v10  }
0xc6: {  	v2 =	vmul.f32 $2.500000000e-01, v2;
	v7 =	vmul.f32 v7, v7;
	v10 =	vld [tilespmem:s14+$0x9E30];
	[tilespmem:s12+$0x18B10] =	vst v3  }
0xc7: {  	v11 =	vmul.f32 v6, v6;
	v14 =	vld [tilespmem:s14+$0xED30];
	v1 =	vadd.f32 v5, v1;
	[tilespmem:s12+$0x18B20] =	vst v4  }
.Ltmp2:
0xc8: {  	v3 =	vld [tilespmem:s14+$0x13C00];
	v7 =	vadd.f32 v7, v9;
	v4 =	vmul.f32 v8, v8;
	[tilespmem:s12+$0x18B30] =	vst v2;
	s12 =	smov.u32 s14;
	(pc) =	sbr.rel @p0 .LBB2_6-.Ltmp2, $4  }
0xc9: {  	v6 =	vld [tilespmem:s12+$0x13C10];
	v8 =	vmul.f32 v12, v12;
	v1 =	vmul.f32 $2.500000000e-01, v1  }
0xca: {  	v5 =	vadd.f32 v4, v11;
	v4 =	vld [tilespmem:s12+$0x13C20];
	v11 =	vmul.f32 v13, v13  }
0xcb: {  	s14 =	sshra.s32 s15, $0x2;
	v2 =	vld [tilespmem:s12+$0x13C30];
	v9 =	vmul.f32 v10, v10;
	[tilespmem:s12+$0x18B40] =	vst v1  }
0xcc: {  	s15 =	sadd.s32 $0x140, s15;
	v1 =	vld [tilespmem:s14+$0x9E40];
	v8 =	vadd.f32 v11, v8;
	v10 =	vmul.f32 v14, v14  }
0xcd: {  	v11 =	vld [tilespmem:s14+$0xED40];
	v3 =	vmul.f32 v3, v3  }
0xce: {  	v12 =	vld [tilespmem:s14+$0x9E00]  }
0xcf: {  	v13 =	vld [tilespmem:s14+$0x13C40];
	v3 =	vadd.f32 v3, v7  }
0xd0: {  	v14 =	vld [tilespmem:s14+$0x9E10];
	v6 =	vmul.f32 v6, v6  }
0xd1: {  	v15 =	vld [tilespmem:s14+$0xED10];
	v4 =	vmul.f32 v4, v4;
	v3 =	vmul.f32 $2.500000000e-01, v3  }
0xd2: {  	v9 =	vadd.f32 v10, v9;
	v7 =	vld [tilespmem:s14+$0xED00];
	v5 =	vadd.f32 v6, v5;
	v2 =	vmul.f32 v2, v2  }
0xd3: {  	v6 =	vld [tilespmem:s14+$0x9E20];
	[tilespmem:s12+$0x18B00] =	vst v3;
	v3 =	vadd.f32 v4, v8  }
0xd4: {  	v2 =	vadd.f32 v2, v9;
	v4 =	vmul.f32 $2.500000000e-01, v5  }
0xd5: {  	v1 =	vmul.f32 v1, v1;
	v5 =	vld [tilespmem:s14+$0xED20];
	v3 =	vmul.f32 $2.500000000e-01, v3  }
0xd6: {  	v9 =	vmul.f32 v11, v11;
	v8 =	vld [tilespmem:s14+$0x9E30];
	v2 =	vmul.f32 $2.500000000e-01, v2;
	[tilespmem:s12+$0x18B10] =	vst v4  }
0xd7: {  	v4 =	vld [tilespmem:s14+$0xED30];
	[tilespmem:s12+$0x18B20] =	vst v3  }
0xd8: {  	v1 =	vadd.f32 v9, v1;
	v9 =	vmul.f32 v13, v13;
	v3 =	vld [tilespmem:s14+$0x13C00];
	[tilespmem:s12+$0x18B30] =	vst v2  }
0xd9: {  	v11 =	vmul.f32 v14, v14;
	v10 =	vld [tilespmem:s14+$0x13C10]  }
0xda: {  	v7 =	vmul.f32 v7, v7;
	v1 =	vadd.f32 v9, v1;
	v2 =	vmul.f32 v12, v12;
	v59 =	vld [tilespmem:s14+$0x13C30]  }
0xdb: {  	v58 =	vmul.f32 v15, v15;
	v6 =	vmul.f32 v6, v6;
	v9 =	vld [tilespmem:s14+$0x13C20]  }
0xdc: {  	v1 =	vmul.f32 $2.500000000e-01, v1;
	v2 =	vadd.f32 v7, v2;
	v7 =	vmul.f32 v8, v8  }
0xdd: {  	v4 =	vmul.f32 v4, v4;
	v3 =	vmul.f32 v3, v3  }
0xde: {  	v5 =	vmul.f32 v5, v5;
	v8 =	vadd.f32 v58, v11;
	v10 =	vmul.f32 v10, v10  }
0xdf: {  	v4 =	vadd.f32 v4, v7;
	v7 =	vmul.f32 v59, v59;
	v2 =	vadd.f32 v3, v2  }
0xe0: {  	v5 =	vadd.f32 v5, v6;
	v3 =	vmul.f32 v9, v9;
	v6 =	vadd.f32 v10, v8  }
0xe1: {  	[tilespmem:s14+$0x18B40] =	vst v1;
	v1 =	vadd.f32 v7, v4;
	v2 =	vmul.f32 $2.500000000e-01, v2  }
0xe2: {  	v3 =	vadd.f32 v3, v5;
	v4 =	vmul.f32 $2.500000000e-01, v6  }
0xe3: {  	v1 =	vmul.f32 $2.500000000e-01, v1;
	[tilespmem:s14+$0x18B00] =	vst v2  }
0xe4: {  	v2 =	vmul.f32 $2.500000000e-01, v3;
	[tilespmem:s14+$0x18B10] =	vst v4  }
0xe5: {  	[tilespmem:s14+$0x18B30] =	vst v1  }
0xe6: {  	[tilespmem:s14+$0x18B20] =	vst v2  }
0xe7: {  	[spmem:s9] =	stream.indirect.scatter.add.f32 [tilespmem:s6], [sflag:$0xB], $0x1, s19, s30, $0xb8;
	[tilespmem:$0x1E480] =	vst v63  }
0xe8: {  	_ =	swait.ge [sflag:s7], $0x2710  }
0xe9: {  	[sflag:s7] =	ssyncset.done $0x0  }
0xea: {  	s12 =	simm.s32 $0x0;
	s15 =	rddreg [dreg:$0xc];
	[sflag:s7] =	ssyncadd.s32 $0xFFFFD8F0  }
0xeb: {  	[tilespmem:s12], [sflag:$0x1] =	stream.linear.gather [hbm4b:s15+s12], $0x2710, $0x38;
	[tilespmem:$0x1E480] =	vst v63  }
0xec: {  	s15 =	rddreg [dreg:$0xd]  }
0xed: {  	[tilespmem:s20], [sflag:$0x5] =	stream.linear.gather [hbm4b:s15+s12], $0x2710, $0x38;
	[tilespmem:$0x1E480] =	vst v63  }
0xee: {  	s15 =	rddreg [dreg:$0xe]  }
0xef: {  	[tilespmem:s21], [sflag:$0x7] =	stream.linear.gather [hbm4b:s15+s12], $0x2710, $0x38;
	[tilespmem:$0x1E480] =	vst v63  }
0xf0: {  	s15 =	rddreg [dreg:$0xf]  }
0xf1: {  	[tilespmem:s22], [sflag:$0x9] =	stream.linear.gather [hbm4b:s15+s12], $0x2710, $0x38;
	[tilespmem:$0x1E480] =	vst v63  }
0xf2: {  	_ =	swait.ge [sflag:s8], $0x2710  }
0xf3: {  	[sflag:s8] =	ssyncset.done $0x0  }
0xf4: {  	[sflag:s8] =	ssyncadd.s32 $0xFFFFD8F0  }
0xf5: {  	_ =	swait.ge [sflag:s26], $0x2710  }
0xf6: {  	[sflag:s26] =	ssyncset.done $0x0  }
0xf7: {  	[sflag:s26] =	ssyncadd.s32 $0xFFFFD8F0  }
0xf8: {  	_ =	swait.ge [sflag:s28], $0x2710  }
0xf9: {  	[sflag:s28] =	ssyncset.done $0x0  }
0xfa: {  	[sflag:s28] =	ssyncadd.s32 $0xFFFFD8F0  }
0xfb: {  	_ =	swait.ge [sflag:s29], $0x2710  }
0xfc: {  	[sflag:s29] =	ssyncset.done $0x0  }
0xfd: {  	s12 =	simm.s32 $0x0;
	[sflag:s29] =	ssyncadd.s32 $0xFFFFD8F0  }
0xfe: {  	v1 =	vld [tilespmem:s12+$0x76C0]  }
0xff: {  	v2 =	vld [tilespmem:s12+$0xC5C0]  }
0x100: {  	v3 =	vld [tilespmem:s12+$0x7680]  }
0x101: {  	v4 =	vld [tilespmem:s12+$0x114C0]  }
0x102: {  	v5 =	vld [tilespmem:s12+$0xC580]  }
0x103: {  	v6 =	vld [tilespmem:s12+$0x7690]  }
0x104: {  	v7 =	vld [tilespmem:s12+$0xC590];
	v1 =	vmul.f32 v1, v1;
	v2 =	vmul.f32 v2, v2  }
0x105: {  	v8 =	vld [tilespmem:s12+$0x76A0]  }
0x106: {  	v9 =	vld [tilespmem:s12+$0xC5A0];
	v1 =	vadd.f32 v2, v1;
	v2 =	vmul.f32 v4, v4  }
0x107: {  	v10 =	vld [tilespmem:s12+$0x76B0]  }
0x108: {  	v11 =	vld [tilespmem:s12+$0xC5B0];
	v60 =	vmul.f32 v3, v3;
	v1 =	vadd.f32 v2, v1  }
0x109: {  	v3 =	vld [tilespmem:s12+$0x11480];
	v5 =	vmul.f32 v5, v5;
	v61 =	vmul.f32 v6, v6  }
0x10a: {  	v6 =	vld [tilespmem:s12+$0x11490];
	v62 =	vmul.f32 v7, v7;
	v1 =	vmul.f32 $2.500000000e-01, v1  }
0x10b: {  	v8 =	vmul.f32 v8, v8;
	v63 =	vmul.f32 v9, v9;
	v4 =	vld [tilespmem:s12+$0x114A0]  }
0x10c: {  	s14 =	simm.s32 $0x50;
	v9 =	vmul.f32 v10, v10;
	v7 =	vadd.f32 v5, v60;
	v2 =	vld [tilespmem:s12+$0x114B0];
	[tilespmem:s12+$0x163C0] =	vst v1  }
0x10d: {  	s15 =	simm.s32 $0x280;
	v10 =	vmul.f32 v11, v11;
	v5 =	vadd.f32 v62, v61;
	v8 =	vadd.f32 v63, v8;
	v1 =	vld [tilespmem:s14+$0x76C0]  }
.LBB2_8:
0x10e: {  	p0 =	sne.s32 s15, $0x9B00;
	v11 =	vld [tilespmem:s14+$0xC5C0];
	v3 =	vmul.f32 v3, v3  }
0x10f: {  	v12 =	vld [tilespmem:s14+$0x7680];
	v6 =	vmul.f32 v6, v6;
	v9 =	vadd.f32 v10, v9  }
0x110: {  	v10 =	vld [tilespmem:s14+$0x114C0];
	v3 =	vadd.f32 v3, v7;
	v4 =	vmul.f32 v4, v4  }
0x111: {  	v7 =	vld [tilespmem:s14+$0xC580];
	v5 =	vadd.f32 v6, v5;
	v2 =	vmul.f32 v2, v2  }
0x112: {  	v6 =	vld [tilespmem:s14+$0x7690];
	v3 =	vmul.f32 $2.500000000e-01, v3;
	v4 =	vadd.f32 v4, v8  }
0x113: {  	v1 =	vmul.f32 v1, v1;
	v8 =	vld [tilespmem:s14+$0xC590];
	v11 =	vmul.f32 v11, v11;
	v2 =	vadd.f32 v2, v9  }
0x114: {  	v9 =	vmul.f32 v12, v12;
	v12 =	vld [tilespmem:s14+$0x76A0];
	[tilespmem:s12+$0x16380] =	vst v3;
	v3 =	vmul.f32 $2.500000000e-01, v5  }
0x115: {  	v4 =	vmul.f32 $2.500000000e-01, v4;
	v13 =	vld [tilespmem:s14+$0xC5A0];
	v1 =	vadd.f32 v11, v1;
	v5 =	vmul.f32 v10, v10  }
0x116: {  	v2 =	vmul.f32 $2.500000000e-01, v2;
	v7 =	vmul.f32 v7, v7;
	v10 =	vld [tilespmem:s14+$0x76B0];
	[tilespmem:s12+$0x16390] =	vst v3  }
0x117: {  	v11 =	vmul.f32 v6, v6;
	v14 =	vld [tilespmem:s14+$0xC5B0];
	v1 =	vadd.f32 v5, v1;
	[tilespmem:s12+$0x163A0] =	vst v4  }
.Ltmp3:
0x118: {  	v3 =	vld [tilespmem:s14+$0x11480];
	v7 =	vadd.f32 v7, v9;
	v4 =	vmul.f32 v8, v8;
	[tilespmem:s12+$0x163B0] =	vst v2;
	s12 =	smov.u32 s14;
	(pc) =	sbr.rel @p0 .LBB2_8-.Ltmp3, $4  }
0x119: {  	v6 =	vld [tilespmem:s12+$0x11490];
	v8 =	vmul.f32 v12, v12;
	v1 =	vmul.f32 $2.500000000e-01, v1  }
0x11a: {  	v5 =	vadd.f32 v4, v11;
	v4 =	vld [tilespmem:s12+$0x114A0];
	v11 =	vmul.f32 v13, v13  }
0x11b: {  	s14 =	sshra.s32 s15, $0x2;
	v2 =	vld [tilespmem:s12+$0x114B0];
	v9 =	vmul.f32 v10, v10;
	[tilespmem:s12+$0x163C0] =	vst v1  }
0x11c: {  	s15 =	sadd.s32 $0x140, s15;
	v1 =	vld [tilespmem:s14+$0x76C0];
	v8 =	vadd.f32 v11, v8;
	v10 =	vmul.f32 v14, v14  }
0x11d: {  	v11 =	vld [tilespmem:s14+$0xC5C0];
	v3 =	vmul.f32 v3, v3  }
0x11e: {  	v12 =	vld [tilespmem:s14+$0x7680]  }
0x11f: {  	v13 =	vld [tilespmem:s14+$0x114C0];
	v3 =	vadd.f32 v3, v7  }
0x120: {  	v14 =	vld [tilespmem:s14+$0x7690];
	v6 =	vmul.f32 v6, v6  }
0x121: {  	v15 =	vld [tilespmem:s14+$0xC590];
	v4 =	vmul.f32 v4, v4;
	v3 =	vmul.f32 $2.500000000e-01, v3  }
0x122: {  	v9 =	vadd.f32 v10, v9;
	v7 =	vld [tilespmem:s14+$0xC580];
	v5 =	vadd.f32 v6, v5;
	v2 =	vmul.f32 v2, v2  }
0x123: {  	v6 =	vld [tilespmem:s14+$0x76A0];
	[tilespmem:s12+$0x16380] =	vst v3;
	v3 =	vadd.f32 v4, v8  }
0x124: {  	v2 =	vadd.f32 v2, v9;
	v4 =	vmul.f32 $2.500000000e-01, v5  }
0x125: {  	v1 =	vmul.f32 v1, v1;
	v5 =	vld [tilespmem:s14+$0xC5A0];
	v3 =	vmul.f32 $2.500000000e-01, v3  }
0x126: {  	v9 =	vmul.f32 v11, v11;
	v8 =	vld [tilespmem:s14+$0x76B0];
	v2 =	vmul.f32 $2.500000000e-01, v2;
	[tilespmem:s12+$0x16390] =	vst v4  }
0x127: {  	v4 =	vld [tilespmem:s14+$0xC5B0];
	[tilespmem:s12+$0x163A0] =	vst v3  }
0x128: {  	v1 =	vadd.f32 v9, v1;
	v9 =	vmul.f32 v13, v13;
	v3 =	vld [tilespmem:s14+$0x11480];
	[tilespmem:s12+$0x163B0] =	vst v2  }
0x129: {  	v11 =	vmul.f32 v14, v14;
	v10 =	vld [tilespmem:s14+$0x11490]  }
0x12a: {  	v7 =	vmul.f32 v7, v7;
	v1 =	vadd.f32 v9, v1;
	v2 =	vmul.f32 v12, v12;
	v59 =	vld [tilespmem:s14+$0x114B0]  }
0x12b: {  	v58 =	vmul.f32 v15, v15;
	v6 =	vmul.f32 v6, v6;
	v9 =	vld [tilespmem:s14+$0x114A0]  }
0x12c: {  	v1 =	vmul.f32 $2.500000000e-01, v1;
	v2 =	vadd.f32 v7, v2;
	v7 =	vmul.f32 v8, v8  }
0x12d: {  	v4 =	vmul.f32 v4, v4;
	v3 =	vmul.f32 v3, v3  }
0x12e: {  	v5 =	vmul.f32 v5, v5;
	v8 =	vadd.f32 v58, v11;
	v10 =	vmul.f32 v10, v10  }
0x12f: {  	v4 =	vadd.f32 v4, v7;
	v7 =	vmul.f32 v59, v59;
	v2 =	vadd.f32 v3, v2  }
0x130: {  	v5 =	vadd.f32 v5, v6;
	v3 =	vmul.f32 v9, v9;
	v6 =	vadd.f32 v10, v8  }
0x131: {  	[tilespmem:s14+$0x163C0] =	vst v1;
	v1 =	vadd.f32 v7, v4;
	v2 =	vmul.f32 $2.500000000e-01, v2  }
0x132: {  	v3 =	vadd.f32 v3, v5;
	v4 =	vmul.f32 $2.500000000e-01, v6  }
0x133: {  	v1 =	vmul.f32 $2.500000000e-01, v1;
	[tilespmem:s14+$0x16380] =	vst v2  }
0x134: {  	v2 =	vmul.f32 $2.500000000e-01, v3;
	[tilespmem:s14+$0x16390] =	vst v4  }
0x135: {  	[tilespmem:s14+$0x163B0] =	vst v1  }
0x136: {  	[tilespmem:s14+$0x163A0] =	vst v2  }
0x137: {  	[spmem:s9] =	stream.indirect.scatter.add.f32 [tilespmem:s31], [sflag:$0xA], $0x1, s0, s30, $0xb8;
	[tilespmem:$0x1E480] =	vst v63  }
0x138: {  	_ =	swait.ge [sflag:s10], $0x2710  }
0x139: {  	[sflag:s10] =	ssyncset.done $0x0  }
0x13a: {  	s12 =	simm.s32 $0x0;
	s15 =	rddreg [dreg:$0x10];
	[sflag:s10] =	ssyncadd.s32 $0xFFFFD8F0  }
0x13b: {  	[tilespmem:s19], [sflag:$0x2] =	stream.linear.gather [hbm4b:s15+s12], $0x2710, $0x38;
	[tilespmem:$0x1E480] =	vst v63  }
0x13c: {  	s15 =	rddreg [dreg:$0x11]  }
0x13d: {  	[tilespmem:s16], [sflag:$0x4] =	stream.linear.gather [hbm4b:s15+s12], $0x2710, $0x38;
	[tilespmem:$0x1E480] =	vst v63  }
0x13e: {  	s15 =	rddreg [dreg:$0x12]  }
0x13f: {  	[tilespmem:s17], [sflag:$0x6] =	stream.linear.gather [hbm4b:s15+s12], $0x2710, $0x38;
	[tilespmem:$0x1E480] =	vst v63  }
0x140: {  	s15 =	rddreg [dreg:$0x13]  }
0x141: {  	[tilespmem:s18], [sflag:$0x8] =	stream.linear.gather [hbm4b:s15+s12], $0x2710, $0x38;
	[tilespmem:$0x1E480] =	vst v63  }
0x142: {  	_ =	swait.ge [sflag:s25], $0x2710  }
0x143: {  	[sflag:s25] =	ssyncset.done $0x0  }
0x144: {  	[sflag:s25] =	ssyncadd.s32 $0xFFFFD8F0  }
0x145: {  	_ =	swait.ge [sflag:s3], $0x2710  }
0x146: {  	[sflag:s3] =	ssyncset.done $0x0  }
0x147: {  	[sflag:s3] =	ssyncadd.s32 $0xFFFFD8F0  }
0x148: {  	_ =	swait.ge [sflag:s4], $0x2710  }
0x149: {  	[sflag:s4] =	ssyncset.done $0x0  }
0x14a: {  	[sflag:s4] =	ssyncadd.s32 $0xFFFFD8F0  }
0x14b: {  	_ =	swait.ge [sflag:s5], $0x2710  }
0x14c: {  	[sflag:s5] =	ssyncset.done $0x0  }
0x14d: {  	s12 =	simm.s32 $0x0;
	[sflag:s5] =	ssyncadd.s32 $0xFFFFD8F0  }
0x14e: {  	v1 =	vld [tilespmem:s12+$0x9E40]  }
0x14f: {  	v2 =	vld [tilespmem:s12+$0xED40]  }
0x150: {  	v3 =	vld [tilespmem:s12+$0x9E00]  }
0x151: {  	v4 =	vld [tilespmem:s12+$0x13C40]  }
0x152: {  	v5 =	vld [tilespmem:s12+$0xED00]  }
0x153: {  	v6 =	vld [tilespmem:s12+$0x9E10]  }
0x154: {  	v7 =	vld [tilespmem:s12+$0xED10];
	v1 =	vmul.f32 v1, v1;
	v2 =	vmul.f32 v2, v2  }
0x155: {  	v8 =	vld [tilespmem:s12+$0x9E20]  }
0x156: {  	v9 =	vld [tilespmem:s12+$0xED20];
	v1 =	vadd.f32 v2, v1;
	v2 =	vmul.f32 v4, v4  }
0x157: {  	v10 =	vld [tilespmem:s12+$0x9E30]  }
0x158: {  	v11 =	vld [tilespmem:s12+$0xED30];
	v60 =	vmul.f32 v3, v3;
	v1 =	vadd.f32 v2, v1  }
0x159: {  	v3 =	vld [tilespmem:s12+$0x13C00];
	v5 =	vmul.f32 v5, v5;
	v61 =	vmul.f32 v6, v6  }
0x15a: {  	v6 =	vld [tilespmem:s12+$0x13C10];
	v62 =	vmul.f32 v7, v7;
	v1 =	vmul.f32 $2.500000000e-01, v1  }
0x15b: {  	v8 =	vmul.f32 v8, v8;
	v63 =	vmul.f32 v9, v9;
	v4 =	vld [tilespmem:s12+$0x13C20]  }
0x15c: {  	s14 =	simm.s32 $0x50;
	v9 =	vmul.f32 v10, v10;
	v7 =	vadd.f32 v5, v60;
	v2 =	vld [tilespmem:s12+$0x13C30];
	[tilespmem:s12+$0x18B40] =	vst v1  }
0x15d: {  	s15 =	simm.s32 $0x280;
	v10 =	vmul.f32 v11, v11;
	v5 =	vadd.f32 v62, v61;
	v8 =	vadd.f32 v63, v8;
	v1 =	vld [tilespmem:s14+$0x9E40]  }
.LBB2_10:
0x15e: {  	p0 =	sne.s32 s15, $0x9B00;
	v11 =	vld [tilespmem:s14+$0xED40];
	v3 =	vmul.f32 v3, v3  }
0x15f: {  	v12 =	vld [tilespmem:s14+$0x9E00];
	v6 =	vmul.f32 v6, v6;
	v9 =	vadd.f32 v10, v9  }
0x160: {  	v10 =	vld [tilespmem:s14+$0x13C40];
	v3 =	vadd.f32 v3, v7;
	v4 =	vmul.f32 v4, v4  }
0x161: {  	v7 =	vld [tilespmem:s14+$0xED00];
	v5 =	vadd.f32 v6, v5;
	v2 =	vmul.f32 v2, v2  }
0x162: {  	v6 =	vld [tilespmem:s14+$0x9E10];
	v3 =	vmul.f32 $2.500000000e-01, v3;
	v4 =	vadd.f32 v4, v8  }
0x163: {  	v1 =	vmul.f32 v1, v1;
	v8 =	vld [tilespmem:s14+$0xED10];
	v11 =	vmul.f32 v11, v11;
	v2 =	vadd.f32 v2, v9  }
0x164: {  	v9 =	vmul.f32 v12, v12;
	v12 =	vld [tilespmem:s14+$0x9E20];
	[tilespmem:s12+$0x18B00] =	vst v3;
	v3 =	vmul.f32 $2.500000000e-01, v5  }
0x165: {  	v4 =	vmul.f32 $2.500000000e-01, v4;
	v13 =	vld [tilespmem:s14+$0xED20];
	v1 =	vadd.f32 v11, v1;
	v5 =	vmul.f32 v10, v10  }
0x166: {  	v2 =	vmul.f32 $2.500000000e-01, v2;
	v7 =	vmul.f32 v7, v7;
	v10 =	vld [tilespmem:s14+$0x9E30];
	[tilespmem:s12+$0x18B10] =	vst v3  }
0x167: {  	v11 =	vmul.f32 v6, v6;
	v14 =	vld [tilespmem:s14+$0xED30];
	v1 =	vadd.f32 v5, v1;
	[tilespmem:s12+$0x18B20] =	vst v4  }
.Ltmp4:
0x168: {  	v3 =	vld [tilespmem:s14+$0x13C00];
	v7 =	vadd.f32 v7, v9;
	v4 =	vmul.f32 v8, v8;
	[tilespmem:s12+$0x18B30] =	vst v2;
	s12 =	smov.u32 s14;
	(pc) =	sbr.rel @p0 .LBB2_10-.Ltmp4, $4  }
0x169: {  	v6 =	vld [tilespmem:s12+$0x13C10];
	v8 =	vmul.f32 v12, v12;
	v1 =	vmul.f32 $2.500000000e-01, v1  }
0x16a: {  	v5 =	vadd.f32 v4, v11;
	v4 =	vld [tilespmem:s12+$0x13C20];
	v11 =	vmul.f32 v13, v13  }
0x16b: {  	s14 =	sshra.s32 s15, $0x2;
	v2 =	vld [tilespmem:s12+$0x13C30];
	v9 =	vmul.f32 v10, v10;
	[tilespmem:s12+$0x18B40] =	vst v1  }
0x16c: {  	s15 =	sadd.s32 $0x140, s15;
	v1 =	vld [tilespmem:s14+$0x9E40];
	v8 =	vadd.f32 v11, v8;
	v10 =	vmul.f32 v14, v14  }
0x16d: {  	v11 =	vld [tilespmem:s14+$0xED40];
	v3 =	vmul.f32 v3, v3  }
0x16e: {  	v12 =	vld [tilespmem:s14+$0x9E00]  }
0x16f: {  	v13 =	vld [tilespmem:s14+$0x13C40];
	v3 =	vadd.f32 v3, v7  }
0x170: {  	v14 =	vld [tilespmem:s14+$0x9E10];
	v6 =	vmul.f32 v6, v6  }
0x171: {  	v15 =	vld [tilespmem:s14+$0xED10];
	v4 =	vmul.f32 v4, v4;
	v3 =	vmul.f32 $2.500000000e-01, v3  }
0x172: {  	v9 =	vadd.f32 v10, v9;
	v7 =	vld [tilespmem:s14+$0xED00];
	v5 =	vadd.f32 v6, v5;
	v2 =	vmul.f32 v2, v2  }
0x173: {  	v6 =	vld [tilespmem:s14+$0x9E20];
	[tilespmem:s12+$0x18B00] =	vst v3;
	v3 =	vadd.f32 v4, v8  }
0x174: {  	v2 =	vadd.f32 v2, v9;
	v4 =	vmul.f32 $2.500000000e-01, v5  }
0x175: {  	v1 =	vmul.f32 v1, v1;
	v5 =	vld [tilespmem:s14+$0xED20];
	v3 =	vmul.f32 $2.500000000e-01, v3  }
0x176: {  	v9 =	vmul.f32 v11, v11;
	v8 =	vld [tilespmem:s14+$0x9E30];
	v2 =	vmul.f32 $2.500000000e-01, v2;
	[tilespmem:s12+$0x18B10] =	vst v4  }
0x177: {  	v4 =	vld [tilespmem:s14+$0xED30];
	[tilespmem:s12+$0x18B20] =	vst v3  }
0x178: {  	v1 =	vadd.f32 v9, v1;
	v9 =	vmul.f32 v13, v13;
	v3 =	vld [tilespmem:s14+$0x13C00];
	[tilespmem:s12+$0x18B30] =	vst v2  }
0x179: {  	v11 =	vmul.f32 v14, v14;
	v10 =	vld [tilespmem:s14+$0x13C10]  }
0x17a: {  	v7 =	vmul.f32 v7, v7;
	v1 =	vadd.f32 v9, v1;
	v2 =	vmul.f32 v12, v12;
	v59 =	vld [tilespmem:s14+$0x13C30]  }
0x17b: {  	v58 =	vmul.f32 v15, v15;
	v6 =	vmul.f32 v6, v6;
	v9 =	vld [tilespmem:s14+$0x13C20]  }
0x17c: {  	v1 =	vmul.f32 $2.500000000e-01, v1;
	v2 =	vadd.f32 v7, v2;
	v7 =	vmul.f32 v8, v8  }
0x17d: {  	v4 =	vmul.f32 v4, v4;
	v3 =	vmul.f32 v3, v3  }
0x17e: {  	v5 =	vmul.f32 v5, v5;
	v8 =	vadd.f32 v58, v11;
	v10 =	vmul.f32 v10, v10  }
0x17f: {  	v4 =	vadd.f32 v4, v7;
	v7 =	vmul.f32 v59, v59;
	v2 =	vadd.f32 v3, v2  }
0x180: {  	v5 =	vadd.f32 v5, v6;
	v3 =	vmul.f32 v9, v9;
	v6 =	vadd.f32 v10, v8  }
0x181: {  	[tilespmem:s14+$0x18B40] =	vst v1;
	v1 =	vadd.f32 v7, v4;
	v2 =	vmul.f32 $2.500000000e-01, v2  }
0x182: {  	v3 =	vadd.f32 v3, v5;
	v4 =	vmul.f32 $2.500000000e-01, v6  }
0x183: {  	v1 =	vmul.f32 $2.500000000e-01, v1;
	[tilespmem:s14+$0x18B00] =	vst v2  }
0x184: {  	v2 =	vmul.f32 $2.500000000e-01, v3;
	[tilespmem:s14+$0x18B10] =	vst v4  }
0x185: {  	[tilespmem:s14+$0x18B30] =	vst v1  }
0x186: {  	s12 =	simm.s32 $0x0;
	[tilespmem:s14+$0x18B20] =	vst v2  }
0x187: {  	[spmem:s9] =	stream.indirect.scatter.add.f32 [tilespmem:s6], [sflag:$0xB], $0x1, s12, s30, $0xb8;
	[tilespmem:$0x1E480] =	vst v63  }
0x188: {  	_ =	swait.ge [sflag:s7], $0x2710  }
0x189: {  	[sflag:s7] =	ssyncset.done $0x0  }
0x18a: {  	s15 =	rddreg [dreg:$0x14];
	[sflag:s7] =	ssyncadd.s32 $0xFFFFD8F0  }
0x18b: {  	[tilespmem:s0], [sflag:$0x3] =	stream.linear.gather [hbm4b:s15+s12], $0x2710, $0x38;
	[tilespmem:$0x1E480] =	vst v63  }
0x18c: {  	s15 =	rddreg [dreg:$0x15]  }
0x18d: {  	[tilespmem:s20], [sflag:$0x5] =	stream.linear.gather [hbm4b:s15+s12], $0x2710, $0x38;
	[tilespmem:$0x1E480] =	vst v63  }
0x18e: {  	s15 =	rddreg [dreg:$0x16]  }
0x18f: {  	[tilespmem:s21], [sflag:$0x7] =	stream.linear.gather [hbm4b:s15+s12], $0x2710, $0x38;
	[tilespmem:$0x1E480] =	vst v63  }
0x190: {  	s15 =	rddreg [dreg:$0x17]  }
0x191: {  	[tilespmem:s22], [sflag:$0x9] =	stream.linear.gather [hbm4b:s15+s12], $0x2710, $0x38;
	[tilespmem:$0x1E480] =	vst v63  }
0x192: {  	_ =	swait.ge [sflag:s2], $0x2710  }
0x193: {  	[sflag:s2] =	ssyncset.done $0x0  }
0x194: {  	[sflag:s2] =	ssyncadd.s32 $0xFFFFD8F0  }
0x195: {  	_ =	swait.ge [sflag:s26], $0x2710  }
0x196: {  	[sflag:s26] =	ssyncset.done $0x0  }
0x197: {  	[sflag:s26] =	ssyncadd.s32 $0xFFFFD8F0  }
0x198: {  	_ =	swait.ge [sflag:s28], $0x2710  }
0x199: {  	[sflag:s28] =	ssyncset.done $0x0  }
0x19a: {  	[sflag:s28] =	ssyncadd.s32 $0xFFFFD8F0  }
0x19b: {  	_ =	swait.ge [sflag:s29], $0x2710  }
0x19c: {  	[sflag:s29] =	ssyncset.done $0x0  }
0x19d: {  	s12 =	simm.s32 $0x0;
	[sflag:s29] =	ssyncadd.s32 $0xFFFFD8F0  }
0x19e: {  	v1 =	vld [tilespmem:s12+$0x76C0]  }
0x19f: {  	v2 =	vld [tilespmem:s12+$0xC5C0]  }
0x1a0: {  	v3 =	vld [tilespmem:s12+$0x7680]  }
0x1a1: {  	v4 =	vld [tilespmem:s12+$0x114C0]  }
0x1a2: {  	v5 =	vld [tilespmem:s12+$0xC580]  }
0x1a3: {  	v6 =	vld [tilespmem:s12+$0x7690]  }
0x1a4: {  	v7 =	vld [tilespmem:s12+$0xC590];
	v1 =	vmul.f32 v1, v1;
	v2 =	vmul.f32 v2, v2  }
0x1a5: {  	v8 =	vld [tilespmem:s12+$0x76A0]  }
0x1a6: {  	v9 =	vld [tilespmem:s12+$0xC5A0];
	v1 =	vadd.f32 v2, v1;
	v2 =	vmul.f32 v4, v4  }
0x1a7: {  	v10 =	vld [tilespmem:s12+$0x76B0]  }
0x1a8: {  	v11 =	vld [tilespmem:s12+$0xC5B0];
	v60 =	vmul.f32 v3, v3;
	v1 =	vadd.f32 v2, v1  }
0x1a9: {  	v3 =	vld [tilespmem:s12+$0x11480];
	v5 =	vmul.f32 v5, v5;
	v61 =	vmul.f32 v6, v6  }
0x1aa: {  	v6 =	vld [tilespmem:s12+$0x11490];
	v62 =	vmul.f32 v7, v7;
	v1 =	vmul.f32 $2.500000000e-01, v1  }
0x1ab: {  	v8 =	vmul.f32 v8, v8;
	v63 =	vmul.f32 v9, v9;
	v4 =	vld [tilespmem:s12+$0x114A0]  }
0x1ac: {  	s14 =	simm.s32 $0x50;
	v9 =	vmul.f32 v10, v10;
	v7 =	vadd.f32 v5, v60;
	v2 =	vld [tilespmem:s12+$0x114B0];
	[tilespmem:s12+$0x163C0] =	vst v1  }
0x1ad: {  	s15 =	simm.s32 $0x280;
	v10 =	vmul.f32 v11, v11;
	v5 =	vadd.f32 v62, v61;
	v8 =	vadd.f32 v63, v8;
	v1 =	vld [tilespmem:s14+$0x76C0]  }
.LBB2_12:
0x1ae: {  	p0 =	sne.s32 s15, $0x9B00;
	v11 =	vld [tilespmem:s14+$0xC5C0];
	v3 =	vmul.f32 v3, v3  }
0x1af: {  	v12 =	vld [tilespmem:s14+$0x7680];
	v6 =	vmul.f32 v6, v6;
	v9 =	vadd.f32 v10, v9  }
0x1b0: {  	v10 =	vld [tilespmem:s14+$0x114C0];
	v3 =	vadd.f32 v3, v7;
	v4 =	vmul.f32 v4, v4  }
0x1b1: {  	v7 =	vld [tilespmem:s14+$0xC580];
	v5 =	vadd.f32 v6, v5;
	v2 =	vmul.f32 v2, v2  }
0x1b2: {  	v6 =	vld [tilespmem:s14+$0x7690];
	v3 =	vmul.f32 $2.500000000e-01, v3;
	v4 =	vadd.f32 v4, v8  }
0x1b3: {  	v1 =	vmul.f32 v1, v1;
	v8 =	vld [tilespmem:s14+$0xC590];
	v11 =	vmul.f32 v11, v11;
	v2 =	vadd.f32 v2, v9  }
0x1b4: {  	v9 =	vmul.f32 v12, v12;
	v12 =	vld [tilespmem:s14+$0x76A0];
	[tilespmem:s12+$0x16380] =	vst v3;
	v3 =	vmul.f32 $2.500000000e-01, v5  }
0x1b5: {  	v4 =	vmul.f32 $2.500000000e-01, v4;
	v13 =	vld [tilespmem:s14+$0xC5A0];
	v1 =	vadd.f32 v11, v1;
	v5 =	vmul.f32 v10, v10  }
0x1b6: {  	v2 =	vmul.f32 $2.500000000e-01, v2;
	v7 =	vmul.f32 v7, v7;
	v10 =	vld [tilespmem:s14+$0x76B0];
	[tilespmem:s12+$0x16390] =	vst v3  }
0x1b7: {  	v11 =	vmul.f32 v6, v6;
	v14 =	vld [tilespmem:s14+$0xC5B0];
	v1 =	vadd.f32 v5, v1;
	[tilespmem:s12+$0x163A0] =	vst v4  }
.Ltmp5:
0x1b8: {  	v3 =	vld [tilespmem:s14+$0x11480];
	v7 =	vadd.f32 v7, v9;
	v4 =	vmul.f32 v8, v8;
	[tilespmem:s12+$0x163B0] =	vst v2;
	s12 =	smov.u32 s14;
	(pc) =	sbr.rel @p0 .LBB2_12-.Ltmp5, $4  }
0x1b9: {  	v6 =	vld [tilespmem:s12+$0x11490];
	v8 =	vmul.f32 v12, v12;
	v1 =	vmul.f32 $2.500000000e-01, v1  }
0x1ba: {  	v5 =	vadd.f32 v4, v11;
	v4 =	vld [tilespmem:s12+$0x114A0];
	v11 =	vmul.f32 v13, v13  }
0x1bb: {  	s14 =	sshra.s32 s15, $0x2;
	v2 =	vld [tilespmem:s12+$0x114B0];
	v9 =	vmul.f32 v10, v10;
	[tilespmem:s12+$0x163C0] =	vst v1  }
0x1bc: {  	s15 =	sadd.s32 $0x140, s15;
	v1 =	vld [tilespmem:s14+$0x76C0];
	v8 =	vadd.f32 v11, v8;
	v10 =	vmul.f32 v14, v14  }
0x1bd: {  	v11 =	vld [tilespmem:s14+$0xC5C0];
	v3 =	vmul.f32 v3, v3  }
0x1be: {  	v12 =	vld [tilespmem:s14+$0x7680]  }
0x1bf: {  	v13 =	vld [tilespmem:s14+$0x114C0];
	v3 =	vadd.f32 v3, v7  }
0x1c0: {  	v14 =	vld [tilespmem:s14+$0x7690];
	v6 =	vmul.f32 v6, v6  }
0x1c1: {  	v15 =	vld [tilespmem:s14+$0xC590];
	v4 =	vmul.f32 v4, v4;
	v3 =	vmul.f32 $2.500000000e-01, v3  }
0x1c2: {  	v9 =	vadd.f32 v10, v9;
	v7 =	vld [tilespmem:s14+$0xC580];
	v5 =	vadd.f32 v6, v5;
	v2 =	vmul.f32 v2, v2  }
0x1c3: {  	v6 =	vld [tilespmem:s14+$0x76A0];
	[tilespmem:s12+$0x16380] =	vst v3;
	v3 =	vadd.f32 v4, v8  }
0x1c4: {  	v2 =	vadd.f32 v2, v9;
	v4 =	vmul.f32 $2.500000000e-01, v5  }
0x1c5: {  	v1 =	vmul.f32 v1, v1;
	v5 =	vld [tilespmem:s14+$0xC5A0];
	v3 =	vmul.f32 $2.500000000e-01, v3  }
0x1c6: {  	v9 =	vmul.f32 v11, v11;
	v8 =	vld [tilespmem:s14+$0x76B0];
	v2 =	vmul.f32 $2.500000000e-01, v2;
	[tilespmem:s12+$0x16390] =	vst v4  }
0x1c7: {  	v4 =	vld [tilespmem:s14+$0xC5B0];
	[tilespmem:s12+$0x163A0] =	vst v3  }
0x1c8: {  	v1 =	vadd.f32 v9, v1;
	v9 =	vmul.f32 v13, v13;
	v3 =	vld [tilespmem:s14+$0x11480];
	[tilespmem:s12+$0x163B0] =	vst v2  }
0x1c9: {  	v11 =	vmul.f32 v14, v14;
	v10 =	vld [tilespmem:s14+$0x11490]  }
0x1ca: {  	v7 =	vmul.f32 v7, v7;
	v1 =	vadd.f32 v9, v1;
	v2 =	vmul.f32 v12, v12;
	v59 =	vld [tilespmem:s14+$0x114B0]  }
0x1cb: {  	v58 =	vmul.f32 v15, v15;
	v6 =	vmul.f32 v6, v6;
	v9 =	vld [tilespmem:s14+$0x114A0]  }
0x1cc: {  	v1 =	vmul.f32 $2.500000000e-01, v1;
	v2 =	vadd.f32 v7, v2;
	v7 =	vmul.f32 v8, v8  }
0x1cd: {  	v4 =	vmul.f32 v4, v4;
	v3 =	vmul.f32 v3, v3  }
0x1ce: {  	v5 =	vmul.f32 v5, v5;
	v8 =	vadd.f32 v58, v11;
	v10 =	vmul.f32 v10, v10  }
0x1cf: {  	v4 =	vadd.f32 v4, v7;
	v7 =	vmul.f32 v59, v59;
	v2 =	vadd.f32 v3, v2  }
0x1d0: {  	v5 =	vadd.f32 v5, v6;
	v3 =	vmul.f32 v9, v9;
	v6 =	vadd.f32 v10, v8  }
0x1d1: {  	[tilespmem:s14+$0x163C0] =	vst v1;
	v1 =	vadd.f32 v7, v4;
	v2 =	vmul.f32 $2.500000000e-01, v2  }
0x1d2: {  	v3 =	vadd.f32 v3, v5;
	v4 =	vmul.f32 $2.500000000e-01, v6  }
0x1d3: {  	v1 =	vmul.f32 $2.500000000e-01, v1;
	[tilespmem:s14+$0x16380] =	vst v2  }
0x1d4: {  	v2 =	vmul.f32 $2.500000000e-01, v3;
	[tilespmem:s14+$0x16390] =	vst v4  }
0x1d5: {  	[tilespmem:s14+$0x163B0] =	vst v1  }
0x1d6: {  	[tilespmem:s14+$0x163A0] =	vst v2  }
0x1d7: {  	[spmem:s9] =	stream.indirect.scatter.add.f32 [tilespmem:s31], [sflag:$0xA], $0x1, s19, s30, $0xb8;
	[tilespmem:$0x1E480] =	vst v63  }
0x1d8: {  	_ =	swait.ge [sflag:s10], $0x2710  }
0x1d9: {  	[sflag:s10] =	ssyncset.done $0x0  }
0x1da: {  	s12 =	simm.s32 $0x0;
	s15 =	rddreg [dreg:$0x18];
	[sflag:s10] =	ssyncadd.s32 $0xFFFFD8F0  }
0x1db: {  	[tilespmem:s12], [sflag:$0x1] =	stream.linear.gather [hbm4b:s15+s12], $0x2710, $0x38;
	[tilespmem:$0x1E480] =	vst v63  }
0x1dc: {  	s15 =	rddreg [dreg:$0x19]  }
0x1dd: {  	[tilespmem:s16], [sflag:$0x4] =	stream.linear.gather [hbm4b:s15+s12], $0x2710, $0x38;
	[tilespmem:$0x1E480] =	vst v63  }
0x1de: {  	s15 =	rddreg [dreg:$0x1a]  }
0x1df: {  	[tilespmem:s17], [sflag:$0x6] =	stream.linear.gather [hbm4b:s15+s12], $0x2710, $0x38;
	[tilespmem:$0x1E480] =	vst v63  }
0x1e0: {  	s15 =	rddreg [dreg:$0x1b]  }
0x1e1: {  	[tilespmem:s18], [sflag:$0x8] =	stream.linear.gather [hbm4b:s15+s12], $0x2710, $0x38;
	[tilespmem:$0x1E480] =	vst v63  }
0x1e2: {  	_ =	swait.ge [sflag:s8], $0x2710  }
0x1e3: {  	[sflag:s8] =	ssyncset.done $0x0  }
0x1e4: {  	[sflag:s8] =	ssyncadd.s32 $0xFFFFD8F0  }
0x1e5: {  	_ =	swait.ge [sflag:s3], $0x2710  }
0x1e6: {  	[sflag:s3] =	ssyncset.done $0x0  }
0x1e7: {  	[sflag:s3] =	ssyncadd.s32 $0xFFFFD8F0  }
0x1e8: {  	_ =	swait.ge [sflag:s4], $0x2710  }
0x1e9: {  	[sflag:s4] =	ssyncset.done $0x0  }
0x1ea: {  	[sflag:s4] =	ssyncadd.s32 $0xFFFFD8F0  }
0x1eb: {  	_ =	swait.ge [sflag:s5], $0x2710  }
0x1ec: {  	[sflag:s5] =	ssyncset.done $0x0  }
0x1ed: {  	s12 =	simm.s32 $0x0;
	[sflag:s5] =	ssyncadd.s32 $0xFFFFD8F0  }
0x1ee: {  	v1 =	vld [tilespmem:s12+$0x9E40]  }
0x1ef: {  	v2 =	vld [tilespmem:s12+$0xED40]  }
0x1f0: {  	v3 =	vld [tilespmem:s12+$0x9E00]  }
0x1f1: {  	v4 =	vld [tilespmem:s12+$0x13C40]  }
0x1f2: {  	v5 =	vld [tilespmem:s12+$0xED00]  }
0x1f3: {  	v6 =	vld [tilespmem:s12+$0x9E10]  }
0x1f4: {  	v7 =	vld [tilespmem:s12+$0xED10];
	v1 =	vmul.f32 v1, v1;
	v2 =	vmul.f32 v2, v2  }
0x1f5: {  	v8 =	vld [tilespmem:s12+$0x9E20]  }
0x1f6: {  	v9 =	vld [tilespmem:s12+$0xED20];
	v1 =	vadd.f32 v2, v1;
	v2 =	vmul.f32 v4, v4  }
0x1f7: {  	v10 =	vld [tilespmem:s12+$0x9E30]  }
0x1f8: {  	v11 =	vld [tilespmem:s12+$0xED30];
	v60 =	vmul.f32 v3, v3;
	v1 =	vadd.f32 v2, v1  }
0x1f9: {  	v3 =	vld [tilespmem:s12+$0x13C00];
	v5 =	vmul.f32 v5, v5;
	v61 =	vmul.f32 v6, v6  }
0x1fa: {  	v6 =	vld [tilespmem:s12+$0x13C10];
	v62 =	vmul.f32 v7, v7;
	v1 =	vmul.f32 $2.500000000e-01, v1  }
0x1fb: {  	v8 =	vmul.f32 v8, v8;
	v63 =	vmul.f32 v9, v9;
	v4 =	vld [tilespmem:s12+$0x13C20]  }
0x1fc: {  	s14 =	simm.s32 $0x50;
	v9 =	vmul.f32 v10, v10;
	v7 =	vadd.f32 v5, v60;
	v2 =	vld [tilespmem:s12+$0x13C30];
	[tilespmem:s12+$0x18B40] =	vst v1  }
0x1fd: {  	s15 =	simm.s32 $0x280;
	v10 =	vmul.f32 v11, v11;
	v5 =	vadd.f32 v62, v61;
	v8 =	vadd.f32 v63, v8;
	v1 =	vld [tilespmem:s14+$0x9E40]  }
.LBB2_14:
0x1fe: {  	p0 =	sne.s32 s15, $0x9B00;
	v11 =	vld [tilespmem:s14+$0xED40];
	v3 =	vmul.f32 v3, v3  }
0x1ff: {  	v12 =	vld [tilespmem:s14+$0x9E00];
	v6 =	vmul.f32 v6, v6;
	v9 =	vadd.f32 v10, v9  }
0x200: {  	v10 =	vld [tilespmem:s14+$0x13C40];
	v3 =	vadd.f32 v3, v7;
	v4 =	vmul.f32 v4, v4  }
0x201: {  	v7 =	vld [tilespmem:s14+$0xED00];
	v5 =	vadd.f32 v6, v5;
	v2 =	vmul.f32 v2, v2  }
0x202: {  	v6 =	vld [tilespmem:s14+$0x9E10];
	v3 =	vmul.f32 $2.500000000e-01, v3;
	v4 =	vadd.f32 v4, v8  }
0x203: {  	v1 =	vmul.f32 v1, v1;
	v8 =	vld [tilespmem:s14+$0xED10];
	v11 =	vmul.f32 v11, v11;
	v2 =	vadd.f32 v2, v9  }
0x204: {  	v9 =	vmul.f32 v12, v12;
	v12 =	vld [tilespmem:s14+$0x9E20];
	[tilespmem:s12+$0x18B00] =	vst v3;
	v3 =	vmul.f32 $2.500000000e-01, v5  }
0x205: {  	v4 =	vmul.f32 $2.500000000e-01, v4;
	v13 =	vld [tilespmem:s14+$0xED20];
	v1 =	vadd.f32 v11, v1;
	v5 =	vmul.f32 v10, v10  }
0x206: {  	v2 =	vmul.f32 $2.500000000e-01, v2;
	v7 =	vmul.f32 v7, v7;
	v10 =	vld [tilespmem:s14+$0x9E30];
	[tilespmem:s12+$0x18B10] =	vst v3  }
0x207: {  	v11 =	vmul.f32 v6, v6;
	v14 =	vld [tilespmem:s14+$0xED30];
	v1 =	vadd.f32 v5, v1;
	[tilespmem:s12+$0x18B20] =	vst v4  }
.Ltmp6:
0x208: {  	v3 =	vld [tilespmem:s14+$0x13C00];
	v7 =	vadd.f32 v7, v9;
	v4 =	vmul.f32 v8, v8;
	[tilespmem:s12+$0x18B30] =	vst v2;
	s12 =	smov.u32 s14;
	(pc) =	sbr.rel @p0 .LBB2_14-.Ltmp6, $4  }
0x209: {  	v6 =	vld [tilespmem:s12+$0x13C10];
	v8 =	vmul.f32 v12, v12;
	v1 =	vmul.f32 $2.500000000e-01, v1  }
0x20a: {  	v5 =	vadd.f32 v4, v11;
	v4 =	vld [tilespmem:s12+$0x13C20];
	v11 =	vmul.f32 v13, v13  }
0x20b: {  	s14 =	sshra.s32 s15, $0x2;
	v2 =	vld [tilespmem:s12+$0x13C30];
	v9 =	vmul.f32 v10, v10;
	[tilespmem:s12+$0x18B40] =	vst v1  }
0x20c: {  	s15 =	sadd.s32 $0x140, s15;
	v1 =	vld [tilespmem:s14+$0x9E40];
	v8 =	vadd.f32 v11, v8;
	v10 =	vmul.f32 v14, v14  }
0x20d: {  	v11 =	vld [tilespmem:s14+$0xED40];
	v3 =	vmul.f32 v3, v3  }
0x20e: {  	v12 =	vld [tilespmem:s14+$0x9E00]  }
0x20f: {  	v13 =	vld [tilespmem:s14+$0x13C40];
	v3 =	vadd.f32 v3, v7  }
0x210: {  	v14 =	vld [tilespmem:s14+$0x9E10];
	v6 =	vmul.f32 v6, v6  }
0x211: {  	v15 =	vld [tilespmem:s14+$0xED10];
	v4 =	vmul.f32 v4, v4;
	v3 =	vmul.f32 $2.500000000e-01, v3  }
0x212: {  	v9 =	vadd.f32 v10, v9;
	v7 =	vld [tilespmem:s14+$0xED00];
	v5 =	vadd.f32 v6, v5;
	v2 =	vmul.f32 v2, v2  }
0x213: {  	v6 =	vld [tilespmem:s14+$0x9E20];
	[tilespmem:s12+$0x18B00] =	vst v3;
	v3 =	vadd.f32 v4, v8  }
0x214: {  	v2 =	vadd.f32 v2, v9;
	v4 =	vmul.f32 $2.500000000e-01, v5  }
0x215: {  	v1 =	vmul.f32 v1, v1;
	v5 =	vld [tilespmem:s14+$0xED20];
	v3 =	vmul.f32 $2.500000000e-01, v3  }
0x216: {  	v9 =	vmul.f32 v11, v11;
	v8 =	vld [tilespmem:s14+$0x9E30];
	v2 =	vmul.f32 $2.500000000e-01, v2;
	[tilespmem:s12+$0x18B10] =	vst v4  }
0x217: {  	v4 =	vld [tilespmem:s14+$0xED30];
	[tilespmem:s12+$0x18B20] =	vst v3  }
0x218: {  	v1 =	vadd.f32 v9, v1;
	v9 =	vmul.f32 v13, v13;
	v3 =	vld [tilespmem:s14+$0x13C00];
	[tilespmem:s12+$0x18B30] =	vst v2  }
0x219: {  	v11 =	vmul.f32 v14, v14;
	v10 =	vld [tilespmem:s14+$0x13C10]  }
0x21a: {  	v7 =	vmul.f32 v7, v7;
	v1 =	vadd.f32 v9, v1;
	v2 =	vmul.f32 v12, v12;
	v59 =	vld [tilespmem:s14+$0x13C30]  }
0x21b: {  	v58 =	vmul.f32 v15, v15;
	v6 =	vmul.f32 v6, v6;
	v9 =	vld [tilespmem:s14+$0x13C20]  }
0x21c: {  	v1 =	vmul.f32 $2.500000000e-01, v1;
	v2 =	vadd.f32 v7, v2;
	v7 =	vmul.f32 v8, v8  }
0x21d: {  	v4 =	vmul.f32 v4, v4;
	v3 =	vmul.f32 v3, v3  }
0x21e: {  	v5 =	vmul.f32 v5, v5;
	v8 =	vadd.f32 v58, v11;
	v10 =	vmul.f32 v10, v10  }
0x21f: {  	v4 =	vadd.f32 v4, v7;
	v7 =	vmul.f32 v59, v59;
	v2 =	vadd.f32 v3, v2  }
0x220: {  	v5 =	vadd.f32 v5, v6;
	v3 =	vmul.f32 v9, v9;
	v6 =	vadd.f32 v10, v8  }
0x221: {  	[tilespmem:s14+$0x18B40] =	vst v1;
	v1 =	vadd.f32 v7, v4;
	v2 =	vmul.f32 $2.500000000e-01, v2  }
0x222: {  	v3 =	vadd.f32 v3, v5;
	v4 =	vmul.f32 $2.500000000e-01, v6  }
0x223: {  	v1 =	vmul.f32 $2.500000000e-01, v1;
	[tilespmem:s14+$0x18B00] =	vst v2  }
0x224: {  	v2 =	vmul.f32 $2.500000000e-01, v3;
	[tilespmem:s14+$0x18B10] =	vst v4  }
0x225: {  	[tilespmem:s14+$0x18B30] =	vst v1  }
0x226: {  	[tilespmem:s14+$0x18B20] =	vst v2  }
0x227: {  	[spmem:s9] =	stream.indirect.scatter.add.f32 [tilespmem:s6], [sflag:$0xB], $0x1, s0, s30, $0xb8;
	[tilespmem:$0x1E480] =	vst v63  }
0x228: {  	_ =	swait.ge [sflag:s7], $0x2710  }
0x229: {  	[sflag:s7] =	ssyncset.done $0x0  }
0x22a: {  	s12 =	simm.s32 $0x0;
	s15 =	rddreg [dreg:$0x1c];
	[sflag:s7] =	ssyncadd.s32 $0xFFFFD8F0  }
0x22b: {  	[tilespmem:s19], [sflag:$0x2] =	stream.linear.gather [hbm4b:s15+s12], $0x2710, $0x38;
	[tilespmem:$0x1E480] =	vst v63  }
0x22c: {  	s15 =	rddreg [dreg:$0x1d]  }
0x22d: {  	[tilespmem:s20], [sflag:$0x5] =	stream.linear.gather [hbm4b:s15+s12], $0x2710, $0x38;
	[tilespmem:$0x1E480] =	vst v63  }
0x22e: {  	s15 =	rddreg [dreg:$0x1e]  }
0x22f: {  	[tilespmem:s21], [sflag:$0x7] =	stream.linear.gather [hbm4b:s15+s12], $0x2710, $0x38;
	[tilespmem:$0x1E480] =	vst v63  }
0x230: {  	s15 =	rddreg [dreg:$0x1f]  }
0x231: {  	[tilespmem:s22], [sflag:$0x9] =	stream.linear.gather [hbm4b:s15+s12], $0x2710, $0x38;
	[tilespmem:$0x1E480] =	vst v63  }
0x232: {  	_ =	swait.ge [sflag:s25], $0x2710  }
0x233: {  	[sflag:s25] =	ssyncset.done $0x0  }
0x234: {  	[sflag:s25] =	ssyncadd.s32 $0xFFFFD8F0  }
0x235: {  	_ =	swait.ge [sflag:s26], $0x2710  }
0x236: {  	[sflag:s26] =	ssyncset.done $0x0  }
0x237: {  	[sflag:s26] =	ssyncadd.s32 $0xFFFFD8F0  }
0x238: {  	_ =	swait.ge [sflag:s28], $0x2710  }
0x239: {  	[sflag:s28] =	ssyncset.done $0x0  }
0x23a: {  	[sflag:s28] =	ssyncadd.s32 $0xFFFFD8F0  }
0x23b: {  	_ =	swait.ge [sflag:s29], $0x2710  }
0x23c: {  	[sflag:s29] =	ssyncset.done $0x0  }
0x23d: {  	s12 =	simm.s32 $0x0;
	[sflag:s29] =	ssyncadd.s32 $0xFFFFD8F0  }
0x23e: {  	v1 =	vld [tilespmem:s12+$0x76C0]  }
0x23f: {  	v2 =	vld [tilespmem:s12+$0xC5C0]  }
0x240: {  	v3 =	vld [tilespmem:s12+$0x7680]  }
0x241: {  	v4 =	vld [tilespmem:s12+$0x114C0]  }
0x242: {  	v5 =	vld [tilespmem:s12+$0xC580]  }
0x243: {  	v6 =	vld [tilespmem:s12+$0x7690]  }
0x244: {  	v7 =	vld [tilespmem:s12+$0xC590];
	v1 =	vmul.f32 v1, v1;
	v2 =	vmul.f32 v2, v2  }
0x245: {  	v8 =	vld [tilespmem:s12+$0x76A0]  }
0x246: {  	v9 =	vld [tilespmem:s12+$0xC5A0];
	v1 =	vadd.f32 v2, v1;
	v2 =	vmul.f32 v4, v4  }
0x247: {  	v10 =	vld [tilespmem:s12+$0x76B0]  }
0x248: {  	v11 =	vld [tilespmem:s12+$0xC5B0];
	v60 =	vmul.f32 v3, v3;
	v1 =	vadd.f32 v2, v1  }
0x249: {  	v3 =	vld [tilespmem:s12+$0x11480];
	v5 =	vmul.f32 v5, v5;
	v61 =	vmul.f32 v6, v6  }
0x24a: {  	v6 =	vld [tilespmem:s12+$0x11490];
	v62 =	vmul.f32 v7, v7;
	v1 =	vmul.f32 $2.500000000e-01, v1  }
0x24b: {  	v8 =	vmul.f32 v8, v8;
	v63 =	vmul.f32 v9, v9;
	v4 =	vld [tilespmem:s12+$0x114A0]  }
0x24c: {  	s14 =	simm.s32 $0x50;
	v9 =	vmul.f32 v10, v10;
	v7 =	vadd.f32 v5, v60;
	v2 =	vld [tilespmem:s12+$0x114B0];
	[tilespmem:s12+$0x163C0] =	vst v1  }
0x24d: {  	s15 =	simm.s32 $0x280;
	v10 =	vmul.f32 v11, v11;
	v5 =	vadd.f32 v62, v61;
	v8 =	vadd.f32 v63, v8;
	v1 =	vld [tilespmem:s14+$0x76C0]  }
.LBB2_16:
0x24e: {  	p0 =	sne.s32 s15, $0x9B00;
	v11 =	vld [tilespmem:s14+$0xC5C0];
	v3 =	vmul.f32 v3, v3  }
0x24f: {  	v12 =	vld [tilespmem:s14+$0x7680];
	v6 =	vmul.f32 v6, v6;
	v9 =	vadd.f32 v10, v9  }
0x250: {  	v10 =	vld [tilespmem:s14+$0x114C0];
	v3 =	vadd.f32 v3, v7;
	v4 =	vmul.f32 v4, v4  }
0x251: {  	v7 =	vld [tilespmem:s14+$0xC580];
	v5 =	vadd.f32 v6, v5;
	v2 =	vmul.f32 v2, v2  }
0x252: {  	v6 =	vld [tilespmem:s14+$0x7690];
	v3 =	vmul.f32 $2.500000000e-01, v3;
	v4 =	vadd.f32 v4, v8  }
0x253: {  	v1 =	vmul.f32 v1, v1;
	v8 =	vld [tilespmem:s14+$0xC590];
	v11 =	vmul.f32 v11, v11;
	v2 =	vadd.f32 v2, v9  }
0x254: {  	v9 =	vmul.f32 v12, v12;
	v12 =	vld [tilespmem:s14+$0x76A0];
	[tilespmem:s12+$0x16380] =	vst v3;
	v3 =	vmul.f32 $2.500000000e-01, v5  }
0x255: {  	v4 =	vmul.f32 $2.500000000e-01, v4;
	v13 =	vld [tilespmem:s14+$0xC5A0];
	v1 =	vadd.f32 v11, v1;
	v5 =	vmul.f32 v10, v10  }
0x256: {  	v2 =	vmul.f32 $2.500000000e-01, v2;
	v7 =	vmul.f32 v7, v7;
	v10 =	vld [tilespmem:s14+$0x76B0];
	[tilespmem:s12+$0x16390] =	vst v3  }
0x257: {  	v11 =	vmul.f32 v6, v6;
	v14 =	vld [tilespmem:s14+$0xC5B0];
	v1 =	vadd.f32 v5, v1;
	[tilespmem:s12+$0x163A0] =	vst v4  }
.Ltmp7:
0x258: {  	v3 =	vld [tilespmem:s14+$0x11480];
	v7 =	vadd.f32 v7, v9;
	v4 =	vmul.f32 v8, v8;
	[tilespmem:s12+$0x163B0] =	vst v2;
	s12 =	smov.u32 s14;
	(pc) =	sbr.rel @p0 .LBB2_16-.Ltmp7, $4  }
0x259: {  	v6 =	vld [tilespmem:s12+$0x11490];
	v8 =	vmul.f32 v12, v12;
	v1 =	vmul.f32 $2.500000000e-01, v1  }
0x25a: {  	v5 =	vadd.f32 v4, v11;
	v4 =	vld [tilespmem:s12+$0x114A0];
	v11 =	vmul.f32 v13, v13  }
0x25b: {  	s14 =	sshra.s32 s15, $0x2;
	v2 =	vld [tilespmem:s12+$0x114B0];
	v9 =	vmul.f32 v10, v10;
	[tilespmem:s12+$0x163C0] =	vst v1  }
0x25c: {  	s15 =	sadd.s32 $0x140, s15;
	v1 =	vld [tilespmem:s14+$0x76C0];
	v8 =	vadd.f32 v11, v8;
	v10 =	vmul.f32 v14, v14  }
0x25d: {  	v11 =	vld [tilespmem:s14+$0xC5C0];
	v3 =	vmul.f32 v3, v3  }
0x25e: {  	v12 =	vld [tilespmem:s14+$0x7680]  }
0x25f: {  	v13 =	vld [tilespmem:s14+$0x114C0];
	v3 =	vadd.f32 v3, v7  }
0x260: {  	v14 =	vld [tilespmem:s14+$0x7690];
	v6 =	vmul.f32 v6, v6  }
0x261: {  	v15 =	vld [tilespmem:s14+$0xC590];
	v4 =	vmul.f32 v4, v4;
	v3 =	vmul.f32 $2.500000000e-01, v3  }
0x262: {  	v9 =	vadd.f32 v10, v9;
	v7 =	vld [tilespmem:s14+$0xC580];
	v5 =	vadd.f32 v6, v5;
	v2 =	vmul.f32 v2, v2  }
0x263: {  	v6 =	vld [tilespmem:s14+$0x76A0];
	[tilespmem:s12+$0x16380] =	vst v3;
	v3 =	vadd.f32 v4, v8  }
0x264: {  	v2 =	vadd.f32 v2, v9;
	v4 =	vmul.f32 $2.500000000e-01, v5  }
0x265: {  	v1 =	vmul.f32 v1, v1;
	v5 =	vld [tilespmem:s14+$0xC5A0];
	v3 =	vmul.f32 $2.500000000e-01, v3  }
0x266: {  	v9 =	vmul.f32 v11, v11;
	v8 =	vld [tilespmem:s14+$0x76B0];
	v2 =	vmul.f32 $2.500000000e-01, v2;
	[tilespmem:s12+$0x16390] =	vst v4  }
0x267: {  	v4 =	vld [tilespmem:s14+$0xC5B0];
	[tilespmem:s12+$0x163A0] =	vst v3  }
0x268: {  	v1 =	vadd.f32 v9, v1;
	v9 =	vmul.f32 v13, v13;
	v3 =	vld [tilespmem:s14+$0x11480];
	[tilespmem:s12+$0x163B0] =	vst v2  }
0x269: {  	v11 =	vmul.f32 v14, v14;
	v10 =	vld [tilespmem:s14+$0x11490]  }
0x26a: {  	v7 =	vmul.f32 v7, v7;
	v1 =	vadd.f32 v9, v1;
	v2 =	vmul.f32 v12, v12;
	v59 =	vld [tilespmem:s14+$0x114B0]  }
0x26b: {  	v58 =	vmul.f32 v15, v15;
	v6 =	vmul.f32 v6, v6;
	v9 =	vld [tilespmem:s14+$0x114A0]  }
0x26c: {  	v1 =	vmul.f32 $2.500000000e-01, v1;
	v2 =	vadd.f32 v7, v2;
	v7 =	vmul.f32 v8, v8  }
0x26d: {  	v4 =	vmul.f32 v4, v4;
	v3 =	vmul.f32 v3, v3  }
0x26e: {  	v5 =	vmul.f32 v5, v5;
	v8 =	vadd.f32 v58, v11;
	v10 =	vmul.f32 v10, v10  }
0x26f: {  	v4 =	vadd.f32 v4, v7;
	v7 =	vmul.f32 v59, v59;
	v2 =	vadd.f32 v3, v2  }
0x270: {  	v5 =	vadd.f32 v5, v6;
	v3 =	vmul.f32 v9, v9;
	v6 =	vadd.f32 v10, v8  }
0x271: {  	[tilespmem:s14+$0x163C0] =	vst v1;
	v1 =	vadd.f32 v7, v4;
	v2 =	vmul.f32 $2.500000000e-01, v2  }
0x272: {  	v3 =	vadd.f32 v3, v5;
	v4 =	vmul.f32 $2.500000000e-01, v6  }
0x273: {  	v1 =	vmul.f32 $2.500000000e-01, v1;
	[tilespmem:s14+$0x16380] =	vst v2  }
0x274: {  	v2 =	vmul.f32 $2.500000000e-01, v3;
	[tilespmem:s14+$0x16390] =	vst v4  }
0x275: {  	[tilespmem:s14+$0x163B0] =	vst v1  }
0x276: {  	s12 =	simm.s32 $0x0;
	[tilespmem:s14+$0x163A0] =	vst v2  }
0x277: {  	[spmem:s9] =	stream.indirect.scatter.add.f32 [tilespmem:s31], [sflag:$0xA], $0x1, s12, s30, $0xb8;
	[tilespmem:$0x1E480] =	vst v63  }
0x278: {  	_ =	swait.ge [sflag:s10], $0x2710  }
0x279: {  	s15 =	sld [smem:$0x7F0]  }
0x27a: {  	[sflag:s10] =	ssyncset.done $0x0  }
0x27b: {  	[sflag:s10] =	ssyncadd.s32 $0xFFFFD8F0  }
0x27c: {  	[tilespmem:s0], [sflag:$0x3] =	stream.linear.gather [hbm4b:s15+s12], $0x2710, $0x38;
	[tilespmem:$0x1E480] =	vst v63  }
0x27d: {  	s15 =	sld [smem:$0x7F1];
	_ =	sdelay $0x2  }
0x27e: {  	[tilespmem:s16], [sflag:$0x4] =	stream.linear.gather [hbm4b:s15+s12], $0x2710, $0x38;
	[tilespmem:$0x1E480] =	vst v63  }
0x27f: {  	s15 =	sld [smem:$0x7F2];
	_ =	sdelay $0x2  }
0x280: {  	[tilespmem:s17], [sflag:$0x6] =	stream.linear.gather [hbm4b:s15+s12], $0x2710, $0x38;
	[tilespmem:$0x1E480] =	vst v63  }
0x281: {  	s15 =	sld [smem:$0x7F3];
	_ =	sdelay $0x2  }
0x282: {  	[tilespmem:s18], [sflag:$0x8] =	stream.linear.gather [hbm4b:s15+s12], $0x2710, $0x38;
	[tilespmem:$0x1E480] =	vst v63  }
0x283: {  	_ =	swait.ge [sflag:s2], $0x2710  }
0x284: {  	[sflag:s2] =	ssyncset.done $0x0  }
0x285: {  	[sflag:s2] =	ssyncadd.s32 $0xFFFFD8F0  }
0x286: {  	_ =	swait.ge [sflag:s3], $0x2710  }
0x287: {  	[sflag:s3] =	ssyncset.done $0x0  }
0x288: {  	[sflag:s3] =	ssyncadd.s32 $0xFFFFD8F0  }
0x289: {  	_ =	swait.ge [sflag:s4], $0x2710  }
0x28a: {  	[sflag:s4] =	ssyncset.done $0x0  }
0x28b: {  	[sflag:s4] =	ssyncadd.s32 $0xFFFFD8F0  }
0x28c: {  	_ =	swait.ge [sflag:s5], $0x2710  }
0x28d: {  	[sflag:s5] =	ssyncset.done $0x0  }
0x28e: {  	s12 =	simm.s32 $0x0;
	[sflag:s5] =	ssyncadd.s32 $0xFFFFD8F0  }
0x28f: {  	v1 =	vld [tilespmem:s12+$0x9E40]  }
0x290: {  	v2 =	vld [tilespmem:s12+$0xED40]  }
0x291: {  	v3 =	vld [tilespmem:s12+$0x9E00]  }
0x292: {  	v4 =	vld [tilespmem:s12+$0x13C40]  }
0x293: {  	v5 =	vld [tilespmem:s12+$0xED00]  }
0x294: {  	v6 =	vld [tilespmem:s12+$0x9E10]  }
0x295: {  	v7 =	vld [tilespmem:s12+$0xED10];
	v1 =	vmul.f32 v1, v1;
	v2 =	vmul.f32 v2, v2  }
0x296: {  	v8 =	vld [tilespmem:s12+$0x9E20]  }
0x297: {  	v9 =	vld [tilespmem:s12+$0xED20];
	v1 =	vadd.f32 v2, v1;
	v2 =	vmul.f32 v4, v4  }
0x298: {  	v10 =	vld [tilespmem:s12+$0x9E30]  }
0x299: {  	v11 =	vld [tilespmem:s12+$0xED30];
	v60 =	vmul.f32 v3, v3;
	v1 =	vadd.f32 v2, v1  }
0x29a: {  	v3 =	vld [tilespmem:s12+$0x13C00];
	v5 =	vmul.f32 v5, v5;
	v61 =	vmul.f32 v6, v6  }
0x29b: {  	v6 =	vld [tilespmem:s12+$0x13C10];
	v62 =	vmul.f32 v7, v7;
	v1 =	vmul.f32 $2.500000000e-01, v1  }
0x29c: {  	v8 =	vmul.f32 v8, v8;
	v63 =	vmul.f32 v9, v9;
	v4 =	vld [tilespmem:s12+$0x13C20]  }
0x29d: {  	s14 =	simm.s32 $0x50;
	v9 =	vmul.f32 v10, v10;
	v7 =	vadd.f32 v5, v60;
	v2 =	vld [tilespmem:s12+$0x13C30];
	[tilespmem:s12+$0x18B40] =	vst v1  }
0x29e: {  	s15 =	simm.s32 $0x280;
	v10 =	vmul.f32 v11, v11;
	v5 =	vadd.f32 v62, v61;
	v8 =	vadd.f32 v63, v8;
	v1 =	vld [tilespmem:s14+$0x9E40]  }
.LBB2_18:
0x29f: {  	p0 =	sne.s32 s15, $0x9B00;
	v11 =	vld [tilespmem:s14+$0xED40];
	v3 =	vmul.f32 v3, v3  }
0x2a0: {  	v12 =	vld [tilespmem:s14+$0x9E00];
	v6 =	vmul.f32 v6, v6;
	v9 =	vadd.f32 v10, v9  }
0x2a1: {  	v10 =	vld [tilespmem:s14+$0x13C40];
	v3 =	vadd.f32 v3, v7;
	v4 =	vmul.f32 v4, v4  }
0x2a2: {  	v7 =	vld [tilespmem:s14+$0xED00];
	v5 =	vadd.f32 v6, v5;
	v2 =	vmul.f32 v2, v2  }
0x2a3: {  	v6 =	vld [tilespmem:s14+$0x9E10];
	v3 =	vmul.f32 $2.500000000e-01, v3;
	v4 =	vadd.f32 v4, v8  }
0x2a4: {  	v1 =	vmul.f32 v1, v1;
	v8 =	vld [tilespmem:s14+$0xED10];
	v11 =	vmul.f32 v11, v11;
	v2 =	vadd.f32 v2, v9  }
0x2a5: {  	v9 =	vmul.f32 v12, v12;
	v12 =	vld [tilespmem:s14+$0x9E20];
	[tilespmem:s12+$0x18B00] =	vst v3;
	v3 =	vmul.f32 $2.500000000e-01, v5  }
0x2a6: {  	v4 =	vmul.f32 $2.500000000e-01, v4;
	v13 =	vld [tilespmem:s14+$0xED20];
	v1 =	vadd.f32 v11, v1;
	v5 =	vmul.f32 v10, v10  }
0x2a7: {  	v2 =	vmul.f32 $2.500000000e-01, v2;
	v7 =	vmul.f32 v7, v7;
	v10 =	vld [tilespmem:s14+$0x9E30];
	[tilespmem:s12+$0x18B10] =	vst v3  }
0x2a8: {  	v11 =	vmul.f32 v6, v6;
	v14 =	vld [tilespmem:s14+$0xED30];
	v1 =	vadd.f32 v5, v1;
	[tilespmem:s12+$0x18B20] =	vst v4  }
.Ltmp8:
0x2a9: {  	v3 =	vld [tilespmem:s14+$0x13C00];
	v7 =	vadd.f32 v7, v9;
	v4 =	vmul.f32 v8, v8;
	[tilespmem:s12+$0x18B30] =	vst v2;
	s12 =	smov.u32 s14;
	(pc) =	sbr.rel @p0 .LBB2_18-.Ltmp8, $4  }
0x2aa: {  	v6 =	vld [tilespmem:s12+$0x13C10];
	v8 =	vmul.f32 v12, v12;
	v1 =	vmul.f32 $2.500000000e-01, v1  }
0x2ab: {  	v5 =	vadd.f32 v4, v11;
	v4 =	vld [tilespmem:s12+$0x13C20];
	v11 =	vmul.f32 v13, v13  }
0x2ac: {  	s14 =	sshra.s32 s15, $0x2;
	v2 =	vld [tilespmem:s12+$0x13C30];
	v9 =	vmul.f32 v10, v10;
	[tilespmem:s12+$0x18B40] =	vst v1  }
0x2ad: {  	s15 =	sadd.s32 $0x140, s15;
	v1 =	vld [tilespmem:s14+$0x9E40];
	v8 =	vadd.f32 v11, v8;
	v10 =	vmul.f32 v14, v14  }
0x2ae: {  	v11 =	vld [tilespmem:s14+$0xED40];
	v3 =	vmul.f32 v3, v3  }
0x2af: {  	v12 =	vld [tilespmem:s14+$0x9E00]  }
0x2b0: {  	v13 =	vld [tilespmem:s14+$0x13C40];
	v3 =	vadd.f32 v3, v7  }
0x2b1: {  	v14 =	vld [tilespmem:s14+$0x9E10];
	v6 =	vmul.f32 v6, v6  }
0x2b2: {  	v15 =	vld [tilespmem:s14+$0xED10];
	v4 =	vmul.f32 v4, v4;
	v3 =	vmul.f32 $2.500000000e-01, v3  }
0x2b3: {  	v9 =	vadd.f32 v10, v9;
	v7 =	vld [tilespmem:s14+$0xED00];
	v5 =	vadd.f32 v6, v5;
	v2 =	vmul.f32 v2, v2  }
0x2b4: {  	v6 =	vld [tilespmem:s14+$0x9E20];
	[tilespmem:s12+$0x18B00] =	vst v3;
	v3 =	vadd.f32 v4, v8  }
0x2b5: {  	v2 =	vadd.f32 v2, v9;
	v4 =	vmul.f32 $2.500000000e-01, v5  }
0x2b6: {  	v1 =	vmul.f32 v1, v1;
	v5 =	vld [tilespmem:s14+$0xED20];
	v3 =	vmul.f32 $2.500000000e-01, v3  }
0x2b7: {  	v9 =	vmul.f32 v11, v11;
	v8 =	vld [tilespmem:s14+$0x9E30];
	v2 =	vmul.f32 $2.500000000e-01, v2;
	[tilespmem:s12+$0x18B10] =	vst v4  }
0x2b8: {  	v4 =	vld [tilespmem:s14+$0xED30];
	[tilespmem:s12+$0x18B20] =	vst v3  }
0x2b9: {  	v1 =	vadd.f32 v9, v1;
	v9 =	vmul.f32 v13, v13;
	v3 =	vld [tilespmem:s14+$0x13C00];
	[tilespmem:s12+$0x18B30] =	vst v2  }
0x2ba: {  	v11 =	vmul.f32 v14, v14;
	v10 =	vld [tilespmem:s14+$0x13C10]  }
0x2bb: {  	v7 =	vmul.f32 v7, v7;
	v1 =	vadd.f32 v9, v1;
	v2 =	vmul.f32 v12, v12;
	v59 =	vld [tilespmem:s14+$0x13C30]  }
0x2bc: {  	v58 =	vmul.f32 v15, v15;
	v6 =	vmul.f32 v6, v6;
	v9 =	vld [tilespmem:s14+$0x13C20]  }
0x2bd: {  	v1 =	vmul.f32 $2.500000000e-01, v1;
	v2 =	vadd.f32 v7, v2;
	v7 =	vmul.f32 v8, v8  }
0x2be: {  	v4 =	vmul.f32 v4, v4;
	v3 =	vmul.f32 v3, v3  }
0x2bf: {  	v5 =	vmul.f32 v5, v5;
	v8 =	vadd.f32 v58, v11;
	v10 =	vmul.f32 v10, v10  }
0x2c0: {  	v4 =	vadd.f32 v4, v7;
	v7 =	vmul.f32 v59, v59;
	v2 =	vadd.f32 v3, v2  }
0x2c1: {  	v5 =	vadd.f32 v5, v6;
	v3 =	vmul.f32 v9, v9;
	v6 =	vadd.f32 v10, v8  }
0x2c2: {  	[tilespmem:s14+$0x18B40] =	vst v1;
	v1 =	vadd.f32 v7, v4;
	v2 =	vmul.f32 $2.500000000e-01, v2  }
0x2c3: {  	v3 =	vadd.f32 v3, v5;
	v4 =	vmul.f32 $2.500000000e-01, v6  }
0x2c4: {  	v1 =	vmul.f32 $2.500000000e-01, v1;
	[tilespmem:s14+$0x18B00] =	vst v2  }
0x2c5: {  	v2 =	vmul.f32 $2.500000000e-01, v3;
	[tilespmem:s14+$0x18B10] =	vst v4  }
0x2c6: {  	[tilespmem:s14+$0x18B30] =	vst v1  }
0x2c7: {  	[tilespmem:s14+$0x18B20] =	vst v2  }
0x2c8: {  	[spmem:s9] =	stream.indirect.scatter.add.f32 [tilespmem:s6], [sflag:$0xB], $0x1, s19, s30, $0xb8;
	[tilespmem:$0x1E480] =	vst v63  }
0x2c9: {  	_ =	swait.ge [sflag:s7], $0x2710  }
0x2ca: {  	s15 =	sld [smem:$0x7F8]  }
0x2cb: {  	[sflag:s7] =	ssyncset.done $0x0  }
0x2cc: {  	s12 =	simm.s32 $0x0;
	[sflag:s7] =	ssyncadd.s32 $0xFFFFD8F0  }
0x2cd: {  	[tilespmem:s12], [sflag:$0x1] =	stream.linear.gather [hbm4b:s15+s12], $0x2710, $0x38;
	[tilespmem:$0x1E480] =	vst v63  }
0x2ce: {  	s15 =	sld [smem:$0x7F9];
	_ =	sdelay $0x2  }
0x2cf: {  	[tilespmem:s20], [sflag:$0x5] =	stream.linear.gather [hbm4b:s15+s12], $0x2710, $0x38;
	[tilespmem:$0x1E480] =	vst v63  }
0x2d0: {  	s15 =	sld [smem:$0x7FA];
	_ =	sdelay $0x2  }
0x2d1: {  	[tilespmem:s21], [sflag:$0x7] =	stream.linear.gather [hbm4b:s15+s12], $0x2710, $0x38;
	[tilespmem:$0x1E480] =	vst v63  }
0x2d2: {  	s15 =	sld [smem:$0x7FB];
	_ =	sdelay $0x2  }
0x2d3: {  	[tilespmem:s22], [sflag:$0x9] =	stream.linear.gather [hbm4b:s15+s12], $0x2710, $0x38;
	[tilespmem:$0x1E480] =	vst v63  }
0x2d4: {  	_ =	swait.ge [sflag:s8], $0x2710  }
0x2d5: {  	[sflag:s8] =	ssyncset.done $0x0  }
0x2d6: {  	[sflag:s8] =	ssyncadd.s32 $0xFFFFD8F0  }
0x2d7: {  	_ =	swait.ge [sflag:s26], $0x2710  }
0x2d8: {  	[sflag:s26] =	ssyncset.done $0x0  }
0x2d9: {  	[sflag:s26] =	ssyncadd.s32 $0xFFFFD8F0  }
0x2da: {  	_ =	swait.ge [sflag:s28], $0x2710  }
0x2db: {  	[sflag:s28] =	ssyncset.done $0x0  }
0x2dc: {  	[sflag:s28] =	ssyncadd.s32 $0xFFFFD8F0  }
0x2dd: {  	_ =	swait.ge [sflag:s29], $0x2710  }
0x2de: {  	[sflag:s29] =	ssyncset.done $0x0  }
0x2df: {  	s12 =	simm.s32 $0x0;
	[sflag:s29] =	ssyncadd.s32 $0xFFFFD8F0  }
0x2e0: {  	v1 =	vld [tilespmem:s12+$0x76C0]  }
0x2e1: {  	v2 =	vld [tilespmem:s12+$0xC5C0]  }
0x2e2: {  	v3 =	vld [tilespmem:s12+$0x7680]  }
0x2e3: {  	v4 =	vld [tilespmem:s12+$0x114C0]  }
0x2e4: {  	v5 =	vld [tilespmem:s12+$0xC580]  }
0x2e5: {  	v6 =	vld [tilespmem:s12+$0x7690]  }
0x2e6: {  	v7 =	vld [tilespmem:s12+$0xC590];
	v1 =	vmul.f32 v1, v1;
	v2 =	vmul.f32 v2, v2  }
0x2e7: {  	v8 =	vld [tilespmem:s12+$0x76A0]  }
0x2e8: {  	v9 =	vld [tilespmem:s12+$0xC5A0];
	v1 =	vadd.f32 v2, v1;
	v2 =	vmul.f32 v4, v4  }
0x2e9: {  	v10 =	vld [tilespmem:s12+$0x76B0]  }
0x2ea: {  	v11 =	vld [tilespmem:s12+$0xC5B0];
	v60 =	vmul.f32 v3, v3;
	v1 =	vadd.f32 v2, v1  }
0x2eb: {  	v3 =	vld [tilespmem:s12+$0x11480];
	v5 =	vmul.f32 v5, v5;
	v61 =	vmul.f32 v6, v6  }
0x2ec: {  	v6 =	vld [tilespmem:s12+$0x11490];
	v62 =	vmul.f32 v7, v7;
	v1 =	vmul.f32 $2.500000000e-01, v1  }
0x2ed: {  	v8 =	vmul.f32 v8, v8;
	v63 =	vmul.f32 v9, v9;
	v4 =	vld [tilespmem:s12+$0x114A0]  }
0x2ee: {  	s14 =	simm.s32 $0x50;
	v9 =	vmul.f32 v10, v10;
	v7 =	vadd.f32 v5, v60;
	v2 =	vld [tilespmem:s12+$0x114B0];
	[tilespmem:s12+$0x163C0] =	vst v1  }
0x2ef: {  	s15 =	simm.s32 $0x280;
	v10 =	vmul.f32 v11, v11;
	v5 =	vadd.f32 v62, v61;
	v8 =	vadd.f32 v63, v8;
	v1 =	vld [tilespmem:s14+$0x76C0]  }
.LBB2_20:
0x2f0: {  	p0 =	sne.s32 s15, $0x9B00;
	v11 =	vld [tilespmem:s14+$0xC5C0];
	v3 =	vmul.f32 v3, v3  }
0x2f1: {  	v12 =	vld [tilespmem:s14+$0x7680];
	v6 =	vmul.f32 v6, v6;
	v9 =	vadd.f32 v10, v9  }
0x2f2: {  	v10 =	vld [tilespmem:s14+$0x114C0];
	v3 =	vadd.f32 v3, v7;
	v4 =	vmul.f32 v4, v4  }
0x2f3: {  	v7 =	vld [tilespmem:s14+$0xC580];
	v5 =	vadd.f32 v6, v5;
	v2 =	vmul.f32 v2, v2  }
0x2f4: {  	v6 =	vld [tilespmem:s14+$0x7690];
	v3 =	vmul.f32 $2.500000000e-01, v3;
	v4 =	vadd.f32 v4, v8  }
0x2f5: {  	v1 =	vmul.f32 v1, v1;
	v8 =	vld [tilespmem:s14+$0xC590];
	v11 =	vmul.f32 v11, v11;
	v2 =	vadd.f32 v2, v9  }
0x2f6: {  	v9 =	vmul.f32 v12, v12;
	v12 =	vld [tilespmem:s14+$0x76A0];
	[tilespmem:s12+$0x16380] =	vst v3;
	v3 =	vmul.f32 $2.500000000e-01, v5  }
0x2f7: {  	v4 =	vmul.f32 $2.500000000e-01, v4;
	v13 =	vld [tilespmem:s14+$0xC5A0];
	v1 =	vadd.f32 v11, v1;
	v5 =	vmul.f32 v10, v10  }
0x2f8: {  	v2 =	vmul.f32 $2.500000000e-01, v2;
	v7 =	vmul.f32 v7, v7;
	v10 =	vld [tilespmem:s14+$0x76B0];
	[tilespmem:s12+$0x16390] =	vst v3  }
0x2f9: {  	v11 =	vmul.f32 v6, v6;
	v14 =	vld [tilespmem:s14+$0xC5B0];
	v1 =	vadd.f32 v5, v1;
	[tilespmem:s12+$0x163A0] =	vst v4  }
.Ltmp9:
0x2fa: {  	v3 =	vld [tilespmem:s14+$0x11480];
	v7 =	vadd.f32 v7, v9;
	v4 =	vmul.f32 v8, v8;
	[tilespmem:s12+$0x163B0] =	vst v2;
	s12 =	smov.u32 s14;
	(pc) =	sbr.rel @p0 .LBB2_20-.Ltmp9, $4  }
0x2fb: {  	v6 =	vld [tilespmem:s12+$0x11490];
	v8 =	vmul.f32 v12, v12;
	v1 =	vmul.f32 $2.500000000e-01, v1  }
0x2fc: {  	v5 =	vadd.f32 v4, v11;
	v4 =	vld [tilespmem:s12+$0x114A0];
	v11 =	vmul.f32 v13, v13  }
0x2fd: {  	s14 =	sshra.s32 s15, $0x2;
	v2 =	vld [tilespmem:s12+$0x114B0];
	v9 =	vmul.f32 v10, v10;
	[tilespmem:s12+$0x163C0] =	vst v1  }
0x2fe: {  	s15 =	sadd.s32 $0x140, s15;
	v1 =	vld [tilespmem:s14+$0x76C0];
	v8 =	vadd.f32 v11, v8;
	v10 =	vmul.f32 v14, v14  }
0x2ff: {  	v11 =	vld [tilespmem:s14+$0xC5C0];
	v3 =	vmul.f32 v3, v3  }
0x300: {  	v12 =	vld [tilespmem:s14+$0x7680]  }
0x301: {  	v13 =	vld [tilespmem:s14+$0x114C0];
	v3 =	vadd.f32 v3, v7  }
0x302: {  	v14 =	vld [tilespmem:s14+$0x7690];
	v6 =	vmul.f32 v6, v6  }
0x303: {  	v15 =	vld [tilespmem:s14+$0xC590];
	v4 =	vmul.f32 v4, v4;
	v3 =	vmul.f32 $2.500000000e-01, v3  }
0x304: {  	v9 =	vadd.f32 v10, v9;
	v7 =	vld [tilespmem:s14+$0xC580];
	v5 =	vadd.f32 v6, v5;
	v2 =	vmul.f32 v2, v2  }
0x305: {  	v6 =	vld [tilespmem:s14+$0x76A0];
	[tilespmem:s12+$0x16380] =	vst v3;
	v3 =	vadd.f32 v4, v8  }
0x306: {  	v2 =	vadd.f32 v2, v9;
	v4 =	vmul.f32 $2.500000000e-01, v5  }
0x307: {  	v1 =	vmul.f32 v1, v1;
	v5 =	vld [tilespmem:s14+$0xC5A0];
	v3 =	vmul.f32 $2.500000000e-01, v3  }
0x308: {  	v9 =	vmul.f32 v11, v11;
	v8 =	vld [tilespmem:s14+$0x76B0];
	v2 =	vmul.f32 $2.500000000e-01, v2;
	[tilespmem:s12+$0x16390] =	vst v4  }
0x309: {  	v4 =	vld [tilespmem:s14+$0xC5B0];
	[tilespmem:s12+$0x163A0] =	vst v3  }
0x30a: {  	v1 =	vadd.f32 v9, v1;
	v9 =	vmul.f32 v13, v13;
	v3 =	vld [tilespmem:s14+$0x11480];
	[tilespmem:s12+$0x163B0] =	vst v2  }
0x30b: {  	v11 =	vmul.f32 v14, v14;
	v10 =	vld [tilespmem:s14+$0x11490]  }
0x30c: {  	v7 =	vmul.f32 v7, v7;
	v1 =	vadd.f32 v9, v1;
	v2 =	vmul.f32 v12, v12;
	v59 =	vld [tilespmem:s14+$0x114B0]  }
0x30d: {  	v58 =	vmul.f32 v15, v15;
	v6 =	vmul.f32 v6, v6;
	v9 =	vld [tilespmem:s14+$0x114A0]  }
0x30e: {  	v1 =	vmul.f32 $2.500000000e-01, v1;
	v2 =	vadd.f32 v7, v2;
	v7 =	vmul.f32 v8, v8  }
0x30f: {  	v4 =	vmul.f32 v4, v4;
	v3 =	vmul.f32 v3, v3  }
0x310: {  	v5 =	vmul.f32 v5, v5;
	v8 =	vadd.f32 v58, v11;
	v10 =	vmul.f32 v10, v10  }
0x311: {  	v4 =	vadd.f32 v4, v7;
	v7 =	vmul.f32 v59, v59;
	v2 =	vadd.f32 v3, v2  }
0x312: {  	v5 =	vadd.f32 v5, v6;
	v3 =	vmul.f32 v9, v9;
	v6 =	vadd.f32 v10, v8  }
0x313: {  	[tilespmem:s14+$0x163C0] =	vst v1;
	v1 =	vadd.f32 v7, v4;
	v2 =	vmul.f32 $2.500000000e-01, v2  }
0x314: {  	v3 =	vadd.f32 v3, v5;
	v4 =	vmul.f32 $2.500000000e-01, v6  }
0x315: {  	v1 =	vmul.f32 $2.500000000e-01, v1;
	[tilespmem:s14+$0x16380] =	vst v2  }
0x316: {  	v2 =	vmul.f32 $2.500000000e-01, v3;
	[tilespmem:s14+$0x16390] =	vst v4  }
0x317: {  	[tilespmem:s14+$0x163B0] =	vst v1  }
0x318: {  	[tilespmem:s14+$0x163A0] =	vst v2  }
0x319: {  	[spmem:s9] =	stream.indirect.scatter.add.f32 [tilespmem:s31], [sflag:$0xA], $0x1, s0, s30, $0xb8;
	[tilespmem:$0x1E480] =	vst v63  }
0x31a: {  	_ =	swait.ge [sflag:s10], $0x2710  }
0x31b: {  	[sflag:s10] =	ssyncset.done $0x0  }
0x31c: {  	[sflag:s10] =	ssyncadd.s32 $0xFFFFD8F0  }
0x31d: {  	_ =	swait.ge [sflag:s25], $0x2710  }
0x31e: {  	[sflag:s25] =	ssyncset.done $0x0  }
0x31f: {  	[sflag:s25] =	ssyncadd.s32 $0xFFFFD8F0  }
0x320: {  	_ =	swait.ge [sflag:s3], $0x2710  }
0x321: {  	[sflag:s3] =	ssyncset.done $0x0  }
0x322: {  	[sflag:s3] =	ssyncadd.s32 $0xFFFFD8F0  }
0x323: {  	_ =	swait.ge [sflag:s4], $0x2710  }
0x324: {  	[sflag:s4] =	ssyncset.done $0x0  }
0x325: {  	[sflag:s4] =	ssyncadd.s32 $0xFFFFD8F0  }
0x326: {  	_ =	swait.ge [sflag:s5], $0x2710  }
0x327: {  	[sflag:s5] =	ssyncset.done $0x0  }
0x328: {  	s12 =	simm.s32 $0x0;
	[sflag:s5] =	ssyncadd.s32 $0xFFFFD8F0  }
0x329: {  	v1 =	vld [tilespmem:s12+$0x9E40]  }
0x32a: {  	v2 =	vld [tilespmem:s12+$0xED40]  }
0x32b: {  	v3 =	vld [tilespmem:s12+$0x9E00]  }
0x32c: {  	v4 =	vld [tilespmem:s12+$0x13C40]  }
0x32d: {  	v5 =	vld [tilespmem:s12+$0xED00]  }
0x32e: {  	v6 =	vld [tilespmem:s12+$0x9E10]  }
0x32f: {  	v7 =	vld [tilespmem:s12+$0xED10];
	v1 =	vmul.f32 v1, v1;
	v2 =	vmul.f32 v2, v2  }
0x330: {  	v8 =	vld [tilespmem:s12+$0x9E20]  }
0x331: {  	v9 =	vld [tilespmem:s12+$0xED20];
	v1 =	vadd.f32 v2, v1;
	v2 =	vmul.f32 v4, v4  }
0x332: {  	v10 =	vld [tilespmem:s12+$0x9E30]  }
0x333: {  	v11 =	vld [tilespmem:s12+$0xED30];
	v60 =	vmul.f32 v3, v3;
	v1 =	vadd.f32 v2, v1  }
0x334: {  	v3 =	vld [tilespmem:s12+$0x13C00];
	v5 =	vmul.f32 v5, v5;
	v61 =	vmul.f32 v6, v6  }
0x335: {  	v6 =	vld [tilespmem:s12+$0x13C10];
	v62 =	vmul.f32 v7, v7;
	v1 =	vmul.f32 $2.500000000e-01, v1  }
0x336: {  	v8 =	vmul.f32 v8, v8;
	v63 =	vmul.f32 v9, v9;
	v4 =	vld [tilespmem:s12+$0x13C20]  }
0x337: {  	s14 =	simm.s32 $0x50;
	v9 =	vmul.f32 v10, v10;
	v7 =	vadd.f32 v5, v60;
	v2 =	vld [tilespmem:s12+$0x13C30];
	[tilespmem:s12+$0x18B40] =	vst v1  }
0x338: {  	s15 =	simm.s32 $0x280;
	v10 =	vmul.f32 v11, v11;
	v5 =	vadd.f32 v62, v61;
	v8 =	vadd.f32 v63, v8;
	v1 =	vld [tilespmem:s14+$0x9E40]  }
.LBB2_22:
0x339: {  	p0 =	sne.s32 s15, $0x9B00;
	v11 =	vld [tilespmem:s14+$0xED40];
	v3 =	vmul.f32 v3, v3  }
0x33a: {  	v12 =	vld [tilespmem:s14+$0x9E00];
	v6 =	vmul.f32 v6, v6;
	v9 =	vadd.f32 v10, v9  }
0x33b: {  	v10 =	vld [tilespmem:s14+$0x13C40];
	v3 =	vadd.f32 v3, v7;
	v4 =	vmul.f32 v4, v4  }
0x33c: {  	v7 =	vld [tilespmem:s14+$0xED00];
	v5 =	vadd.f32 v6, v5;
	v2 =	vmul.f32 v2, v2  }
0x33d: {  	v6 =	vld [tilespmem:s14+$0x9E10];
	v3 =	vmul.f32 $2.500000000e-01, v3;
	v4 =	vadd.f32 v4, v8  }
0x33e: {  	v1 =	vmul.f32 v1, v1;
	v8 =	vld [tilespmem:s14+$0xED10];
	v11 =	vmul.f32 v11, v11;
	v2 =	vadd.f32 v2, v9  }
0x33f: {  	v9 =	vmul.f32 v12, v12;
	v12 =	vld [tilespmem:s14+$0x9E20];
	[tilespmem:s12+$0x18B00] =	vst v3;
	v3 =	vmul.f32 $2.500000000e-01, v5  }
0x340: {  	v4 =	vmul.f32 $2.500000000e-01, v4;
	v13 =	vld [tilespmem:s14+$0xED20];
	v1 =	vadd.f32 v11, v1;
	v5 =	vmul.f32 v10, v10  }
0x341: {  	v2 =	vmul.f32 $2.500000000e-01, v2;
	v7 =	vmul.f32 v7, v7;
	v10 =	vld [tilespmem:s14+$0x9E30];
	[tilespmem:s12+$0x18B10] =	vst v3  }
0x342: {  	v11 =	vmul.f32 v6, v6;
	v14 =	vld [tilespmem:s14+$0xED30];
	v1 =	vadd.f32 v5, v1;
	[tilespmem:s12+$0x18B20] =	vst v4  }
.Ltmp10:
0x343: {  	v3 =	vld [tilespmem:s14+$0x13C00];
	v7 =	vadd.f32 v7, v9;
	v4 =	vmul.f32 v8, v8;
	[tilespmem:s12+$0x18B30] =	vst v2;
	s12 =	smov.u32 s14;
	(pc) =	sbr.rel @p0 .LBB2_22-.Ltmp10, $4  }
0x344: {  	v6 =	vld [tilespmem:s12+$0x13C10];
	v8 =	vmul.f32 v12, v12;
	v1 =	vmul.f32 $2.500000000e-01, v1  }
0x345: {  	v5 =	vadd.f32 v4, v11;
	v4 =	vld [tilespmem:s12+$0x13C20];
	v11 =	vmul.f32 v13, v13  }
0x346: {  	s14 =	sshra.s32 s15, $0x2;
	v2 =	vld [tilespmem:s12+$0x13C30];
	v9 =	vmul.f32 v10, v10;
	[tilespmem:s12+$0x18B40] =	vst v1  }
0x347: {  	s15 =	sadd.s32 $0x140, s15;
	v1 =	vld [tilespmem:s14+$0x9E40];
	v8 =	vadd.f32 v11, v8;
	v10 =	vmul.f32 v14, v14  }
0x348: {  	v11 =	vld [tilespmem:s14+$0xED40];
	v3 =	vmul.f32 v3, v3  }
0x349: {  	v12 =	vld [tilespmem:s14+$0x9E00]  }
0x34a: {  	v13 =	vld [tilespmem:s14+$0x13C40];
	v3 =	vadd.f32 v3, v7  }
0x34b: {  	v47 =	vld [tilespmem:s14+$0xED00];
	v6 =	vmul.f32 v6, v6  }
0x34c: {  	v14 =	vld [tilespmem:s14+$0x9E10];
	v4 =	vmul.f32 v4, v4;
	v3 =	vmul.f32 $2.500000000e-01, v3  }
0x34d: {  	v15 =	vld [tilespmem:s14+$0xED10];
	v9 =	vadd.f32 v10, v9;
	v5 =	vadd.f32 v6, v5;
	v2 =	vmul.f32 v2, v2  }
0x34e: {  	v48 =	vld [tilespmem:s14+$0x9E20];
	[tilespmem:s12+$0x18B00] =	vst v3;
	v3 =	vadd.f32 v4, v8  }
0x34f: {  	v49 =	vmul.f32 $2.500000000e-01, v5;
	v2 =	vadd.f32 v2, v9  }
0x350: {  	v1 =	vmul.f32 v1, v1;
	v50 =	vld [tilespmem:s14+$0xED20];
	v3 =	vmul.f32 $2.500000000e-01, v3  }
0x351: {  	v52 =	vmul.f32 v11, v11;
	v51 =	vld [tilespmem:s14+$0x9E30];
	[tilespmem:s12+$0x18B10] =	vst v49;
	v2 =	vmul.f32 $2.500000000e-01, v2  }
0x352: {  	v4 =	vld [tilespmem:s14+$0xED30];
	[tilespmem:s12+$0x18B20] =	vst v3  }
0x353: {  	v53 =	vmul.f32 v13, v13;
	v1 =	vadd.f32 v52, v1;
	v3 =	vld [tilespmem:s14+$0x13C00];
	[tilespmem:s12+$0x18B30] =	vst v2  }
0x354: {  	v7 =	vmul.f32 v47, v47;
	v54 =	vld [tilespmem:s14+$0x13C10]  }
0x355: {  	v55 =	vmul.f32 v14, v14;
	v57 =	vmul.f32 v15, v15;
	v1 =	vadd.f32 v53, v1;
	v58 =	vld [tilespmem:s14+$0x13C30]  }
0x356: {  	v6 =	vmul.f32 v48, v48;
	v2 =	vmul.f32 v12, v12;
	v56 =	vld [tilespmem:s14+$0x13C20]  }
0x357: {  	v1 =	vmul.f32 $2.500000000e-01, v1;
	v59 =	vmul.f32 v51, v51  }
0x358: {  	v2 =	vadd.f32 v7, v2;
	v4 =	vmul.f32 v4, v4;
	v3 =	vmul.f32 v3, v3  }
0x359: {  	v60 =	vadd.f32 v57, v55;
	v5 =	vmul.f32 v50, v50;
	v10 =	vmul.f32 v54, v54  }
0x35a: {  	v4 =	vadd.f32 v4, v59;
	v62 =	vmul.f32 v58, v58;
	v2 =	vadd.f32 v3, v2  }
0x35b: {  	v5 =	vadd.f32 v5, v6;
	v3 =	vmul.f32 v56, v56;
	v61 =	vadd.f32 v10, v60  }
0x35c: {  	[tilespmem:s14+$0x18B40] =	vst v1;
	v1 =	vadd.f32 v62, v4;
	v2 =	vmul.f32 $2.500000000e-01, v2  }
0x35d: {  	v3 =	vadd.f32 v3, v5;
	v63 =	vmul.f32 $2.500000000e-01, v61  }
0x35e: {  	v1 =	vmul.f32 $2.500000000e-01, v1;
	[tilespmem:s14+$0x18B00] =	vst v2  }
0x35f: {  	v2 =	vmul.f32 $2.500000000e-01, v3;
	[tilespmem:s14+$0x18B10] =	vst v63  }
0x360: {  	[tilespmem:s14+$0x18B30] =	vst v1  }
0x361: {  	[tilespmem:s14+$0x18B20] =	vst v2  }
0x362: {  	[spmem:s9] =	stream.indirect.scatter.add.f32 [tilespmem:s6], [sflag:$0xB], $0x1, s1, s30, $0xb8;
	[tilespmem:$0x1E480] =	vst v63  }
0x363: {  	_ =	swait.ge [sflag:s7], $0x2710  }
0x364: {  	[sflag:s7] =	ssyncset.done $0x0  }
0x365: {  	[sflag:s7] =	ssyncadd.s32 $0xFFFFD8F0  }
0x366: {  	_ =	swait.ge [sflag:s10], $0x2710  }
0x367: {  	[sflag:s10] =	ssyncset.done $0x0  }
0x368: {  	[sflag:s10] =	ssyncadd.s32 $0xFFFFD8F0  }
0x369: {  	[bflag:$0x0] =	sbarrier.arrive $0xFFFF  }
0x36a: {  	[tilespmem:s23], [sflag:$0xC] =	stream.linear.gather [spmem:s13], $0x1900, $0x38;
	[tilespmem:$0x1E480] =	vst v63  }
0x36b: {  	_ =	swait.ge [sflag:s24], $0x1900  }
0x36c: {  	s12 =	sld [smem:$0x7FC]  }
0x36d: {  	[sflag:s24] =	ssyncset.done $0x0  }
0x36e: {  	s15 =	simm.s32 $0x100;
	s14 =	simm.s32 $0x80;
	[sflag:s24] =	ssyncadd.s32 $0xFFFFE700  }
0x36f: {  	[hbm4b:s12+s14] =	stream.strided.scatter [tilespmem:s23], [sflag:$0xC], $0x1900, s15, s14, $0x38;
	[tilespmem:$0x1E480] =	vst v63  }
0x370: {  	_ =	swait.ge [sflag:s24], $0x1900  }
0x371: {  	s15 =	sld [smem:$0x7FD];
	_ =	sdelay $0x1  }
0x372: {  	s11 =	sadd.s32 $0x1, s11  }
0x373: {  	p0 =	sne.s32 s11, s15  }
.Ltmp11:
0x374: {  	_ = 	snop;
	(pc) =	sbr.rel @p0 .LBB2_1-.Ltmp11, $3  }
0x375: {  	_ =	sdelay $0x1  }
0x376: {  	[sflag:s24] =	ssyncset.done $0x0  }
0x377: {  	[sflag:s24] =	ssyncadd.s32 $0xFFFFE700  }
0x378: {  	_ =	sfence.sel $0x180000  }
0x379: {  	[bflag:$0x0] =	sbarrier.arrive $0xFFFF  }
0x37a: {  	_ =	strace $0x90000047  }
0x37b: {  	s0 =	stileid.u32;
	[bflag:$0x2] =	sbarrier.arrive $0xFFFF  }
0x37c: {  	p0 =	sne.s32 s0, $0x0;
	s0 =	rddreg [dreg:$0x3]  }
0x37d: {  	s0 =	sadd.s32 @!p0 $0x100000, s0  }
0x37e: {  	[sflag:s0] =	ssyncadd.tile.s32 @!p0 $0x1;
	_ =	shalt  }
.Lfunc_end2:
_tile_overlayer_lowered:
.L_overlay_start_2:
0x37f: {  	(tag) =	ssettag $0x2  }
0x380: {  	s0 =	rddreg [dreg:$0x0];
	s2 =	stileid.u32  }
0x381: {  	s1 =	rddreg [dreg:$0x1];
	p0 =	sne.s32 s2, $0x0  }
0x382: {  	s3 =	rddreg [dreg:$0x2];
	[bflag:$0x3] =	sbarrier.arrive $0xFFFF;
	s2 =	simm.s32 @!p0 $0x1C0C  }
0x383: {  	[timem:s3], [sflag:s2] =	dma.local @!p0 [hbm:s0], s1  }
0x384: {  	s0 =	simm.s32 @!p0 $0xC  }
0x385: {  	_ =	swait.ge @!p0 [sflag:s0], s1  }
0x386: {  	s1 =	ssub.s32 @!p0 $0x0, s1;
	[sflag:s0] =	ssyncset.done @!p0 $0x0  }
0x387: {  	[sflag:s0] =	ssyncadd.s32 @!p0 s1  }
0x388: {  	[bflag:$0x3] =	sbarrier.arrive $0xFFFF  }
0x389: {  	_ =	shalt  }

</sc_bundles>
